<compile_context>
chip_gen: v7x
topology: tpu7x:2x2x1
jax: 0.10.2.dev20260603
libtpu: 0.0.44.dev20260713+nightly
codegen_flags: <defaults>
</compile_context>

<pallas_src>
import numpy as np
import jax
import jax.numpy as jnp
from jax import lax
from jax.experimental import pallas as pl
from jax.experimental.pallas import tpu as pltpu
from jax.experimental.pallas import tpu_sc as plsc

_N = 512
_B = 256
_NOUT = _N * (_N - 1) // 2
_NBLK = _NOUT // 128
_NCORE = 2
_NSUB = 16
_GR = 16
_OBW = 8192

_OFF = [(_GR * g) * (_GR * g - 1) // 2 for g in range(33)]
_KS = [-(-_OFF[g] // 128) for g in range(33)]
_NK = [_KS[g + 1] - _KS[g] for g in range(32)]


def _build_tables():
    def rc_of_p(p):
        r = int((1 + np.sqrt(1 + 8 * p)) // 2)
        while r * (r - 1) // 2 > p:
            r -= 1
        while r * (r + 1) // 2 <= p:
            r += 1
        return r, p - r * (r - 1) // 2

    lidx = np.zeros((_NSUB, _OBW), np.int32)
    for s in range(_NSUB):
        ga, gb = s, 31 - s
        na = _NK[ga]
        for w in range(_OBW):
            if w < na * 128:
                p, g, segb = 128 * _KS[ga] + w, ga, 0
            elif w < (na + _NK[gb]) * 128:
                p, g, segb = 128 * _KS[gb] + (w - na * 128), gb, 1
            else:
                continue
            r, c = rc_of_p(p)
            if r < _GR * g + _GR:
                lidx[s, w] = (r - _GR * g + _GR * segb) * _N + c
            else:
                lidx[s, w] = 32 * _N + 128 * segb + c
    return lidx.reshape(-1)


_LIDX_NP = _build_tables()


def _tril_body(xt, lidx, out, libuf, st0, st1, ob, gs0, gs1, os1):
    sub = lax.axis_index("s")
    core = lax.axis_index("c")
    lbase = pl.multiple_of(sub * _OBW, 8)
    pltpu.sync_copy(lidx.at[pl.ds(lbase, _OBW)], libuf)
    rowa = _GR * sub
    rowb = _GR * 31 - _GR * sub

    def stage_copies(t, st, gsem, wa, wb):
        b = 8 * (2 * (t // 8) + core) + (t % 8)
        base = b * _N
        rta = pl.multiple_of(base + rowa + _GR, 8)
        rtb = pl.multiple_of(jnp.minimum(base + rowb + _GR, _B * _N - 8), 8)
        return (
            pltpu.make_async_copy(xt.at[pl.ds(pl.multiple_of(base + rowa, 8),
                                              _GR), pl.ds(0, wa)],
                                  st.at[pl.ds(0, _GR), pl.ds(0, wa)], gsem),
            pltpu.make_async_copy(xt.at[pl.ds(pl.multiple_of(base + rowb, 8),
                                              _GR), pl.ds(0, wb)],
                                  st.at[pl.ds(_GR, _GR), pl.ds(0, wb)], gsem),
            pltpu.make_async_copy(xt.at[pl.ds(rta, 1), pl.ds(0, 128)],
                                  st.at[pl.ds(32, 1), pl.ds(0, 128)], gsem),
            pltpu.make_async_copy(xt.at[pl.ds(rtb, 1), pl.ds(0, 128)],
                                  st.at[pl.ds(32, 1), pl.ds(128, 128)], gsem),
        )

    def stage_all(fn_name, t, st, gsem):
        @pl.when(sub < 8)
        def _():
            for cp in stage_copies(t, st, gsem, 128, 512):
                getattr(cp, fn_name)()

        @pl.when(sub >= 8)
        def _():
            for cp in stage_copies(t, st, gsem, 256, 384):
                getattr(cp, fn_name)()

    def out_switch(m, do_wait):
        def branch(p):
            def go():
                na, ka = _NK[p], _KS[p]
                nb, kb = _NK[31 - p], _KS[31 - p]
                r0 = pl.multiple_of(8 * m, 8)
                ca = pltpu.make_async_copy(
                    ob.at[:, pl.ds(0, na * 128)],
                    out.at[pl.ds(r0, 8), pl.ds(128 * ka, na * 128)], os1)
                cb = pltpu.make_async_copy(
                    ob.at[:, pl.ds(na * 128, nb * 128)],
                    out.at[pl.ds(r0, 8), pl.ds(128 * kb, nb * 128)], os1)
                if do_wait:
                    ca.wait()
                    cb.wait()
                else:
                    ca.start()
                    cb.start()
            return go
        lax.switch(sub, [branch(p) for p in range(_NSUB)])

    stage_all("start", 0, st0, gs0)

    def step(t, st_cur, gs_cur, st_nxt, gs_nxt):
        q = t % 8
        m = 2 * (t // 8) + core

        @pl.when(t < _B // _NCORE - 1)
        def _():
            stage_all("start", t + 1, st_nxt, gs_nxt)

        stage_all("wait", t, st_cur, gs_cur)

        @pl.when(jnp.logical_and(q == 0, t >= 8))
        def _():
            out_switch(m, do_wait=True)

        @plsc.parallel_loop(0, _OBW, step=16, unroll=16)
        def _gloop(i):
            iv = libuf[pl.ds(i, 16)]
            row = lax.shift_right_logical(iv, 9)
            col = lax.bitwise_and(iv, _N - 1)
            ob[q, pl.ds(i, 16)] = plsc.load_gather(st_cur, [row, col])

        @pl.when(q == 7)
        def _():
            out_switch(m, do_wait=False)

    def body(j, carry):
        step(2 * j, st0, gs0, st1, gs1)
        step(2 * j + 1, st1, gs1, st0, gs0)
        return carry

    lax.fori_loop(0, _B // _NCORE // 2, body, 0)
    out_switch(0, do_wait=True)


@jax.jit
def _tril_gather(xt, lidx):
    info = plsc.get_sparse_core_info()
    assert info.num_cores == _NCORE and info.num_subcores == _NSUB
    mesh = plsc.VectorSubcoreMesh(core_axis_name="c", subcore_axis_name="s")
    return pl.kernel(
        _tril_body,
        mesh=mesh,
        out_type=jax.ShapeDtypeStruct((_B, _NOUT), jnp.float32),
        scratch_types=[
            pltpu.VMEM((_OBW,), jnp.int32),
            pltpu.VMEM((33, _N), jnp.float32),
            pltpu.VMEM((33, _N), jnp.float32),
            pltpu.VMEM((8, _OBW), jnp.float32),
            pltpu.SemaphoreType.DMA,
            pltpu.SemaphoreType.DMA,
            pltpu.SemaphoreType.DMA,
        ],
        compiler_params=pltpu.CompilerParams(needs_layout_passes=False),
    )(xt, lidx)


def kernel(X):
    xt = X.reshape(_B * _N, _N)
    return _tril_gather(xt, jnp.asarray(_LIDX_NP))

# --- scband reference (transcript-rebuilt; emitter-appended) ---
"""Pipeline reference for scband-tril-embed-46712064311836 (READ-ONLY COPY).

The authoritative reference and input builder live on the scoring server;
editing this copy changes nothing except your own understanding.
"""

import jax, jax.numpy as jnp
import numpy as np

NDIM = 512
TRIL = False

def _build_ixs():
    r, c = np.tril_indices(NDIM, k=-1)  # row-major order, matches torch.tril_indices
    if TRIL:
        d = np.arange(NDIM, dtype=np.int64)
        r = np.concatenate([d, r])
        c = np.concatenate([d, c])
    return jnp.asarray(r, dtype=jnp.int32), jnp.asarray(c, dtype=jnp.int32)

def setup_inputs(seed: int = 0) -> dict:
    key = jax.random.key(seed)
    X = jax.random.normal(key, (256, NDIM, NDIM), dtype=jnp.float32)
    return {"X": X}

def reference(X):
    ixs0, ixs1 = _build_ixs()
    # Faithful to torch: X[..., ixs[0], ixs[1]] -> fancy gather over last two dims
    return X[..., ixs0, ixs1]

if __name__ == "__main__":
    import jax
    _d = setup_inputs()
    print(jax.jit(kernel)(*tuple(_d.values())))

</pallas_src>

<mosaic_0001>
#map = affine_map<(d0, d1) -> (0, 0)>
#map1 = affine_map<(d0, d1) -> (0)>
module attributes {stable_mosaic.version = 14 : i64} {
  func.func @_tril_body(%arg0: i32, %arg1: i32, %arg2: memref<131072x512xf32, #tpu.memory_space<hbm>>, %arg3: memref<131072xi32, #tpu.memory_space<hbm>>, %arg4: memref<256x130816xf32, #tpu.memory_space<hbm>>, %arg5: memref<8192xi32, #tpu.memory_space<vmem>>, %arg6: memref<33x512xf32, #tpu.memory_space<vmem>>, %arg7: memref<33x512xf32, #tpu.memory_space<vmem>>, %arg8: memref<8x8192xf32, #tpu.memory_space<vmem>>, %arg9: memref<!tpu.dma_semaphore, #tpu.memory_space<semaphore_mem>>, %arg10: memref<!tpu.dma_semaphore, #tpu.memory_space<semaphore_mem>>, %arg11: memref<!tpu.dma_semaphore, #tpu.memory_space<semaphore_mem>>) attributes {dimension_semantics = [#tpu.dimension_semantics<core_parallel>, #tpu.dimension_semantics<subcore_parallel>], iteration_bounds = array<i64: 2, 16>, scalar_prefetch = 0 : i64, scratch_operands = 7 : i64, tpu.core_type = #tpu.core_type<sc_vector_subcore>, window_params = [{transform_indices = #map}, {transform_indices = #map1}, {transform_indices = #map}]} {
    %mul3A = arith.constant 8192 : i32
    %mul3A_0 = arith.muli %arg1, %mul3A : i32
    %multiple_of3A = tpu.assume_multiple %mul3A_0, 8 : i32
    "tpu.region"() ({
      %run_scoped3A = tpu.sem_alloc : memref<!tpu.dma_semaphore, #tpu.memory_space<semaphore_mem>>
      %dma_start3A = tpu.memref_slice %arg3[%multiple_of3A] : memref<131072xi32, #tpu.memory_space<hbm>> -> memref<8192xi32, #tpu.memory_space<hbm>>
      %dma_start3A_22 = tpu.memref_slice %arg3[%multiple_of3A] : memref<131072xi32, #tpu.memory_space<hbm>> -> memref<8192xi32, #tpu.memory_space<hbm>>
      tpu.enqueue_dma source(%dma_start3A_22 : memref<8192xi32, #tpu.memory_space<hbm>>) target(%arg5 : memref<8192xi32, #tpu.memory_space<vmem>>) target_semaphore(%run_scoped3A : memref<!tpu.dma_semaphore, #tpu.memory_space<semaphore_mem>>)
      %dma_wait3A = tpu.memref_slice %arg3[%multiple_of3A] : memref<131072xi32, #tpu.memory_space<hbm>> -> memref<8192xi32, #tpu.memory_space<hbm>>
      %dma_wait3A_23 = tpu.memref_slice %arg3[%multiple_of3A] : memref<131072xi32, #tpu.memory_space<hbm>> -> memref<8192xi32, #tpu.memory_space<hbm>>
      tpu.wait_dma2 semaphore(%run_scoped3A : memref<!tpu.dma_semaphore, #tpu.memory_space<semaphore_mem>>) src(%dma_wait3A_23 : memref<8192xi32, #tpu.memory_space<hbm>>) dst(%arg5 : memref<8192xi32, #tpu.memory_space<vmem>>)
      tpu.yield
    }) : () -> ()
    %mul3A_1 = arith.constant 16 : i32
    %mul3A_2 = arith.muli %mul3A_1, %arg1 : i32
    %mul3A_3 = arith.constant 16 : i32
    %mul3A_4 = arith.muli %mul3A_3, %arg1 : i32
    %sub3A = arith.constant 496 : i32
    %sub3A_5 = arith.subi %sub3A, %mul3A_4 : i32
    %lt3A = arith.constant 8 : i32
    %lt3A_6 = arith.cmpi slt, %arg1, %lt3A : i32
    %convert_element_type3A = arith.extui %lt3A_6 : i1 to i32
    %cond3A = arith.constant 0 : i32
    %cond3A_7 = arith.cmpi ne, %convert_element_type3A, %cond3A : i32
    scf.if %cond3A_7 {
      %add3A = arith.constant 0 : i32
      %add3A_22 = arith.addi %add3A, %arg0 : i32
      %mul3A_23 = arith.constant 8 : i32
      %mul3A_24 = arith.muli %mul3A_23, %add3A_22 : i32
      %add3A_25 = arith.constant 0 : i32
      %add3A_26 = arith.addi %mul3A_24, %add3A_25 : i32
      %mul3A_27 = arith.constant 512 : i32
      %mul3A_28 = arith.muli %add3A_26, %mul3A_27 : i32
      %add3A_29 = arith.addi %mul3A_28, %mul3A_2 : i32
      %add3A_30 = arith.constant 16 : i32
      %add3A_31 = arith.addi %add3A_29, %add3A_30 : i32
      %multiple_of3A_32 = tpu.assume_multiple %add3A_31, 8 : i32
      %add3A_33 = arith.addi %mul3A_28, %sub3A_5 : i32
      %add3A_34 = arith.constant 16 : i32
      %add3A_35 = arith.addi %add3A_33, %add3A_34 : i32
      %min3A = arith.constant 131064 : i32
      %min3A_36 = arith.minsi %add3A_35, %min3A : i32
      %multiple_of3A_37 = tpu.assume_multiple %min3A_36, 8 : i32
      %add3A_38 = arith.addi %mul3A_28, %mul3A_2 : i32
      %multiple_of3A_39 = tpu.assume_multiple %add3A_38, 8 : i32
      %add3A_40 = arith.addi %mul3A_28, %sub3A_5 : i32
      %multiple_of3A_41 = tpu.assume_multiple %add3A_40, 8 : i32
      %dma_start3A = arith.constant 0 : i32
      %dma_start3A_42 = arith.constant 0 : i32
      %dma_start3A_43 = tpu.memref_slice %arg6[%dma_start3A, %dma_start3A_42] : memref<33x512xf32, #tpu.memory_space<vmem>> -> memref<16x128xf32, #tpu.memory_space<vmem>>
      %dma_start3A_44 = arith.constant 0 : i32
      %dma_start3A_45 = tpu.memref_slice %arg2[%multiple_of3A_39, %dma_start3A_44] : memref<131072x512xf32, #tpu.memory_space<hbm>> -> memref<16x128xf32, #tpu.memory_space<hbm>>
      %dma_start3A_46 = arith.constant 0 : i32
      %dma_start3A_47 = arith.constant 0 : i32
      %dma_start3A_48 = tpu.memref_slice %arg6[%dma_start3A_46, %dma_start3A_47] : memref<33x512xf32, #tpu.memory_space<vmem>> -> memref<16x128xf32, #tpu.memory_space<vmem>>
      %dma_start3A_49 = arith.constant 0 : i32
      %dma_start3A_50 = tpu.memref_slice %arg2[%multiple_of3A_39, %dma_start3A_49] : memref<131072x512xf32, #tpu.memory_space<hbm>> -> memref<16x128xf32, #tpu.memory_space<hbm>>
      tpu.enqueue_dma source(%dma_start3A_50 : memref<16x128xf32, #tpu.memory_space<hbm>>) target(%dma_start3A_48 : memref<16x128xf32, #tpu.memory_space<vmem>>) target_semaphore(%arg9 : memref<!tpu.dma_semaphore, #tpu.memory_space<semaphore_mem>>)
      %dma_start3A_51 = arith.constant 16 : i32
      %dma_start3A_52 = arith.constant 0 : i32
      %dma_start3A_53 = tpu.memref_slice %arg6[%dma_start3A_51, %dma_start3A_52] : memref<33x512xf32, #tpu.memory_space<vmem>> -> memref<16x512xf32, #tpu.memory_space<vmem>>
      %dma_start3A_54 = arith.constant 0 : i32
      %dma_start3A_55 = tpu.memref_slice %arg2[%multiple_of3A_41, %dma_start3A_54] : memref<131072x512xf32, #tpu.memory_space<hbm>> -> memref<16x512xf32, #tpu.memory_space<hbm>>
      %dma_start3A_56 = arith.constant 16 : i32
      %dma_start3A_57 = arith.constant 0 : i32
      %dma_start3A_58 = tpu.memref_slice %arg6[%dma_start3A_56, %dma_start3A_57] : memref<33x512xf32, #tpu.memory_space<vmem>> -> memref<16x512xf32, #tpu.memory_space<vmem>>
      %dma_start3A_59 = arith.constant 0 : i32
      %dma_start3A_60 = tpu.memref_slice %arg2[%multiple_of3A_41, %dma_start3A_59] : memref<131072x512xf32, #tpu.memory_space<hbm>> -> memref<16x512xf32, #tpu.memory_space<hbm>>
      tpu.enqueue_dma source(%dma_start3A_60 : memref<16x512xf32, #tpu.memory_space<hbm>>) target(%dma_start3A_58 : memref<16x512xf32, #tpu.memory_space<vmem>>) target_semaphore(%arg9 : memref<!tpu.dma_semaphore, #tpu.memory_space<semaphore_mem>>)
      %dma_start3A_61 = arith.constant 32 : i32
      %dma_start3A_62 = arith.constant 0 : i32
      %dma_start3A_63 = tpu.memref_slice %arg6[%dma_start3A_61, %dma_start3A_62] : memref<33x512xf32, #tpu.memory_space<vmem>> -> memref<1x128xf32, #tpu.memory_space<vmem>>
      %dma_start3A_64 = arith.constant 0 : i32
      %dma_start3A_65 = tpu.memref_slice %arg2[%multiple_of3A_32, %dma_start3A_64] : memref<131072x512xf32, #tpu.memory_space<hbm>> -> memref<1x128xf32, #tpu.memory_space<hbm>>
      %dma_start3A_66 = arith.constant 32 : i32
      %dma_start3A_67 = arith.constant 0 : i32
      %dma_start3A_68 = tpu.memref_slice %arg6[%dma_start3A_66, %dma_start3A_67] : memref<33x512xf32, #tpu.memory_space<vmem>> -> memref<1x128xf32, #tpu.memory_space<vmem>>
      %dma_start3A_69 = arith.constant 0 : i32
      %dma_start3A_70 = tpu.memref_slice %arg2[%multiple_of3A_32, %dma_start3A_69] : memref<131072x512xf32, #tpu.memory_space<hbm>> -> memref<1x128xf32, #tpu.memory_space<hbm>>
      tpu.enqueue_dma source(%dma_start3A_70 : memref<1x128xf32, #tpu.memory_space<hbm>>) target(%dma_start3A_68 : memref<1x128xf32, #tpu.memory_space<vmem>>) target_semaphore(%arg9 : memref<!tpu.dma_semaphore, #tpu.memory_space<semaphore_mem>>)
      %dma_start3A_71 = arith.constant 32 : i32
      %dma_start3A_72 = arith.constant 128 : i32
      %dma_start3A_73 = tpu.memref_slice %arg6[%dma_start3A_71, %dma_start3A_72] : memref<33x512xf32, #tpu.memory_space<vmem>> -> memref<1x128xf32, #tpu.memory_space<vmem>>
      %dma_start3A_74 = arith.constant 0 : i32
      %dma_start3A_75 = tpu.memref_slice %arg2[%multiple_of3A_37, %dma_start3A_74] : memref<131072x512xf32, #tpu.memory_space<hbm>> -> memref<1x128xf32, #tpu.memory_space<hbm>>
      %dma_start3A_76 = arith.constant 32 : i32
      %dma_start3A_77 = arith.constant 128 : i32
      %dma_start3A_78 = tpu.memref_slice %arg6[%dma_start3A_76, %dma_start3A_77] : memref<33x512xf32, #tpu.memory_space<vmem>> -> memref<1x128xf32, #tpu.memory_space<vmem>>
      %dma_start3A_79 = arith.constant 0 : i32
      %dma_start3A_80 = tpu.memref_slice %arg2[%multiple_of3A_37, %dma_start3A_79] : memref<131072x512xf32, #tpu.memory_space<hbm>> -> memref<1x128xf32, #tpu.memory_space<hbm>>
      tpu.enqueue_dma source(%dma_start3A_80 : memref<1x128xf32, #tpu.memory_space<hbm>>) target(%dma_start3A_78 : memref<1x128xf32, #tpu.memory_space<vmem>>) target_semaphore(%arg9 : memref<!tpu.dma_semaphore, #tpu.memory_space<semaphore_mem>>)
    } else {
    }
    %ge3A = arith.constant 8 : i32
    %ge3A_8 = arith.cmpi sge, %arg1, %ge3A : i32
    %convert_element_type3A_9 = arith.extui %ge3A_8 : i1 to i32
    %cond3A_10 = arith.constant 0 : i32
    %cond3A_11 = arith.cmpi ne, %convert_element_type3A_9, %cond3A_10 : i32
    scf.if %cond3A_11 {
      %add3A = arith.constant 0 : i32
      %add3A_22 = arith.addi %add3A, %arg0 : i32
      %mul3A_23 = arith.constant 8 : i32
      %mul3A_24 = arith.muli %mul3A_23, %add3A_22 : i32
      %add3A_25 = arith.constant 0 : i32
      %add3A_26 = arith.addi %mul3A_24, %add3A_25 : i32
      %mul3A_27 = arith.constant 512 : i32
      %mul3A_28 = arith.muli %add3A_26, %mul3A_27 : i32
      %add3A_29 = arith.addi %mul3A_28, %mul3A_2 : i32
      %add3A_30 = arith.constant 16 : i32
      %add3A_31 = arith.addi %add3A_29, %add3A_30 : i32
      %multiple_of3A_32 = tpu.assume_multiple %add3A_31, 8 : i32
      %add3A_33 = arith.addi %mul3A_28, %sub3A_5 : i32
      %add3A_34 = arith.constant 16 : i32
      %add3A_35 = arith.addi %add3A_33, %add3A_34 : i32
      %min3A = arith.constant 131064 : i32
      %min3A_36 = arith.minsi %add3A_35, %min3A : i32
      %multiple_of3A_37 = tpu.assume_multiple %min3A_36, 8 : i32
      %add3A_38 = arith.addi %mul3A_28, %mul3A_2 : i32
      %multiple_of3A_39 = tpu.assume_multiple %add3A_38, 8 : i32
      %add3A_40 = arith.addi %mul3A_28, %sub3A_5 : i32
      %multiple_of3A_41 = tpu.assume_multiple %add3A_40, 8 : i32
      %dma_start3A = arith.constant 0 : i32
      %dma_start3A_42 = arith.constant 0 : i32
      %dma_start3A_43 = tpu.memref_slice %arg6[%dma_start3A, %dma_start3A_42] : memref<33x512xf32, #tpu.memory_space<vmem>> -> memref<16x256xf32, #tpu.memory_space<vmem>>
      %dma_start3A_44 = arith.constant 0 : i32
      %dma_start3A_45 = tpu.memref_slice %arg2[%multiple_of3A_39, %dma_start3A_44] : memref<131072x512xf32, #tpu.memory_space<hbm>> -> memref<16x256xf32, #tpu.memory_space<hbm>>
      %dma_start3A_46 = arith.constant 0 : i32
      %dma_start3A_47 = arith.constant 0 : i32
      %dma_start3A_48 = tpu.memref_slice %arg6[%dma_start3A_46, %dma_start3A_47] : memref<33x512xf32, #tpu.memory_space<vmem>> -> memref<16x256xf32, #tpu.memory_space<vmem>>
      %dma_start3A_49 = arith.constant 0 : i32
      %dma_start3A_50 = tpu.memref_slice %arg2[%multiple_of3A_39, %dma_start3A_49] : memref<131072x512xf32, #tpu.memory_space<hbm>> -> memref<16x256xf32, #tpu.memory_space<hbm>>
      tpu.enqueue_dma source(%dma_start3A_50 : memref<16x256xf32, #tpu.memory_space<hbm>>) target(%dma_start3A_48 : memref<16x256xf32, #tpu.memory_space<vmem>>) target_semaphore(%arg9 : memref<!tpu.dma_semaphore, #tpu.memory_space<semaphore_mem>>)
      %dma_start3A_51 = arith.constant 16 : i32
      %dma_start3A_52 = arith.constant 0 : i32
      %dma_start3A_53 = tpu.memref_slice %arg6[%dma_start3A_51, %dma_start3A_52] : memref<33x512xf32, #tpu.memory_space<vmem>> -> memref<16x384xf32, #tpu.memory_space<vmem>>
      %dma_start3A_54 = arith.constant 0 : i32
      %dma_start3A_55 = tpu.memref_slice %arg2[%multiple_of3A_41, %dma_start3A_54] : memref<131072x512xf32, #tpu.memory_space<hbm>> -> memref<16x384xf32, #tpu.memory_space<hbm>>
      %dma_start3A_56 = arith.constant 16 : i32
      %dma_start3A_57 = arith.constant 0 : i32
      %dma_start3A_58 = tpu.memref_slice %arg6[%dma_start3A_56, %dma_start3A_57] : memref<33x512xf32, #tpu.memory_space<vmem>> -> memref<16x384xf32, #tpu.memory_space<vmem>>
      %dma_start3A_59 = arith.constant 0 : i32
      %dma_start3A_60 = tpu.memref_slice %arg2[%multiple_of3A_41, %dma_start3A_59] : memref<131072x512xf32, #tpu.memory_space<hbm>> -> memref<16x384xf32, #tpu.memory_space<hbm>>
      tpu.enqueue_dma source(%dma_start3A_60 : memref<16x384xf32, #tpu.memory_space<hbm>>) target(%dma_start3A_58 : memref<16x384xf32, #tpu.memory_space<vmem>>) target_semaphore(%arg9 : memref<!tpu.dma_semaphore, #tpu.memory_space<semaphore_mem>>)
      %dma_start3A_61 = arith.constant 32 : i32
      %dma_start3A_62 = arith.constant 0 : i32
      %dma_start3A_63 = tpu.memref_slice %arg6[%dma_start3A_61, %dma_start3A_62] : memref<33x512xf32, #tpu.memory_space<vmem>> -> memref<1x128xf32, #tpu.memory_space<vmem>>
      %dma_start3A_64 = arith.constant 0 : i32
      %dma_start3A_65 = tpu.memref_slice %arg2[%multiple_of3A_32, %dma_start3A_64] : memref<131072x512xf32, #tpu.memory_space<hbm>> -> memref<1x128xf32, #tpu.memory_space<hbm>>
      %dma_start3A_66 = arith.constant 32 : i32
      %dma_start3A_67 = arith.constant 0 : i32
      %dma_start3A_68 = tpu.memref_slice %arg6[%dma_start3A_66, %dma_start3A_67] : memref<33x512xf32, #tpu.memory_space<vmem>> -> memref<1x128xf32, #tpu.memory_space<vmem>>
      %dma_start3A_69 = arith.constant 0 : i32
      %dma_start3A_70 = tpu.memref_slice %arg2[%multiple_of3A_32, %dma_start3A_69] : memref<131072x512xf32, #tpu.memory_space<hbm>> -> memref<1x128xf32, #tpu.memory_space<hbm>>
      tpu.enqueue_dma source(%dma_start3A_70 : memref<1x128xf32, #tpu.memory_space<hbm>>) target(%dma_start3A_68 : memref<1x128xf32, #tpu.memory_space<vmem>>) target_semaphore(%arg9 : memref<!tpu.dma_semaphore, #tpu.memory_space<semaphore_mem>>)
      %dma_start3A_71 = arith.constant 32 : i32
      %dma_start3A_72 = arith.constant 128 : i32
      %dma_start3A_73 = tpu.memref_slice %arg6[%dma_start3A_71, %dma_start3A_72] : memref<33x512xf32, #tpu.memory_space<vmem>> -> memref<1x128xf32, #tpu.memory_space<vmem>>
      %dma_start3A_74 = arith.constant 0 : i32
      %dma_start3A_75 = tpu.memref_slice %arg2[%multiple_of3A_37, %dma_start3A_74] : memref<131072x512xf32, #tpu.memory_space<hbm>> -> memref<1x128xf32, #tpu.memory_space<hbm>>
      %dma_start3A_76 = arith.constant 32 : i32
      %dma_start3A_77 = arith.constant 128 : i32
      %dma_start3A_78 = tpu.memref_slice %arg6[%dma_start3A_76, %dma_start3A_77] : memref<33x512xf32, #tpu.memory_space<vmem>> -> memref<1x128xf32, #tpu.memory_space<vmem>>
      %dma_start3A_79 = arith.constant 0 : i32
      %dma_start3A_80 = tpu.memref_slice %arg2[%multiple_of3A_37, %dma_start3A_79] : memref<131072x512xf32, #tpu.memory_space<hbm>> -> memref<1x128xf32, #tpu.memory_space<hbm>>
      tpu.enqueue_dma source(%dma_start3A_80 : memref<1x128xf32, #tpu.memory_space<hbm>>) target(%dma_start3A_78 : memref<1x128xf32, #tpu.memory_space<vmem>>) target_semaphore(%arg9 : memref<!tpu.dma_semaphore, #tpu.memory_space<semaphore_mem>>)
    } else {
    }
    %scan3A = arith.constant 0 : i32
    %scan3A_12 = arith.constant 0 : i32
    %scan3A_13 = arith.constant 64 : i32
    %scan3A_14 = arith.addi %scan3A_12, %scan3A_13 : i32
    %scan3A_15 = arith.constant 1 : i32
    scf.for %scan3A_22 = %scan3A_12 to %scan3A_14 step %scan3A_15  : i32 {
      %mul3A_23 = arith.constant 2 : i32
      %mul3A_24 = arith.muli %mul3A_23, %scan3A_22 : i32
      %jit3A = arith.constant 8 : i32
      %eq3A = arith.constant 0 : i32
      %eq3A_25 = arith.cmpi eq, %jit3A, %eq3A : i32
      %jit3A_26 = arith.constant 1 : i32
      %select_n3A = arith.select %eq3A_25, %jit3A_26, %jit3A : i32
      %rem3A = arith.remsi %mul3A_24, %select_n3A : i32
      %ne3A = arith.constant 0 : i32
      %ne3A_27 = arith.cmpi ne, %rem3A, %ne3A : i32
      %lt3A_28 = arith.constant 0 : i32
      %lt3A_29 = arith.cmpi slt, %rem3A, %lt3A_28 : i32
      %lt3A_30 = arith.constant 0 : i32
      %lt3A_31 = arith.cmpi slt, %select_n3A, %lt3A_30 : i32
      %ne3A_32 = arith.xori %lt3A_29, %lt3A_31 : i1
      %and3A = arith.andi %ne3A_32, %ne3A_27 : i1
      %add3A = arith.addi %rem3A, %select_n3A : i32
      %select_n3A_33 = arith.select %and3A, %add3A, %rem3A : i32
      %jit3A_34 = arith.constant 8 : i32
      %div3A = arith.divsi %mul3A_24, %jit3A_34 : i32
      %sign3A = arith.constant 0 : i32
      %sign3A_35 = arith.cmpi sgt, %mul3A_24, %sign3A : i32
      %sign3A_36 = arith.extui %sign3A_35 : i1 to i32
      %sign3A_37 = arith.constant 0 : i32
      %sign3A_38 = arith.cmpi slt, %mul3A_24, %sign3A_37 : i32
      %sign3A_39 = arith.extui %sign3A_38 : i1 to i32
      %sign3A_40 = arith.subi %sign3A_36, %sign3A_39 : i32
      %sign3A_41 = arith.constant 0 : i32
      %sign3A_42 = arith.cmpi sgt, %jit3A_34, %sign3A_41 : i32
      %sign3A_43 = arith.extui %sign3A_42 : i1 to i32
      %sign3A_44 = arith.constant 0 : i32
      %sign3A_45 = arith.cmpi slt, %jit3A_34, %sign3A_44 : i32
      %sign3A_46 = arith.extui %sign3A_45 : i1 to i32
      %sign3A_47 = arith.subi %sign3A_43, %sign3A_46 : i32
      %ne3A_48 = arith.cmpi ne, %sign3A_40, %sign3A_47 : i32
      %rem3A_49 = arith.remsi %mul3A_24, %jit3A_34 : i32
      %ne3A_50 = arith.constant 0 : i32
      %ne3A_51 = arith.cmpi ne, %rem3A_49, %ne3A_50 : i32
      %and3A_52 = arith.andi %ne3A_48, %ne3A_51 : i1
      %sub3A_53 = arith.constant 1 : i32
      %sub3A_54 = arith.subi %div3A, %sub3A_53 : i32
      %select_n3A_55 = arith.select %and3A_52, %sub3A_54, %div3A : i32
      %mul3A_56 = arith.constant 2 : i32
      %mul3A_57 = arith.muli %mul3A_56, %select_n3A_55 : i32
      %add3A_58 = arith.addi %mul3A_57, %arg0 : i32
      %lt3A_59 = arith.constant 127 : i32
      %lt3A_60 = arith.cmpi slt, %mul3A_24, %lt3A_59 : i32
      %convert_element_type3A_61 = arith.extui %lt3A_60 : i1 to i32
      %cond3A_62 = arith.constant 0 : i32
      %cond3A_63 = arith.cmpi ne, %convert_element_type3A_61, %cond3A_62 : i32
      scf.if %cond3A_63 {
        %add3A_167 = arith.constant 1 : i32
        %add3A_168 = arith.addi %mul3A_24, %add3A_167 : i32
        %lt3A_169 = arith.constant 8 : i32
        %lt3A_170 = arith.cmpi slt, %arg1, %lt3A_169 : i32
        %convert_element_type3A_171 = arith.extui %lt3A_170 : i1 to i32
        %cond3A_172 = arith.constant 0 : i32
        %cond3A_173 = arith.cmpi ne, %convert_element_type3A_171, %cond3A_172 : i32
        scf.if %cond3A_173 {
          %jit3A_179 = arith.constant 8 : i32
          %div3A_180 = arith.divsi %add3A_168, %jit3A_179 : i32
          %sign3A_181 = arith.constant 0 : i32
          %sign3A_182 = arith.cmpi sgt, %add3A_168, %sign3A_181 : i32
          %sign3A_183 = arith.extui %sign3A_182 : i1 to i32
          %sign3A_184 = arith.constant 0 : i32
          %sign3A_185 = arith.cmpi slt, %add3A_168, %sign3A_184 : i32
          %sign3A_186 = arith.extui %sign3A_185 : i1 to i32
          %sign3A_187 = arith.subi %sign3A_183, %sign3A_186 : i32
          %sign3A_188 = arith.constant 0 : i32
          %sign3A_189 = arith.cmpi sgt, %jit3A_179, %sign3A_188 : i32
          %sign3A_190 = arith.extui %sign3A_189 : i1 to i32
          %sign3A_191 = arith.constant 0 : i32
          %sign3A_192 = arith.cmpi slt, %jit3A_179, %sign3A_191 : i32
          %sign3A_193 = arith.extui %sign3A_192 : i1 to i32
          %sign3A_194 = arith.subi %sign3A_190, %sign3A_193 : i32
          %ne3A_195 = arith.cmpi ne, %sign3A_187, %sign3A_194 : i32
          %rem3A_196 = arith.remsi %add3A_168, %jit3A_179 : i32
          %ne3A_197 = arith.constant 0 : i32
          %ne3A_198 = arith.cmpi ne, %rem3A_196, %ne3A_197 : i32
          %and3A_199 = arith.andi %ne3A_195, %ne3A_198 : i1
          %sub3A_200 = arith.constant 1 : i32
          %sub3A_201 = arith.subi %div3A_180, %sub3A_200 : i32
          %select_n3A_202 = arith.select %and3A_199, %sub3A_201, %div3A_180 : i32
          %mul3A_203 = arith.constant 2 : i32
          %mul3A_204 = arith.muli %mul3A_203, %select_n3A_202 : i32
          %add3A_205 = arith.addi %mul3A_204, %arg0 : i32
          %mul3A_206 = arith.constant 8 : i32
          %mul3A_207 = arith.muli %mul3A_206, %add3A_205 : i32
          %jit3A_208 = arith.constant 8 : i32
          %eq3A_209 = arith.constant 0 : i32
          %eq3A_210 = arith.cmpi eq, %jit3A_208, %eq3A_209 : i32
          %jit3A_211 = arith.constant 1 : i32
          %select_n3A_212 = arith.select %eq3A_210, %jit3A_211, %jit3A_208 : i32
          %rem3A_213 = arith.remsi %add3A_168, %select_n3A_212 : i32
          %ne3A_214 = arith.constant 0 : i32
          %ne3A_215 = arith.cmpi ne, %rem3A_213, %ne3A_214 : i32
          %lt3A_216 = arith.constant 0 : i32
          %lt3A_217 = arith.cmpi slt, %rem3A_213, %lt3A_216 : i32
          %lt3A_218 = arith.constant 0 : i32
          %lt3A_219 = arith.cmpi slt, %select_n3A_212, %lt3A_218 : i32
          %ne3A_220 = arith.xori %lt3A_217, %lt3A_219 : i1
          %and3A_221 = arith.andi %ne3A_220, %ne3A_215 : i1
          %add3A_222 = arith.addi %rem3A_213, %select_n3A_212 : i32
          %select_n3A_223 = arith.select %and3A_221, %add3A_222, %rem3A_213 : i32
          %add3A_224 = arith.addi %mul3A_207, %select_n3A_223 : i32
          %mul3A_225 = arith.constant 512 : i32
          %mul3A_226 = arith.muli %add3A_224, %mul3A_225 : i32
          %add3A_227 = arith.addi %mul3A_226, %mul3A_2 : i32
          %add3A_228 = arith.constant 16 : i32
          %add3A_229 = arith.addi %add3A_227, %add3A_228 : i32
          %multiple_of3A_230 = tpu.assume_multiple %add3A_229, 8 : i32
          %add3A_231 = arith.addi %mul3A_226, %sub3A_5 : i32
          %add3A_232 = arith.constant 16 : i32
          %add3A_233 = arith.addi %add3A_231, %add3A_232 : i32
          %min3A = arith.constant 131064 : i32
          %min3A_234 = arith.minsi %add3A_233, %min3A : i32
          %multiple_of3A_235 = tpu.assume_multiple %min3A_234, 8 : i32
          %add3A_236 = arith.addi %mul3A_226, %mul3A_2 : i32
          %multiple_of3A_237 = tpu.assume_multiple %add3A_236, 8 : i32
          %add3A_238 = arith.addi %mul3A_226, %sub3A_5 : i32
          %multiple_of3A_239 = tpu.assume_multiple %add3A_238, 8 : i32
          %dma_start3A = arith.constant 0 : i32
          %dma_start3A_240 = arith.constant 0 : i32
          %dma_start3A_241 = tpu.memref_slice %arg7[%dma_start3A, %dma_start3A_240] : memref<33x512xf32, #tpu.memory_space<vmem>> -> memref<16x128xf32, #tpu.memory_space<vmem>>
          %dma_start3A_242 = arith.constant 0 : i32
          %dma_start3A_243 = tpu.memref_slice %arg2[%multiple_of3A_237, %dma_start3A_242] : memref<131072x512xf32, #tpu.memory_space<hbm>> -> memref<16x128xf32, #tpu.memory_space<hbm>>
          %dma_start3A_244 = arith.constant 0 : i32
          %dma_start3A_245 = arith.constant 0 : i32
          %dma_start3A_246 = tpu.memref_slice %arg7[%dma_start3A_244, %dma_start3A_245] : memref<33x512xf32, #tpu.memory_space<vmem>> -> memref<16x128xf32, #tpu.memory_space<vmem>>
          %dma_start3A_247 = arith.constant 0 : i32
          %dma_start3A_248 = tpu.memref_slice %arg2[%multiple_of3A_237, %dma_start3A_247] : memref<131072x512xf32, #tpu.memory_space<hbm>> -> memref<16x128xf32, #tpu.memory_space<hbm>>
          tpu.enqueue_dma source(%dma_start3A_248 : memref<16x128xf32, #tpu.memory_space<hbm>>) target(%dma_start3A_246 : memref<16x128xf32, #tpu.memory_space<vmem>>) target_semaphore(%arg10 : memref<!tpu.dma_semaphore, #tpu.memory_space<semaphore_mem>>)
          %dma_start3A_249 = arith.constant 16 : i32
          %dma_start3A_250 = arith.constant 0 : i32
          %dma_start3A_251 = tpu.memref_slice %arg7[%dma_start3A_249, %dma_start3A_250] : memref<33x512xf32, #tpu.memory_space<vmem>> -> memref<16x512xf32, #tpu.memory_space<vmem>>
          %dma_start3A_252 = arith.constant 0 : i32
          %dma_start3A_253 = tpu.memref_slice %arg2[%multiple_of3A_239, %dma_start3A_252] : memref<131072x512xf32, #tpu.memory_space<hbm>> -> memref<16x512xf32, #tpu.memory_space<hbm>>
          %dma_start3A_254 = arith.constant 16 : i32
          %dma_start3A_255 = arith.constant 0 : i32
          %dma_start3A_256 = tpu.memref_slice %arg7[%dma_start3A_254, %dma_start3A_255] : memref<33x512xf32, #tpu.memory_space<vmem>> -> memref<16x512xf32, #tpu.memory_space<vmem>>
          %dma_start3A_257 = arith.constant 0 : i32
          %dma_start3A_258 = tpu.memref_slice %arg2[%multiple_of3A_239, %dma_start3A_257] : memref<131072x512xf32, #tpu.memory_space<hbm>> -> memref<16x512xf32, #tpu.memory_space<hbm>>
          tpu.enqueue_dma source(%dma_start3A_258 : memref<16x512xf32, #tpu.memory_space<hbm>>) target(%dma_start3A_256 : memref<16x512xf32, #tpu.memory_space<vmem>>) target_semaphore(%arg10 : memref<!tpu.dma_semaphore, #tpu.memory_space<semaphore_mem>>)
          %dma_start3A_259 = arith.constant 32 : i32
          %dma_start3A_260 = arith.constant 0 : i32
          %dma_start3A_261 = tpu.memref_slice %arg7[%dma_start3A_259, %dma_start3A_260] : memref<33x512xf32, #tpu.memory_space<vmem>> -> memref<1x128xf32, #tpu.memory_space<vmem>>
          %dma_start3A_262 = arith.constant 0 : i32
          %dma_start3A_263 = tpu.memref_slice %arg2[%multiple_of3A_230, %dma_start3A_262] : memref<131072x512xf32, #tpu.memory_space<hbm>> -> memref<1x128xf32, #tpu.memory_space<hbm>>
          %dma_start3A_264 = arith.constant 32 : i32
          %dma_start3A_265 = arith.constant 0 : i32
          %dma_start3A_266 = tpu.memref_slice %arg7[%dma_start3A_264, %dma_start3A_265] : memref<33x512xf32, #tpu.memory_space<vmem>> -> memref<1x128xf32, #tpu.memory_space<vmem>>
          %dma_start3A_267 = arith.constant 0 : i32
          %dma_start3A_268 = tpu.memref_slice %arg2[%multiple_of3A_230, %dma_start3A_267] : memref<131072x512xf32, #tpu.memory_space<hbm>> -> memref<1x128xf32, #tpu.memory_space<hbm>>
          tpu.enqueue_dma source(%dma_start3A_268 : memref<1x128xf32, #tpu.memory_space<hbm>>) target(%dma_start3A_266 : memref<1x128xf32, #tpu.memory_space<vmem>>) target_semaphore(%arg10 : memref<!tpu.dma_semaphore, #tpu.memory_space<semaphore_mem>>)
          %dma_start3A_269 = arith.constant 32 : i32
          %dma_start3A_270 = arith.constant 128 : i32
          %dma_start3A_271 = tpu.memref_slice %arg7[%dma_start3A_269, %dma_start3A_270] : memref<33x512xf32, #tpu.memory_space<vmem>> -> memref<1x128xf32, #tpu.memory_space<vmem>>
          %dma_start3A_272 = arith.constant 0 : i32
          %dma_start3A_273 = tpu.memref_slice %arg2[%multiple_of3A_235, %dma_start3A_272] : memref<131072x512xf32, #tpu.memory_space<hbm>> -> memref<1x128xf32, #tpu.memory_space<hbm>>
          %dma_start3A_274 = arith.constant 32 : i32
          %dma_start3A_275 = arith.constant 128 : i32
          %dma_start3A_276 = tpu.memref_slice %arg7[%dma_start3A_274, %dma_start3A_275] : memref<33x512xf32, #tpu.memory_space<vmem>> -> memref<1x128xf32, #tpu.memory_space<vmem>>
          %dma_start3A_277 = arith.constant 0 : i32
          %dma_start3A_278 = tpu.memref_slice %arg2[%multiple_of3A_235, %dma_start3A_277] : memref<131072x512xf32, #tpu.memory_space<hbm>> -> memref<1x128xf32, #tpu.memory_space<hbm>>
          tpu.enqueue_dma source(%dma_start3A_278 : memref<1x128xf32, #tpu.memory_space<hbm>>) target(%dma_start3A_276 : memref<1x128xf32, #tpu.memory_space<vmem>>) target_semaphore(%arg10 : memref<!tpu.dma_semaphore, #tpu.memory_space<semaphore_mem>>)
        } else {
        }
        %ge3A_174 = arith.constant 8 : i32
        %ge3A_175 = arith.cmpi sge, %arg1, %ge3A_174 : i32
        %convert_element_type3A_176 = arith.extui %ge3A_175 : i1 to i32
        %cond3A_177 = arith.constant 0 : i32
        %cond3A_178 = arith.cmpi ne, %convert_element_type3A_176, %cond3A_177 : i32
        scf.if %cond3A_178 {
          %jit3A_179 = arith.constant 8 : i32
          %div3A_180 = arith.divsi %add3A_168, %jit3A_179 : i32
          %sign3A_181 = arith.constant 0 : i32
          %sign3A_182 = arith.cmpi sgt, %add3A_168, %sign3A_181 : i32
          %sign3A_183 = arith.extui %sign3A_182 : i1 to i32
          %sign3A_184 = arith.constant 0 : i32
          %sign3A_185 = arith.cmpi slt, %add3A_168, %sign3A_184 : i32
          %sign3A_186 = arith.extui %sign3A_185 : i1 to i32
          %sign3A_187 = arith.subi %sign3A_183, %sign3A_186 : i32
          %sign3A_188 = arith.constant 0 : i32
          %sign3A_189 = arith.cmpi sgt, %jit3A_179, %sign3A_188 : i32
          %sign3A_190 = arith.extui %sign3A_189 : i1 to i32
          %sign3A_191 = arith.constant 0 : i32
          %sign3A_192 = arith.cmpi slt, %jit3A_179, %sign3A_191 : i32
          %sign3A_193 = arith.extui %sign3A_192 : i1 to i32
          %sign3A_194 = arith.subi %sign3A_190, %sign3A_193 : i32
          %ne3A_195 = arith.cmpi ne, %sign3A_187, %sign3A_194 : i32
          %rem3A_196 = arith.remsi %add3A_168, %jit3A_179 : i32
          %ne3A_197 = arith.constant 0 : i32
          %ne3A_198 = arith.cmpi ne, %rem3A_196, %ne3A_197 : i32
          %and3A_199 = arith.andi %ne3A_195, %ne3A_198 : i1
          %sub3A_200 = arith.constant 1 : i32
          %sub3A_201 = arith.subi %div3A_180, %sub3A_200 : i32
          %select_n3A_202 = arith.select %and3A_199, %sub3A_201, %div3A_180 : i32
          %mul3A_203 = arith.constant 2 : i32
          %mul3A_204 = arith.muli %mul3A_203, %select_n3A_202 : i32
          %add3A_205 = arith.addi %mul3A_204, %arg0 : i32
          %mul3A_206 = arith.constant 8 : i32
          %mul3A_207 = arith.muli %mul3A_206, %add3A_205 : i32
          %jit3A_208 = arith.constant 8 : i32
          %eq3A_209 = arith.constant 0 : i32
          %eq3A_210 = arith.cmpi eq, %jit3A_208, %eq3A_209 : i32
          %jit3A_211 = arith.constant 1 : i32
          %select_n3A_212 = arith.select %eq3A_210, %jit3A_211, %jit3A_208 : i32
          %rem3A_213 = arith.remsi %add3A_168, %select_n3A_212 : i32
          %ne3A_214 = arith.constant 0 : i32
          %ne3A_215 = arith.cmpi ne, %rem3A_213, %ne3A_214 : i32
          %lt3A_216 = arith.constant 0 : i32
          %lt3A_217 = arith.cmpi slt, %rem3A_213, %lt3A_216 : i32
          %lt3A_218 = arith.constant 0 : i32
          %lt3A_219 = arith.cmpi slt, %select_n3A_212, %lt3A_218 : i32
          %ne3A_220 = arith.xori %lt3A_217, %lt3A_219 : i1
          %and3A_221 = arith.andi %ne3A_220, %ne3A_215 : i1
          %add3A_222 = arith.addi %rem3A_213, %select_n3A_212 : i32
          %select_n3A_223 = arith.select %and3A_221, %add3A_222, %rem3A_213 : i32
          %add3A_224 = arith.addi %mul3A_207, %select_n3A_223 : i32
          %mul3A_225 = arith.constant 512 : i32
          %mul3A_226 = arith.muli %add3A_224, %mul3A_225 : i32
          %add3A_227 = arith.addi %mul3A_226, %mul3A_2 : i32
          %add3A_228 = arith.constant 16 : i32
          %add3A_229 = arith.addi %add3A_227, %add3A_228 : i32
          %multiple_of3A_230 = tpu.assume_multiple %add3A_229, 8 : i32
          %add3A_231 = arith.addi %mul3A_226, %sub3A_5 : i32
          %add3A_232 = arith.constant 16 : i32
          %add3A_233 = arith.addi %add3A_231, %add3A_232 : i32
          %min3A = arith.constant 131064 : i32
          %min3A_234 = arith.minsi %add3A_233, %min3A : i32
          %multiple_of3A_235 = tpu.assume_multiple %min3A_234, 8 : i32
          %add3A_236 = arith.addi %mul3A_226, %mul3A_2 : i32
          %multiple_of3A_237 = tpu.assume_multiple %add3A_236, 8 : i32
          %add3A_238 = arith.addi %mul3A_226, %sub3A_5 : i32
          %multiple_of3A_239 = tpu.assume_multiple %add3A_238, 8 : i32
          %dma_start3A = arith.constant 0 : i32
          %dma_start3A_240 = arith.constant 0 : i32
          %dma_start3A_241 = tpu.memref_slice %arg7[%dma_start3A, %dma_start3A_240] : memref<33x512xf32, #tpu.memory_space<vmem>> -> memref<16x256xf32, #tpu.memory_space<vmem>>
          %dma_start3A_242 = arith.constant 0 : i32
          %dma_start3A_243 = tpu.memref_slice %arg2[%multiple_of3A_237, %dma_start3A_242] : memref<131072x512xf32, #tpu.memory_space<hbm>> -> memref<16x256xf32, #tpu.memory_space<hbm>>
          %dma_start3A_244 = arith.constant 0 : i32
          %dma_start3A_245 = arith.constant 0 : i32
          %dma_start3A_246 = tpu.memref_slice %arg7[%dma_start3A_244, %dma_start3A_245] : memref<33x512xf32, #tpu.memory_space<vmem>> -> memref<16x256xf32, #tpu.memory_space<vmem>>
          %dma_start3A_247 = arith.constant 0 : i32
          %dma_start3A_248 = tpu.memref_slice %arg2[%multiple_of3A_237, %dma_start3A_247] : memref<131072x512xf32, #tpu.memory_space<hbm>> -> memref<16x256xf32, #tpu.memory_space<hbm>>
          tpu.enqueue_dma source(%dma_start3A_248 : memref<16x256xf32, #tpu.memory_space<hbm>>) target(%dma_start3A_246 : memref<16x256xf32, #tpu.memory_space<vmem>>) target_semaphore(%arg10 : memref<!tpu.dma_semaphore, #tpu.memory_space<semaphore_mem>>)
          %dma_start3A_249 = arith.constant 16 : i32
          %dma_start3A_250 = arith.constant 0 : i32
          %dma_start3A_251 = tpu.memref_slice %arg7[%dma_start3A_249, %dma_start3A_250] : memref<33x512xf32, #tpu.memory_space<vmem>> -> memref<16x384xf32, #tpu.memory_space<vmem>>
          %dma_start3A_252 = arith.constant 0 : i32
          %dma_start3A_253 = tpu.memref_slice %arg2[%multiple_of3A_239, %dma_start3A_252] : memref<131072x512xf32, #tpu.memory_space<hbm>> -> memref<16x384xf32, #tpu.memory_space<hbm>>
          %dma_start3A_254 = arith.constant 16 : i32
          %dma_start3A_255 = arith.constant 0 : i32
          %dma_start3A_256 = tpu.memref_slice %arg7[%dma_start3A_254, %dma_start3A_255] : memref<33x512xf32, #tpu.memory_space<vmem>> -> memref<16x384xf32, #tpu.memory_space<vmem>>
          %dma_start3A_257 = arith.constant 0 : i32
          %dma_start3A_258 = tpu.memref_slice %arg2[%multiple_of3A_239, %dma_start3A_257] : memref<131072x512xf32, #tpu.memory_space<hbm>> -> memref<16x384xf32, #tpu.memory_space<hbm>>
          tpu.enqueue_dma source(%dma_start3A_258 : memref<16x384xf32, #tpu.memory_space<hbm>>) target(%dma_start3A_256 : memref<16x384xf32, #tpu.memory_space<vmem>>) target_semaphore(%arg10 : memref<!tpu.dma_semaphore, #tpu.memory_space<semaphore_mem>>)
          %dma_start3A_259 = arith.constant 32 : i32
          %dma_start3A_260 = arith.constant 0 : i32
          %dma_start3A_261 = tpu.memref_slice %arg7[%dma_start3A_259, %dma_start3A_260] : memref<33x512xf32, #tpu.memory_space<vmem>> -> memref<1x128xf32, #tpu.memory_space<vmem>>
          %dma_start3A_262 = arith.constant 0 : i32
          %dma_start3A_263 = tpu.memref_slice %arg2[%multiple_of3A_230, %dma_start3A_262] : memref<131072x512xf32, #tpu.memory_space<hbm>> -> memref<1x128xf32, #tpu.memory_space<hbm>>
          %dma_start3A_264 = arith.constant 32 : i32
          %dma_start3A_265 = arith.constant 0 : i32
          %dma_start3A_266 = tpu.memref_slice %arg7[%dma_start3A_264, %dma_start3A_265] : memref<33x512xf32, #tpu.memory_space<vmem>> -> memref<1x128xf32, #tpu.memory_space<vmem>>
          %dma_start3A_267 = arith.constant 0 : i32
          %dma_start3A_268 = tpu.memref_slice %arg2[%multiple_of3A_230, %dma_start3A_267] : memref<131072x512xf32, #tpu.memory_space<hbm>> -> memref<1x128xf32, #tpu.memory_space<hbm>>
          tpu.enqueue_dma source(%dma_start3A_268 : memref<1x128xf32, #tpu.memory_space<hbm>>) target(%dma_start3A_266 : memref<1x128xf32, #tpu.memory_space<vmem>>) target_semaphore(%arg10 : memref<!tpu.dma_semaphore, #tpu.memory_space<semaphore_mem>>)
          %dma_start3A_269 = arith.constant 32 : i32
          %dma_start3A_270 = arith.constant 128 : i32
          %dma_start3A_271 = tpu.memref_slice %arg7[%dma_start3A_269, %dma_start3A_270] : memref<33x512xf32, #tpu.memory_space<vmem>> -> memref<1x128xf32, #tpu.memory_space<vmem>>
          %dma_start3A_272 = arith.constant 0 : i32
          %dma_start3A_273 = tpu.memref_slice %arg2[%multiple_of3A_235, %dma_start3A_272] : memref<131072x512xf32, #tpu.memory_space<hbm>> -> memref<1x128xf32, #tpu.memory_space<hbm>>
          %dma_start3A_274 = arith.constant 32 : i32
          %dma_start3A_275 = arith.constant 128 : i32
          %dma_start3A_276 = tpu.memref_slice %arg7[%dma_start3A_274, %dma_start3A_275] : memref<33x512xf32, #tpu.memory_space<vmem>> -> memref<1x128xf32, #tpu.memory_space<vmem>>
          %dma_start3A_277 = arith.constant 0 : i32
          %dma_start3A_278 = tpu.memref_slice %arg2[%multiple_of3A_235, %dma_start3A_277] : memref<131072x512xf32, #tpu.memory_space<hbm>> -> memref<1x128xf32, #tpu.memory_space<hbm>>
          tpu.enqueue_dma source(%dma_start3A_278 : memref<1x128xf32, #tpu.memory_space<hbm>>) target(%dma_start3A_276 : memref<1x128xf32, #tpu.memory_space<vmem>>) target_semaphore(%arg10 : memref<!tpu.dma_semaphore, #tpu.memory_space<semaphore_mem>>)
        } else {
        }
      } else {
      }
      %lt3A_64 = arith.constant 8 : i32
      %lt3A_65 = arith.cmpi slt, %arg1, %lt3A_64 : i32
      %convert_element_type3A_66 = arith.extui %lt3A_65 : i1 to i32
      %cond3A_67 = arith.constant 0 : i32
      %cond3A_68 = arith.cmpi ne, %convert_element_type3A_66, %cond3A_67 : i32
      scf.if %cond3A_68 {
        %jit3A_167 = arith.constant 8 : i32
        %div3A_168 = arith.divsi %mul3A_24, %jit3A_167 : i32
        %sign3A_169 = arith.constant 0 : i32
        %sign3A_170 = arith.cmpi sgt, %mul3A_24, %sign3A_169 : i32
        %sign3A_171 = arith.extui %sign3A_170 : i1 to i32
        %sign3A_172 = arith.constant 0 : i32
        %sign3A_173 = arith.cmpi slt, %mul3A_24, %sign3A_172 : i32
        %sign3A_174 = arith.extui %sign3A_173 : i1 to i32
        %sign3A_175 = arith.subi %sign3A_171, %sign3A_174 : i32
        %sign3A_176 = arith.constant 0 : i32
        %sign3A_177 = arith.cmpi sgt, %jit3A_167, %sign3A_176 : i32
        %sign3A_178 = arith.extui %sign3A_177 : i1 to i32
        %sign3A_179 = arith.constant 0 : i32
        %sign3A_180 = arith.cmpi slt, %jit3A_167, %sign3A_179 : i32
        %sign3A_181 = arith.extui %sign3A_180 : i1 to i32
        %sign3A_182 = arith.subi %sign3A_178, %sign3A_181 : i32
        %ne3A_183 = arith.cmpi ne, %sign3A_175, %sign3A_182 : i32
        %rem3A_184 = arith.remsi %mul3A_24, %jit3A_167 : i32
        %ne3A_185 = arith.constant 0 : i32
        %ne3A_186 = arith.cmpi ne, %rem3A_184, %ne3A_185 : i32
        %and3A_187 = arith.andi %ne3A_183, %ne3A_186 : i1
        %sub3A_188 = arith.constant 1 : i32
        %sub3A_189 = arith.subi %div3A_168, %sub3A_188 : i32
        %select_n3A_190 = arith.select %and3A_187, %sub3A_189, %div3A_168 : i32
        %mul3A_191 = arith.constant 2 : i32
        %mul3A_192 = arith.muli %mul3A_191, %select_n3A_190 : i32
        %add3A_193 = arith.addi %mul3A_192, %arg0 : i32
        %mul3A_194 = arith.constant 8 : i32
        %mul3A_195 = arith.muli %mul3A_194, %add3A_193 : i32
        %jit3A_196 = arith.constant 8 : i32
        %eq3A_197 = arith.constant 0 : i32
        %eq3A_198 = arith.cmpi eq, %jit3A_196, %eq3A_197 : i32
        %jit3A_199 = arith.constant 1 : i32
        %select_n3A_200 = arith.select %eq3A_198, %jit3A_199, %jit3A_196 : i32
        %rem3A_201 = arith.remsi %mul3A_24, %select_n3A_200 : i32
        %ne3A_202 = arith.constant 0 : i32
        %ne3A_203 = arith.cmpi ne, %rem3A_201, %ne3A_202 : i32
        %lt3A_204 = arith.constant 0 : i32
        %lt3A_205 = arith.cmpi slt, %rem3A_201, %lt3A_204 : i32
        %lt3A_206 = arith.constant 0 : i32
        %lt3A_207 = arith.cmpi slt, %select_n3A_200, %lt3A_206 : i32
        %ne3A_208 = arith.xori %lt3A_205, %lt3A_207 : i1
        %and3A_209 = arith.andi %ne3A_208, %ne3A_203 : i1
        %add3A_210 = arith.addi %rem3A_201, %select_n3A_200 : i32
        %select_n3A_211 = arith.select %and3A_209, %add3A_210, %rem3A_201 : i32
        %add3A_212 = arith.addi %mul3A_195, %select_n3A_211 : i32
        %mul3A_213 = arith.constant 512 : i32
        %mul3A_214 = arith.muli %add3A_212, %mul3A_213 : i32
        %add3A_215 = arith.addi %mul3A_214, %mul3A_2 : i32
        %add3A_216 = arith.constant 16 : i32
        %add3A_217 = arith.addi %add3A_215, %add3A_216 : i32
        %multiple_of3A_218 = tpu.assume_multiple %add3A_217, 8 : i32
        %add3A_219 = arith.addi %mul3A_214, %sub3A_5 : i32
        %add3A_220 = arith.constant 16 : i32
        %add3A_221 = arith.addi %add3A_219, %add3A_220 : i32
        %min3A = arith.constant 131064 : i32
        %min3A_222 = arith.minsi %add3A_221, %min3A : i32
        %multiple_of3A_223 = tpu.assume_multiple %min3A_222, 8 : i32
        %add3A_224 = arith.addi %mul3A_214, %mul3A_2 : i32
        %multiple_of3A_225 = tpu.assume_multiple %add3A_224, 8 : i32
        %add3A_226 = arith.addi %mul3A_214, %sub3A_5 : i32
        %multiple_of3A_227 = tpu.assume_multiple %add3A_226, 8 : i32
        %dma_wait3A = arith.constant 0 : i32
        %dma_wait3A_228 = arith.constant 0 : i32
        %dma_wait3A_229 = tpu.memref_slice %arg6[%dma_wait3A, %dma_wait3A_228] : memref<33x512xf32, #tpu.memory_space<vmem>> -> memref<16x128xf32, #tpu.memory_space<vmem>>
        %dma_wait3A_230 = arith.constant 0 : i32
        %dma_wait3A_231 = tpu.memref_slice %arg2[%multiple_of3A_225, %dma_wait3A_230] : memref<131072x512xf32, #tpu.memory_space<hbm>> -> memref<16x128xf32, #tpu.memory_space<hbm>>
        %dma_wait3A_232 = arith.constant 0 : i32
        %dma_wait3A_233 = arith.constant 0 : i32
        %dma_wait3A_234 = tpu.memref_slice %arg6[%dma_wait3A_232, %dma_wait3A_233] : memref<33x512xf32, #tpu.memory_space<vmem>> -> memref<16x128xf32, #tpu.memory_space<vmem>>
        %dma_wait3A_235 = arith.constant 0 : i32
        %dma_wait3A_236 = tpu.memref_slice %arg2[%multiple_of3A_225, %dma_wait3A_235] : memref<131072x512xf32, #tpu.memory_space<hbm>> -> memref<16x128xf32, #tpu.memory_space<hbm>>
        tpu.wait_dma2 semaphore(%arg9 : memref<!tpu.dma_semaphore, #tpu.memory_space<semaphore_mem>>) src(%dma_wait3A_236 : memref<16x128xf32, #tpu.memory_space<hbm>>) dst(%dma_wait3A_234 : memref<16x128xf32, #tpu.memory_space<vmem>>)
        %dma_wait3A_237 = arith.constant 16 : i32
        %dma_wait3A_238 = arith.constant 0 : i32
        %dma_wait3A_239 = tpu.memref_slice %arg6[%dma_wait3A_237, %dma_wait3A_238] : memref<33x512xf32, #tpu.memory_space<vmem>> -> memref<16x512xf32, #tpu.memory_space<vmem>>
        %dma_wait3A_240 = arith.constant 0 : i32
        %dma_wait3A_241 = tpu.memref_slice %arg2[%multiple_of3A_227, %dma_wait3A_240] : memref<131072x512xf32, #tpu.memory_space<hbm>> -> memref<16x512xf32, #tpu.memory_space<hbm>>
        %dma_wait3A_242 = arith.constant 16 : i32
        %dma_wait3A_243 = arith.constant 0 : i32
        %dma_wait3A_244 = tpu.memref_slice %arg6[%dma_wait3A_242, %dma_wait3A_243] : memref<33x512xf32, #tpu.memory_space<vmem>> -> memref<16x512xf32, #tpu.memory_space<vmem>>
        %dma_wait3A_245 = arith.constant 0 : i32
        %dma_wait3A_246 = tpu.memref_slice %arg2[%multiple_of3A_227, %dma_wait3A_245] : memref<131072x512xf32, #tpu.memory_space<hbm>> -> memref<16x512xf32, #tpu.memory_space<hbm>>
        tpu.wait_dma2 semaphore(%arg9 : memref<!tpu.dma_semaphore, #tpu.memory_space<semaphore_mem>>) src(%dma_wait3A_246 : memref<16x512xf32, #tpu.memory_space<hbm>>) dst(%dma_wait3A_244 : memref<16x512xf32, #tpu.memory_space<vmem>>)
        %dma_wait3A_247 = arith.constant 32 : i32
        %dma_wait3A_248 = arith.constant 0 : i32
        %dma_wait3A_249 = tpu.memref_slice %arg6[%dma_wait3A_247, %dma_wait3A_248] : memref<33x512xf32, #tpu.memory_space<vmem>> -> memref<1x128xf32, #tpu.memory_space<vmem>>
        %dma_wait3A_250 = arith.constant 0 : i32
        %dma_wait3A_251 = tpu.memref_slice %arg2[%multiple_of3A_218, %dma_wait3A_250] : memref<131072x512xf32, #tpu.memory_space<hbm>> -> memref<1x128xf32, #tpu.memory_space<hbm>>
        %dma_wait3A_252 = arith.constant 32 : i32
        %dma_wait3A_253 = arith.constant 0 : i32
        %dma_wait3A_254 = tpu.memref_slice %arg6[%dma_wait3A_252, %dma_wait3A_253] : memref<33x512xf32, #tpu.memory_space<vmem>> -> memref<1x128xf32, #tpu.memory_space<vmem>>
        %dma_wait3A_255 = arith.constant 0 : i32
        %dma_wait3A_256 = tpu.memref_slice %arg2[%multiple_of3A_218, %dma_wait3A_255] : memref<131072x512xf32, #tpu.memory_space<hbm>> -> memref<1x128xf32, #tpu.memory_space<hbm>>
        tpu.wait_dma2 semaphore(%arg9 : memref<!tpu.dma_semaphore, #tpu.memory_space<semaphore_mem>>) src(%dma_wait3A_256 : memref<1x128xf32, #tpu.memory_space<hbm>>) dst(%dma_wait3A_254 : memref<1x128xf32, #tpu.memory_space<vmem>>)
        %dma_wait3A_257 = arith.constant 32 : i32
        %dma_wait3A_258 = arith.constant 128 : i32
        %dma_wait3A_259 = tpu.memref_slice %arg6[%dma_wait3A_257, %dma_wait3A_258] : memref<33x512xf32, #tpu.memory_space<vmem>> -> memref<1x128xf32, #tpu.memory_space<vmem>>
        %dma_wait3A_260 = arith.constant 0 : i32
        %dma_wait3A_261 = tpu.memref_slice %arg2[%multiple_of3A_223, %dma_wait3A_260] : memref<131072x512xf32, #tpu.memory_space<hbm>> -> memref<1x128xf32, #tpu.memory_space<hbm>>
        %dma_wait3A_262 = arith.constant 32 : i32
        %dma_wait3A_263 = arith.constant 128 : i32
        %dma_wait3A_264 = tpu.memref_slice %arg6[%dma_wait3A_262, %dma_wait3A_263] : memref<33x512xf32, #tpu.memory_space<vmem>> -> memref<1x128xf32, #tpu.memory_space<vmem>>
        %dma_wait3A_265 = arith.constant 0 : i32
        %dma_wait3A_266 = tpu.memref_slice %arg2[%multiple_of3A_223, %dma_wait3A_265] : memref<131072x512xf32, #tpu.memory_space<hbm>> -> memref<1x128xf32, #tpu.memory_space<hbm>>
        tpu.wait_dma2 semaphore(%arg9 : memref<!tpu.dma_semaphore, #tpu.memory_space<semaphore_mem>>) src(%dma_wait3A_266 : memref<1x128xf32, #tpu.memory_space<hbm>>) dst(%dma_wait3A_264 : memref<1x128xf32, #tpu.memory_space<vmem>>)
      } else {
      }
      %ge3A_69 = arith.constant 8 : i32
      %ge3A_70 = arith.cmpi sge, %arg1, %ge3A_69 : i32
      %convert_element_type3A_71 = arith.extui %ge3A_70 : i1 to i32
      %cond3A_72 = arith.constant 0 : i32
      %cond3A_73 = arith.cmpi ne, %convert_element_type3A_71, %cond3A_72 : i32
      scf.if %cond3A_73 {
        %jit3A_167 = arith.constant 8 : i32
        %div3A_168 = arith.divsi %mul3A_24, %jit3A_167 : i32
        %sign3A_169 = arith.constant 0 : i32
        %sign3A_170 = arith.cmpi sgt, %mul3A_24, %sign3A_169 : i32
        %sign3A_171 = arith.extui %sign3A_170 : i1 to i32
        %sign3A_172 = arith.constant 0 : i32
        %sign3A_173 = arith.cmpi slt, %mul3A_24, %sign3A_172 : i32
        %sign3A_174 = arith.extui %sign3A_173 : i1 to i32
        %sign3A_175 = arith.subi %sign3A_171, %sign3A_174 : i32
        %sign3A_176 = arith.constant 0 : i32
        %sign3A_177 = arith.cmpi sgt, %jit3A_167, %sign3A_176 : i32
        %sign3A_178 = arith.extui %sign3A_177 : i1 to i32
        %sign3A_179 = arith.constant 0 : i32
        %sign3A_180 = arith.cmpi slt, %jit3A_167, %sign3A_179 : i32
        %sign3A_181 = arith.extui %sign3A_180 : i1 to i32
        %sign3A_182 = arith.subi %sign3A_178, %sign3A_181 : i32
        %ne3A_183 = arith.cmpi ne, %sign3A_175, %sign3A_182 : i32
        %rem3A_184 = arith.remsi %mul3A_24, %jit3A_167 : i32
        %ne3A_185 = arith.constant 0 : i32
        %ne3A_186 = arith.cmpi ne, %rem3A_184, %ne3A_185 : i32
        %and3A_187 = arith.andi %ne3A_183, %ne3A_186 : i1
        %sub3A_188 = arith.constant 1 : i32
        %sub3A_189 = arith.subi %div3A_168, %sub3A_188 : i32
        %select_n3A_190 = arith.select %and3A_187, %sub3A_189, %div3A_168 : i32
        %mul3A_191 = arith.constant 2 : i32
        %mul3A_192 = arith.muli %mul3A_191, %select_n3A_190 : i32
        %add3A_193 = arith.addi %mul3A_192, %arg0 : i32
        %mul3A_194 = arith.constant 8 : i32
        %mul3A_195 = arith.muli %mul3A_194, %add3A_193 : i32
        %jit3A_196 = arith.constant 8 : i32
        %eq3A_197 = arith.constant 0 : i32
        %eq3A_198 = arith.cmpi eq, %jit3A_196, %eq3A_197 : i32
        %jit3A_199 = arith.constant 1 : i32
        %select_n3A_200 = arith.select %eq3A_198, %jit3A_199, %jit3A_196 : i32
        %rem3A_201 = arith.remsi %mul3A_24, %select_n3A_200 : i32
        %ne3A_202 = arith.constant 0 : i32
        %ne3A_203 = arith.cmpi ne, %rem3A_201, %ne3A_202 : i32
        %lt3A_204 = arith.constant 0 : i32
        %lt3A_205 = arith.cmpi slt, %rem3A_201, %lt3A_204 : i32
        %lt3A_206 = arith.constant 0 : i32
        %lt3A_207 = arith.cmpi slt, %select_n3A_200, %lt3A_206 : i32
        %ne3A_208 = arith.xori %lt3A_205, %lt3A_207 : i1
        %and3A_209 = arith.andi %ne3A_208, %ne3A_203 : i1
        %add3A_210 = arith.addi %rem3A_201, %select_n3A_200 : i32
        %select_n3A_211 = arith.select %and3A_209, %add3A_210, %rem3A_201 : i32
        %add3A_212 = arith.addi %mul3A_195, %select_n3A_211 : i32
        %mul3A_213 = arith.constant 512 : i32
        %mul3A_214 = arith.muli %add3A_212, %mul3A_213 : i32
        %add3A_215 = arith.addi %mul3A_214, %mul3A_2 : i32
        %add3A_216 = arith.constant 16 : i32
        %add3A_217 = arith.addi %add3A_215, %add3A_216 : i32
        %multiple_of3A_218 = tpu.assume_multiple %add3A_217, 8 : i32
        %add3A_219 = arith.addi %mul3A_214, %sub3A_5 : i32
        %add3A_220 = arith.constant 16 : i32
        %add3A_221 = arith.addi %add3A_219, %add3A_220 : i32
        %min3A = arith.constant 131064 : i32
        %min3A_222 = arith.minsi %add3A_221, %min3A : i32
        %multiple_of3A_223 = tpu.assume_multiple %min3A_222, 8 : i32
        %add3A_224 = arith.addi %mul3A_214, %mul3A_2 : i32
        %multiple_of3A_225 = tpu.assume_multiple %add3A_224, 8 : i32
        %add3A_226 = arith.addi %mul3A_214, %sub3A_5 : i32
        %multiple_of3A_227 = tpu.assume_multiple %add3A_226, 8 : i32
        %dma_wait3A = arith.constant 0 : i32
        %dma_wait3A_228 = arith.constant 0 : i32
        %dma_wait3A_229 = tpu.memref_slice %arg6[%dma_wait3A, %dma_wait3A_228] : memref<33x512xf32, #tpu.memory_space<vmem>> -> memref<16x256xf32, #tpu.memory_space<vmem>>
        %dma_wait3A_230 = arith.constant 0 : i32
        %dma_wait3A_231 = tpu.memref_slice %arg2[%multiple_of3A_225, %dma_wait3A_230] : memref<131072x512xf32, #tpu.memory_space<hbm>> -> memref<16x256xf32, #tpu.memory_space<hbm>>
        %dma_wait3A_232 = arith.constant 0 : i32
        %dma_wait3A_233 = arith.constant 0 : i32
        %dma_wait3A_234 = tpu.memref_slice %arg6[%dma_wait3A_232, %dma_wait3A_233] : memref<33x512xf32, #tpu.memory_space<vmem>> -> memref<16x256xf32, #tpu.memory_space<vmem>>
        %dma_wait3A_235 = arith.constant 0 : i32
        %dma_wait3A_236 = tpu.memref_slice %arg2[%multiple_of3A_225, %dma_wait3A_235] : memref<131072x512xf32, #tpu.memory_space<hbm>> -> memref<16x256xf32, #tpu.memory_space<hbm>>
        tpu.wait_dma2 semaphore(%arg9 : memref<!tpu.dma_semaphore, #tpu.memory_space<semaphore_mem>>) src(%dma_wait3A_236 : memref<16x256xf32, #tpu.memory_space<hbm>>) dst(%dma_wait3A_234 : memref<16x256xf32, #tpu.memory_space<vmem>>)
        %dma_wait3A_237 = arith.constant 16 : i32
        %dma_wait3A_238 = arith.constant 0 : i32
        %dma_wait3A_239 = tpu.memref_slice %arg6[%dma_wait3A_237, %dma_wait3A_238] : memref<33x512xf32, #tpu.memory_space<vmem>> -> memref<16x384xf32, #tpu.memory_space<vmem>>
        %dma_wait3A_240 = arith.constant 0 : i32
        %dma_wait3A_241 = tpu.memref_slice %arg2[%multiple_of3A_227, %dma_wait3A_240] : memref<131072x512xf32, #tpu.memory_space<hbm>> -> memref<16x384xf32, #tpu.memory_space<hbm>>
        %dma_wait3A_242 = arith.constant 16 : i32
        %dma_wait3A_243 = arith.constant 0 : i32
        %dma_wait3A_244 = tpu.memref_slice %arg6[%dma_wait3A_242, %dma_wait3A_243] : memref<33x512xf32, #tpu.memory_space<vmem>> -> memref<16x384xf32, #tpu.memory_space<vmem>>
        %dma_wait3A_245 = arith.constant 0 : i32
        %dma_wait3A_246 = tpu.memref_slice %arg2[%multiple_of3A_227, %dma_wait3A_245] : memref<131072x512xf32, #tpu.memory_space<hbm>> -> memref<16x384xf32, #tpu.memory_space<hbm>>
        tpu.wait_dma2 semaphore(%arg9 : memref<!tpu.dma_semaphore, #tpu.memory_space<semaphore_mem>>) src(%dma_wait3A_246 : memref<16x384xf32, #tpu.memory_space<hbm>>) dst(%dma_wait3A_244 : memref<16x384xf32, #tpu.memory_space<vmem>>)
        %dma_wait3A_247 = arith.constant 32 : i32
        %dma_wait3A_248 = arith.constant 0 : i32
        %dma_wait3A_249 = tpu.memref_slice %arg6[%dma_wait3A_247, %dma_wait3A_248] : memref<33x512xf32, #tpu.memory_space<vmem>> -> memref<1x128xf32, #tpu.memory_space<vmem>>
        %dma_wait3A_250 = arith.constant 0 : i32
        %dma_wait3A_251 = tpu.memref_slice %arg2[%multiple_of3A_218, %dma_wait3A_250] : memref<131072x512xf32, #tpu.memory_space<hbm>> -> memref<1x128xf32, #tpu.memory_space<hbm>>
        %dma_wait3A_252 = arith.constant 32 : i32
        %dma_wait3A_253 = arith.constant 0 : i32
        %dma_wait3A_254 = tpu.memref_slice %arg6[%dma_wait3A_252, %dma_wait3A_253] : memref<33x512xf32, #tpu.memory_space<vmem>> -> memref<1x128xf32, #tpu.memory_space<vmem>>
        %dma_wait3A_255 = arith.constant 0 : i32
        %dma_wait3A_256 = tpu.memref_slice %arg2[%multiple_of3A_218, %dma_wait3A_255] : memref<131072x512xf32, #tpu.memory_space<hbm>> -> memref<1x128xf32, #tpu.memory_space<hbm>>
        tpu.wait_dma2 semaphore(%arg9 : memref<!tpu.dma_semaphore, #tpu.memory_space<semaphore_mem>>) src(%dma_wait3A_256 : memref<1x128xf32, #tpu.memory_space<hbm>>) dst(%dma_wait3A_254 : memref<1x128xf32, #tpu.memory_space<vmem>>)
        %dma_wait3A_257 = arith.constant 32 : i32
        %dma_wait3A_258 = arith.constant 128 : i32
        %dma_wait3A_259 = tpu.memref_slice %arg6[%dma_wait3A_257, %dma_wait3A_258] : memref<33x512xf32, #tpu.memory_space<vmem>> -> memref<1x128xf32, #tpu.memory_space<vmem>>
        %dma_wait3A_260 = arith.constant 0 : i32
        %dma_wait3A_261 = tpu.memref_slice %arg2[%multiple_of3A_223, %dma_wait3A_260] : memref<131072x512xf32, #tpu.memory_space<hbm>> -> memref<1x128xf32, #tpu.memory_space<hbm>>
        %dma_wait3A_262 = arith.constant 32 : i32
        %dma_wait3A_263 = arith.constant 128 : i32
        %dma_wait3A_264 = tpu.memref_slice %arg6[%dma_wait3A_262, %dma_wait3A_263] : memref<33x512xf32, #tpu.memory_space<vmem>> -> memref<1x128xf32, #tpu.memory_space<vmem>>
        %dma_wait3A_265 = arith.constant 0 : i32
        %dma_wait3A_266 = tpu.memref_slice %arg2[%multiple_of3A_223, %dma_wait3A_265] : memref<131072x512xf32, #tpu.memory_space<hbm>> -> memref<1x128xf32, #tpu.memory_space<hbm>>
        tpu.wait_dma2 semaphore(%arg9 : memref<!tpu.dma_semaphore, #tpu.memory_space<semaphore_mem>>) src(%dma_wait3A_266 : memref<1x128xf32, #tpu.memory_space<hbm>>) dst(%dma_wait3A_264 : memref<1x128xf32, #tpu.memory_space<vmem>>)
      } else {
      }
      %eq3A_74 = arith.constant 0 : i32
      %eq3A_75 = arith.cmpi eq, %select_n3A_33, %eq3A_74 : i32
      %ge3A_76 = arith.constant 8 : i32
      %ge3A_77 = arith.cmpi sge, %mul3A_24, %ge3A_76 : i32
      %and3A_78 = arith.andi %eq3A_75, %ge3A_77 : i1
      %convert_element_type3A_79 = arith.extui %and3A_78 : i1 to i32
      %cond3A_80 = arith.constant 0 : i32
      %cond3A_81 = arith.cmpi ne, %convert_element_type3A_79, %cond3A_80 : i32
      scf.if %cond3A_81 {
        %clamp3A_167 = arith.constant 0 : i32
        %clamp3A_168 = arith.constant 15 : i32
        %clamp3A_169 = arith.maxsi %arg1, %clamp3A_167 : i32
        %clamp3A_170 = arith.minsi %clamp3A_169, %clamp3A_168 : i32
        %cond3A_171 = arith.constant 0 : i32
        %cond3A_172 = arith.cmpi ne, %clamp3A_170, %cond3A_171 : i32
        scf.if %cond3A_172 {
          %cond3A_173 = arith.constant 1 : i32
          %cond3A_174 = arith.subi %clamp3A_170, %cond3A_173 : i32
          %cond3A_175 = arith.constant 0 : i32
          %cond3A_176 = arith.cmpi ne, %cond3A_174, %cond3A_175 : i32
          scf.if %cond3A_176 {
            %cond3A_177 = arith.constant 1 : i32
            %cond3A_178 = arith.subi %cond3A_174, %cond3A_177 : i32
            %cond3A_179 = arith.constant 0 : i32
            %cond3A_180 = arith.cmpi ne, %cond3A_178, %cond3A_179 : i32
            scf.if %cond3A_180 {
              %cond3A_181 = arith.constant 1 : i32
              %cond3A_182 = arith.subi %cond3A_178, %cond3A_181 : i32
              %cond3A_183 = arith.constant 0 : i32
              %cond3A_184 = arith.cmpi ne, %cond3A_182, %cond3A_183 : i32
              scf.if %cond3A_184 {
                %cond3A_185 = arith.constant 1 : i32
                %cond3A_186 = arith.subi %cond3A_182, %cond3A_185 : i32
                %cond3A_187 = arith.constant 0 : i32
                %cond3A_188 = arith.cmpi ne, %cond3A_186, %cond3A_187 : i32
                scf.if %cond3A_188 {
                  %cond3A_189 = arith.constant 1 : i32
                  %cond3A_190 = arith.subi %cond3A_186, %cond3A_189 : i32
                  %cond3A_191 = arith.constant 0 : i32
                  %cond3A_192 = arith.cmpi ne, %cond3A_190, %cond3A_191 : i32
                  scf.if %cond3A_192 {
                    %cond3A_193 = arith.constant 1 : i32
                    %cond3A_194 = arith.subi %cond3A_190, %cond3A_193 : i32
                    %cond3A_195 = arith.constant 0 : i32
                    %cond3A_196 = arith.cmpi ne, %cond3A_194, %cond3A_195 : i32
                    scf.if %cond3A_196 {
                      %cond3A_197 = arith.constant 1 : i32
                      %cond3A_198 = arith.subi %cond3A_194, %cond3A_197 : i32
                      %cond3A_199 = arith.constant 0 : i32
                      %cond3A_200 = arith.cmpi ne, %cond3A_198, %cond3A_199 : i32
                      scf.if %cond3A_200 {
                        %cond3A_201 = arith.constant 1 : i32
                        %cond3A_202 = arith.subi %cond3A_198, %cond3A_201 : i32
                        %cond3A_203 = arith.constant 0 : i32
                        %cond3A_204 = arith.cmpi ne, %cond3A_202, %cond3A_203 : i32
                        scf.if %cond3A_204 {
                          %cond3A_205 = arith.constant 1 : i32
                          %cond3A_206 = arith.subi %cond3A_202, %cond3A_205 : i32
                          %cond3A_207 = arith.constant 0 : i32
                          %cond3A_208 = arith.cmpi ne, %cond3A_206, %cond3A_207 : i32
                          scf.if %cond3A_208 {
                            %cond3A_209 = arith.constant 1 : i32
                            %cond3A_210 = arith.subi %cond3A_206, %cond3A_209 : i32
                            %cond3A_211 = arith.constant 0 : i32
                            %cond3A_212 = arith.cmpi ne, %cond3A_210, %cond3A_211 : i32
                            scf.if %cond3A_212 {
                              %cond3A_213 = arith.constant 1 : i32
                              %cond3A_214 = arith.subi %cond3A_210, %cond3A_213 : i32
                              %cond3A_215 = arith.constant 0 : i32
                              %cond3A_216 = arith.cmpi ne, %cond3A_214, %cond3A_215 : i32
                              scf.if %cond3A_216 {
                                %cond3A_217 = arith.constant 1 : i32
                                %cond3A_218 = arith.subi %cond3A_214, %cond3A_217 : i32
                                %cond3A_219 = arith.constant 0 : i32
                                %cond3A_220 = arith.cmpi ne, %cond3A_218, %cond3A_219 : i32
                                scf.if %cond3A_220 {
                                  %cond3A_221 = arith.constant 1 : i32
                                  %cond3A_222 = arith.subi %cond3A_218, %cond3A_221 : i32
                                  %cond3A_223 = arith.constant 0 : i32
                                  %cond3A_224 = arith.cmpi ne, %cond3A_222, %cond3A_223 : i32
                                  scf.if %cond3A_224 {
                                    %cond3A_225 = arith.constant 1 : i32
                                    %cond3A_226 = arith.subi %cond3A_222, %cond3A_225 : i32
                                    %cond3A_227 = arith.constant 0 : i32
                                    %cond3A_228 = arith.cmpi ne, %cond3A_226, %cond3A_227 : i32
                                    scf.if %cond3A_228 {
                                      %mul3A_229 = arith.constant 8 : i32
                                      %mul3A_230 = arith.muli %mul3A_229, %add3A_58 : i32
                                      %multiple_of3A_231 = tpu.assume_multiple %mul3A_230, 8 : i32
                                      %dma_wait3A = arith.constant 0 : i32
                                      %dma_wait3A_232 = arith.constant 0 : i32
                                      %dma_wait3A_233 = tpu.memref_slice %arg8[%dma_wait3A, %dma_wait3A_232] : memref<8x8192xf32, #tpu.memory_space<vmem>> -> memref<8x3840xf32, #tpu.memory_space<vmem>>
                                      %dma_wait3A_234 = arith.constant 28800 : i32
                                      %dma_wait3A_235 = tpu.memref_slice %arg4[%multiple_of3A_231, %dma_wait3A_234] : memref<256x130816xf32, #tpu.memory_space<hbm>> -> memref<8x3840xf32, #tpu.memory_space<hbm>>
                                      %dma_wait3A_236 = arith.constant 28800 : i32
                                      %dma_wait3A_237 = tpu.memref_slice %arg4[%multiple_of3A_231, %dma_wait3A_236] : memref<256x130816xf32, #tpu.memory_space<hbm>> -> memref<8x3840xf32, #tpu.memory_space<hbm>>
                                      %dma_wait3A_238 = arith.constant 0 : i32
                                      %dma_wait3A_239 = arith.constant 0 : i32
                                      %dma_wait3A_240 = tpu.memref_slice %arg8[%dma_wait3A_238, %dma_wait3A_239] : memref<8x8192xf32, #tpu.memory_space<vmem>> -> memref<8x3840xf32, #tpu.memory_space<vmem>>
                                      tpu.wait_dma2 semaphore(%arg11 : memref<!tpu.dma_semaphore, #tpu.memory_space<semaphore_mem>>) src(%dma_wait3A_240 : memref<8x3840xf32, #tpu.memory_space<vmem>>) dst(%dma_wait3A_237 : memref<8x3840xf32, #tpu.memory_space<hbm>>)
                                      %dma_wait3A_241 = arith.constant 0 : i32
                                      %dma_wait3A_242 = arith.constant 3840 : i32
                                      %dma_wait3A_243 = tpu.memref_slice %arg8[%dma_wait3A_241, %dma_wait3A_242] : memref<8x8192xf32, #tpu.memory_space<vmem>> -> memref<8x4224xf32, #tpu.memory_space<vmem>>
                                      %dma_wait3A_244 = arith.constant 32640 : i32
                                      %dma_wait3A_245 = tpu.memref_slice %arg4[%multiple_of3A_231, %dma_wait3A_244] : memref<256x130816xf32, #tpu.memory_space<hbm>> -> memref<8x4224xf32, #tpu.memory_space<hbm>>
                                      %dma_wait3A_246 = arith.constant 32640 : i32
                                      %dma_wait3A_247 = tpu.memref_slice %arg4[%multiple_of3A_231, %dma_wait3A_246] : memref<256x130816xf32, #tpu.memory_space<hbm>> -> memref<8x4224xf32, #tpu.memory_space<hbm>>
                                      %dma_wait3A_248 = arith.constant 0 : i32
                                      %dma_wait3A_249 = arith.constant 3840 : i32
                                      %dma_wait3A_250 = tpu.memref_slice %arg8[%dma_wait3A_248, %dma_wait3A_249] : memref<8x8192xf32, #tpu.memory_space<vmem>> -> memref<8x4224xf32, #tpu.memory_space<vmem>>
                                      tpu.wait_dma2 semaphore(%arg11 : memref<!tpu.dma_semaphore, #tpu.memory_space<semaphore_mem>>) src(%dma_wait3A_250 : memref<8x4224xf32, #tpu.memory_space<vmem>>) dst(%dma_wait3A_247 : memref<8x4224xf32, #tpu.memory_space<hbm>>)
                                    } else {
                                      %mul3A_229 = arith.constant 8 : i32
                                      %mul3A_230 = arith.muli %mul3A_229, %add3A_58 : i32
                                      %multiple_of3A_231 = tpu.assume_multiple %mul3A_230, 8 : i32
                                      %dma_wait3A = arith.constant 0 : i32
                                      %dma_wait3A_232 = arith.constant 0 : i32
                                      %dma_wait3A_233 = tpu.memref_slice %arg8[%dma_wait3A, %dma_wait3A_232] : memref<8x8192xf32, #tpu.memory_space<vmem>> -> memref<8x3712xf32, #tpu.memory_space<vmem>>
                                      %dma_wait3A_234 = arith.constant 25088 : i32
                                      %dma_wait3A_235 = tpu.memref_slice %arg4[%multiple_of3A_231, %dma_wait3A_234] : memref<256x130816xf32, #tpu.memory_space<hbm>> -> memref<8x3712xf32, #tpu.memory_space<hbm>>
                                      %dma_wait3A_236 = arith.constant 25088 : i32
                                      %dma_wait3A_237 = tpu.memref_slice %arg4[%multiple_of3A_231, %dma_wait3A_236] : memref<256x130816xf32, #tpu.memory_space<hbm>> -> memref<8x3712xf32, #tpu.memory_space<hbm>>
                                      %dma_wait3A_238 = arith.constant 0 : i32
                                      %dma_wait3A_239 = arith.constant 0 : i32
                                      %dma_wait3A_240 = tpu.memref_slice %arg8[%dma_wait3A_238, %dma_wait3A_239] : memref<8x8192xf32, #tpu.memory_space<vmem>> -> memref<8x3712xf32, #tpu.memory_space<vmem>>
                                      tpu.wait_dma2 semaphore(%arg11 : memref<!tpu.dma_semaphore, #tpu.memory_space<semaphore_mem>>) src(%dma_wait3A_240 : memref<8x3712xf32, #tpu.memory_space<vmem>>) dst(%dma_wait3A_237 : memref<8x3712xf32, #tpu.memory_space<hbm>>)
                                      %dma_wait3A_241 = arith.constant 0 : i32
                                      %dma_wait3A_242 = arith.constant 3712 : i32
                                      %dma_wait3A_243 = tpu.memref_slice %arg8[%dma_wait3A_241, %dma_wait3A_242] : memref<8x8192xf32, #tpu.memory_space<vmem>> -> memref<8x4480xf32, #tpu.memory_space<vmem>>
                                      %dma_wait3A_244 = arith.constant 36864 : i32
                                      %dma_wait3A_245 = tpu.memref_slice %arg4[%multiple_of3A_231, %dma_wait3A_244] : memref<256x130816xf32, #tpu.memory_space<hbm>> -> memref<8x4480xf32, #tpu.memory_space<hbm>>
                                      %dma_wait3A_246 = arith.constant 36864 : i32
                                      %dma_wait3A_247 = tpu.memref_slice %arg4[%multiple_of3A_231, %dma_wait3A_246] : memref<256x130816xf32, #tpu.memory_space<hbm>> -> memref<8x4480xf32, #tpu.memory_space<hbm>>
                                      %dma_wait3A_248 = arith.constant 0 : i32
                                      %dma_wait3A_249 = arith.constant 3712 : i32
                                      %dma_wait3A_250 = tpu.memref_slice %arg8[%dma_wait3A_248, %dma_wait3A_249] : memref<8x8192xf32, #tpu.memory_space<vmem>> -> memref<8x4480xf32, #tpu.memory_space<vmem>>
                                      tpu.wait_dma2 semaphore(%arg11 : memref<!tpu.dma_semaphore, #tpu.memory_space<semaphore_mem>>) src(%dma_wait3A_250 : memref<8x4480xf32, #tpu.memory_space<vmem>>) dst(%dma_wait3A_247 : memref<8x4480xf32, #tpu.memory_space<hbm>>)
                                    }
                                  } else {
                                    %mul3A_225 = arith.constant 8 : i32
                                    %mul3A_226 = arith.muli %mul3A_225, %add3A_58 : i32
                                    %multiple_of3A_227 = tpu.assume_multiple %mul3A_226, 8 : i32
                                    %dma_wait3A = arith.constant 0 : i32
                                    %dma_wait3A_228 = arith.constant 0 : i32
                                    %dma_wait3A_229 = tpu.memref_slice %arg8[%dma_wait3A, %dma_wait3A_228] : memref<8x8192xf32, #tpu.memory_space<vmem>> -> memref<8x3456xf32, #tpu.memory_space<vmem>>
                                    %dma_wait3A_230 = arith.constant 21632 : i32
                                    %dma_wait3A_231 = tpu.memref_slice %arg4[%multiple_of3A_227, %dma_wait3A_230] : memref<256x130816xf32, #tpu.memory_space<hbm>> -> memref<8x3456xf32, #tpu.memory_space<hbm>>
                                    %dma_wait3A_232 = arith.constant 21632 : i32
                                    %dma_wait3A_233 = tpu.memref_slice %arg4[%multiple_of3A_227, %dma_wait3A_232] : memref<256x130816xf32, #tpu.memory_space<hbm>> -> memref<8x3456xf32, #tpu.memory_space<hbm>>
                                    %dma_wait3A_234 = arith.constant 0 : i32
                                    %dma_wait3A_235 = arith.constant 0 : i32
                                    %dma_wait3A_236 = tpu.memref_slice %arg8[%dma_wait3A_234, %dma_wait3A_235] : memref<8x8192xf32, #tpu.memory_space<vmem>> -> memref<8x3456xf32, #tpu.memory_space<vmem>>
                                    tpu.wait_dma2 semaphore(%arg11 : memref<!tpu.dma_semaphore, #tpu.memory_space<semaphore_mem>>) src(%dma_wait3A_236 : memref<8x3456xf32, #tpu.memory_space<vmem>>) dst(%dma_wait3A_233 : memref<8x3456xf32, #tpu.memory_space<hbm>>)
                                    %dma_wait3A_237 = arith.constant 0 : i32
                                    %dma_wait3A_238 = arith.constant 3456 : i32
                                    %dma_wait3A_239 = tpu.memref_slice %arg8[%dma_wait3A_237, %dma_wait3A_238] : memref<8x8192xf32, #tpu.memory_space<vmem>> -> memref<8x4736xf32, #tpu.memory_space<vmem>>
                                    %dma_wait3A_240 = arith.constant 41344 : i32
                                    %dma_wait3A_241 = tpu.memref_slice %arg4[%multiple_of3A_227, %dma_wait3A_240] : memref<256x130816xf32, #tpu.memory_space<hbm>> -> memref<8x4736xf32, #tpu.memory_space<hbm>>
                                    %dma_wait3A_242 = arith.constant 41344 : i32
                                    %dma_wait3A_243 = tpu.memref_slice %arg4[%multiple_of3A_227, %dma_wait3A_242] : memref<256x130816xf32, #tpu.memory_space<hbm>> -> memref<8x4736xf32, #tpu.memory_space<hbm>>
                                    %dma_wait3A_244 = arith.constant 0 : i32
                                    %dma_wait3A_245 = arith.constant 3456 : i32
                                    %dma_wait3A_246 = tpu.memref_slice %arg8[%dma_wait3A_244, %dma_wait3A_245] : memref<8x8192xf32, #tpu.memory_space<vmem>> -> memref<8x4736xf32, #tpu.memory_space<vmem>>
                                    tpu.wait_dma2 semaphore(%arg11 : memref<!tpu.dma_semaphore, #tpu.memory_space<semaphore_mem>>) src(%dma_wait3A_246 : memref<8x4736xf32, #tpu.memory_space<vmem>>) dst(%dma_wait3A_243 : memref<8x4736xf32, #tpu.memory_space<hbm>>)
                                  }
                                } else {
                                  %mul3A_221 = arith.constant 8 : i32
                                  %mul3A_222 = arith.muli %mul3A_221, %add3A_58 : i32
                                  %multiple_of3A_223 = tpu.assume_multiple %mul3A_222, 8 : i32
                                  %dma_wait3A = arith.constant 0 : i32
                                  %dma_wait3A_224 = arith.constant 0 : i32
                                  %dma_wait3A_225 = tpu.memref_slice %arg8[%dma_wait3A, %dma_wait3A_224] : memref<8x8192xf32, #tpu.memory_space<vmem>> -> memref<8x3200xf32, #tpu.memory_space<vmem>>
                                  %dma_wait3A_226 = arith.constant 18432 : i32
                                  %dma_wait3A_227 = tpu.memref_slice %arg4[%multiple_of3A_223, %dma_wait3A_226] : memref<256x130816xf32, #tpu.memory_space<hbm>> -> memref<8x3200xf32, #tpu.memory_space<hbm>>
                                  %dma_wait3A_228 = arith.constant 18432 : i32
                                  %dma_wait3A_229 = tpu.memref_slice %arg4[%multiple_of3A_223, %dma_wait3A_228] : memref<256x130816xf32, #tpu.memory_space<hbm>> -> memref<8x3200xf32, #tpu.memory_space<hbm>>
                                  %dma_wait3A_230 = arith.constant 0 : i32
                                  %dma_wait3A_231 = arith.constant 0 : i32
                                  %dma_wait3A_232 = tpu.memref_slice %arg8[%dma_wait3A_230, %dma_wait3A_231] : memref<8x8192xf32, #tpu.memory_space<vmem>> -> memref<8x3200xf32, #tpu.memory_space<vmem>>
                                  tpu.wait_dma2 semaphore(%arg11 : memref<!tpu.dma_semaphore, #tpu.memory_space<semaphore_mem>>) src(%dma_wait3A_232 : memref<8x3200xf32, #tpu.memory_space<vmem>>) dst(%dma_wait3A_229 : memref<8x3200xf32, #tpu.memory_space<hbm>>)
                                  %dma_wait3A_233 = arith.constant 0 : i32
                                  %dma_wait3A_234 = arith.constant 3200 : i32
                                  %dma_wait3A_235 = tpu.memref_slice %arg8[%dma_wait3A_233, %dma_wait3A_234] : memref<8x8192xf32, #tpu.memory_space<vmem>> -> memref<8x4992xf32, #tpu.memory_space<vmem>>
                                  %dma_wait3A_236 = arith.constant 46080 : i32
                                  %dma_wait3A_237 = tpu.memref_slice %arg4[%multiple_of3A_223, %dma_wait3A_236] : memref<256x130816xf32, #tpu.memory_space<hbm>> -> memref<8x4992xf32, #tpu.memory_space<hbm>>
                                  %dma_wait3A_238 = arith.constant 46080 : i32
                                  %dma_wait3A_239 = tpu.memref_slice %arg4[%multiple_of3A_223, %dma_wait3A_238] : memref<256x130816xf32, #tpu.memory_space<hbm>> -> memref<8x4992xf32, #tpu.memory_space<hbm>>
                                  %dma_wait3A_240 = arith.constant 0 : i32
                                  %dma_wait3A_241 = arith.constant 3200 : i32
                                  %dma_wait3A_242 = tpu.memref_slice %arg8[%dma_wait3A_240, %dma_wait3A_241] : memref<8x8192xf32, #tpu.memory_space<vmem>> -> memref<8x4992xf32, #tpu.memory_space<vmem>>
                                  tpu.wait_dma2 semaphore(%arg11 : memref<!tpu.dma_semaphore, #tpu.memory_space<semaphore_mem>>) src(%dma_wait3A_242 : memref<8x4992xf32, #tpu.memory_space<vmem>>) dst(%dma_wait3A_239 : memref<8x4992xf32, #tpu.memory_space<hbm>>)
                                }
                              } else {
                                %mul3A_217 = arith.constant 8 : i32
                                %mul3A_218 = arith.muli %mul3A_217, %add3A_58 : i32
                                %multiple_of3A_219 = tpu.assume_multiple %mul3A_218, 8 : i32
                                %dma_wait3A = arith.constant 0 : i32
                                %dma_wait3A_220 = arith.constant 0 : i32
                                %dma_wait3A_221 = tpu.memref_slice %arg8[%dma_wait3A, %dma_wait3A_220] : memref<8x8192xf32, #tpu.memory_space<vmem>> -> memref<8x2944xf32, #tpu.memory_space<vmem>>
                                %dma_wait3A_222 = arith.constant 15488 : i32
                                %dma_wait3A_223 = tpu.memref_slice %arg4[%multiple_of3A_219, %dma_wait3A_222] : memref<256x130816xf32, #tpu.memory_space<hbm>> -> memref<8x2944xf32, #tpu.memory_space<hbm>>
                                %dma_wait3A_224 = arith.constant 15488 : i32
                                %dma_wait3A_225 = tpu.memref_slice %arg4[%multiple_of3A_219, %dma_wait3A_224] : memref<256x130816xf32, #tpu.memory_space<hbm>> -> memref<8x2944xf32, #tpu.memory_space<hbm>>
                                %dma_wait3A_226 = arith.constant 0 : i32
                                %dma_wait3A_227 = arith.constant 0 : i32
                                %dma_wait3A_228 = tpu.memref_slice %arg8[%dma_wait3A_226, %dma_wait3A_227] : memref<8x8192xf32, #tpu.memory_space<vmem>> -> memref<8x2944xf32, #tpu.memory_space<vmem>>
                                tpu.wait_dma2 semaphore(%arg11 : memref<!tpu.dma_semaphore, #tpu.memory_space<semaphore_mem>>) src(%dma_wait3A_228 : memref<8x2944xf32, #tpu.memory_space<vmem>>) dst(%dma_wait3A_225 : memref<8x2944xf32, #tpu.memory_space<hbm>>)
                                %dma_wait3A_229 = arith.constant 0 : i32
                                %dma_wait3A_230 = arith.constant 2944 : i32
                                %dma_wait3A_231 = tpu.memref_slice %arg8[%dma_wait3A_229, %dma_wait3A_230] : memref<8x8192xf32, #tpu.memory_space<vmem>> -> memref<8x5248xf32, #tpu.memory_space<vmem>>
                                %dma_wait3A_232 = arith.constant 51072 : i32
                                %dma_wait3A_233 = tpu.memref_slice %arg4[%multiple_of3A_219, %dma_wait3A_232] : memref<256x130816xf32, #tpu.memory_space<hbm>> -> memref<8x5248xf32, #tpu.memory_space<hbm>>
                                %dma_wait3A_234 = arith.constant 51072 : i32
                                %dma_wait3A_235 = tpu.memref_slice %arg4[%multiple_of3A_219, %dma_wait3A_234] : memref<256x130816xf32, #tpu.memory_space<hbm>> -> memref<8x5248xf32, #tpu.memory_space<hbm>>
                                %dma_wait3A_236 = arith.constant 0 : i32
                                %dma_wait3A_237 = arith.constant 2944 : i32
                                %dma_wait3A_238 = tpu.memref_slice %arg8[%dma_wait3A_236, %dma_wait3A_237] : memref<8x8192xf32, #tpu.memory_space<vmem>> -> memref<8x5248xf32, #tpu.memory_space<vmem>>
                                tpu.wait_dma2 semaphore(%arg11 : memref<!tpu.dma_semaphore, #tpu.memory_space<semaphore_mem>>) src(%dma_wait3A_238 : memref<8x5248xf32, #tpu.memory_space<vmem>>) dst(%dma_wait3A_235 : memref<8x5248xf32, #tpu.memory_space<hbm>>)
                              }
                            } else {
                              %mul3A_213 = arith.constant 8 : i32
                              %mul3A_214 = arith.muli %mul3A_213, %add3A_58 : i32
                              %multiple_of3A_215 = tpu.assume_multiple %mul3A_214, 8 : i32
                              %dma_wait3A = arith.constant 0 : i32
                              %dma_wait3A_216 = arith.constant 0 : i32
                              %dma_wait3A_217 = tpu.memref_slice %arg8[%dma_wait3A, %dma_wait3A_216] : memref<8x8192xf32, #tpu.memory_space<vmem>> -> memref<8x2688xf32, #tpu.memory_space<vmem>>
                              %dma_wait3A_218 = arith.constant 12800 : i32
                              %dma_wait3A_219 = tpu.memref_slice %arg4[%multiple_of3A_215, %dma_wait3A_218] : memref<256x130816xf32, #tpu.memory_space<hbm>> -> memref<8x2688xf32, #tpu.memory_space<hbm>>
                              %dma_wait3A_220 = arith.constant 12800 : i32
                              %dma_wait3A_221 = tpu.memref_slice %arg4[%multiple_of3A_215, %dma_wait3A_220] : memref<256x130816xf32, #tpu.memory_space<hbm>> -> memref<8x2688xf32, #tpu.memory_space<hbm>>
                              %dma_wait3A_222 = arith.constant 0 : i32
                              %dma_wait3A_223 = arith.constant 0 : i32
                              %dma_wait3A_224 = tpu.memref_slice %arg8[%dma_wait3A_222, %dma_wait3A_223] : memref<8x8192xf32, #tpu.memory_space<vmem>> -> memref<8x2688xf32, #tpu.memory_space<vmem>>
                              tpu.wait_dma2 semaphore(%arg11 : memref<!tpu.dma_semaphore, #tpu.memory_space<semaphore_mem>>) src(%dma_wait3A_224 : memref<8x2688xf32, #tpu.memory_space<vmem>>) dst(%dma_wait3A_221 : memref<8x2688xf32, #tpu.memory_space<hbm>>)
                              %dma_wait3A_225 = arith.constant 0 : i32
                              %dma_wait3A_226 = arith.constant 2688 : i32
                              %dma_wait3A_227 = tpu.memref_slice %arg8[%dma_wait3A_225, %dma_wait3A_226] : memref<8x8192xf32, #tpu.memory_space<vmem>> -> memref<8x5504xf32, #tpu.memory_space<vmem>>
                              %dma_wait3A_228 = arith.constant 56320 : i32
                              %dma_wait3A_229 = tpu.memref_slice %arg4[%multiple_of3A_215, %dma_wait3A_228] : memref<256x130816xf32, #tpu.memory_space<hbm>> -> memref<8x5504xf32, #tpu.memory_space<hbm>>
                              %dma_wait3A_230 = arith.constant 56320 : i32
                              %dma_wait3A_231 = tpu.memref_slice %arg4[%multiple_of3A_215, %dma_wait3A_230] : memref<256x130816xf32, #tpu.memory_space<hbm>> -> memref<8x5504xf32, #tpu.memory_space<hbm>>
                              %dma_wait3A_232 = arith.constant 0 : i32
                              %dma_wait3A_233 = arith.constant 2688 : i32
                              %dma_wait3A_234 = tpu.memref_slice %arg8[%dma_wait3A_232, %dma_wait3A_233] : memref<8x8192xf32, #tpu.memory_space<vmem>> -> memref<8x5504xf32, #tpu.memory_space<vmem>>
                              tpu.wait_dma2 semaphore(%arg11 : memref<!tpu.dma_semaphore, #tpu.memory_space<semaphore_mem>>) src(%dma_wait3A_234 : memref<8x5504xf32, #tpu.memory_space<vmem>>) dst(%dma_wait3A_231 : memref<8x5504xf32, #tpu.memory_space<hbm>>)
                            }
                          } else {
                            %mul3A_209 = arith.constant 8 : i32
                            %mul3A_210 = arith.muli %mul3A_209, %add3A_58 : i32
                            %multiple_of3A_211 = tpu.assume_multiple %mul3A_210, 8 : i32
                            %dma_wait3A = arith.constant 0 : i32
                            %dma_wait3A_212 = arith.constant 0 : i32
                            %dma_wait3A_213 = tpu.memref_slice %arg8[%dma_wait3A, %dma_wait3A_212] : memref<8x8192xf32, #tpu.memory_space<vmem>> -> memref<8x2432xf32, #tpu.memory_space<vmem>>
                            %dma_wait3A_214 = arith.constant 10368 : i32
                            %dma_wait3A_215 = tpu.memref_slice %arg4[%multiple_of3A_211, %dma_wait3A_214] : memref<256x130816xf32, #tpu.memory_space<hbm>> -> memref<8x2432xf32, #tpu.memory_space<hbm>>
                            %dma_wait3A_216 = arith.constant 10368 : i32
                            %dma_wait3A_217 = tpu.memref_slice %arg4[%multiple_of3A_211, %dma_wait3A_216] : memref<256x130816xf32, #tpu.memory_space<hbm>> -> memref<8x2432xf32, #tpu.memory_space<hbm>>
                            %dma_wait3A_218 = arith.constant 0 : i32
                            %dma_wait3A_219 = arith.constant 0 : i32
                            %dma_wait3A_220 = tpu.memref_slice %arg8[%dma_wait3A_218, %dma_wait3A_219] : memref<8x8192xf32, #tpu.memory_space<vmem>> -> memref<8x2432xf32, #tpu.memory_space<vmem>>
                            tpu.wait_dma2 semaphore(%arg11 : memref<!tpu.dma_semaphore, #tpu.memory_space<semaphore_mem>>) src(%dma_wait3A_220 : memref<8x2432xf32, #tpu.memory_space<vmem>>) dst(%dma_wait3A_217 : memref<8x2432xf32, #tpu.memory_space<hbm>>)
                            %dma_wait3A_221 = arith.constant 0 : i32
                            %dma_wait3A_222 = arith.constant 2432 : i32
                            %dma_wait3A_223 = tpu.memref_slice %arg8[%dma_wait3A_221, %dma_wait3A_222] : memref<8x8192xf32, #tpu.memory_space<vmem>> -> memref<8x5760xf32, #tpu.memory_space<vmem>>
                            %dma_wait3A_224 = arith.constant 61824 : i32
                            %dma_wait3A_225 = tpu.memref_slice %arg4[%multiple_of3A_211, %dma_wait3A_224] : memref<256x130816xf32, #tpu.memory_space<hbm>> -> memref<8x5760xf32, #tpu.memory_space<hbm>>
                            %dma_wait3A_226 = arith.constant 61824 : i32
                            %dma_wait3A_227 = tpu.memref_slice %arg4[%multiple_of3A_211, %dma_wait3A_226] : memref<256x130816xf32, #tpu.memory_space<hbm>> -> memref<8x5760xf32, #tpu.memory_space<hbm>>
                            %dma_wait3A_228 = arith.constant 0 : i32
                            %dma_wait3A_229 = arith.constant 2432 : i32
                            %dma_wait3A_230 = tpu.memref_slice %arg8[%dma_wait3A_228, %dma_wait3A_229] : memref<8x8192xf32, #tpu.memory_space<vmem>> -> memref<8x5760xf32, #tpu.memory_space<vmem>>
                            tpu.wait_dma2 semaphore(%arg11 : memref<!tpu.dma_semaphore, #tpu.memory_space<semaphore_mem>>) src(%dma_wait3A_230 : memref<8x5760xf32, #tpu.memory_space<vmem>>) dst(%dma_wait3A_227 : memref<8x5760xf32, #tpu.memory_space<hbm>>)
                          }
                        } else {
                          %mul3A_205 = arith.constant 8 : i32
                          %mul3A_206 = arith.muli %mul3A_205, %add3A_58 : i32
                          %multiple_of3A_207 = tpu.assume_multiple %mul3A_206, 8 : i32
                          %dma_wait3A = arith.constant 0 : i32
                          %dma_wait3A_208 = arith.constant 0 : i32
                          %dma_wait3A_209 = tpu.memref_slice %arg8[%dma_wait3A, %dma_wait3A_208] : memref<8x8192xf32, #tpu.memory_space<vmem>> -> memref<8x2176xf32, #tpu.memory_space<vmem>>
                          %dma_wait3A_210 = arith.constant 8192 : i32
                          %dma_wait3A_211 = tpu.memref_slice %arg4[%multiple_of3A_207, %dma_wait3A_210] : memref<256x130816xf32, #tpu.memory_space<hbm>> -> memref<8x2176xf32, #tpu.memory_space<hbm>>
                          %dma_wait3A_212 = arith.constant 8192 : i32
                          %dma_wait3A_213 = tpu.memref_slice %arg4[%multiple_of3A_207, %dma_wait3A_212] : memref<256x130816xf32, #tpu.memory_space<hbm>> -> memref<8x2176xf32, #tpu.memory_space<hbm>>
                          %dma_wait3A_214 = arith.constant 0 : i32
                          %dma_wait3A_215 = arith.constant 0 : i32
                          %dma_wait3A_216 = tpu.memref_slice %arg8[%dma_wait3A_214, %dma_wait3A_215] : memref<8x8192xf32, #tpu.memory_space<vmem>> -> memref<8x2176xf32, #tpu.memory_space<vmem>>
                          tpu.wait_dma2 semaphore(%arg11 : memref<!tpu.dma_semaphore, #tpu.memory_space<semaphore_mem>>) src(%dma_wait3A_216 : memref<8x2176xf32, #tpu.memory_space<vmem>>) dst(%dma_wait3A_213 : memref<8x2176xf32, #tpu.memory_space<hbm>>)
                          %dma_wait3A_217 = arith.constant 0 : i32
                          %dma_wait3A_218 = arith.constant 2176 : i32
                          %dma_wait3A_219 = tpu.memref_slice %arg8[%dma_wait3A_217, %dma_wait3A_218] : memref<8x8192xf32, #tpu.memory_space<vmem>> -> memref<8x6016xf32, #tpu.memory_space<vmem>>
                          %dma_wait3A_220 = arith.constant 67584 : i32
                          %dma_wait3A_221 = tpu.memref_slice %arg4[%multiple_of3A_207, %dma_wait3A_220] : memref<256x130816xf32, #tpu.memory_space<hbm>> -> memref<8x6016xf32, #tpu.memory_space<hbm>>
                          %dma_wait3A_222 = arith.constant 67584 : i32
                          %dma_wait3A_223 = tpu.memref_slice %arg4[%multiple_of3A_207, %dma_wait3A_222] : memref<256x130816xf32, #tpu.memory_space<hbm>> -> memref<8x6016xf32, #tpu.memory_space<hbm>>
                          %dma_wait3A_224 = arith.constant 0 : i32
                          %dma_wait3A_225 = arith.constant 2176 : i32
                          %dma_wait3A_226 = tpu.memref_slice %arg8[%dma_wait3A_224, %dma_wait3A_225] : memref<8x8192xf32, #tpu.memory_space<vmem>> -> memref<8x6016xf32, #tpu.memory_space<vmem>>
                          tpu.wait_dma2 semaphore(%arg11 : memref<!tpu.dma_semaphore, #tpu.memory_space<semaphore_mem>>) src(%dma_wait3A_226 : memref<8x6016xf32, #tpu.memory_space<vmem>>) dst(%dma_wait3A_223 : memref<8x6016xf32, #tpu.memory_space<hbm>>)
                        }
                      } else {
                        %mul3A_201 = arith.constant 8 : i32
                        %mul3A_202 = arith.muli %mul3A_201, %add3A_58 : i32
                        %multiple_of3A_203 = tpu.assume_multiple %mul3A_202, 8 : i32
                        %dma_wait3A = arith.constant 0 : i32
                        %dma_wait3A_204 = arith.constant 0 : i32
                        %dma_wait3A_205 = tpu.memref_slice %arg8[%dma_wait3A, %dma_wait3A_204] : memref<8x8192xf32, #tpu.memory_space<vmem>> -> memref<8x1920xf32, #tpu.memory_space<vmem>>
                        %dma_wait3A_206 = arith.constant 6272 : i32
                        %dma_wait3A_207 = tpu.memref_slice %arg4[%multiple_of3A_203, %dma_wait3A_206] : memref<256x130816xf32, #tpu.memory_space<hbm>> -> memref<8x1920xf32, #tpu.memory_space<hbm>>
                        %dma_wait3A_208 = arith.constant 6272 : i32
                        %dma_wait3A_209 = tpu.memref_slice %arg4[%multiple_of3A_203, %dma_wait3A_208] : memref<256x130816xf32, #tpu.memory_space<hbm>> -> memref<8x1920xf32, #tpu.memory_space<hbm>>
                        %dma_wait3A_210 = arith.constant 0 : i32
                        %dma_wait3A_211 = arith.constant 0 : i32
                        %dma_wait3A_212 = tpu.memref_slice %arg8[%dma_wait3A_210, %dma_wait3A_211] : memref<8x8192xf32, #tpu.memory_space<vmem>> -> memref<8x1920xf32, #tpu.memory_space<vmem>>
                        tpu.wait_dma2 semaphore(%arg11 : memref<!tpu.dma_semaphore, #tpu.memory_space<semaphore_mem>>) src(%dma_wait3A_212 : memref<8x1920xf32, #tpu.memory_space<vmem>>) dst(%dma_wait3A_209 : memref<8x1920xf32, #tpu.memory_space<hbm>>)
                        %dma_wait3A_213 = arith.constant 0 : i32
                        %dma_wait3A_214 = arith.constant 1920 : i32
                        %dma_wait3A_215 = tpu.memref_slice %arg8[%dma_wait3A_213, %dma_wait3A_214] : memref<8x8192xf32, #tpu.memory_space<vmem>> -> memref<8x6272xf32, #tpu.memory_space<vmem>>
                        %dma_wait3A_216 = arith.constant 73600 : i32
                        %dma_wait3A_217 = tpu.memref_slice %arg4[%multiple_of3A_203, %dma_wait3A_216] : memref<256x130816xf32, #tpu.memory_space<hbm>> -> memref<8x6272xf32, #tpu.memory_space<hbm>>
                        %dma_wait3A_218 = arith.constant 73600 : i32
                        %dma_wait3A_219 = tpu.memref_slice %arg4[%multiple_of3A_203, %dma_wait3A_218] : memref<256x130816xf32, #tpu.memory_space<hbm>> -> memref<8x6272xf32, #tpu.memory_space<hbm>>
                        %dma_wait3A_220 = arith.constant 0 : i32
                        %dma_wait3A_221 = arith.constant 1920 : i32
                        %dma_wait3A_222 = tpu.memref_slice %arg8[%dma_wait3A_220, %dma_wait3A_221] : memref<8x8192xf32, #tpu.memory_space<vmem>> -> memref<8x6272xf32, #tpu.memory_space<vmem>>
                        tpu.wait_dma2 semaphore(%arg11 : memref<!tpu.dma_semaphore, #tpu.memory_space<semaphore_mem>>) src(%dma_wait3A_222 : memref<8x6272xf32, #tpu.memory_space<vmem>>) dst(%dma_wait3A_219 : memref<8x6272xf32, #tpu.memory_space<hbm>>)
                      }
                    } else {
                      %mul3A_197 = arith.constant 8 : i32
                      %mul3A_198 = arith.muli %mul3A_197, %add3A_58 : i32
                      %multiple_of3A_199 = tpu.assume_multiple %mul3A_198, 8 : i32
                      %dma_wait3A = arith.constant 0 : i32
                      %dma_wait3A_200 = arith.constant 0 : i32
                      %dma_wait3A_201 = tpu.memref_slice %arg8[%dma_wait3A, %dma_wait3A_200] : memref<8x8192xf32, #tpu.memory_space<vmem>> -> memref<8x1664xf32, #tpu.memory_space<vmem>>
                      %dma_wait3A_202 = arith.constant 4608 : i32
                      %dma_wait3A_203 = tpu.memref_slice %arg4[%multiple_of3A_199, %dma_wait3A_202] : memref<256x130816xf32, #tpu.memory_space<hbm>> -> memref<8x1664xf32, #tpu.memory_space<hbm>>
                      %dma_wait3A_204 = arith.constant 4608 : i32
                      %dma_wait3A_205 = tpu.memref_slice %arg4[%multiple_of3A_199, %dma_wait3A_204] : memref<256x130816xf32, #tpu.memory_space<hbm>> -> memref<8x1664xf32, #tpu.memory_space<hbm>>
                      %dma_wait3A_206 = arith.constant 0 : i32
                      %dma_wait3A_207 = arith.constant 0 : i32
                      %dma_wait3A_208 = tpu.memref_slice %arg8[%dma_wait3A_206, %dma_wait3A_207] : memref<8x8192xf32, #tpu.memory_space<vmem>> -> memref<8x1664xf32, #tpu.memory_space<vmem>>
                      tpu.wait_dma2 semaphore(%arg11 : memref<!tpu.dma_semaphore, #tpu.memory_space<semaphore_mem>>) src(%dma_wait3A_208 : memref<8x1664xf32, #tpu.memory_space<vmem>>) dst(%dma_wait3A_205 : memref<8x1664xf32, #tpu.memory_space<hbm>>)
                      %dma_wait3A_209 = arith.constant 0 : i32
                      %dma_wait3A_210 = arith.constant 1664 : i32
                      %dma_wait3A_211 = tpu.memref_slice %arg8[%dma_wait3A_209, %dma_wait3A_210] : memref<8x8192xf32, #tpu.memory_space<vmem>> -> memref<8x6528xf32, #tpu.memory_space<vmem>>
                      %dma_wait3A_212 = arith.constant 79872 : i32
                      %dma_wait3A_213 = tpu.memref_slice %arg4[%multiple_of3A_199, %dma_wait3A_212] : memref<256x130816xf32, #tpu.memory_space<hbm>> -> memref<8x6528xf32, #tpu.memory_space<hbm>>
                      %dma_wait3A_214 = arith.constant 79872 : i32
                      %dma_wait3A_215 = tpu.memref_slice %arg4[%multiple_of3A_199, %dma_wait3A_214] : memref<256x130816xf32, #tpu.memory_space<hbm>> -> memref<8x6528xf32, #tpu.memory_space<hbm>>
                      %dma_wait3A_216 = arith.constant 0 : i32
                      %dma_wait3A_217 = arith.constant 1664 : i32
                      %dma_wait3A_218 = tpu.memref_slice %arg8[%dma_wait3A_216, %dma_wait3A_217] : memref<8x8192xf32, #tpu.memory_space<vmem>> -> memref<8x6528xf32, #tpu.memory_space<vmem>>
                      tpu.wait_dma2 semaphore(%arg11 : memref<!tpu.dma_semaphore, #tpu.memory_space<semaphore_mem>>) src(%dma_wait3A_218 : memref<8x6528xf32, #tpu.memory_space<vmem>>) dst(%dma_wait3A_215 : memref<8x6528xf32, #tpu.memory_space<hbm>>)
                    }
                  } else {
                    %mul3A_193 = arith.constant 8 : i32
                    %mul3A_194 = arith.muli %mul3A_193, %add3A_58 : i32
                    %multiple_of3A_195 = tpu.assume_multiple %mul3A_194, 8 : i32
                    %dma_wait3A = arith.constant 0 : i32
                    %dma_wait3A_196 = arith.constant 0 : i32
                    %dma_wait3A_197 = tpu.memref_slice %arg8[%dma_wait3A, %dma_wait3A_196] : memref<8x8192xf32, #tpu.memory_space<vmem>> -> memref<8x1408xf32, #tpu.memory_space<vmem>>
                    %dma_wait3A_198 = arith.constant 3200 : i32
                    %dma_wait3A_199 = tpu.memref_slice %arg4[%multiple_of3A_195, %dma_wait3A_198] : memref<256x130816xf32, #tpu.memory_space<hbm>> -> memref<8x1408xf32, #tpu.memory_space<hbm>>
                    %dma_wait3A_200 = arith.constant 3200 : i32
                    %dma_wait3A_201 = tpu.memref_slice %arg4[%multiple_of3A_195, %dma_wait3A_200] : memref<256x130816xf32, #tpu.memory_space<hbm>> -> memref<8x1408xf32, #tpu.memory_space<hbm>>
                    %dma_wait3A_202 = arith.constant 0 : i32
                    %dma_wait3A_203 = arith.constant 0 : i32
                    %dma_wait3A_204 = tpu.memref_slice %arg8[%dma_wait3A_202, %dma_wait3A_203] : memref<8x8192xf32, #tpu.memory_space<vmem>> -> memref<8x1408xf32, #tpu.memory_space<vmem>>
                    tpu.wait_dma2 semaphore(%arg11 : memref<!tpu.dma_semaphore, #tpu.memory_space<semaphore_mem>>) src(%dma_wait3A_204 : memref<8x1408xf32, #tpu.memory_space<vmem>>) dst(%dma_wait3A_201 : memref<8x1408xf32, #tpu.memory_space<hbm>>)
                    %dma_wait3A_205 = arith.constant 0 : i32
                    %dma_wait3A_206 = arith.constant 1408 : i32
                    %dma_wait3A_207 = tpu.memref_slice %arg8[%dma_wait3A_205, %dma_wait3A_206] : memref<8x8192xf32, #tpu.memory_space<vmem>> -> memref<8x6784xf32, #tpu.memory_space<vmem>>
                    %dma_wait3A_208 = arith.constant 86400 : i32
                    %dma_wait3A_209 = tpu.memref_slice %arg4[%multiple_of3A_195, %dma_wait3A_208] : memref<256x130816xf32, #tpu.memory_space<hbm>> -> memref<8x6784xf32, #tpu.memory_space<hbm>>
                    %dma_wait3A_210 = arith.constant 86400 : i32
                    %dma_wait3A_211 = tpu.memref_slice %arg4[%multiple_of3A_195, %dma_wait3A_210] : memref<256x130816xf32, #tpu.memory_space<hbm>> -> memref<8x6784xf32, #tpu.memory_space<hbm>>
                    %dma_wait3A_212 = arith.constant 0 : i32
                    %dma_wait3A_213 = arith.constant 1408 : i32
                    %dma_wait3A_214 = tpu.memref_slice %arg8[%dma_wait3A_212, %dma_wait3A_213] : memref<8x8192xf32, #tpu.memory_space<vmem>> -> memref<8x6784xf32, #tpu.memory_space<vmem>>
                    tpu.wait_dma2 semaphore(%arg11 : memref<!tpu.dma_semaphore, #tpu.memory_space<semaphore_mem>>) src(%dma_wait3A_214 : memref<8x6784xf32, #tpu.memory_space<vmem>>) dst(%dma_wait3A_211 : memref<8x6784xf32, #tpu.memory_space<hbm>>)
                  }
                } else {
                  %mul3A_189 = arith.constant 8 : i32
                  %mul3A_190 = arith.muli %mul3A_189, %add3A_58 : i32
                  %multiple_of3A_191 = tpu.assume_multiple %mul3A_190, 8 : i32
                  %dma_wait3A = arith.constant 0 : i32
                  %dma_wait3A_192 = arith.constant 0 : i32
                  %dma_wait3A_193 = tpu.memref_slice %arg8[%dma_wait3A, %dma_wait3A_192] : memref<8x8192xf32, #tpu.memory_space<vmem>> -> memref<8x1152xf32, #tpu.memory_space<vmem>>
                  %dma_wait3A_194 = arith.constant 2048 : i32
                  %dma_wait3A_195 = tpu.memref_slice %arg4[%multiple_of3A_191, %dma_wait3A_194] : memref<256x130816xf32, #tpu.memory_space<hbm>> -> memref<8x1152xf32, #tpu.memory_space<hbm>>
                  %dma_wait3A_196 = arith.constant 2048 : i32
                  %dma_wait3A_197 = tpu.memref_slice %arg4[%multiple_of3A_191, %dma_wait3A_196] : memref<256x130816xf32, #tpu.memory_space<hbm>> -> memref<8x1152xf32, #tpu.memory_space<hbm>>
                  %dma_wait3A_198 = arith.constant 0 : i32
                  %dma_wait3A_199 = arith.constant 0 : i32
                  %dma_wait3A_200 = tpu.memref_slice %arg8[%dma_wait3A_198, %dma_wait3A_199] : memref<8x8192xf32, #tpu.memory_space<vmem>> -> memref<8x1152xf32, #tpu.memory_space<vmem>>
                  tpu.wait_dma2 semaphore(%arg11 : memref<!tpu.dma_semaphore, #tpu.memory_space<semaphore_mem>>) src(%dma_wait3A_200 : memref<8x1152xf32, #tpu.memory_space<vmem>>) dst(%dma_wait3A_197 : memref<8x1152xf32, #tpu.memory_space<hbm>>)
                  %dma_wait3A_201 = arith.constant 0 : i32
                  %dma_wait3A_202 = arith.constant 1152 : i32
                  %dma_wait3A_203 = tpu.memref_slice %arg8[%dma_wait3A_201, %dma_wait3A_202] : memref<8x8192xf32, #tpu.memory_space<vmem>> -> memref<8x7040xf32, #tpu.memory_space<vmem>>
                  %dma_wait3A_204 = arith.constant 93184 : i32
                  %dma_wait3A_205 = tpu.memref_slice %arg4[%multiple_of3A_191, %dma_wait3A_204] : memref<256x130816xf32, #tpu.memory_space<hbm>> -> memref<8x7040xf32, #tpu.memory_space<hbm>>
                  %dma_wait3A_206 = arith.constant 93184 : i32
                  %dma_wait3A_207 = tpu.memref_slice %arg4[%multiple_of3A_191, %dma_wait3A_206] : memref<256x130816xf32, #tpu.memory_space<hbm>> -> memref<8x7040xf32, #tpu.memory_space<hbm>>
                  %dma_wait3A_208 = arith.constant 0 : i32
                  %dma_wait3A_209 = arith.constant 1152 : i32
                  %dma_wait3A_210 = tpu.memref_slice %arg8[%dma_wait3A_208, %dma_wait3A_209] : memref<8x8192xf32, #tpu.memory_space<vmem>> -> memref<8x7040xf32, #tpu.memory_space<vmem>>
                  tpu.wait_dma2 semaphore(%arg11 : memref<!tpu.dma_semaphore, #tpu.memory_space<semaphore_mem>>) src(%dma_wait3A_210 : memref<8x7040xf32, #tpu.memory_space<vmem>>) dst(%dma_wait3A_207 : memref<8x7040xf32, #tpu.memory_space<hbm>>)
                }
              } else {
                %mul3A_185 = arith.constant 8 : i32
                %mul3A_186 = arith.muli %mul3A_185, %add3A_58 : i32
                %multiple_of3A_187 = tpu.assume_multiple %mul3A_186, 8 : i32
                %dma_wait3A = arith.constant 0 : i32
                %dma_wait3A_188 = arith.constant 0 : i32
                %dma_wait3A_189 = tpu.memref_slice %arg8[%dma_wait3A, %dma_wait3A_188] : memref<8x8192xf32, #tpu.memory_space<vmem>> -> memref<8x896xf32, #tpu.memory_space<vmem>>
                %dma_wait3A_190 = arith.constant 1152 : i32
                %dma_wait3A_191 = tpu.memref_slice %arg4[%multiple_of3A_187, %dma_wait3A_190] : memref<256x130816xf32, #tpu.memory_space<hbm>> -> memref<8x896xf32, #tpu.memory_space<hbm>>
                %dma_wait3A_192 = arith.constant 1152 : i32
                %dma_wait3A_193 = tpu.memref_slice %arg4[%multiple_of3A_187, %dma_wait3A_192] : memref<256x130816xf32, #tpu.memory_space<hbm>> -> memref<8x896xf32, #tpu.memory_space<hbm>>
                %dma_wait3A_194 = arith.constant 0 : i32
                %dma_wait3A_195 = arith.constant 0 : i32
                %dma_wait3A_196 = tpu.memref_slice %arg8[%dma_wait3A_194, %dma_wait3A_195] : memref<8x8192xf32, #tpu.memory_space<vmem>> -> memref<8x896xf32, #tpu.memory_space<vmem>>
                tpu.wait_dma2 semaphore(%arg11 : memref<!tpu.dma_semaphore, #tpu.memory_space<semaphore_mem>>) src(%dma_wait3A_196 : memref<8x896xf32, #tpu.memory_space<vmem>>) dst(%dma_wait3A_193 : memref<8x896xf32, #tpu.memory_space<hbm>>)
                %dma_wait3A_197 = arith.constant 0 : i32
                %dma_wait3A_198 = arith.constant 896 : i32
                %dma_wait3A_199 = tpu.memref_slice %arg8[%dma_wait3A_197, %dma_wait3A_198] : memref<8x8192xf32, #tpu.memory_space<vmem>> -> memref<8x7296xf32, #tpu.memory_space<vmem>>
                %dma_wait3A_200 = arith.constant 100224 : i32
                %dma_wait3A_201 = tpu.memref_slice %arg4[%multiple_of3A_187, %dma_wait3A_200] : memref<256x130816xf32, #tpu.memory_space<hbm>> -> memref<8x7296xf32, #tpu.memory_space<hbm>>
                %dma_wait3A_202 = arith.constant 100224 : i32
                %dma_wait3A_203 = tpu.memref_slice %arg4[%multiple_of3A_187, %dma_wait3A_202] : memref<256x130816xf32, #tpu.memory_space<hbm>> -> memref<8x7296xf32, #tpu.memory_space<hbm>>
                %dma_wait3A_204 = arith.constant 0 : i32
                %dma_wait3A_205 = arith.constant 896 : i32
                %dma_wait3A_206 = tpu.memref_slice %arg8[%dma_wait3A_204, %dma_wait3A_205] : memref<8x8192xf32, #tpu.memory_space<vmem>> -> memref<8x7296xf32, #tpu.memory_space<vmem>>
                tpu.wait_dma2 semaphore(%arg11 : memref<!tpu.dma_semaphore, #tpu.memory_space<semaphore_mem>>) src(%dma_wait3A_206 : memref<8x7296xf32, #tpu.memory_space<vmem>>) dst(%dma_wait3A_203 : memref<8x7296xf32, #tpu.memory_space<hbm>>)
              }
            } else {
              %mul3A_181 = arith.constant 8 : i32
              %mul3A_182 = arith.muli %mul3A_181, %add3A_58 : i32
              %multiple_of3A_183 = tpu.assume_multiple %mul3A_182, 8 : i32
              %dma_wait3A = arith.constant 0 : i32
              %dma_wait3A_184 = arith.constant 0 : i32
              %dma_wait3A_185 = tpu.memref_slice %arg8[%dma_wait3A, %dma_wait3A_184] : memref<8x8192xf32, #tpu.memory_space<vmem>> -> memref<8x640xf32, #tpu.memory_space<vmem>>
              %dma_wait3A_186 = arith.constant 512 : i32
              %dma_wait3A_187 = tpu.memref_slice %arg4[%multiple_of3A_183, %dma_wait3A_186] : memref<256x130816xf32, #tpu.memory_space<hbm>> -> memref<8x640xf32, #tpu.memory_space<hbm>>
              %dma_wait3A_188 = arith.constant 512 : i32
              %dma_wait3A_189 = tpu.memref_slice %arg4[%multiple_of3A_183, %dma_wait3A_188] : memref<256x130816xf32, #tpu.memory_space<hbm>> -> memref<8x640xf32, #tpu.memory_space<hbm>>
              %dma_wait3A_190 = arith.constant 0 : i32
              %dma_wait3A_191 = arith.constant 0 : i32
              %dma_wait3A_192 = tpu.memref_slice %arg8[%dma_wait3A_190, %dma_wait3A_191] : memref<8x8192xf32, #tpu.memory_space<vmem>> -> memref<8x640xf32, #tpu.memory_space<vmem>>
              tpu.wait_dma2 semaphore(%arg11 : memref<!tpu.dma_semaphore, #tpu.memory_space<semaphore_mem>>) src(%dma_wait3A_192 : memref<8x640xf32, #tpu.memory_space<vmem>>) dst(%dma_wait3A_189 : memref<8x640xf32, #tpu.memory_space<hbm>>)
              %dma_wait3A_193 = arith.constant 0 : i32
              %dma_wait3A_194 = arith.constant 640 : i32
              %dma_wait3A_195 = tpu.memref_slice %arg8[%dma_wait3A_193, %dma_wait3A_194] : memref<8x8192xf32, #tpu.memory_space<vmem>> -> memref<8x7552xf32, #tpu.memory_space<vmem>>
              %dma_wait3A_196 = arith.constant 107520 : i32
              %dma_wait3A_197 = tpu.memref_slice %arg4[%multiple_of3A_183, %dma_wait3A_196] : memref<256x130816xf32, #tpu.memory_space<hbm>> -> memref<8x7552xf32, #tpu.memory_space<hbm>>
              %dma_wait3A_198 = arith.constant 107520 : i32
              %dma_wait3A_199 = tpu.memref_slice %arg4[%multiple_of3A_183, %dma_wait3A_198] : memref<256x130816xf32, #tpu.memory_space<hbm>> -> memref<8x7552xf32, #tpu.memory_space<hbm>>
              %dma_wait3A_200 = arith.constant 0 : i32
              %dma_wait3A_201 = arith.constant 640 : i32
              %dma_wait3A_202 = tpu.memref_slice %arg8[%dma_wait3A_200, %dma_wait3A_201] : memref<8x8192xf32, #tpu.memory_space<vmem>> -> memref<8x7552xf32, #tpu.memory_space<vmem>>
              tpu.wait_dma2 semaphore(%arg11 : memref<!tpu.dma_semaphore, #tpu.memory_space<semaphore_mem>>) src(%dma_wait3A_202 : memref<8x7552xf32, #tpu.memory_space<vmem>>) dst(%dma_wait3A_199 : memref<8x7552xf32, #tpu.memory_space<hbm>>)
            }
          } else {
            %mul3A_177 = arith.constant 8 : i32
            %mul3A_178 = arith.muli %mul3A_177, %add3A_58 : i32
            %multiple_of3A_179 = tpu.assume_multiple %mul3A_178, 8 : i32
            %dma_wait3A = arith.constant 0 : i32
            %dma_wait3A_180 = arith.constant 0 : i32
            %dma_wait3A_181 = tpu.memref_slice %arg8[%dma_wait3A, %dma_wait3A_180] : memref<8x8192xf32, #tpu.memory_space<vmem>> -> memref<8x384xf32, #tpu.memory_space<vmem>>
            %dma_wait3A_182 = arith.constant 128 : i32
            %dma_wait3A_183 = tpu.memref_slice %arg4[%multiple_of3A_179, %dma_wait3A_182] : memref<256x130816xf32, #tpu.memory_space<hbm>> -> memref<8x384xf32, #tpu.memory_space<hbm>>
            %dma_wait3A_184 = arith.constant 128 : i32
            %dma_wait3A_185 = tpu.memref_slice %arg4[%multiple_of3A_179, %dma_wait3A_184] : memref<256x130816xf32, #tpu.memory_space<hbm>> -> memref<8x384xf32, #tpu.memory_space<hbm>>
            %dma_wait3A_186 = arith.constant 0 : i32
            %dma_wait3A_187 = arith.constant 0 : i32
            %dma_wait3A_188 = tpu.memref_slice %arg8[%dma_wait3A_186, %dma_wait3A_187] : memref<8x8192xf32, #tpu.memory_space<vmem>> -> memref<8x384xf32, #tpu.memory_space<vmem>>
            tpu.wait_dma2 semaphore(%arg11 : memref<!tpu.dma_semaphore, #tpu.memory_space<semaphore_mem>>) src(%dma_wait3A_188 : memref<8x384xf32, #tpu.memory_space<vmem>>) dst(%dma_wait3A_185 : memref<8x384xf32, #tpu.memory_space<hbm>>)
            %dma_wait3A_189 = arith.constant 0 : i32
            %dma_wait3A_190 = arith.constant 384 : i32
            %dma_wait3A_191 = tpu.memref_slice %arg8[%dma_wait3A_189, %dma_wait3A_190] : memref<8x8192xf32, #tpu.memory_space<vmem>> -> memref<8x7808xf32, #tpu.memory_space<vmem>>
            %dma_wait3A_192 = arith.constant 115072 : i32
            %dma_wait3A_193 = tpu.memref_slice %arg4[%multiple_of3A_179, %dma_wait3A_192] : memref<256x130816xf32, #tpu.memory_space<hbm>> -> memref<8x7808xf32, #tpu.memory_space<hbm>>
            %dma_wait3A_194 = arith.constant 115072 : i32
            %dma_wait3A_195 = tpu.memref_slice %arg4[%multiple_of3A_179, %dma_wait3A_194] : memref<256x130816xf32, #tpu.memory_space<hbm>> -> memref<8x7808xf32, #tpu.memory_space<hbm>>
            %dma_wait3A_196 = arith.constant 0 : i32
            %dma_wait3A_197 = arith.constant 384 : i32
            %dma_wait3A_198 = tpu.memref_slice %arg8[%dma_wait3A_196, %dma_wait3A_197] : memref<8x8192xf32, #tpu.memory_space<vmem>> -> memref<8x7808xf32, #tpu.memory_space<vmem>>
            tpu.wait_dma2 semaphore(%arg11 : memref<!tpu.dma_semaphore, #tpu.memory_space<semaphore_mem>>) src(%dma_wait3A_198 : memref<8x7808xf32, #tpu.memory_space<vmem>>) dst(%dma_wait3A_195 : memref<8x7808xf32, #tpu.memory_space<hbm>>)
          }
        } else {
          %mul3A_173 = arith.constant 8 : i32
          %mul3A_174 = arith.muli %mul3A_173, %add3A_58 : i32
          %multiple_of3A_175 = tpu.assume_multiple %mul3A_174, 8 : i32
          %dma_wait3A = arith.constant 0 : i32
          %dma_wait3A_176 = arith.constant 0 : i32
          %dma_wait3A_177 = tpu.memref_slice %arg8[%dma_wait3A, %dma_wait3A_176] : memref<8x8192xf32, #tpu.memory_space<vmem>> -> memref<8x128xf32, #tpu.memory_space<vmem>>
          %dma_wait3A_178 = arith.constant 0 : i32
          %dma_wait3A_179 = tpu.memref_slice %arg4[%multiple_of3A_175, %dma_wait3A_178] : memref<256x130816xf32, #tpu.memory_space<hbm>> -> memref<8x128xf32, #tpu.memory_space<hbm>>
          %dma_wait3A_180 = arith.constant 0 : i32
          %dma_wait3A_181 = tpu.memref_slice %arg4[%multiple_of3A_175, %dma_wait3A_180] : memref<256x130816xf32, #tpu.memory_space<hbm>> -> memref<8x128xf32, #tpu.memory_space<hbm>>
          %dma_wait3A_182 = arith.constant 0 : i32
          %dma_wait3A_183 = arith.constant 0 : i32
          %dma_wait3A_184 = tpu.memref_slice %arg8[%dma_wait3A_182, %dma_wait3A_183] : memref<8x8192xf32, #tpu.memory_space<vmem>> -> memref<8x128xf32, #tpu.memory_space<vmem>>
          tpu.wait_dma2 semaphore(%arg11 : memref<!tpu.dma_semaphore, #tpu.memory_space<semaphore_mem>>) src(%dma_wait3A_184 : memref<8x128xf32, #tpu.memory_space<vmem>>) dst(%dma_wait3A_181 : memref<8x128xf32, #tpu.memory_space<hbm>>)
          %dma_wait3A_185 = arith.constant 0 : i32
          %dma_wait3A_186 = arith.constant 128 : i32
          %dma_wait3A_187 = tpu.memref_slice %arg8[%dma_wait3A_185, %dma_wait3A_186] : memref<8x8192xf32, #tpu.memory_space<vmem>> -> memref<8x7936xf32, #tpu.memory_space<vmem>>
          %dma_wait3A_188 = arith.constant 122880 : i32
          %dma_wait3A_189 = tpu.memref_slice %arg4[%multiple_of3A_175, %dma_wait3A_188] : memref<256x130816xf32, #tpu.memory_space<hbm>> -> memref<8x7936xf32, #tpu.memory_space<hbm>>
          %dma_wait3A_190 = arith.constant 122880 : i32
          %dma_wait3A_191 = tpu.memref_slice %arg4[%multiple_of3A_175, %dma_wait3A_190] : memref<256x130816xf32, #tpu.memory_space<hbm>> -> memref<8x7936xf32, #tpu.memory_space<hbm>>
          %dma_wait3A_192 = arith.constant 0 : i32
          %dma_wait3A_193 = arith.constant 128 : i32
          %dma_wait3A_194 = tpu.memref_slice %arg8[%dma_wait3A_192, %dma_wait3A_193] : memref<8x8192xf32, #tpu.memory_space<vmem>> -> memref<8x7936xf32, #tpu.memory_space<vmem>>
          tpu.wait_dma2 semaphore(%arg11 : memref<!tpu.dma_semaphore, #tpu.memory_space<semaphore_mem>>) src(%dma_wait3A_194 : memref<8x7936xf32, #tpu.memory_space<vmem>>) dst(%dma_wait3A_191 : memref<8x7936xf32, #tpu.memory_space<hbm>>)
        }
      } else {
      }
      %parallel_loop3A = arith.constant 0 : i32
      %parallel_loop3A_82 = arith.constant 8192 : i32
      %parallel_loop3A_83 = arith.constant 16 : i32
      scf.for %parallel_loop3A_167 = %parallel_loop3A to %parallel_loop3A_82 step %parallel_loop3A_83  : i32 {
        %parallel_loop3A_168 = arith.index_cast %parallel_loop3A_167 : i32 to index
        %parallel_loop3A_169 = tpu.vector_load %arg5[%parallel_loop3A_168] {strides = array<i32>} : memref<8192xi32, #tpu.memory_space<vmem>>, vector<16xi32>,
        %parallel_loop3A_170 = arith.constant 9 : i32
        %parallel_loop3A_171 = vector.broadcast %parallel_loop3A_170 : i32 to vector<16xi32>
        %parallel_loop3A_172 = arith.shrui %parallel_loop3A_169, %parallel_loop3A_171 : vector<16xi32>
        %parallel_loop3A_173 = arith.constant 511 : i32
        %parallel_loop3A_174 = vector.broadcast %parallel_loop3A_173 : i32 to vector<16xi32>
        %parallel_loop3A_175 = arith.andi %parallel_loop3A_169, %parallel_loop3A_174 : vector<16xi32>
        %parallel_loop3A_176 = tpu.vector_load_idx %arg6[%parallel_loop3A_172, %parallel_loop3A_175] : memref<33x512xf32, #tpu.memory_space<vmem>>[vector<16xi32>, vector<16xi32>], vector<16xf32>,
        %parallel_loop3A_177 = arith.index_cast %select_n3A_33 : i32 to index
        %parallel_loop3A_178 = arith.index_cast %parallel_loop3A_167 : i32 to index
        %parallel_loop3A_179 = tpu.vector_load %arg8[%parallel_loop3A_177, %parallel_loop3A_178] {strides = array<i32>} : memref<8x8192xf32, #tpu.memory_space<vmem>>, vector<16xf32>,
        tpu.vector_store %arg8[%parallel_loop3A_177, %parallel_loop3A_178], %parallel_loop3A_176 {strides = array<i32>} : memref<8x8192xf32, #tpu.memory_space<vmem>>, vector<16xf32>,
      } {sc.loop_unroll_factor = 16 : i64, sc.parallel_access}
      %eq3A_84 = arith.constant 7 : i32
      %eq3A_85 = arith.cmpi eq, %select_n3A_33, %eq3A_84 : i32
      %convert_element_type3A_86 = arith.extui %eq3A_85 : i1 to i32
      %cond3A_87 = arith.constant 0 : i32
      %cond3A_88 = arith.cmpi ne, %convert_element_type3A_86, %cond3A_87 : i32
      scf.if %cond3A_88 {
        %clamp3A_167 = arith.constant 0 : i32
        %clamp3A_168 = arith.constant 15 : i32
        %clamp3A_169 = arith.maxsi %arg1, %clamp3A_167 : i32
        %clamp3A_170 = arith.minsi %clamp3A_169, %clamp3A_168 : i32
        %cond3A_171 = arith.constant 0 : i32
        %cond3A_172 = arith.cmpi ne, %clamp3A_170, %cond3A_171 : i32
        scf.if %cond3A_172 {
          %cond3A_173 = arith.constant 1 : i32
          %cond3A_174 = arith.subi %clamp3A_170, %cond3A_173 : i32
          %cond3A_175 = arith.constant 0 : i32
          %cond3A_176 = arith.cmpi ne, %cond3A_174, %cond3A_175 : i32
          scf.if %cond3A_176 {
            %cond3A_177 = arith.constant 1 : i32
            %cond3A_178 = arith.subi %cond3A_174, %cond3A_177 : i32
            %cond3A_179 = arith.constant 0 : i32
            %cond3A_180 = arith.cmpi ne, %cond3A_178, %cond3A_179 : i32
            scf.if %cond3A_180 {
              %cond3A_181 = arith.constant 1 : i32
              %cond3A_182 = arith.subi %cond3A_178, %cond3A_181 : i32
              %cond3A_183 = arith.constant 0 : i32
              %cond3A_184 = arith.cmpi ne, %cond3A_182, %cond3A_183 : i32
              scf.if %cond3A_184 {
                %cond3A_185 = arith.constant 1 : i32
                %cond3A_186 = arith.subi %cond3A_182, %cond3A_185 : i32
                %cond3A_187 = arith.constant 0 : i32
                %cond3A_188 = arith.cmpi ne, %cond3A_186, %cond3A_187 : i32
                scf.if %cond3A_188 {
                  %cond3A_189 = arith.constant 1 : i32
                  %cond3A_190 = arith.subi %cond3A_186, %cond3A_189 : i32
                  %cond3A_191 = arith.constant 0 : i32
                  %cond3A_192 = arith.cmpi ne, %cond3A_190, %cond3A_191 : i32
                  scf.if %cond3A_192 {
                    %cond3A_193 = arith.constant 1 : i32
                    %cond3A_194 = arith.subi %cond3A_190, %cond3A_193 : i32
                    %cond3A_195 = arith.constant 0 : i32
                    %cond3A_196 = arith.cmpi ne, %cond3A_194, %cond3A_195 : i32
                    scf.if %cond3A_196 {
                      %cond3A_197 = arith.constant 1 : i32
                      %cond3A_198 = arith.subi %cond3A_194, %cond3A_197 : i32
                      %cond3A_199 = arith.constant 0 : i32
                      %cond3A_200 = arith.cmpi ne, %cond3A_198, %cond3A_199 : i32
                      scf.if %cond3A_200 {
                        %cond3A_201 = arith.constant 1 : i32
                        %cond3A_202 = arith.subi %cond3A_198, %cond3A_201 : i32
                        %cond3A_203 = arith.constant 0 : i32
                        %cond3A_204 = arith.cmpi ne, %cond3A_202, %cond3A_203 : i32
                        scf.if %cond3A_204 {
                          %cond3A_205 = arith.constant 1 : i32
                          %cond3A_206 = arith.subi %cond3A_202, %cond3A_205 : i32
                          %cond3A_207 = arith.constant 0 : i32
                          %cond3A_208 = arith.cmpi ne, %cond3A_206, %cond3A_207 : i32
                          scf.if %cond3A_208 {
                            %cond3A_209 = arith.constant 1 : i32
                            %cond3A_210 = arith.subi %cond3A_206, %cond3A_209 : i32
                            %cond3A_211 = arith.constant 0 : i32
                            %cond3A_212 = arith.cmpi ne, %cond3A_210, %cond3A_211 : i32
                            scf.if %cond3A_212 {
                              %cond3A_213 = arith.constant 1 : i32
                              %cond3A_214 = arith.subi %cond3A_210, %cond3A_213 : i32
                              %cond3A_215 = arith.constant 0 : i32
                              %cond3A_216 = arith.cmpi ne, %cond3A_214, %cond3A_215 : i32
                              scf.if %cond3A_216 {
                                %cond3A_217 = arith.constant 1 : i32
                                %cond3A_218 = arith.subi %cond3A_214, %cond3A_217 : i32
                                %cond3A_219 = arith.constant 0 : i32
                                %cond3A_220 = arith.cmpi ne, %cond3A_218, %cond3A_219 : i32
                                scf.if %cond3A_220 {
                                  %cond3A_221 = arith.constant 1 : i32
                                  %cond3A_222 = arith.subi %cond3A_218, %cond3A_221 : i32
                                  %cond3A_223 = arith.constant 0 : i32
                                  %cond3A_224 = arith.cmpi ne, %cond3A_222, %cond3A_223 : i32
                                  scf.if %cond3A_224 {
                                    %cond3A_225 = arith.constant 1 : i32
                                    %cond3A_226 = arith.subi %cond3A_222, %cond3A_225 : i32
                                    %cond3A_227 = arith.constant 0 : i32
                                    %cond3A_228 = arith.cmpi ne, %cond3A_226, %cond3A_227 : i32
                                    scf.if %cond3A_228 {
                                      %mul3A_229 = arith.constant 8 : i32
                                      %mul3A_230 = arith.muli %mul3A_229, %add3A_58 : i32
                                      %multiple_of3A_231 = tpu.assume_multiple %mul3A_230, 8 : i32
                                      %dma_start3A = arith.constant 0 : i32
                                      %dma_start3A_232 = arith.constant 0 : i32
                                      %dma_start3A_233 = tpu.memref_slice %arg8[%dma_start3A, %dma_start3A_232] : memref<8x8192xf32, #tpu.memory_space<vmem>> -> memref<8x3840xf32, #tpu.memory_space<vmem>>
                                      %dma_start3A_234 = arith.constant 28800 : i32
                                      %dma_start3A_235 = tpu.memref_slice %arg4[%multiple_of3A_231, %dma_start3A_234] : memref<256x130816xf32, #tpu.memory_space<hbm>> -> memref<8x3840xf32, #tpu.memory_space<hbm>>
                                      %dma_start3A_236 = arith.constant 28800 : i32
                                      %dma_start3A_237 = tpu.memref_slice %arg4[%multiple_of3A_231, %dma_start3A_236] : memref<256x130816xf32, #tpu.memory_space<hbm>> -> memref<8x3840xf32, #tpu.memory_space<hbm>>
                                      %dma_start3A_238 = arith.constant 0 : i32
                                      %dma_start3A_239 = arith.constant 0 : i32
                                      %dma_start3A_240 = tpu.memref_slice %arg8[%dma_start3A_238, %dma_start3A_239] : memref<8x8192xf32, #tpu.memory_space<vmem>> -> memref<8x3840xf32, #tpu.memory_space<vmem>>
                                      tpu.enqueue_dma source(%dma_start3A_240 : memref<8x3840xf32, #tpu.memory_space<vmem>>) target(%dma_start3A_237 : memref<8x3840xf32, #tpu.memory_space<hbm>>) target_semaphore(%arg11 : memref<!tpu.dma_semaphore, #tpu.memory_space<semaphore_mem>>)
                                      %dma_start3A_241 = arith.constant 0 : i32
                                      %dma_start3A_242 = arith.constant 3840 : i32
                                      %dma_start3A_243 = tpu.memref_slice %arg8[%dma_start3A_241, %dma_start3A_242] : memref<8x8192xf32, #tpu.memory_space<vmem>> -> memref<8x4224xf32, #tpu.memory_space<vmem>>
                                      %dma_start3A_244 = arith.constant 32640 : i32
                                      %dma_start3A_245 = tpu.memref_slice %arg4[%multiple_of3A_231, %dma_start3A_244] : memref<256x130816xf32, #tpu.memory_space<hbm>> -> memref<8x4224xf32, #tpu.memory_space<hbm>>
                                      %dma_start3A_246 = arith.constant 32640 : i32
                                      %dma_start3A_247 = tpu.memref_slice %arg4[%multiple_of3A_231, %dma_start3A_246] : memref<256x130816xf32, #tpu.memory_space<hbm>> -> memref<8x4224xf32, #tpu.memory_space<hbm>>
                                      %dma_start3A_248 = arith.constant 0 : i32
                                      %dma_start3A_249 = arith.constant 3840 : i32
                                      %dma_start3A_250 = tpu.memref_slice %arg8[%dma_start3A_248, %dma_start3A_249] : memref<8x8192xf32, #tpu.memory_space<vmem>> -> memref<8x4224xf32, #tpu.memory_space<vmem>>
                                      tpu.enqueue_dma source(%dma_start3A_250 : memref<8x4224xf32, #tpu.memory_space<vmem>>) target(%dma_start3A_247 : memref<8x4224xf32, #tpu.memory_space<hbm>>) target_semaphore(%arg11 : memref<!tpu.dma_semaphore, #tpu.memory_space<semaphore_mem>>)
                                    } else {
                                      %mul3A_229 = arith.constant 8 : i32
                                      %mul3A_230 = arith.muli %mul3A_229, %add3A_58 : i32
                                      %multiple_of3A_231 = tpu.assume_multiple %mul3A_230, 8 : i32
                                      %dma_start3A = arith.constant 0 : i32
                                      %dma_start3A_232 = arith.constant 0 : i32
                                      %dma_start3A_233 = tpu.memref_slice %arg8[%dma_start3A, %dma_start3A_232] : memref<8x8192xf32, #tpu.memory_space<vmem>> -> memref<8x3712xf32, #tpu.memory_space<vmem>>
                                      %dma_start3A_234 = arith.constant 25088 : i32
                                      %dma_start3A_235 = tpu.memref_slice %arg4[%multiple_of3A_231, %dma_start3A_234] : memref<256x130816xf32, #tpu.memory_space<hbm>> -> memref<8x3712xf32, #tpu.memory_space<hbm>>
                                      %dma_start3A_236 = arith.constant 25088 : i32
                                      %dma_start3A_237 = tpu.memref_slice %arg4[%multiple_of3A_231, %dma_start3A_236] : memref<256x130816xf32, #tpu.memory_space<hbm>> -> memref<8x3712xf32, #tpu.memory_space<hbm>>
                                      %dma_start3A_238 = arith.constant 0 : i32
                                      %dma_start3A_239 = arith.constant 0 : i32
                                      %dma_start3A_240 = tpu.memref_slice %arg8[%dma_start3A_238, %dma_start3A_239] : memref<8x8192xf32, #tpu.memory_space<vmem>> -> memref<8x3712xf32, #tpu.memory_space<vmem>>
                                      tpu.enqueue_dma source(%dma_start3A_240 : memref<8x3712xf32, #tpu.memory_space<vmem>>) target(%dma_start3A_237 : memref<8x3712xf32, #tpu.memory_space<hbm>>) target_semaphore(%arg11 : memref<!tpu.dma_semaphore, #tpu.memory_space<semaphore_mem>>)
                                      %dma_start3A_241 = arith.constant 0 : i32
                                      %dma_start3A_242 = arith.constant 3712 : i32
                                      %dma_start3A_243 = tpu.memref_slice %arg8[%dma_start3A_241, %dma_start3A_242] : memref<8x8192xf32, #tpu.memory_space<vmem>> -> memref<8x4480xf32, #tpu.memory_space<vmem>>
                                      %dma_start3A_244 = arith.constant 36864 : i32
                                      %dma_start3A_245 = tpu.memref_slice %arg4[%multiple_of3A_231, %dma_start3A_244] : memref<256x130816xf32, #tpu.memory_space<hbm>> -> memref<8x4480xf32, #tpu.memory_space<hbm>>
                                      %dma_start3A_246 = arith.constant 36864 : i32
                                      %dma_start3A_247 = tpu.memref_slice %arg4[%multiple_of3A_231, %dma_start3A_246] : memref<256x130816xf32, #tpu.memory_space<hbm>> -> memref<8x4480xf32, #tpu.memory_space<hbm>>
                                      %dma_start3A_248 = arith.constant 0 : i32
                                      %dma_start3A_249 = arith.constant 3712 : i32
                                      %dma_start3A_250 = tpu.memref_slice %arg8[%dma_start3A_248, %dma_start3A_249] : memref<8x8192xf32, #tpu.memory_space<vmem>> -> memref<8x4480xf32, #tpu.memory_space<vmem>>
                                      tpu.enqueue_dma source(%dma_start3A_250 : memref<8x4480xf32, #tpu.memory_space<vmem>>) target(%dma_start3A_247 : memref<8x4480xf32, #tpu.memory_space<hbm>>) target_semaphore(%arg11 : memref<!tpu.dma_semaphore, #tpu.memory_space<semaphore_mem>>)
                                    }
                                  } else {
                                    %mul3A_225 = arith.constant 8 : i32
                                    %mul3A_226 = arith.muli %mul3A_225, %add3A_58 : i32
                                    %multiple_of3A_227 = tpu.assume_multiple %mul3A_226, 8 : i32
                                    %dma_start3A = arith.constant 0 : i32
                                    %dma_start3A_228 = arith.constant 0 : i32
                                    %dma_start3A_229 = tpu.memref_slice %arg8[%dma_start3A, %dma_start3A_228] : memref<8x8192xf32, #tpu.memory_space<vmem>> -> memref<8x3456xf32, #tpu.memory_space<vmem>>
                                    %dma_start3A_230 = arith.constant 21632 : i32
                                    %dma_start3A_231 = tpu.memref_slice %arg4[%multiple_of3A_227, %dma_start3A_230] : memref<256x130816xf32, #tpu.memory_space<hbm>> -> memref<8x3456xf32, #tpu.memory_space<hbm>>
                                    %dma_start3A_232 = arith.constant 21632 : i32
                                    %dma_start3A_233 = tpu.memref_slice %arg4[%multiple_of3A_227, %dma_start3A_232] : memref<256x130816xf32, #tpu.memory_space<hbm>> -> memref<8x3456xf32, #tpu.memory_space<hbm>>
                                    %dma_start3A_234 = arith.constant 0 : i32
                                    %dma_start3A_235 = arith.constant 0 : i32
                                    %dma_start3A_236 = tpu.memref_slice %arg8[%dma_start3A_234, %dma_start3A_235] : memref<8x8192xf32, #tpu.memory_space<vmem>> -> memref<8x3456xf32, #tpu.memory_space<vmem>>
                                    tpu.enqueue_dma source(%dma_start3A_236 : memref<8x3456xf32, #tpu.memory_space<vmem>>) target(%dma_start3A_233 : memref<8x3456xf32, #tpu.memory_space<hbm>>) target_semaphore(%arg11 : memref<!tpu.dma_semaphore, #tpu.memory_space<semaphore_mem>>)
                                    %dma_start3A_237 = arith.constant 0 : i32
                                    %dma_start3A_238 = arith.constant 3456 : i32
                                    %dma_start3A_239 = tpu.memref_slice %arg8[%dma_start3A_237, %dma_start3A_238] : memref<8x8192xf32, #tpu.memory_space<vmem>> -> memref<8x4736xf32, #tpu.memory_space<vmem>>
                                    %dma_start3A_240 = arith.constant 41344 : i32
                                    %dma_start3A_241 = tpu.memref_slice %arg4[%multiple_of3A_227, %dma_start3A_240] : memref<256x130816xf32, #tpu.memory_space<hbm>> -> memref<8x4736xf32, #tpu.memory_space<hbm>>
                                    %dma_start3A_242 = arith.constant 41344 : i32
                                    %dma_start3A_243 = tpu.memref_slice %arg4[%multiple_of3A_227, %dma_start3A_242] : memref<256x130816xf32, #tpu.memory_space<hbm>> -> memref<8x4736xf32, #tpu.memory_space<hbm>>
                                    %dma_start3A_244 = arith.constant 0 : i32
                                    %dma_start3A_245 = arith.constant 3456 : i32
                                    %dma_start3A_246 = tpu.memref_slice %arg8[%dma_start3A_244, %dma_start3A_245] : memref<8x8192xf32, #tpu.memory_space<vmem>> -> memref<8x4736xf32, #tpu.memory_space<vmem>>
                                    tpu.enqueue_dma source(%dma_start3A_246 : memref<8x4736xf32, #tpu.memory_space<vmem>>) target(%dma_start3A_243 : memref<8x4736xf32, #tpu.memory_space<hbm>>) target_semaphore(%arg11 : memref<!tpu.dma_semaphore, #tpu.memory_space<semaphore_mem>>)
                                  }
                                } else {
                                  %mul3A_221 = arith.constant 8 : i32
                                  %mul3A_222 = arith.muli %mul3A_221, %add3A_58 : i32
                                  %multiple_of3A_223 = tpu.assume_multiple %mul3A_222, 8 : i32
                                  %dma_start3A = arith.constant 0 : i32
                                  %dma_start3A_224 = arith.constant 0 : i32
                                  %dma_start3A_225 = tpu.memref_slice %arg8[%dma_start3A, %dma_start3A_224] : memref<8x8192xf32, #tpu.memory_space<vmem>> -> memref<8x3200xf32, #tpu.memory_space<vmem>>
                                  %dma_start3A_226 = arith.constant 18432 : i32
                                  %dma_start3A_227 = tpu.memref_slice %arg4[%multiple_of3A_223, %dma_start3A_226] : memref<256x130816xf32, #tpu.memory_space<hbm>> -> memref<8x3200xf32, #tpu.memory_space<hbm>>
                                  %dma_start3A_228 = arith.constant 18432 : i32
                                  %dma_start3A_229 = tpu.memref_slice %arg4[%multiple_of3A_223, %dma_start3A_228] : memref<256x130816xf32, #tpu.memory_space<hbm>> -> memref<8x3200xf32, #tpu.memory_space<hbm>>
                                  %dma_start3A_230 = arith.constant 0 : i32
                                  %dma_start3A_231 = arith.constant 0 : i32
                                  %dma_start3A_232 = tpu.memref_slice %arg8[%dma_start3A_230, %dma_start3A_231] : memref<8x8192xf32, #tpu.memory_space<vmem>> -> memref<8x3200xf32, #tpu.memory_space<vmem>>
                                  tpu.enqueue_dma source(%dma_start3A_232 : memref<8x3200xf32, #tpu.memory_space<vmem>>) target(%dma_start3A_229 : memref<8x3200xf32, #tpu.memory_space<hbm>>) target_semaphore(%arg11 : memref<!tpu.dma_semaphore, #tpu.memory_space<semaphore_mem>>)
                                  %dma_start3A_233 = arith.constant 0 : i32
                                  %dma_start3A_234 = arith.constant 3200 : i32
                                  %dma_start3A_235 = tpu.memref_slice %arg8[%dma_start3A_233, %dma_start3A_234] : memref<8x8192xf32, #tpu.memory_space<vmem>> -> memref<8x4992xf32, #tpu.memory_space<vmem>>
                                  %dma_start3A_236 = arith.constant 46080 : i32
                                  %dma_start3A_237 = tpu.memref_slice %arg4[%multiple_of3A_223, %dma_start3A_236] : memref<256x130816xf32, #tpu.memory_space<hbm>> -> memref<8x4992xf32, #tpu.memory_space<hbm>>
                                  %dma_start3A_238 = arith.constant 46080 : i32
                                  %dma_start3A_239 = tpu.memref_slice %arg4[%multiple_of3A_223, %dma_start3A_238] : memref<256x130816xf32, #tpu.memory_space<hbm>> -> memref<8x4992xf32, #tpu.memory_space<hbm>>
                                  %dma_start3A_240 = arith.constant 0 : i32
                                  %dma_start3A_241 = arith.constant 3200 : i32
                                  %dma_start3A_242 = tpu.memref_slice %arg8[%dma_start3A_240, %dma_start3A_241] : memref<8x8192xf32, #tpu.memory_space<vmem>> -> memref<8x4992xf32, #tpu.memory_space<vmem>>
                                  tpu.enqueue_dma source(%dma_start3A_242 : memref<8x4992xf32, #tpu.memory_space<vmem>>) target(%dma_start3A_239 : memref<8x4992xf32, #tpu.memory_space<hbm>>) target_semaphore(%arg11 : memref<!tpu.dma_semaphore, #tpu.memory_space<semaphore_mem>>)
                                }
                              } else {
                                %mul3A_217 = arith.constant 8 : i32
                                %mul3A_218 = arith.muli %mul3A_217, %add3A_58 : i32
                                %multiple_of3A_219 = tpu.assume_multiple %mul3A_218, 8 : i32
                                %dma_start3A = arith.constant 0 : i32
                                %dma_start3A_220 = arith.constant 0 : i32
                                %dma_start3A_221 = tpu.memref_slice %arg8[%dma_start3A, %dma_start3A_220] : memref<8x8192xf32, #tpu.memory_space<vmem>> -> memref<8x2944xf32, #tpu.memory_space<vmem>>
                                %dma_start3A_222 = arith.constant 15488 : i32
                                %dma_start3A_223 = tpu.memref_slice %arg4[%multiple_of3A_219, %dma_start3A_222] : memref<256x130816xf32, #tpu.memory_space<hbm>> -> memref<8x2944xf32, #tpu.memory_space<hbm>>
                                %dma_start3A_224 = arith.constant 15488 : i32
                                %dma_start3A_225 = tpu.memref_slice %arg4[%multiple_of3A_219, %dma_start3A_224] : memref<256x130816xf32, #tpu.memory_space<hbm>> -> memref<8x2944xf32, #tpu.memory_space<hbm>>
                                %dma_start3A_226 = arith.constant 0 : i32
                                %dma_start3A_227 = arith.constant 0 : i32
                                %dma_start3A_228 = tpu.memref_slice %arg8[%dma_start3A_226, %dma_start3A_227] : memref<8x8192xf32, #tpu.memory_space<vmem>> -> memref<8x2944xf32, #tpu.memory_space<vmem>>
                                tpu.enqueue_dma source(%dma_start3A_228 : memref<8x2944xf32, #tpu.memory_space<vmem>>) target(%dma_start3A_225 : memref<8x2944xf32, #tpu.memory_space<hbm>>) target_semaphore(%arg11 : memref<!tpu.dma_semaphore, #tpu.memory_space<semaphore_mem>>)
                                %dma_start3A_229 = arith.constant 0 : i32
                                %dma_start3A_230 = arith.constant 2944 : i32
                                %dma_start3A_231 = tpu.memref_slice %arg8[%dma_start3A_229, %dma_start3A_230] : memref<8x8192xf32, #tpu.memory_space<vmem>> -> memref<8x5248xf32, #tpu.memory_space<vmem>>
                                %dma_start3A_232 = arith.constant 51072 : i32
                                %dma_start3A_233 = tpu.memref_slice %arg4[%multiple_of3A_219, %dma_start3A_232] : memref<256x130816xf32, #tpu.memory_space<hbm>> -> memref<8x5248xf32, #tpu.memory_space<hbm>>
                                %dma_start3A_234 = arith.constant 51072 : i32
                                %dma_start3A_235 = tpu.memref_slice %arg4[%multiple_of3A_219, %dma_start3A_234] : memref<256x130816xf32, #tpu.memory_space<hbm>> -> memref<8x5248xf32, #tpu.memory_space<hbm>>
                                %dma_start3A_236 = arith.constant 0 : i32
                                %dma_start3A_237 = arith.constant 2944 : i32
                                %dma_start3A_238 = tpu.memref_slice %arg8[%dma_start3A_236, %dma_start3A_237] : memref<8x8192xf32, #tpu.memory_space<vmem>> -> memref<8x5248xf32, #tpu.memory_space<vmem>>
                                tpu.enqueue_dma source(%dma_start3A_238 : memref<8x5248xf32, #tpu.memory_space<vmem>>) target(%dma_start3A_235 : memref<8x5248xf32, #tpu.memory_space<hbm>>) target_semaphore(%arg11 : memref<!tpu.dma_semaphore, #tpu.memory_space<semaphore_mem>>)
                              }
                            } else {
                              %mul3A_213 = arith.constant 8 : i32
                              %mul3A_214 = arith.muli %mul3A_213, %add3A_58 : i32
                              %multiple_of3A_215 = tpu.assume_multiple %mul3A_214, 8 : i32
                              %dma_start3A = arith.constant 0 : i32
                              %dma_start3A_216 = arith.constant 0 : i32
                              %dma_start3A_217 = tpu.memref_slice %arg8[%dma_start3A, %dma_start3A_216] : memref<8x8192xf32, #tpu.memory_space<vmem>> -> memref<8x2688xf32, #tpu.memory_space<vmem>>
                              %dma_start3A_218 = arith.constant 12800 : i32
                              %dma_start3A_219 = tpu.memref_slice %arg4[%multiple_of3A_215, %dma_start3A_218] : memref<256x130816xf32, #tpu.memory_space<hbm>> -> memref<8x2688xf32, #tpu.memory_space<hbm>>
                              %dma_start3A_220 = arith.constant 12800 : i32
                              %dma_start3A_221 = tpu.memref_slice %arg4[%multiple_of3A_215, %dma_start3A_220] : memref<256x130816xf32, #tpu.memory_space<hbm>> -> memref<8x2688xf32, #tpu.memory_space<hbm>>
                              %dma_start3A_222 = arith.constant 0 : i32
                              %dma_start3A_223 = arith.constant 0 : i32
                              %dma_start3A_224 = tpu.memref_slice %arg8[%dma_start3A_222, %dma_start3A_223] : memref<8x8192xf32, #tpu.memory_space<vmem>> -> memref<8x2688xf32, #tpu.memory_space<vmem>>
                              tpu.enqueue_dma source(%dma_start3A_224 : memref<8x2688xf32, #tpu.memory_space<vmem>>) target(%dma_start3A_221 : memref<8x2688xf32, #tpu.memory_space<hbm>>) target_semaphore(%arg11 : memref<!tpu.dma_semaphore, #tpu.memory_space<semaphore_mem>>)
                              %dma_start3A_225 = arith.constant 0 : i32
                              %dma_start3A_226 = arith.constant 2688 : i32
                              %dma_start3A_227 = tpu.memref_slice %arg8[%dma_start3A_225, %dma_start3A_226] : memref<8x8192xf32, #tpu.memory_space<vmem>> -> memref<8x5504xf32, #tpu.memory_space<vmem>>
                              %dma_start3A_228 = arith.constant 56320 : i32
                              %dma_start3A_229 = tpu.memref_slice %arg4[%multiple_of3A_215, %dma_start3A_228] : memref<256x130816xf32, #tpu.memory_space<hbm>> -> memref<8x5504xf32, #tpu.memory_space<hbm>>
                              %dma_start3A_230 = arith.constant 56320 : i32
                              %dma_start3A_231 = tpu.memref_slice %arg4[%multiple_of3A_215, %dma_start3A_230] : memref<256x130816xf32, #tpu.memory_space<hbm>> -> memref<8x5504xf32, #tpu.memory_space<hbm>>
                              %dma_start3A_232 = arith.constant 0 : i32
                              %dma_start3A_233 = arith.constant 2688 : i32
                              %dma_start3A_234 = tpu.memref_slice %arg8[%dma_start3A_232, %dma_start3A_233] : memref<8x8192xf32, #tpu.memory_space<vmem>> -> memref<8x5504xf32, #tpu.memory_space<vmem>>
                              tpu.enqueue_dma source(%dma_start3A_234 : memref<8x5504xf32, #tpu.memory_space<vmem>>) target(%dma_start3A_231 : memref<8x5504xf32, #tpu.memory_space<hbm>>) target_semaphore(%arg11 : memref<!tpu.dma_semaphore, #tpu.memory_space<semaphore_mem>>)
                            }
                          } else {
                            %mul3A_209 = arith.constant 8 : i32
                            %mul3A_210 = arith.muli %mul3A_209, %add3A_58 : i32
                            %multiple_of3A_211 = tpu.assume_multiple %mul3A_210, 8 : i32
                            %dma_start3A = arith.constant 0 : i32
                            %dma_start3A_212 = arith.constant 0 : i32
                            %dma_start3A_213 = tpu.memref_slice %arg8[%dma_start3A, %dma_start3A_212] : memref<8x8192xf32, #tpu.memory_space<vmem>> -> memref<8x2432xf32, #tpu.memory_space<vmem>>
                            %dma_start3A_214 = arith.constant 10368 : i32
                            %dma_start3A_215 = tpu.memref_slice %arg4[%multiple_of3A_211, %dma_start3A_214] : memref<256x130816xf32, #tpu.memory_space<hbm>> -> memref<8x2432xf32, #tpu.memory_space<hbm>>
                            %dma_start3A_216 = arith.constant 10368 : i32
                            %dma_start3A_217 = tpu.memref_slice %arg4[%multiple_of3A_211, %dma_start3A_216] : memref<256x130816xf32, #tpu.memory_space<hbm>> -> memref<8x2432xf32, #tpu.memory_space<hbm>>
                            %dma_start3A_218 = arith.constant 0 : i32
                            %dma_start3A_219 = arith.constant 0 : i32
                            %dma_start3A_220 = tpu.memref_slice %arg8[%dma_start3A_218, %dma_start3A_219] : memref<8x8192xf32, #tpu.memory_space<vmem>> -> memref<8x2432xf32, #tpu.memory_space<vmem>>
                            tpu.enqueue_dma source(%dma_start3A_220 : memref<8x2432xf32, #tpu.memory_space<vmem>>) target(%dma_start3A_217 : memref<8x2432xf32, #tpu.memory_space<hbm>>) target_semaphore(%arg11 : memref<!tpu.dma_semaphore, #tpu.memory_space<semaphore_mem>>)
                            %dma_start3A_221 = arith.constant 0 : i32
                            %dma_start3A_222 = arith.constant 2432 : i32
                            %dma_start3A_223 = tpu.memref_slice %arg8[%dma_start3A_221, %dma_start3A_222] : memref<8x8192xf32, #tpu.memory_space<vmem>> -> memref<8x5760xf32, #tpu.memory_space<vmem>>
                            %dma_start3A_224 = arith.constant 61824 : i32
                            %dma_start3A_225 = tpu.memref_slice %arg4[%multiple_of3A_211, %dma_start3A_224] : memref<256x130816xf32, #tpu.memory_space<hbm>> -> memref<8x5760xf32, #tpu.memory_space<hbm>>
                            %dma_start3A_226 = arith.constant 61824 : i32
                            %dma_start3A_227 = tpu.memref_slice %arg4[%multiple_of3A_211, %dma_start3A_226] : memref<256x130816xf32, #tpu.memory_space<hbm>> -> memref<8x5760xf32, #tpu.memory_space<hbm>>
                            %dma_start3A_228 = arith.constant 0 : i32
                            %dma_start3A_229 = arith.constant 2432 : i32
                            %dma_start3A_230 = tpu.memref_slice %arg8[%dma_start3A_228, %dma_start3A_229] : memref<8x8192xf32, #tpu.memory_space<vmem>> -> memref<8x5760xf32, #tpu.memory_space<vmem>>
                            tpu.enqueue_dma source(%dma_start3A_230 : memref<8x5760xf32, #tpu.memory_space<vmem>>) target(%dma_start3A_227 : memref<8x5760xf32, #tpu.memory_space<hbm>>) target_semaphore(%arg11 : memref<!tpu.dma_semaphore, #tpu.memory_space<semaphore_mem>>)
                          }
                        } else {
                          %mul3A_205 = arith.constant 8 : i32
                          %mul3A_206 = arith.muli %mul3A_205, %add3A_58 : i32
                          %multiple_of3A_207 = tpu.assume_multiple %mul3A_206, 8 : i32
                          %dma_start3A = arith.constant 0 : i32
                          %dma_start3A_208 = arith.constant 0 : i32
                          %dma_start3A_209 = tpu.memref_slice %arg8[%dma_start3A, %dma_start3A_208] : memref<8x8192xf32, #tpu.memory_space<vmem>> -> memref<8x2176xf32, #tpu.memory_space<vmem>>
                          %dma_start3A_210 = arith.constant 8192 : i32
                          %dma_start3A_211 = tpu.memref_slice %arg4[%multiple_of3A_207, %dma_start3A_210] : memref<256x130816xf32, #tpu.memory_space<hbm>> -> memref<8x2176xf32, #tpu.memory_space<hbm>>
                          %dma_start3A_212 = arith.constant 8192 : i32
                          %dma_start3A_213 = tpu.memref_slice %arg4[%multiple_of3A_207, %dma_start3A_212] : memref<256x130816xf32, #tpu.memory_space<hbm>> -> memref<8x2176xf32, #tpu.memory_space<hbm>>
                          %dma_start3A_214 = arith.constant 0 : i32
                          %dma_start3A_215 = arith.constant 0 : i32
                          %dma_start3A_216 = tpu.memref_slice %arg8[%dma_start3A_214, %dma_start3A_215] : memref<8x8192xf32, #tpu.memory_space<vmem>> -> memref<8x2176xf32, #tpu.memory_space<vmem>>
                          tpu.enqueue_dma source(%dma_start3A_216 : memref<8x2176xf32, #tpu.memory_space<vmem>>) target(%dma_start3A_213 : memref<8x2176xf32, #tpu.memory_space<hbm>>) target_semaphore(%arg11 : memref<!tpu.dma_semaphore, #tpu.memory_space<semaphore_mem>>)
                          %dma_start3A_217 = arith.constant 0 : i32
                          %dma_start3A_218 = arith.constant 2176 : i32
                          %dma_start3A_219 = tpu.memref_slice %arg8[%dma_start3A_217, %dma_start3A_218] : memref<8x8192xf32, #tpu.memory_space<vmem>> -> memref<8x6016xf32, #tpu.memory_space<vmem>>
                          %dma_start3A_220 = arith.constant 67584 : i32
                          %dma_start3A_221 = tpu.memref_slice %arg4[%multiple_of3A_207, %dma_start3A_220] : memref<256x130816xf32, #tpu.memory_space<hbm>> -> memref<8x6016xf32, #tpu.memory_space<hbm>>
                          %dma_start3A_222 = arith.constant 67584 : i32
                          %dma_start3A_223 = tpu.memref_slice %arg4[%multiple_of3A_207, %dma_start3A_222] : memref<256x130816xf32, #tpu.memory_space<hbm>> -> memref<8x6016xf32, #tpu.memory_space<hbm>>
                          %dma_start3A_224 = arith.constant 0 : i32
                          %dma_start3A_225 = arith.constant 2176 : i32
                          %dma_start3A_226 = tpu.memref_slice %arg8[%dma_start3A_224, %dma_start3A_225] : memref<8x8192xf32, #tpu.memory_space<vmem>> -> memref<8x6016xf32, #tpu.memory_space<vmem>>
                          tpu.enqueue_dma source(%dma_start3A_226 : memref<8x6016xf32, #tpu.memory_space<vmem>>) target(%dma_start3A_223 : memref<8x6016xf32, #tpu.memory_space<hbm>>) target_semaphore(%arg11 : memref<!tpu.dma_semaphore, #tpu.memory_space<semaphore_mem>>)
                        }
                      } else {
                        %mul3A_201 = arith.constant 8 : i32
                        %mul3A_202 = arith.muli %mul3A_201, %add3A_58 : i32
                        %multiple_of3A_203 = tpu.assume_multiple %mul3A_202, 8 : i32
                        %dma_start3A = arith.constant 0 : i32
                        %dma_start3A_204 = arith.constant 0 : i32
                        %dma_start3A_205 = tpu.memref_slice %arg8[%dma_start3A, %dma_start3A_204] : memref<8x8192xf32, #tpu.memory_space<vmem>> -> memref<8x1920xf32, #tpu.memory_space<vmem>>
                        %dma_start3A_206 = arith.constant 6272 : i32
                        %dma_start3A_207 = tpu.memref_slice %arg4[%multiple_of3A_203, %dma_start3A_206] : memref<256x130816xf32, #tpu.memory_space<hbm>> -> memref<8x1920xf32, #tpu.memory_space<hbm>>
                        %dma_start3A_208 = arith.constant 6272 : i32
                        %dma_start3A_209 = tpu.memref_slice %arg4[%multiple_of3A_203, %dma_start3A_208] : memref<256x130816xf32, #tpu.memory_space<hbm>> -> memref<8x1920xf32, #tpu.memory_space<hbm>>
                        %dma_start3A_210 = arith.constant 0 : i32
                        %dma_start3A_211 = arith.constant 0 : i32
                        %dma_start3A_212 = tpu.memref_slice %arg8[%dma_start3A_210, %dma_start3A_211] : memref<8x8192xf32, #tpu.memory_space<vmem>> -> memref<8x1920xf32, #tpu.memory_space<vmem>>
                        tpu.enqueue_dma source(%dma_start3A_212 : memref<8x1920xf32, #tpu.memory_space<vmem>>) target(%dma_start3A_209 : memref<8x1920xf32, #tpu.memory_space<hbm>>) target_semaphore(%arg11 : memref<!tpu.dma_semaphore, #tpu.memory_space<semaphore_mem>>)
                        %dma_start3A_213 = arith.constant 0 : i32
                        %dma_start3A_214 = arith.constant 1920 : i32
                        %dma_start3A_215 = tpu.memref_slice %arg8[%dma_start3A_213, %dma_start3A_214] : memref<8x8192xf32, #tpu.memory_space<vmem>> -> memref<8x6272xf32, #tpu.memory_space<vmem>>
                        %dma_start3A_216 = arith.constant 73600 : i32
                        %dma_start3A_217 = tpu.memref_slice %arg4[%multiple_of3A_203, %dma_start3A_216] : memref<256x130816xf32, #tpu.memory_space<hbm>> -> memref<8x6272xf32, #tpu.memory_space<hbm>>
                        %dma_start3A_218 = arith.constant 73600 : i32
                        %dma_start3A_219 = tpu.memref_slice %arg4[%multiple_of3A_203, %dma_start3A_218] : memref<256x130816xf32, #tpu.memory_space<hbm>> -> memref<8x6272xf32, #tpu.memory_space<hbm>>
                        %dma_start3A_220 = arith.constant 0 : i32
                        %dma_start3A_221 = arith.constant 1920 : i32
                        %dma_start3A_222 = tpu.memref_slice %arg8[%dma_start3A_220, %dma_start3A_221] : memref<8x8192xf32, #tpu.memory_space<vmem>> -> memref<8x6272xf32, #tpu.memory_space<vmem>>
                        tpu.enqueue_dma source(%dma_start3A_222 : memref<8x6272xf32, #tpu.memory_space<vmem>>) target(%dma_start3A_219 : memref<8x6272xf32, #tpu.memory_space<hbm>>) target_semaphore(%arg11 : memref<!tpu.dma_semaphore, #tpu.memory_space<semaphore_mem>>)
                      }
                    } else {
                      %mul3A_197 = arith.constant 8 : i32
                      %mul3A_198 = arith.muli %mul3A_197, %add3A_58 : i32
                      %multiple_of3A_199 = tpu.assume_multiple %mul3A_198, 8 : i32
                      %dma_start3A = arith.constant 0 : i32
                      %dma_start3A_200 = arith.constant 0 : i32
                      %dma_start3A_201 = tpu.memref_slice %arg8[%dma_start3A, %dma_start3A_200] : memref<8x8192xf32, #tpu.memory_space<vmem>> -> memref<8x1664xf32, #tpu.memory_space<vmem>>
                      %dma_start3A_202 = arith.constant 4608 : i32
                      %dma_start3A_203 = tpu.memref_slice %arg4[%multiple_of3A_199, %dma_start3A_202] : memref<256x130816xf32, #tpu.memory_space<hbm>> -> memref<8x1664xf32, #tpu.memory_space<hbm>>
                      %dma_start3A_204 = arith.constant 4608 : i32
                      %dma_start3A_205 = tpu.memref_slice %arg4[%multiple_of3A_199, %dma_start3A_204] : memref<256x130816xf32, #tpu.memory_space<hbm>> -> memref<8x1664xf32, #tpu.memory_space<hbm>>
                      %dma_start3A_206 = arith.constant 0 : i32
                      %dma_start3A_207 = arith.constant 0 : i32
                      %dma_start3A_208 = tpu.memref_slice %arg8[%dma_start3A_206, %dma_start3A_207] : memref<8x8192xf32, #tpu.memory_space<vmem>> -> memref<8x1664xf32, #tpu.memory_space<vmem>>
                      tpu.enqueue_dma source(%dma_start3A_208 : memref<8x1664xf32, #tpu.memory_space<vmem>>) target(%dma_start3A_205 : memref<8x1664xf32, #tpu.memory_space<hbm>>) target_semaphore(%arg11 : memref<!tpu.dma_semaphore, #tpu.memory_space<semaphore_mem>>)
                      %dma_start3A_209 = arith.constant 0 : i32
                      %dma_start3A_210 = arith.constant 1664 : i32
                      %dma_start3A_211 = tpu.memref_slice %arg8[%dma_start3A_209, %dma_start3A_210] : memref<8x8192xf32, #tpu.memory_space<vmem>> -> memref<8x6528xf32, #tpu.memory_space<vmem>>
                      %dma_start3A_212 = arith.constant 79872 : i32
                      %dma_start3A_213 = tpu.memref_slice %arg4[%multiple_of3A_199, %dma_start3A_212] : memref<256x130816xf32, #tpu.memory_space<hbm>> -> memref<8x6528xf32, #tpu.memory_space<hbm>>
                      %dma_start3A_214 = arith.constant 79872 : i32
                      %dma_start3A_215 = tpu.memref_slice %arg4[%multiple_of3A_199, %dma_start3A_214] : memref<256x130816xf32, #tpu.memory_space<hbm>> -> memref<8x6528xf32, #tpu.memory_space<hbm>>
                      %dma_start3A_216 = arith.constant 0 : i32
                      %dma_start3A_217 = arith.constant 1664 : i32
                      %dma_start3A_218 = tpu.memref_slice %arg8[%dma_start3A_216, %dma_start3A_217] : memref<8x8192xf32, #tpu.memory_space<vmem>> -> memref<8x6528xf32, #tpu.memory_space<vmem>>
                      tpu.enqueue_dma source(%dma_start3A_218 : memref<8x6528xf32, #tpu.memory_space<vmem>>) target(%dma_start3A_215 : memref<8x6528xf32, #tpu.memory_space<hbm>>) target_semaphore(%arg11 : memref<!tpu.dma_semaphore, #tpu.memory_space<semaphore_mem>>)
                    }
                  } else {
                    %mul3A_193 = arith.constant 8 : i32
                    %mul3A_194 = arith.muli %mul3A_193, %add3A_58 : i32
                    %multiple_of3A_195 = tpu.assume_multiple %mul3A_194, 8 : i32
                    %dma_start3A = arith.constant 0 : i32
                    %dma_start3A_196 = arith.constant 0 : i32
                    %dma_start3A_197 = tpu.memref_slice %arg8[%dma_start3A, %dma_start3A_196] : memref<8x8192xf32, #tpu.memory_space<vmem>> -> memref<8x1408xf32, #tpu.memory_space<vmem>>
                    %dma_start3A_198 = arith.constant 3200 : i32
                    %dma_start3A_199 = tpu.memref_slice %arg4[%multiple_of3A_195, %dma_start3A_198] : memref<256x130816xf32, #tpu.memory_space<hbm>> -> memref<8x1408xf32, #tpu.memory_space<hbm>>
                    %dma_start3A_200 = arith.constant 3200 : i32
                    %dma_start3A_201 = tpu.memref_slice %arg4[%multiple_of3A_195, %dma_start3A_200] : memref<256x130816xf32, #tpu.memory_space<hbm>> -> memref<8x1408xf32, #tpu.memory_space<hbm>>
                    %dma_start3A_202 = arith.constant 0 : i32
                    %dma_start3A_203 = arith.constant 0 : i32
                    %dma_start3A_204 = tpu.memref_slice %arg8[%dma_start3A_202, %dma_start3A_203] : memref<8x8192xf32, #tpu.memory_space<vmem>> -> memref<8x1408xf32, #tpu.memory_space<vmem>>
                    tpu.enqueue_dma source(%dma_start3A_204 : memref<8x1408xf32, #tpu.memory_space<vmem>>) target(%dma_start3A_201 : memref<8x1408xf32, #tpu.memory_space<hbm>>) target_semaphore(%arg11 : memref<!tpu.dma_semaphore, #tpu.memory_space<semaphore_mem>>)
                    %dma_start3A_205 = arith.constant 0 : i32
                    %dma_start3A_206 = arith.constant 1408 : i32
                    %dma_start3A_207 = tpu.memref_slice %arg8[%dma_start3A_205, %dma_start3A_206] : memref<8x8192xf32, #tpu.memory_space<vmem>> -> memref<8x6784xf32, #tpu.memory_space<vmem>>
                    %dma_start3A_208 = arith.constant 86400 : i32
                    %dma_start3A_209 = tpu.memref_slice %arg4[%multiple_of3A_195, %dma_start3A_208] : memref<256x130816xf32, #tpu.memory_space<hbm>> -> memref<8x6784xf32, #tpu.memory_space<hbm>>
                    %dma_start3A_210 = arith.constant 86400 : i32
                    %dma_start3A_211 = tpu.memref_slice %arg4[%multiple_of3A_195, %dma_start3A_210] : memref<256x130816xf32, #tpu.memory_space<hbm>> -> memref<8x6784xf32, #tpu.memory_space<hbm>>
                    %dma_start3A_212 = arith.constant 0 : i32
                    %dma_start3A_213 = arith.constant 1408 : i32
                    %dma_start3A_214 = tpu.memref_slice %arg8[%dma_start3A_212, %dma_start3A_213] : memref<8x8192xf32, #tpu.memory_space<vmem>> -> memref<8x6784xf32, #tpu.memory_space<vmem>>
                    tpu.enqueue_dma source(%dma_start3A_214 : memref<8x6784xf32, #tpu.memory_space<vmem>>) target(%dma_start3A_211 : memref<8x6784xf32, #tpu.memory_space<hbm>>) target_semaphore(%arg11 : memref<!tpu.dma_semaphore, #tpu.memory_space<semaphore_mem>>)
                  }
                } else {
                  %mul3A_189 = arith.constant 8 : i32
                  %mul3A_190 = arith.muli %mul3A_189, %add3A_58 : i32
                  %multiple_of3A_191 = tpu.assume_multiple %mul3A_190, 8 : i32
                  %dma_start3A = arith.constant 0 : i32
                  %dma_start3A_192 = arith.constant 0 : i32
                  %dma_start3A_193 = tpu.memref_slice %arg8[%dma_start3A, %dma_start3A_192] : memref<8x8192xf32, #tpu.memory_space<vmem>> -> memref<8x1152xf32, #tpu.memory_space<vmem>>
                  %dma_start3A_194 = arith.constant 2048 : i32
                  %dma_start3A_195 = tpu.memref_slice %arg4[%multiple_of3A_191, %dma_start3A_194] : memref<256x130816xf32, #tpu.memory_space<hbm>> -> memref<8x1152xf32, #tpu.memory_space<hbm>>
                  %dma_start3A_196 = arith.constant 2048 : i32
                  %dma_start3A_197 = tpu.memref_slice %arg4[%multiple_of3A_191, %dma_start3A_196] : memref<256x130816xf32, #tpu.memory_space<hbm>> -> memref<8x1152xf32, #tpu.memory_space<hbm>>
                  %dma_start3A_198 = arith.constant 0 : i32
                  %dma_start3A_199 = arith.constant 0 : i32
                  %dma_start3A_200 = tpu.memref_slice %arg8[%dma_start3A_198, %dma_start3A_199] : memref<8x8192xf32, #tpu.memory_space<vmem>> -> memref<8x1152xf32, #tpu.memory_space<vmem>>
                  tpu.enqueue_dma source(%dma_start3A_200 : memref<8x1152xf32, #tpu.memory_space<vmem>>) target(%dma_start3A_197 : memref<8x1152xf32, #tpu.memory_space<hbm>>) target_semaphore(%arg11 : memref<!tpu.dma_semaphore, #tpu.memory_space<semaphore_mem>>)
                  %dma_start3A_201 = arith.constant 0 : i32
                  %dma_start3A_202 = arith.constant 1152 : i32
                  %dma_start3A_203 = tpu.memref_slice %arg8[%dma_start3A_201, %dma_start3A_202] : memref<8x8192xf32, #tpu.memory_space<vmem>> -> memref<8x7040xf32, #tpu.memory_space<vmem>>
                  %dma_start3A_204 = arith.constant 93184 : i32
                  %dma_start3A_205 = tpu.memref_slice %arg4[%multiple_of3A_191, %dma_start3A_204] : memref<256x130816xf32, #tpu.memory_space<hbm>> -> memref<8x7040xf32, #tpu.memory_space<hbm>>
                  %dma_start3A_206 = arith.constant 93184 : i32
                  %dma_start3A_207 = tpu.memref_slice %arg4[%multiple_of3A_191, %dma_start3A_206] : memref<256x130816xf32, #tpu.memory_space<hbm>> -> memref<8x7040xf32, #tpu.memory_space<hbm>>
                  %dma_start3A_208 = arith.constant 0 : i32
                  %dma_start3A_209 = arith.constant 1152 : i32
                  %dma_start3A_210 = tpu.memref_slice %arg8[%dma_start3A_208, %dma_start3A_209] : memref<8x8192xf32, #tpu.memory_space<vmem>> -> memref<8x7040xf32, #tpu.memory_space<vmem>>
                  tpu.enqueue_dma source(%dma_start3A_210 : memref<8x7040xf32, #tpu.memory_space<vmem>>) target(%dma_start3A_207 : memref<8x7040xf32, #tpu.memory_space<hbm>>) target_semaphore(%arg11 : memref<!tpu.dma_semaphore, #tpu.memory_space<semaphore_mem>>)
                }
              } else {
                %mul3A_185 = arith.constant 8 : i32
                %mul3A_186 = arith.muli %mul3A_185, %add3A_58 : i32
                %multiple_of3A_187 = tpu.assume_multiple %mul3A_186, 8 : i32
                %dma_start3A = arith.constant 0 : i32
                %dma_start3A_188 = arith.constant 0 : i32
                %dma_start3A_189 = tpu.memref_slice %arg8[%dma_start3A, %dma_start3A_188] : memref<8x8192xf32, #tpu.memory_space<vmem>> -> memref<8x896xf32, #tpu.memory_space<vmem>>
                %dma_start3A_190 = arith.constant 1152 : i32
                %dma_start3A_191 = tpu.memref_slice %arg4[%multiple_of3A_187, %dma_start3A_190] : memref<256x130816xf32, #tpu.memory_space<hbm>> -> memref<8x896xf32, #tpu.memory_space<hbm>>
                %dma_start3A_192 = arith.constant 1152 : i32
                %dma_start3A_193 = tpu.memref_slice %arg4[%multiple_of3A_187, %dma_start3A_192] : memref<256x130816xf32, #tpu.memory_space<hbm>> -> memref<8x896xf32, #tpu.memory_space<hbm>>
                %dma_start3A_194 = arith.constant 0 : i32
                %dma_start3A_195 = arith.constant 0 : i32
                %dma_start3A_196 = tpu.memref_slice %arg8[%dma_start3A_194, %dma_start3A_195] : memref<8x8192xf32, #tpu.memory_space<vmem>> -> memref<8x896xf32, #tpu.memory_space<vmem>>
                tpu.enqueue_dma source(%dma_start3A_196 : memref<8x896xf32, #tpu.memory_space<vmem>>) target(%dma_start3A_193 : memref<8x896xf32, #tpu.memory_space<hbm>>) target_semaphore(%arg11 : memref<!tpu.dma_semaphore, #tpu.memory_space<semaphore_mem>>)
                %dma_start3A_197 = arith.constant 0 : i32
                %dma_start3A_198 = arith.constant 896 : i32
                %dma_start3A_199 = tpu.memref_slice %arg8[%dma_start3A_197, %dma_start3A_198] : memref<8x8192xf32, #tpu.memory_space<vmem>> -> memref<8x7296xf32, #tpu.memory_space<vmem>>
                %dma_start3A_200 = arith.constant 100224 : i32
                %dma_start3A_201 = tpu.memref_slice %arg4[%multiple_of3A_187, %dma_start3A_200] : memref<256x130816xf32, #tpu.memory_space<hbm>> -> memref<8x7296xf32, #tpu.memory_space<hbm>>
                %dma_start3A_202 = arith.constant 100224 : i32
                %dma_start3A_203 = tpu.memref_slice %arg4[%multiple_of3A_187, %dma_start3A_202] : memref<256x130816xf32, #tpu.memory_space<hbm>> -> memref<8x7296xf32, #tpu.memory_space<hbm>>
                %dma_start3A_204 = arith.constant 0 : i32
                %dma_start3A_205 = arith.constant 896 : i32
                %dma_start3A_206 = tpu.memref_slice %arg8[%dma_start3A_204, %dma_start3A_205] : memref<8x8192xf32, #tpu.memory_space<vmem>> -> memref<8x7296xf32, #tpu.memory_space<vmem>>
                tpu.enqueue_dma source(%dma_start3A_206 : memref<8x7296xf32, #tpu.memory_space<vmem>>) target(%dma_start3A_203 : memref<8x7296xf32, #tpu.memory_space<hbm>>) target_semaphore(%arg11 : memref<!tpu.dma_semaphore, #tpu.memory_space<semaphore_mem>>)
              }
            } else {
              %mul3A_181 = arith.constant 8 : i32
              %mul3A_182 = arith.muli %mul3A_181, %add3A_58 : i32
              %multiple_of3A_183 = tpu.assume_multiple %mul3A_182, 8 : i32
              %dma_start3A = arith.constant 0 : i32
              %dma_start3A_184 = arith.constant 0 : i32
              %dma_start3A_185 = tpu.memref_slice %arg8[%dma_start3A, %dma_start3A_184] : memref<8x8192xf32, #tpu.memory_space<vmem>> -> memref<8x640xf32, #tpu.memory_space<vmem>>
              %dma_start3A_186 = arith.constant 512 : i32
              %dma_start3A_187 = tpu.memref_slice %arg4[%multiple_of3A_183, %dma_start3A_186] : memref<256x130816xf32, #tpu.memory_space<hbm>> -> memref<8x640xf32, #tpu.memory_space<hbm>>
              %dma_start3A_188 = arith.constant 512 : i32
              %dma_start3A_189 = tpu.memref_slice %arg4[%multiple_of3A_183, %dma_start3A_188] : memref<256x130816xf32, #tpu.memory_space<hbm>> -> memref<8x640xf32, #tpu.memory_space<hbm>>
              %dma_start3A_190 = arith.constant 0 : i32
              %dma_start3A_191 = arith.constant 0 : i32
              %dma_start3A_192 = tpu.memref_slice %arg8[%dma_start3A_190, %dma_start3A_191] : memref<8x8192xf32, #tpu.memory_space<vmem>> -> memref<8x640xf32, #tpu.memory_space<vmem>>
              tpu.enqueue_dma source(%dma_start3A_192 : memref<8x640xf32, #tpu.memory_space<vmem>>) target(%dma_start3A_189 : memref<8x640xf32, #tpu.memory_space<hbm>>) target_semaphore(%arg11 : memref<!tpu.dma_semaphore, #tpu.memory_space<semaphore_mem>>)
              %dma_start3A_193 = arith.constant 0 : i32
              %dma_start3A_194 = arith.constant 640 : i32
              %dma_start3A_195 = tpu.memref_slice %arg8[%dma_start3A_193, %dma_start3A_194] : memref<8x8192xf32, #tpu.memory_space<vmem>> -> memref<8x7552xf32, #tpu.memory_space<vmem>>
              %dma_start3A_196 = arith.constant 107520 : i32
              %dma_start3A_197 = tpu.memref_slice %arg4[%multiple_of3A_183, %dma_start3A_196] : memref<256x130816xf32, #tpu.memory_space<hbm>> -> memref<8x7552xf32, #tpu.memory_space<hbm>>
              %dma_start3A_198 = arith.constant 107520 : i32
              %dma_start3A_199 = tpu.memref_slice %arg4[%multiple_of3A_183, %dma_start3A_198] : memref<256x130816xf32, #tpu.memory_space<hbm>> -> memref<8x7552xf32, #tpu.memory_space<hbm>>
              %dma_start3A_200 = arith.constant 0 : i32
              %dma_start3A_201 = arith.constant 640 : i32
              %dma_start3A_202 = tpu.memref_slice %arg8[%dma_start3A_200, %dma_start3A_201] : memref<8x8192xf32, #tpu.memory_space<vmem>> -> memref<8x7552xf32, #tpu.memory_space<vmem>>
              tpu.enqueue_dma source(%dma_start3A_202 : memref<8x7552xf32, #tpu.memory_space<vmem>>) target(%dma_start3A_199 : memref<8x7552xf32, #tpu.memory_space<hbm>>) target_semaphore(%arg11 : memref<!tpu.dma_semaphore, #tpu.memory_space<semaphore_mem>>)
            }
          } else {
            %mul3A_177 = arith.constant 8 : i32
            %mul3A_178 = arith.muli %mul3A_177, %add3A_58 : i32
            %multiple_of3A_179 = tpu.assume_multiple %mul3A_178, 8 : i32
            %dma_start3A = arith.constant 0 : i32
            %dma_start3A_180 = arith.constant 0 : i32
            %dma_start3A_181 = tpu.memref_slice %arg8[%dma_start3A, %dma_start3A_180] : memref<8x8192xf32, #tpu.memory_space<vmem>> -> memref<8x384xf32, #tpu.memory_space<vmem>>
            %dma_start3A_182 = arith.constant 128 : i32
            %dma_start3A_183 = tpu.memref_slice %arg4[%multiple_of3A_179, %dma_start3A_182] : memref<256x130816xf32, #tpu.memory_space<hbm>> -> memref<8x384xf32, #tpu.memory_space<hbm>>
            %dma_start3A_184 = arith.constant 128 : i32
            %dma_start3A_185 = tpu.memref_slice %arg4[%multiple_of3A_179, %dma_start3A_184] : memref<256x130816xf32, #tpu.memory_space<hbm>> -> memref<8x384xf32, #tpu.memory_space<hbm>>
            %dma_start3A_186 = arith.constant 0 : i32
            %dma_start3A_187 = arith.constant 0 : i32
            %dma_start3A_188 = tpu.memref_slice %arg8[%dma_start3A_186, %dma_start3A_187] : memref<8x8192xf32, #tpu.memory_space<vmem>> -> memref<8x384xf32, #tpu.memory_space<vmem>>
            tpu.enqueue_dma source(%dma_start3A_188 : memref<8x384xf32, #tpu.memory_space<vmem>>) target(%dma_start3A_185 : memref<8x384xf32, #tpu.memory_space<hbm>>) target_semaphore(%arg11 : memref<!tpu.dma_semaphore, #tpu.memory_space<semaphore_mem>>)
            %dma_start3A_189 = arith.constant 0 : i32
            %dma_start3A_190 = arith.constant 384 : i32
            %dma_start3A_191 = tpu.memref_slice %arg8[%dma_start3A_189, %dma_start3A_190] : memref<8x8192xf32, #tpu.memory_space<vmem>> -> memref<8x7808xf32, #tpu.memory_space<vmem>>
            %dma_start3A_192 = arith.constant 115072 : i32
            %dma_start3A_193 = tpu.memref_slice %arg4[%multiple_of3A_179, %dma_start3A_192] : memref<256x130816xf32, #tpu.memory_space<hbm>> -> memref<8x7808xf32, #tpu.memory_space<hbm>>
            %dma_start3A_194 = arith.constant 115072 : i32
            %dma_start3A_195 = tpu.memref_slice %arg4[%multiple_of3A_179, %dma_start3A_194] : memref<256x130816xf32, #tpu.memory_space<hbm>> -> memref<8x7808xf32, #tpu.memory_space<hbm>>
            %dma_start3A_196 = arith.constant 0 : i32
            %dma_start3A_197 = arith.constant 384 : i32
            %dma_start3A_198 = tpu.memref_slice %arg8[%dma_start3A_196, %dma_start3A_197] : memref<8x8192xf32, #tpu.memory_space<vmem>> -> memref<8x7808xf32, #tpu.memory_space<vmem>>
            tpu.enqueue_dma source(%dma_start3A_198 : memref<8x7808xf32, #tpu.memory_space<vmem>>) target(%dma_start3A_195 : memref<8x7808xf32, #tpu.memory_space<hbm>>) target_semaphore(%arg11 : memref<!tpu.dma_semaphore, #tpu.memory_space<semaphore_mem>>)
          }
        } else {
          %mul3A_173 = arith.constant 8 : i32
          %mul3A_174 = arith.muli %mul3A_173, %add3A_58 : i32
          %multiple_of3A_175 = tpu.assume_multiple %mul3A_174, 8 : i32
          %dma_start3A = arith.constant 0 : i32
          %dma_start3A_176 = arith.constant 0 : i32
          %dma_start3A_177 = tpu.memref_slice %arg8[%dma_start3A, %dma_start3A_176] : memref<8x8192xf32, #tpu.memory_space<vmem>> -> memref<8x128xf32, #tpu.memory_space<vmem>>
          %dma_start3A_178 = arith.constant 0 : i32
          %dma_start3A_179 = tpu.memref_slice %arg4[%multiple_of3A_175, %dma_start3A_178] : memref<256x130816xf32, #tpu.memory_space<hbm>> -> memref<8x128xf32, #tpu.memory_space<hbm>>
          %dma_start3A_180 = arith.constant 0 : i32
          %dma_start3A_181 = tpu.memref_slice %arg4[%multiple_of3A_175, %dma_start3A_180] : memref<256x130816xf32, #tpu.memory_space<hbm>> -> memref<8x128xf32, #tpu.memory_space<hbm>>
          %dma_start3A_182 = arith.constant 0 : i32
          %dma_start3A_183 = arith.constant 0 : i32
          %dma_start3A_184 = tpu.memref_slice %arg8[%dma_start3A_182, %dma_start3A_183] : memref<8x8192xf32, #tpu.memory_space<vmem>> -> memref<8x128xf32, #tpu.memory_space<vmem>>
          tpu.enqueue_dma source(%dma_start3A_184 : memref<8x128xf32, #tpu.memory_space<vmem>>) target(%dma_start3A_181 : memref<8x128xf32, #tpu.memory_space<hbm>>) target_semaphore(%arg11 : memref<!tpu.dma_semaphore, #tpu.memory_space<semaphore_mem>>)
          %dma_start3A_185 = arith.constant 0 : i32
          %dma_start3A_186 = arith.constant 128 : i32
          %dma_start3A_187 = tpu.memref_slice %arg8[%dma_start3A_185, %dma_start3A_186] : memref<8x8192xf32, #tpu.memory_space<vmem>> -> memref<8x7936xf32, #tpu.memory_space<vmem>>
          %dma_start3A_188 = arith.constant 122880 : i32
          %dma_start3A_189 = tpu.memref_slice %arg4[%multiple_of3A_175, %dma_start3A_188] : memref<256x130816xf32, #tpu.memory_space<hbm>> -> memref<8x7936xf32, #tpu.memory_space<hbm>>
          %dma_start3A_190 = arith.constant 122880 : i32
          %dma_start3A_191 = tpu.memref_slice %arg4[%multiple_of3A_175, %dma_start3A_190] : memref<256x130816xf32, #tpu.memory_space<hbm>> -> memref<8x7936xf32, #tpu.memory_space<hbm>>
          %dma_start3A_192 = arith.constant 0 : i32
          %dma_start3A_193 = arith.constant 128 : i32
          %dma_start3A_194 = tpu.memref_slice %arg8[%dma_start3A_192, %dma_start3A_193] : memref<8x8192xf32, #tpu.memory_space<vmem>> -> memref<8x7936xf32, #tpu.memory_space<vmem>>
          tpu.enqueue_dma source(%dma_start3A_194 : memref<8x7936xf32, #tpu.memory_space<vmem>>) target(%dma_start3A_191 : memref<8x7936xf32, #tpu.memory_space<hbm>>) target_semaphore(%arg11 : memref<!tpu.dma_semaphore, #tpu.memory_space<semaphore_mem>>)
        }
      } else {
      }
      %mul3A_89 = arith.constant 2 : i32
      %mul3A_90 = arith.muli %mul3A_89, %scan3A_22 : i32
      %add3A_91 = arith.constant 1 : i32
      %add3A_92 = arith.addi %mul3A_90, %add3A_91 : i32
      %jit3A_93 = arith.constant 8 : i32
      %eq3A_94 = arith.constant 0 : i32
      %eq3A_95 = arith.cmpi eq, %jit3A_93, %eq3A_94 : i32
      %jit3A_96 = arith.constant 1 : i32
      %select_n3A_97 = arith.select %eq3A_95, %jit3A_96, %jit3A_93 : i32
      %rem3A_98 = arith.remsi %add3A_92, %select_n3A_97 : i32
      %ne3A_99 = arith.constant 0 : i32
      %ne3A_100 = arith.cmpi ne, %rem3A_98, %ne3A_99 : i32
      %lt3A_101 = arith.constant 0 : i32
      %lt3A_102 = arith.cmpi slt, %rem3A_98, %lt3A_101 : i32
      %lt3A_103 = arith.constant 0 : i32
      %lt3A_104 = arith.cmpi slt, %select_n3A_97, %lt3A_103 : i32
      %ne3A_105 = arith.xori %lt3A_102, %lt3A_104 : i1
      %and3A_106 = arith.andi %ne3A_105, %ne3A_100 : i1
      %add3A_107 = arith.addi %rem3A_98, %select_n3A_97 : i32
      %select_n3A_108 = arith.select %and3A_106, %add3A_107, %rem3A_98 : i32
      %jit3A_109 = arith.constant 8 : i32
      %div3A_110 = arith.divsi %add3A_92, %jit3A_109 : i32
      %sign3A_111 = arith.constant 0 : i32
      %sign3A_112 = arith.cmpi sgt, %add3A_92, %sign3A_111 : i32
      %sign3A_113 = arith.extui %sign3A_112 : i1 to i32
      %sign3A_114 = arith.constant 0 : i32
      %sign3A_115 = arith.cmpi slt, %add3A_92, %sign3A_114 : i32
      %sign3A_116 = arith.extui %sign3A_115 : i1 to i32
      %sign3A_117 = arith.subi %sign3A_113, %sign3A_116 : i32
      %sign3A_118 = arith.constant 0 : i32
      %sign3A_119 = arith.cmpi sgt, %jit3A_109, %sign3A_118 : i32
      %sign3A_120 = arith.extui %sign3A_119 : i1 to i32
      %sign3A_121 = arith.constant 0 : i32
      %sign3A_122 = arith.cmpi slt, %jit3A_109, %sign3A_121 : i32
      %sign3A_123 = arith.extui %sign3A_122 : i1 to i32
      %sign3A_124 = arith.subi %sign3A_120, %sign3A_123 : i32
      %ne3A_125 = arith.cmpi ne, %sign3A_117, %sign3A_124 : i32
      %rem3A_126 = arith.remsi %add3A_92, %jit3A_109 : i32
      %ne3A_127 = arith.constant 0 : i32
      %ne3A_128 = arith.cmpi ne, %rem3A_126, %ne3A_127 : i32
      %and3A_129 = arith.andi %ne3A_125, %ne3A_128 : i1
      %sub3A_130 = arith.constant 1 : i32
      %sub3A_131 = arith.subi %div3A_110, %sub3A_130 : i32
      %select_n3A_132 = arith.select %and3A_129, %sub3A_131, %div3A_110 : i32
      %mul3A_133 = arith.constant 2 : i32
      %mul3A_134 = arith.muli %mul3A_133, %select_n3A_132 : i32
      %add3A_135 = arith.addi %mul3A_134, %arg0 : i32
      %lt3A_136 = arith.constant 127 : i32
      %lt3A_137 = arith.cmpi slt, %add3A_92, %lt3A_136 : i32
      %convert_element_type3A_138 = arith.extui %lt3A_137 : i1 to i32
      %cond3A_139 = arith.constant 0 : i32
      %cond3A_140 = arith.cmpi ne, %convert_element_type3A_138, %cond3A_139 : i32
      scf.if %cond3A_140 {
        %add3A_167 = arith.constant 1 : i32
        %add3A_168 = arith.addi %add3A_92, %add3A_167 : i32
        %lt3A_169 = arith.constant 8 : i32
        %lt3A_170 = arith.cmpi slt, %arg1, %lt3A_169 : i32
        %convert_element_type3A_171 = arith.extui %lt3A_170 : i1 to i32
        %cond3A_172 = arith.constant 0 : i32
        %cond3A_173 = arith.cmpi ne, %convert_element_type3A_171, %cond3A_172 : i32
        scf.if %cond3A_173 {
          %jit3A_179 = arith.constant 8 : i32
          %div3A_180 = arith.divsi %add3A_168, %jit3A_179 : i32
          %sign3A_181 = arith.constant 0 : i32
          %sign3A_182 = arith.cmpi sgt, %add3A_168, %sign3A_181 : i32
          %sign3A_183 = arith.extui %sign3A_182 : i1 to i32
          %sign3A_184 = arith.constant 0 : i32
          %sign3A_185 = arith.cmpi slt, %add3A_168, %sign3A_184 : i32
          %sign3A_186 = arith.extui %sign3A_185 : i1 to i32
          %sign3A_187 = arith.subi %sign3A_183, %sign3A_186 : i32
          %sign3A_188 = arith.constant 0 : i32
          %sign3A_189 = arith.cmpi sgt, %jit3A_179, %sign3A_188 : i32
          %sign3A_190 = arith.extui %sign3A_189 : i1 to i32
          %sign3A_191 = arith.constant 0 : i32
          %sign3A_192 = arith.cmpi slt, %jit3A_179, %sign3A_191 : i32
          %sign3A_193 = arith.extui %sign3A_192 : i1 to i32
          %sign3A_194 = arith.subi %sign3A_190, %sign3A_193 : i32
          %ne3A_195 = arith.cmpi ne, %sign3A_187, %sign3A_194 : i32
          %rem3A_196 = arith.remsi %add3A_168, %jit3A_179 : i32
          %ne3A_197 = arith.constant 0 : i32
          %ne3A_198 = arith.cmpi ne, %rem3A_196, %ne3A_197 : i32
          %and3A_199 = arith.andi %ne3A_195, %ne3A_198 : i1
          %sub3A_200 = arith.constant 1 : i32
          %sub3A_201 = arith.subi %div3A_180, %sub3A_200 : i32
          %select_n3A_202 = arith.select %and3A_199, %sub3A_201, %div3A_180 : i32
          %mul3A_203 = arith.constant 2 : i32
          %mul3A_204 = arith.muli %mul3A_203, %select_n3A_202 : i32
          %add3A_205 = arith.addi %mul3A_204, %arg0 : i32
          %mul3A_206 = arith.constant 8 : i32
          %mul3A_207 = arith.muli %mul3A_206, %add3A_205 : i32
          %jit3A_208 = arith.constant 8 : i32
          %eq3A_209 = arith.constant 0 : i32
          %eq3A_210 = arith.cmpi eq, %jit3A_208, %eq3A_209 : i32
          %jit3A_211 = arith.constant 1 : i32
          %select_n3A_212 = arith.select %eq3A_210, %jit3A_211, %jit3A_208 : i32
          %rem3A_213 = arith.remsi %add3A_168, %select_n3A_212 : i32
          %ne3A_214 = arith.constant 0 : i32
          %ne3A_215 = arith.cmpi ne, %rem3A_213, %ne3A_214 : i32
          %lt3A_216 = arith.constant 0 : i32
          %lt3A_217 = arith.cmpi slt, %rem3A_213, %lt3A_216 : i32
          %lt3A_218 = arith.constant 0 : i32
          %lt3A_219 = arith.cmpi slt, %select_n3A_212, %lt3A_218 : i32
          %ne3A_220 = arith.xori %lt3A_217, %lt3A_219 : i1
          %and3A_221 = arith.andi %ne3A_220, %ne3A_215 : i1
          %add3A_222 = arith.addi %rem3A_213, %select_n3A_212 : i32
          %select_n3A_223 = arith.select %and3A_221, %add3A_222, %rem3A_213 : i32
          %add3A_224 = arith.addi %mul3A_207, %select_n3A_223 : i32
          %mul3A_225 = arith.constant 512 : i32
          %mul3A_226 = arith.muli %add3A_224, %mul3A_225 : i32
          %add3A_227 = arith.addi %mul3A_226, %mul3A_2 : i32
          %add3A_228 = arith.constant 16 : i32
          %add3A_229 = arith.addi %add3A_227, %add3A_228 : i32
          %multiple_of3A_230 = tpu.assume_multiple %add3A_229, 8 : i32
          %add3A_231 = arith.addi %mul3A_226, %sub3A_5 : i32
          %add3A_232 = arith.constant 16 : i32
          %add3A_233 = arith.addi %add3A_231, %add3A_232 : i32
          %min3A = arith.constant 131064 : i32
          %min3A_234 = arith.minsi %add3A_233, %min3A : i32
          %multiple_of3A_235 = tpu.assume_multiple %min3A_234, 8 : i32
          %add3A_236 = arith.addi %mul3A_226, %mul3A_2 : i32
          %multiple_of3A_237 = tpu.assume_multiple %add3A_236, 8 : i32
          %add3A_238 = arith.addi %mul3A_226, %sub3A_5 : i32
          %multiple_of3A_239 = tpu.assume_multiple %add3A_238, 8 : i32
          %dma_start3A = arith.constant 0 : i32
          %dma_start3A_240 = arith.constant 0 : i32
          %dma_start3A_241 = tpu.memref_slice %arg6[%dma_start3A, %dma_start3A_240] : memref<33x512xf32, #tpu.memory_space<vmem>> -> memref<16x128xf32, #tpu.memory_space<vmem>>
          %dma_start3A_242 = arith.constant 0 : i32
          %dma_start3A_243 = tpu.memref_slice %arg2[%multiple_of3A_237, %dma_start3A_242] : memref<131072x512xf32, #tpu.memory_space<hbm>> -> memref<16x128xf32, #tpu.memory_space<hbm>>
          %dma_start3A_244 = arith.constant 0 : i32
          %dma_start3A_245 = arith.constant 0 : i32
          %dma_start3A_246 = tpu.memref_slice %arg6[%dma_start3A_244, %dma_start3A_245] : memref<33x512xf32, #tpu.memory_space<vmem>> -> memref<16x128xf32, #tpu.memory_space<vmem>>
          %dma_start3A_247 = arith.constant 0 : i32
          %dma_start3A_248 = tpu.memref_slice %arg2[%multiple_of3A_237, %dma_start3A_247] : memref<131072x512xf32, #tpu.memory_space<hbm>> -> memref<16x128xf32, #tpu.memory_space<hbm>>
          tpu.enqueue_dma source(%dma_start3A_248 : memref<16x128xf32, #tpu.memory_space<hbm>>) target(%dma_start3A_246 : memref<16x128xf32, #tpu.memory_space<vmem>>) target_semaphore(%arg9 : memref<!tpu.dma_semaphore, #tpu.memory_space<semaphore_mem>>)
          %dma_start3A_249 = arith.constant 16 : i32
          %dma_start3A_250 = arith.constant 0 : i32
          %dma_start3A_251 = tpu.memref_slice %arg6[%dma_start3A_249, %dma_start3A_250] : memref<33x512xf32, #tpu.memory_space<vmem>> -> memref<16x512xf32, #tpu.memory_space<vmem>>
          %dma_start3A_252 = arith.constant 0 : i32
          %dma_start3A_253 = tpu.memref_slice %arg2[%multiple_of3A_239, %dma_start3A_252] : memref<131072x512xf32, #tpu.memory_space<hbm>> -> memref<16x512xf32, #tpu.memory_space<hbm>>
          %dma_start3A_254 = arith.constant 16 : i32
          %dma_start3A_255 = arith.constant 0 : i32
          %dma_start3A_256 = tpu.memref_slice %arg6[%dma_start3A_254, %dma_start3A_255] : memref<33x512xf32, #tpu.memory_space<vmem>> -> memref<16x512xf32, #tpu.memory_space<vmem>>
          %dma_start3A_257 = arith.constant 0 : i32
          %dma_start3A_258 = tpu.memref_slice %arg2[%multiple_of3A_239, %dma_start3A_257] : memref<131072x512xf32, #tpu.memory_space<hbm>> -> memref<16x512xf32, #tpu.memory_space<hbm>>
          tpu.enqueue_dma source(%dma_start3A_258 : memref<16x512xf32, #tpu.memory_space<hbm>>) target(%dma_start3A_256 : memref<16x512xf32, #tpu.memory_space<vmem>>) target_semaphore(%arg9 : memref<!tpu.dma_semaphore, #tpu.memory_space<semaphore_mem>>)
          %dma_start3A_259 = arith.constant 32 : i32
          %dma_start3A_260 = arith.constant 0 : i32
          %dma_start3A_261 = tpu.memref_slice %arg6[%dma_start3A_259, %dma_start3A_260] : memref<33x512xf32, #tpu.memory_space<vmem>> -> memref<1x128xf32, #tpu.memory_space<vmem>>
          %dma_start3A_262 = arith.constant 0 : i32
          %dma_start3A_263 = tpu.memref_slice %arg2[%multiple_of3A_230, %dma_start3A_262] : memref<131072x512xf32, #tpu.memory_space<hbm>> -> memref<1x128xf32, #tpu.memory_space<hbm>>
          %dma_start3A_264 = arith.constant 32 : i32
          %dma_start3A_265 = arith.constant 0 : i32
          %dma_start3A_266 = tpu.memref_slice %arg6[%dma_start3A_264, %dma_start3A_265] : memref<33x512xf32, #tpu.memory_space<vmem>> -> memref<1x128xf32, #tpu.memory_space<vmem>>
          %dma_start3A_267 = arith.constant 0 : i32
          %dma_start3A_268 = tpu.memref_slice %arg2[%multiple_of3A_230, %dma_start3A_267] : memref<131072x512xf32, #tpu.memory_space<hbm>> -> memref<1x128xf32, #tpu.memory_space<hbm>>
          tpu.enqueue_dma source(%dma_start3A_268 : memref<1x128xf32, #tpu.memory_space<hbm>>) target(%dma_start3A_266 : memref<1x128xf32, #tpu.memory_space<vmem>>) target_semaphore(%arg9 : memref<!tpu.dma_semaphore, #tpu.memory_space<semaphore_mem>>)
          %dma_start3A_269 = arith.constant 32 : i32
          %dma_start3A_270 = arith.constant 128 : i32
          %dma_start3A_271 = tpu.memref_slice %arg6[%dma_start3A_269, %dma_start3A_270] : memref<33x512xf32, #tpu.memory_space<vmem>> -> memref<1x128xf32, #tpu.memory_space<vmem>>
          %dma_start3A_272 = arith.constant 0 : i32
          %dma_start3A_273 = tpu.memref_slice %arg2[%multiple_of3A_235, %dma_start3A_272] : memref<131072x512xf32, #tpu.memory_space<hbm>> -> memref<1x128xf32, #tpu.memory_space<hbm>>
          %dma_start3A_274 = arith.constant 32 : i32
          %dma_start3A_275 = arith.constant 128 : i32
          %dma_start3A_276 = tpu.memref_slice %arg6[%dma_start3A_274, %dma_start3A_275] : memref<33x512xf32, #tpu.memory_space<vmem>> -> memref<1x128xf32, #tpu.memory_space<vmem>>
          %dma_start3A_277 = arith.constant 0 : i32
          %dma_start3A_278 = tpu.memref_slice %arg2[%multiple_of3A_235, %dma_start3A_277] : memref<131072x512xf32, #tpu.memory_space<hbm>> -> memref<1x128xf32, #tpu.memory_space<hbm>>
          tpu.enqueue_dma source(%dma_start3A_278 : memref<1x128xf32, #tpu.memory_space<hbm>>) target(%dma_start3A_276 : memref<1x128xf32, #tpu.memory_space<vmem>>) target_semaphore(%arg9 : memref<!tpu.dma_semaphore, #tpu.memory_space<semaphore_mem>>)
        } else {
        }
        %ge3A_174 = arith.constant 8 : i32
        %ge3A_175 = arith.cmpi sge, %arg1, %ge3A_174 : i32
        %convert_element_type3A_176 = arith.extui %ge3A_175 : i1 to i32
        %cond3A_177 = arith.constant 0 : i32
        %cond3A_178 = arith.cmpi ne, %convert_element_type3A_176, %cond3A_177 : i32
        scf.if %cond3A_178 {
          %jit3A_179 = arith.constant 8 : i32
          %div3A_180 = arith.divsi %add3A_168, %jit3A_179 : i32
          %sign3A_181 = arith.constant 0 : i32
          %sign3A_182 = arith.cmpi sgt, %add3A_168, %sign3A_181 : i32
          %sign3A_183 = arith.extui %sign3A_182 : i1 to i32
          %sign3A_184 = arith.constant 0 : i32
          %sign3A_185 = arith.cmpi slt, %add3A_168, %sign3A_184 : i32
          %sign3A_186 = arith.extui %sign3A_185 : i1 to i32
          %sign3A_187 = arith.subi %sign3A_183, %sign3A_186 : i32
          %sign3A_188 = arith.constant 0 : i32
          %sign3A_189 = arith.cmpi sgt, %jit3A_179, %sign3A_188 : i32
          %sign3A_190 = arith.extui %sign3A_189 : i1 to i32
          %sign3A_191 = arith.constant 0 : i32
          %sign3A_192 = arith.cmpi slt, %jit3A_179, %sign3A_191 : i32
          %sign3A_193 = arith.extui %sign3A_192 : i1 to i32
          %sign3A_194 = arith.subi %sign3A_190, %sign3A_193 : i32
          %ne3A_195 = arith.cmpi ne, %sign3A_187, %sign3A_194 : i32
          %rem3A_196 = arith.remsi %add3A_168, %jit3A_179 : i32
          %ne3A_197 = arith.constant 0 : i32
          %ne3A_198 = arith.cmpi ne, %rem3A_196, %ne3A_197 : i32
          %and3A_199 = arith.andi %ne3A_195, %ne3A_198 : i1
          %sub3A_200 = arith.constant 1 : i32
          %sub3A_201 = arith.subi %div3A_180, %sub3A_200 : i32
          %select_n3A_202 = arith.select %and3A_199, %sub3A_201, %div3A_180 : i32
          %mul3A_203 = arith.constant 2 : i32
          %mul3A_204 = arith.muli %mul3A_203, %select_n3A_202 : i32
          %add3A_205 = arith.addi %mul3A_204, %arg0 : i32
          %mul3A_206 = arith.constant 8 : i32
          %mul3A_207 = arith.muli %mul3A_206, %add3A_205 : i32
          %jit3A_208 = arith.constant 8 : i32
          %eq3A_209 = arith.constant 0 : i32
          %eq3A_210 = arith.cmpi eq, %jit3A_208, %eq3A_209 : i32
          %jit3A_211 = arith.constant 1 : i32
          %select_n3A_212 = arith.select %eq3A_210, %jit3A_211, %jit3A_208 : i32
          %rem3A_213 = arith.remsi %add3A_168, %select_n3A_212 : i32
          %ne3A_214 = arith.constant 0 : i32
          %ne3A_215 = arith.cmpi ne, %rem3A_213, %ne3A_214 : i32
          %lt3A_216 = arith.constant 0 : i32
          %lt3A_217 = arith.cmpi slt, %rem3A_213, %lt3A_216 : i32
          %lt3A_218 = arith.constant 0 : i32
          %lt3A_219 = arith.cmpi slt, %select_n3A_212, %lt3A_218 : i32
          %ne3A_220 = arith.xori %lt3A_217, %lt3A_219 : i1
          %and3A_221 = arith.andi %ne3A_220, %ne3A_215 : i1
          %add3A_222 = arith.addi %rem3A_213, %select_n3A_212 : i32
          %select_n3A_223 = arith.select %and3A_221, %add3A_222, %rem3A_213 : i32
          %add3A_224 = arith.addi %mul3A_207, %select_n3A_223 : i32
          %mul3A_225 = arith.constant 512 : i32
          %mul3A_226 = arith.muli %add3A_224, %mul3A_225 : i32
          %add3A_227 = arith.addi %mul3A_226, %mul3A_2 : i32
          %add3A_228 = arith.constant 16 : i32
          %add3A_229 = arith.addi %add3A_227, %add3A_228 : i32
          %multiple_of3A_230 = tpu.assume_multiple %add3A_229, 8 : i32
          %add3A_231 = arith.addi %mul3A_226, %sub3A_5 : i32
          %add3A_232 = arith.constant 16 : i32
          %add3A_233 = arith.addi %add3A_231, %add3A_232 : i32
          %min3A = arith.constant 131064 : i32
          %min3A_234 = arith.minsi %add3A_233, %min3A : i32
          %multiple_of3A_235 = tpu.assume_multiple %min3A_234, 8 : i32
          %add3A_236 = arith.addi %mul3A_226, %mul3A_2 : i32
          %multiple_of3A_237 = tpu.assume_multiple %add3A_236, 8 : i32
          %add3A_238 = arith.addi %mul3A_226, %sub3A_5 : i32
          %multiple_of3A_239 = tpu.assume_multiple %add3A_238, 8 : i32
          %dma_start3A = arith.constant 0 : i32
          %dma_start3A_240 = arith.constant 0 : i32
          %dma_start3A_241 = tpu.memref_slice %arg6[%dma_start3A, %dma_start3A_240] : memref<33x512xf32, #tpu.memory_space<vmem>> -> memref<16x256xf32, #tpu.memory_space<vmem>>
          %dma_start3A_242 = arith.constant 0 : i32
          %dma_start3A_243 = tpu.memref_slice %arg2[%multiple_of3A_237, %dma_start3A_242] : memref<131072x512xf32, #tpu.memory_space<hbm>> -> memref<16x256xf32, #tpu.memory_space<hbm>>
          %dma_start3A_244 = arith.constant 0 : i32
          %dma_start3A_245 = arith.constant 0 : i32
          %dma_start3A_246 = tpu.memref_slice %arg6[%dma_start3A_244, %dma_start3A_245] : memref<33x512xf32, #tpu.memory_space<vmem>> -> memref<16x256xf32, #tpu.memory_space<vmem>>
          %dma_start3A_247 = arith.constant 0 : i32
          %dma_start3A_248 = tpu.memref_slice %arg2[%multiple_of3A_237, %dma_start3A_247] : memref<131072x512xf32, #tpu.memory_space<hbm>> -> memref<16x256xf32, #tpu.memory_space<hbm>>
          tpu.enqueue_dma source(%dma_start3A_248 : memref<16x256xf32, #tpu.memory_space<hbm>>) target(%dma_start3A_246 : memref<16x256xf32, #tpu.memory_space<vmem>>) target_semaphore(%arg9 : memref<!tpu.dma_semaphore, #tpu.memory_space<semaphore_mem>>)
          %dma_start3A_249 = arith.constant 16 : i32
          %dma_start3A_250 = arith.constant 0 : i32
          %dma_start3A_251 = tpu.memref_slice %arg6[%dma_start3A_249, %dma_start3A_250] : memref<33x512xf32, #tpu.memory_space<vmem>> -> memref<16x384xf32, #tpu.memory_space<vmem>>
          %dma_start3A_252 = arith.constant 0 : i32
          %dma_start3A_253 = tpu.memref_slice %arg2[%multiple_of3A_239, %dma_start3A_252] : memref<131072x512xf32, #tpu.memory_space<hbm>> -> memref<16x384xf32, #tpu.memory_space<hbm>>
          %dma_start3A_254 = arith.constant 16 : i32
          %dma_start3A_255 = arith.constant 0 : i32
          %dma_start3A_256 = tpu.memref_slice %arg6[%dma_start3A_254, %dma_start3A_255] : memref<33x512xf32, #tpu.memory_space<vmem>> -> memref<16x384xf32, #tpu.memory_space<vmem>>
          %dma_start3A_257 = arith.constant 0 : i32
          %dma_start3A_258 = tpu.memref_slice %arg2[%multiple_of3A_239, %dma_start3A_257] : memref<131072x512xf32, #tpu.memory_space<hbm>> -> memref<16x384xf32, #tpu.memory_space<hbm>>
          tpu.enqueue_dma source(%dma_start3A_258 : memref<16x384xf32, #tpu.memory_space<hbm>>) target(%dma_start3A_256 : memref<16x384xf32, #tpu.memory_space<vmem>>) target_semaphore(%arg9 : memref<!tpu.dma_semaphore, #tpu.memory_space<semaphore_mem>>)
          %dma_start3A_259 = arith.constant 32 : i32
          %dma_start3A_260 = arith.constant 0 : i32
          %dma_start3A_261 = tpu.memref_slice %arg6[%dma_start3A_259, %dma_start3A_260] : memref<33x512xf32, #tpu.memory_space<vmem>> -> memref<1x128xf32, #tpu.memory_space<vmem>>
          %dma_start3A_262 = arith.constant 0 : i32
          %dma_start3A_263 = tpu.memref_slice %arg2[%multiple_of3A_230, %dma_start3A_262] : memref<131072x512xf32, #tpu.memory_space<hbm>> -> memref<1x128xf32, #tpu.memory_space<hbm>>
          %dma_start3A_264 = arith.constant 32 : i32
          %dma_start3A_265 = arith.constant 0 : i32
          %dma_start3A_266 = tpu.memref_slice %arg6[%dma_start3A_264, %dma_start3A_265] : memref<33x512xf32, #tpu.memory_space<vmem>> -> memref<1x128xf32, #tpu.memory_space<vmem>>
          %dma_start3A_267 = arith.constant 0 : i32
          %dma_start3A_268 = tpu.memref_slice %arg2[%multiple_of3A_230, %dma_start3A_267] : memref<131072x512xf32, #tpu.memory_space<hbm>> -> memref<1x128xf32, #tpu.memory_space<hbm>>
          tpu.enqueue_dma source(%dma_start3A_268 : memref<1x128xf32, #tpu.memory_space<hbm>>) target(%dma_start3A_266 : memref<1x128xf32, #tpu.memory_space<vmem>>) target_semaphore(%arg9 : memref<!tpu.dma_semaphore, #tpu.memory_space<semaphore_mem>>)
          %dma_start3A_269 = arith.constant 32 : i32
          %dma_start3A_270 = arith.constant 128 : i32
          %dma_start3A_271 = tpu.memref_slice %arg6[%dma_start3A_269, %dma_start3A_270] : memref<33x512xf32, #tpu.memory_space<vmem>> -> memref<1x128xf32, #tpu.memory_space<vmem>>
          %dma_start3A_272 = arith.constant 0 : i32
          %dma_start3A_273 = tpu.memref_slice %arg2[%multiple_of3A_235, %dma_start3A_272] : memref<131072x512xf32, #tpu.memory_space<hbm>> -> memref<1x128xf32, #tpu.memory_space<hbm>>
          %dma_start3A_274 = arith.constant 32 : i32
          %dma_start3A_275 = arith.constant 128 : i32
          %dma_start3A_276 = tpu.memref_slice %arg6[%dma_start3A_274, %dma_start3A_275] : memref<33x512xf32, #tpu.memory_space<vmem>> -> memref<1x128xf32, #tpu.memory_space<vmem>>
          %dma_start3A_277 = arith.constant 0 : i32
          %dma_start3A_278 = tpu.memref_slice %arg2[%multiple_of3A_235, %dma_start3A_277] : memref<131072x512xf32, #tpu.memory_space<hbm>> -> memref<1x128xf32, #tpu.memory_space<hbm>>
          tpu.enqueue_dma source(%dma_start3A_278 : memref<1x128xf32, #tpu.memory_space<hbm>>) target(%dma_start3A_276 : memref<1x128xf32, #tpu.memory_space<vmem>>) target_semaphore(%arg9 : memref<!tpu.dma_semaphore, #tpu.memory_space<semaphore_mem>>)
        } else {
        }
      } else {
      }
      %lt3A_141 = arith.constant 8 : i32
      %lt3A_142 = arith.cmpi slt, %arg1, %lt3A_141 : i32
      %convert_element_type3A_143 = arith.extui %lt3A_142 : i1 to i32
      %cond3A_144 = arith.constant 0 : i32
      %cond3A_145 = arith.cmpi ne, %convert_element_type3A_143, %cond3A_144 : i32
      scf.if %cond3A_145 {
        %jit3A_167 = arith.constant 8 : i32
        %div3A_168 = arith.divsi %add3A_92, %jit3A_167 : i32
        %sign3A_169 = arith.constant 0 : i32
        %sign3A_170 = arith.cmpi sgt, %add3A_92, %sign3A_169 : i32
        %sign3A_171 = arith.extui %sign3A_170 : i1 to i32
        %sign3A_172 = arith.constant 0 : i32
        %sign3A_173 = arith.cmpi slt, %add3A_92, %sign3A_172 : i32
        %sign3A_174 = arith.extui %sign3A_173 : i1 to i32
        %sign3A_175 = arith.subi %sign3A_171, %sign3A_174 : i32
        %sign3A_176 = arith.constant 0 : i32
        %sign3A_177 = arith.cmpi sgt, %jit3A_167, %sign3A_176 : i32
        %sign3A_178 = arith.extui %sign3A_177 : i1 to i32
        %sign3A_179 = arith.constant 0 : i32
        %sign3A_180 = arith.cmpi slt, %jit3A_167, %sign3A_179 : i32
        %sign3A_181 = arith.extui %sign3A_180 : i1 to i32
        %sign3A_182 = arith.subi %sign3A_178, %sign3A_181 : i32
        %ne3A_183 = arith.cmpi ne, %sign3A_175, %sign3A_182 : i32
        %rem3A_184 = arith.remsi %add3A_92, %jit3A_167 : i32
        %ne3A_185 = arith.constant 0 : i32
        %ne3A_186 = arith.cmpi ne, %rem3A_184, %ne3A_185 : i32
        %and3A_187 = arith.andi %ne3A_183, %ne3A_186 : i1
        %sub3A_188 = arith.constant 1 : i32
        %sub3A_189 = arith.subi %div3A_168, %sub3A_188 : i32
        %select_n3A_190 = arith.select %and3A_187, %sub3A_189, %div3A_168 : i32
        %mul3A_191 = arith.constant 2 : i32
        %mul3A_192 = arith.muli %mul3A_191, %select_n3A_190 : i32
        %add3A_193 = arith.addi %mul3A_192, %arg0 : i32
        %mul3A_194 = arith.constant 8 : i32
        %mul3A_195 = arith.muli %mul3A_194, %add3A_193 : i32
        %jit3A_196 = arith.constant 8 : i32
        %eq3A_197 = arith.constant 0 : i32
        %eq3A_198 = arith.cmpi eq, %jit3A_196, %eq3A_197 : i32
        %jit3A_199 = arith.constant 1 : i32
        %select_n3A_200 = arith.select %eq3A_198, %jit3A_199, %jit3A_196 : i32
        %rem3A_201 = arith.remsi %add3A_92, %select_n3A_200 : i32
        %ne3A_202 = arith.constant 0 : i32
        %ne3A_203 = arith.cmpi ne, %rem3A_201, %ne3A_202 : i32
        %lt3A_204 = arith.constant 0 : i32
        %lt3A_205 = arith.cmpi slt, %rem3A_201, %lt3A_204 : i32
        %lt3A_206 = arith.constant 0 : i32
        %lt3A_207 = arith.cmpi slt, %select_n3A_200, %lt3A_206 : i32
        %ne3A_208 = arith.xori %lt3A_205, %lt3A_207 : i1
        %and3A_209 = arith.andi %ne3A_208, %ne3A_203 : i1
        %add3A_210 = arith.addi %rem3A_201, %select_n3A_200 : i32
        %select_n3A_211 = arith.select %and3A_209, %add3A_210, %rem3A_201 : i32
        %add3A_212 = arith.addi %mul3A_195, %select_n3A_211 : i32
        %mul3A_213 = arith.constant 512 : i32
        %mul3A_214 = arith.muli %add3A_212, %mul3A_213 : i32
        %add3A_215 = arith.addi %mul3A_214, %mul3A_2 : i32
        %add3A_216 = arith.constant 16 : i32
        %add3A_217 = arith.addi %add3A_215, %add3A_216 : i32
        %multiple_of3A_218 = tpu.assume_multiple %add3A_217, 8 : i32
        %add3A_219 = arith.addi %mul3A_214, %sub3A_5 : i32
        %add3A_220 = arith.constant 16 : i32
        %add3A_221 = arith.addi %add3A_219, %add3A_220 : i32
        %min3A = arith.constant 131064 : i32
        %min3A_222 = arith.minsi %add3A_221, %min3A : i32
        %multiple_of3A_223 = tpu.assume_multiple %min3A_222, 8 : i32
        %add3A_224 = arith.addi %mul3A_214, %mul3A_2 : i32
        %multiple_of3A_225 = tpu.assume_multiple %add3A_224, 8 : i32
        %add3A_226 = arith.addi %mul3A_214, %sub3A_5 : i32
        %multiple_of3A_227 = tpu.assume_multiple %add3A_226, 8 : i32
        %dma_wait3A = arith.constant 0 : i32
        %dma_wait3A_228 = arith.constant 0 : i32
        %dma_wait3A_229 = tpu.memref_slice %arg7[%dma_wait3A, %dma_wait3A_228] : memref<33x512xf32, #tpu.memory_space<vmem>> -> memref<16x128xf32, #tpu.memory_space<vmem>>
        %dma_wait3A_230 = arith.constant 0 : i32
        %dma_wait3A_231 = tpu.memref_slice %arg2[%multiple_of3A_225, %dma_wait3A_230] : memref<131072x512xf32, #tpu.memory_space<hbm>> -> memref<16x128xf32, #tpu.memory_space<hbm>>
        %dma_wait3A_232 = arith.constant 0 : i32
        %dma_wait3A_233 = arith.constant 0 : i32
        %dma_wait3A_234 = tpu.memref_slice %arg7[%dma_wait3A_232, %dma_wait3A_233] : memref<33x512xf32, #tpu.memory_space<vmem>> -> memref<16x128xf32, #tpu.memory_space<vmem>>
        %dma_wait3A_235 = arith.constant 0 : i32
        %dma_wait3A_236 = tpu.memref_slice %arg2[%multiple_of3A_225, %dma_wait3A_235] : memref<131072x512xf32, #tpu.memory_space<hbm>> -> memref<16x128xf32, #tpu.memory_space<hbm>>
        tpu.wait_dma2 semaphore(%arg10 : memref<!tpu.dma_semaphore, #tpu.memory_space<semaphore_mem>>) src(%dma_wait3A_236 : memref<16x128xf32, #tpu.memory_space<hbm>>) dst(%dma_wait3A_234 : memref<16x128xf32, #tpu.memory_space<vmem>>)
        %dma_wait3A_237 = arith.constant 16 : i32
        %dma_wait3A_238 = arith.constant 0 : i32
        %dma_wait3A_239 = tpu.memref_slice %arg7[%dma_wait3A_237, %dma_wait3A_238] : memref<33x512xf32, #tpu.memory_space<vmem>> -> memref<16x512xf32, #tpu.memory_space<vmem>>
        %dma_wait3A_240 = arith.constant 0 : i32
        %dma_wait3A_241 = tpu.memref_slice %arg2[%multiple_of3A_227, %dma_wait3A_240] : memref<131072x512xf32, #tpu.memory_space<hbm>> -> memref<16x512xf32, #tpu.memory_space<hbm>>
        %dma_wait3A_242 = arith.constant 16 : i32
        %dma_wait3A_243 = arith.constant 0 : i32
        %dma_wait3A_244 = tpu.memref_slice %arg7[%dma_wait3A_242, %dma_wait3A_243] : memref<33x512xf32, #tpu.memory_space<vmem>> -> memref<16x512xf32, #tpu.memory_space<vmem>>
        %dma_wait3A_245 = arith.constant 0 : i32
        %dma_wait3A_246 = tpu.memref_slice %arg2[%multiple_of3A_227, %dma_wait3A_245] : memref<131072x512xf32, #tpu.memory_space<hbm>> -> memref<16x512xf32, #tpu.memory_space<hbm>>
        tpu.wait_dma2 semaphore(%arg10 : memref<!tpu.dma_semaphore, #tpu.memory_space<semaphore_mem>>) src(%dma_wait3A_246 : memref<16x512xf32, #tpu.memory_space<hbm>>) dst(%dma_wait3A_244 : memref<16x512xf32, #tpu.memory_space<vmem>>)
        %dma_wait3A_247 = arith.constant 32 : i32
        %dma_wait3A_248 = arith.constant 0 : i32
        %dma_wait3A_249 = tpu.memref_slice %arg7[%dma_wait3A_247, %dma_wait3A_248] : memref<33x512xf32, #tpu.memory_space<vmem>> -> memref<1x128xf32, #tpu.memory_space<vmem>>
        %dma_wait3A_250 = arith.constant 0 : i32
        %dma_wait3A_251 = tpu.memref_slice %arg2[%multiple_of3A_218, %dma_wait3A_250] : memref<131072x512xf32, #tpu.memory_space<hbm>> -> memref<1x128xf32, #tpu.memory_space<hbm>>
        %dma_wait3A_252 = arith.constant 32 : i32
        %dma_wait3A_253 = arith.constant 0 : i32
        %dma_wait3A_254 = tpu.memref_slice %arg7[%dma_wait3A_252, %dma_wait3A_253] : memref<33x512xf32, #tpu.memory_space<vmem>> -> memref<1x128xf32, #tpu.memory_space<vmem>>
        %dma_wait3A_255 = arith.constant 0 : i32
        %dma_wait3A_256 = tpu.memref_slice %arg2[%multiple_of3A_218, %dma_wait3A_255] : memref<131072x512xf32, #tpu.memory_space<hbm>> -> memref<1x128xf32, #tpu.memory_space<hbm>>
        tpu.wait_dma2 semaphore(%arg10 : memref<!tpu.dma_semaphore, #tpu.memory_space<semaphore_mem>>) src(%dma_wait3A_256 : memref<1x128xf32, #tpu.memory_space<hbm>>) dst(%dma_wait3A_254 : memref<1x128xf32, #tpu.memory_space<vmem>>)
        %dma_wait3A_257 = arith.constant 32 : i32
        %dma_wait3A_258 = arith.constant 128 : i32
        %dma_wait3A_259 = tpu.memref_slice %arg7[%dma_wait3A_257, %dma_wait3A_258] : memref<33x512xf32, #tpu.memory_space<vmem>> -> memref<1x128xf32, #tpu.memory_space<vmem>>
        %dma_wait3A_260 = arith.constant 0 : i32
        %dma_wait3A_261 = tpu.memref_slice %arg2[%multiple_of3A_223, %dma_wait3A_260] : memref<131072x512xf32, #tpu.memory_space<hbm>> -> memref<1x128xf32, #tpu.memory_space<hbm>>
        %dma_wait3A_262 = arith.constant 32 : i32
        %dma_wait3A_263 = arith.constant 128 : i32
        %dma_wait3A_264 = tpu.memref_slice %arg7[%dma_wait3A_262, %dma_wait3A_263] : memref<33x512xf32, #tpu.memory_space<vmem>> -> memref<1x128xf32, #tpu.memory_space<vmem>>
        %dma_wait3A_265 = arith.constant 0 : i32
        %dma_wait3A_266 = tpu.memref_slice %arg2[%multiple_of3A_223, %dma_wait3A_265] : memref<131072x512xf32, #tpu.memory_space<hbm>> -> memref<1x128xf32, #tpu.memory_space<hbm>>
        tpu.wait_dma2 semaphore(%arg10 : memref<!tpu.dma_semaphore, #tpu.memory_space<semaphore_mem>>) src(%dma_wait3A_266 : memref<1x128xf32, #tpu.memory_space<hbm>>) dst(%dma_wait3A_264 : memref<1x128xf32, #tpu.memory_space<vmem>>)
      } else {
      }
      %ge3A_146 = arith.constant 8 : i32
      %ge3A_147 = arith.cmpi sge, %arg1, %ge3A_146 : i32
      %convert_element_type3A_148 = arith.extui %ge3A_147 : i1 to i32
      %cond3A_149 = arith.constant 0 : i32
      %cond3A_150 = arith.cmpi ne, %convert_element_type3A_148, %cond3A_149 : i32
      scf.if %cond3A_150 {
        %jit3A_167 = arith.constant 8 : i32
        %div3A_168 = arith.divsi %add3A_92, %jit3A_167 : i32
        %sign3A_169 = arith.constant 0 : i32
        %sign3A_170 = arith.cmpi sgt, %add3A_92, %sign3A_169 : i32
        %sign3A_171 = arith.extui %sign3A_170 : i1 to i32
        %sign3A_172 = arith.constant 0 : i32
        %sign3A_173 = arith.cmpi slt, %add3A_92, %sign3A_172 : i32
        %sign3A_174 = arith.extui %sign3A_173 : i1 to i32
        %sign3A_175 = arith.subi %sign3A_171, %sign3A_174 : i32
        %sign3A_176 = arith.constant 0 : i32
        %sign3A_177 = arith.cmpi sgt, %jit3A_167, %sign3A_176 : i32
        %sign3A_178 = arith.extui %sign3A_177 : i1 to i32
        %sign3A_179 = arith.constant 0 : i32
        %sign3A_180 = arith.cmpi slt, %jit3A_167, %sign3A_179 : i32
        %sign3A_181 = arith.extui %sign3A_180 : i1 to i32
        %sign3A_182 = arith.subi %sign3A_178, %sign3A_181 : i32
        %ne3A_183 = arith.cmpi ne, %sign3A_175, %sign3A_182 : i32
        %rem3A_184 = arith.remsi %add3A_92, %jit3A_167 : i32
        %ne3A_185 = arith.constant 0 : i32
        %ne3A_186 = arith.cmpi ne, %rem3A_184, %ne3A_185 : i32
        %and3A_187 = arith.andi %ne3A_183, %ne3A_186 : i1
        %sub3A_188 = arith.constant 1 : i32
        %sub3A_189 = arith.subi %div3A_168, %sub3A_188 : i32
        %select_n3A_190 = arith.select %and3A_187, %sub3A_189, %div3A_168 : i32
        %mul3A_191 = arith.constant 2 : i32
        %mul3A_192 = arith.muli %mul3A_191, %select_n3A_190 : i32
        %add3A_193 = arith.addi %mul3A_192, %arg0 : i32
        %mul3A_194 = arith.constant 8 : i32
        %mul3A_195 = arith.muli %mul3A_194, %add3A_193 : i32
        %jit3A_196 = arith.constant 8 : i32
        %eq3A_197 = arith.constant 0 : i32
        %eq3A_198 = arith.cmpi eq, %jit3A_196, %eq3A_197 : i32
        %jit3A_199 = arith.constant 1 : i32
        %select_n3A_200 = arith.select %eq3A_198, %jit3A_199, %jit3A_196 : i32
        %rem3A_201 = arith.remsi %add3A_92, %select_n3A_200 : i32
        %ne3A_202 = arith.constant 0 : i32
        %ne3A_203 = arith.cmpi ne, %rem3A_201, %ne3A_202 : i32
        %lt3A_204 = arith.constant 0 : i32
        %lt3A_205 = arith.cmpi slt, %rem3A_201, %lt3A_204 : i32
        %lt3A_206 = arith.constant 0 : i32
        %lt3A_207 = arith.cmpi slt, %select_n3A_200, %lt3A_206 : i32
        %ne3A_208 = arith.xori %lt3A_205, %lt3A_207 : i1
        %and3A_209 = arith.andi %ne3A_208, %ne3A_203 : i1
        %add3A_210 = arith.addi %rem3A_201, %select_n3A_200 : i32
        %select_n3A_211 = arith.select %and3A_209, %add3A_210, %rem3A_201 : i32
        %add3A_212 = arith.addi %mul3A_195, %select_n3A_211 : i32
        %mul3A_213 = arith.constant 512 : i32
        %mul3A_214 = arith.muli %add3A_212, %mul3A_213 : i32
        %add3A_215 = arith.addi %mul3A_214, %mul3A_2 : i32
        %add3A_216 = arith.constant 16 : i32
        %add3A_217 = arith.addi %add3A_215, %add3A_216 : i32
        %multiple_of3A_218 = tpu.assume_multiple %add3A_217, 8 : i32
        %add3A_219 = arith.addi %mul3A_214, %sub3A_5 : i32
        %add3A_220 = arith.constant 16 : i32
        %add3A_221 = arith.addi %add3A_219, %add3A_220 : i32
        %min3A = arith.constant 131064 : i32
        %min3A_222 = arith.minsi %add3A_221, %min3A : i32
        %multiple_of3A_223 = tpu.assume_multiple %min3A_222, 8 : i32
        %add3A_224 = arith.addi %mul3A_214, %mul3A_2 : i32
        %multiple_of3A_225 = tpu.assume_multiple %add3A_224, 8 : i32
        %add3A_226 = arith.addi %mul3A_214, %sub3A_5 : i32
        %multiple_of3A_227 = tpu.assume_multiple %add3A_226, 8 : i32
        %dma_wait3A = arith.constant 0 : i32
        %dma_wait3A_228 = arith.constant 0 : i32
        %dma_wait3A_229 = tpu.memref_slice %arg7[%dma_wait3A, %dma_wait3A_228] : memref<33x512xf32, #tpu.memory_space<vmem>> -> memref<16x256xf32, #tpu.memory_space<vmem>>
        %dma_wait3A_230 = arith.constant 0 : i32
        %dma_wait3A_231 = tpu.memref_slice %arg2[%multiple_of3A_225, %dma_wait3A_230] : memref<131072x512xf32, #tpu.memory_space<hbm>> -> memref<16x256xf32, #tpu.memory_space<hbm>>
        %dma_wait3A_232 = arith.constant 0 : i32
        %dma_wait3A_233 = arith.constant 0 : i32
        %dma_wait3A_234 = tpu.memref_slice %arg7[%dma_wait3A_232, %dma_wait3A_233] : memref<33x512xf32, #tpu.memory_space<vmem>> -> memref<16x256xf32, #tpu.memory_space<vmem>>
        %dma_wait3A_235 = arith.constant 0 : i32
        %dma_wait3A_236 = tpu.memref_slice %arg2[%multiple_of3A_225, %dma_wait3A_235] : memref<131072x512xf32, #tpu.memory_space<hbm>> -> memref<16x256xf32, #tpu.memory_space<hbm>>
        tpu.wait_dma2 semaphore(%arg10 : memref<!tpu.dma_semaphore, #tpu.memory_space<semaphore_mem>>) src(%dma_wait3A_236 : memref<16x256xf32, #tpu.memory_space<hbm>>) dst(%dma_wait3A_234 : memref<16x256xf32, #tpu.memory_space<vmem>>)
        %dma_wait3A_237 = arith.constant 16 : i32
        %dma_wait3A_238 = arith.constant 0 : i32
        %dma_wait3A_239 = tpu.memref_slice %arg7[%dma_wait3A_237, %dma_wait3A_238] : memref<33x512xf32, #tpu.memory_space<vmem>> -> memref<16x384xf32, #tpu.memory_space<vmem>>
        %dma_wait3A_240 = arith.constant 0 : i32
        %dma_wait3A_241 = tpu.memref_slice %arg2[%multiple_of3A_227, %dma_wait3A_240] : memref<131072x512xf32, #tpu.memory_space<hbm>> -> memref<16x384xf32, #tpu.memory_space<hbm>>
        %dma_wait3A_242 = arith.constant 16 : i32
        %dma_wait3A_243 = arith.constant 0 : i32
        %dma_wait3A_244 = tpu.memref_slice %arg7[%dma_wait3A_242, %dma_wait3A_243] : memref<33x512xf32, #tpu.memory_space<vmem>> -> memref<16x384xf32, #tpu.memory_space<vmem>>
        %dma_wait3A_245 = arith.constant 0 : i32
        %dma_wait3A_246 = tpu.memref_slice %arg2[%multiple_of3A_227, %dma_wait3A_245] : memref<131072x512xf32, #tpu.memory_space<hbm>> -> memref<16x384xf32, #tpu.memory_space<hbm>>
        tpu.wait_dma2 semaphore(%arg10 : memref<!tpu.dma_semaphore, #tpu.memory_space<semaphore_mem>>) src(%dma_wait3A_246 : memref<16x384xf32, #tpu.memory_space<hbm>>) dst(%dma_wait3A_244 : memref<16x384xf32, #tpu.memory_space<vmem>>)
        %dma_wait3A_247 = arith.constant 32 : i32
        %dma_wait3A_248 = arith.constant 0 : i32
        %dma_wait3A_249 = tpu.memref_slice %arg7[%dma_wait3A_247, %dma_wait3A_248] : memref<33x512xf32, #tpu.memory_space<vmem>> -> memref<1x128xf32, #tpu.memory_space<vmem>>
        %dma_wait3A_250 = arith.constant 0 : i32
        %dma_wait3A_251 = tpu.memref_slice %arg2[%multiple_of3A_218, %dma_wait3A_250] : memref<131072x512xf32, #tpu.memory_space<hbm>> -> memref<1x128xf32, #tpu.memory_space<hbm>>
        %dma_wait3A_252 = arith.constant 32 : i32
        %dma_wait3A_253 = arith.constant 0 : i32
        %dma_wait3A_254 = tpu.memref_slice %arg7[%dma_wait3A_252, %dma_wait3A_253] : memref<33x512xf32, #tpu.memory_space<vmem>> -> memref<1x128xf32, #tpu.memory_space<vmem>>
        %dma_wait3A_255 = arith.constant 0 : i32
        %dma_wait3A_256 = tpu.memref_slice %arg2[%multiple_of3A_218, %dma_wait3A_255] : memref<131072x512xf32, #tpu.memory_space<hbm>> -> memref<1x128xf32, #tpu.memory_space<hbm>>
        tpu.wait_dma2 semaphore(%arg10 : memref<!tpu.dma_semaphore, #tpu.memory_space<semaphore_mem>>) src(%dma_wait3A_256 : memref<1x128xf32, #tpu.memory_space<hbm>>) dst(%dma_wait3A_254 : memref<1x128xf32, #tpu.memory_space<vmem>>)
        %dma_wait3A_257 = arith.constant 32 : i32
        %dma_wait3A_258 = arith.constant 128 : i32
        %dma_wait3A_259 = tpu.memref_slice %arg7[%dma_wait3A_257, %dma_wait3A_258] : memref<33x512xf32, #tpu.memory_space<vmem>> -> memref<1x128xf32, #tpu.memory_space<vmem>>
        %dma_wait3A_260 = arith.constant 0 : i32
        %dma_wait3A_261 = tpu.memref_slice %arg2[%multiple_of3A_223, %dma_wait3A_260] : memref<131072x512xf32, #tpu.memory_space<hbm>> -> memref<1x128xf32, #tpu.memory_space<hbm>>
        %dma_wait3A_262 = arith.constant 32 : i32
        %dma_wait3A_263 = arith.constant 128 : i32
        %dma_wait3A_264 = tpu.memref_slice %arg7[%dma_wait3A_262, %dma_wait3A_263] : memref<33x512xf32, #tpu.memory_space<vmem>> -> memref<1x128xf32, #tpu.memory_space<vmem>>
        %dma_wait3A_265 = arith.constant 0 : i32
        %dma_wait3A_266 = tpu.memref_slice %arg2[%multiple_of3A_223, %dma_wait3A_265] : memref<131072x512xf32, #tpu.memory_space<hbm>> -> memref<1x128xf32, #tpu.memory_space<hbm>>
        tpu.wait_dma2 semaphore(%arg10 : memref<!tpu.dma_semaphore, #tpu.memory_space<semaphore_mem>>) src(%dma_wait3A_266 : memref<1x128xf32, #tpu.memory_space<hbm>>) dst(%dma_wait3A_264 : memref<1x128xf32, #tpu.memory_space<vmem>>)
      } else {
      }
      %eq3A_151 = arith.constant 0 : i32
      %eq3A_152 = arith.cmpi eq, %select_n3A_108, %eq3A_151 : i32
      %ge3A_153 = arith.constant 8 : i32
      %ge3A_154 = arith.cmpi sge, %add3A_92, %ge3A_153 : i32
      %and3A_155 = arith.andi %eq3A_152, %ge3A_154 : i1
      %convert_element_type3A_156 = arith.extui %and3A_155 : i1 to i32
      %cond3A_157 = arith.constant 0 : i32
      %cond3A_158 = arith.cmpi ne, %convert_element_type3A_156, %cond3A_157 : i32
      scf.if %cond3A_158 {
        %clamp3A_167 = arith.constant 0 : i32
        %clamp3A_168 = arith.constant 15 : i32
        %clamp3A_169 = arith.maxsi %arg1, %clamp3A_167 : i32
        %clamp3A_170 = arith.minsi %clamp3A_169, %clamp3A_168 : i32
        %cond3A_171 = arith.constant 0 : i32
        %cond3A_172 = arith.cmpi ne, %clamp3A_170, %cond3A_171 : i32
        scf.if %cond3A_172 {
          %cond3A_173 = arith.constant 1 : i32
          %cond3A_174 = arith.subi %clamp3A_170, %cond3A_173 : i32
          %cond3A_175 = arith.constant 0 : i32
          %cond3A_176 = arith.cmpi ne, %cond3A_174, %cond3A_175 : i32
          scf.if %cond3A_176 {
            %cond3A_177 = arith.constant 1 : i32
            %cond3A_178 = arith.subi %cond3A_174, %cond3A_177 : i32
            %cond3A_179 = arith.constant 0 : i32
            %cond3A_180 = arith.cmpi ne, %cond3A_178, %cond3A_179 : i32
            scf.if %cond3A_180 {
              %cond3A_181 = arith.constant 1 : i32
              %cond3A_182 = arith.subi %cond3A_178, %cond3A_181 : i32
              %cond3A_183 = arith.constant 0 : i32
              %cond3A_184 = arith.cmpi ne, %cond3A_182, %cond3A_183 : i32
              scf.if %cond3A_184 {
                %cond3A_185 = arith.constant 1 : i32
                %cond3A_186 = arith.subi %cond3A_182, %cond3A_185 : i32
                %cond3A_187 = arith.constant 0 : i32
                %cond3A_188 = arith.cmpi ne, %cond3A_186, %cond3A_187 : i32
                scf.if %cond3A_188 {
                  %cond3A_189 = arith.constant 1 : i32
                  %cond3A_190 = arith.subi %cond3A_186, %cond3A_189 : i32
                  %cond3A_191 = arith.constant 0 : i32
                  %cond3A_192 = arith.cmpi ne, %cond3A_190, %cond3A_191 : i32
                  scf.if %cond3A_192 {
                    %cond3A_193 = arith.constant 1 : i32
                    %cond3A_194 = arith.subi %cond3A_190, %cond3A_193 : i32
                    %cond3A_195 = arith.constant 0 : i32
                    %cond3A_196 = arith.cmpi ne, %cond3A_194, %cond3A_195 : i32
                    scf.if %cond3A_196 {
                      %cond3A_197 = arith.constant 1 : i32
                      %cond3A_198 = arith.subi %cond3A_194, %cond3A_197 : i32
                      %cond3A_199 = arith.constant 0 : i32
                      %cond3A_200 = arith.cmpi ne, %cond3A_198, %cond3A_199 : i32
                      scf.if %cond3A_200 {
                        %cond3A_201 = arith.constant 1 : i32
                        %cond3A_202 = arith.subi %cond3A_198, %cond3A_201 : i32
                        %cond3A_203 = arith.constant 0 : i32
                        %cond3A_204 = arith.cmpi ne, %cond3A_202, %cond3A_203 : i32
                        scf.if %cond3A_204 {
                          %cond3A_205 = arith.constant 1 : i32
                          %cond3A_206 = arith.subi %cond3A_202, %cond3A_205 : i32
                          %cond3A_207 = arith.constant 0 : i32
                          %cond3A_208 = arith.cmpi ne, %cond3A_206, %cond3A_207 : i32
                          scf.if %cond3A_208 {
                            %cond3A_209 = arith.constant 1 : i32
                            %cond3A_210 = arith.subi %cond3A_206, %cond3A_209 : i32
                            %cond3A_211 = arith.constant 0 : i32
                            %cond3A_212 = arith.cmpi ne, %cond3A_210, %cond3A_211 : i32
                            scf.if %cond3A_212 {
                              %cond3A_213 = arith.constant 1 : i32
                              %cond3A_214 = arith.subi %cond3A_210, %cond3A_213 : i32
                              %cond3A_215 = arith.constant 0 : i32
                              %cond3A_216 = arith.cmpi ne, %cond3A_214, %cond3A_215 : i32
                              scf.if %cond3A_216 {
                                %cond3A_217 = arith.constant 1 : i32
                                %cond3A_218 = arith.subi %cond3A_214, %cond3A_217 : i32
                                %cond3A_219 = arith.constant 0 : i32
                                %cond3A_220 = arith.cmpi ne, %cond3A_218, %cond3A_219 : i32
                                scf.if %cond3A_220 {
                                  %cond3A_221 = arith.constant 1 : i32
                                  %cond3A_222 = arith.subi %cond3A_218, %cond3A_221 : i32
                                  %cond3A_223 = arith.constant 0 : i32
                                  %cond3A_224 = arith.cmpi ne, %cond3A_222, %cond3A_223 : i32
                                  scf.if %cond3A_224 {
                                    %cond3A_225 = arith.constant 1 : i32
                                    %cond3A_226 = arith.subi %cond3A_222, %cond3A_225 : i32
                                    %cond3A_227 = arith.constant 0 : i32
                                    %cond3A_228 = arith.cmpi ne, %cond3A_226, %cond3A_227 : i32
                                    scf.if %cond3A_228 {
                                      %mul3A_229 = arith.constant 8 : i32
                                      %mul3A_230 = arith.muli %mul3A_229, %add3A_135 : i32
                                      %multiple_of3A_231 = tpu.assume_multiple %mul3A_230, 8 : i32
                                      %dma_wait3A = arith.constant 0 : i32
                                      %dma_wait3A_232 = arith.constant 0 : i32
                                      %dma_wait3A_233 = tpu.memref_slice %arg8[%dma_wait3A, %dma_wait3A_232] : memref<8x8192xf32, #tpu.memory_space<vmem>> -> memref<8x3840xf32, #tpu.memory_space<vmem>>
                                      %dma_wait3A_234 = arith.constant 28800 : i32
                                      %dma_wait3A_235 = tpu.memref_slice %arg4[%multiple_of3A_231, %dma_wait3A_234] : memref<256x130816xf32, #tpu.memory_space<hbm>> -> memref<8x3840xf32, #tpu.memory_space<hbm>>
                                      %dma_wait3A_236 = arith.constant 28800 : i32
                                      %dma_wait3A_237 = tpu.memref_slice %arg4[%multiple_of3A_231, %dma_wait3A_236] : memref<256x130816xf32, #tpu.memory_space<hbm>> -> memref<8x3840xf32, #tpu.memory_space<hbm>>
                                      %dma_wait3A_238 = arith.constant 0 : i32
                                      %dma_wait3A_239 = arith.constant 0 : i32
                                      %dma_wait3A_240 = tpu.memref_slice %arg8[%dma_wait3A_238, %dma_wait3A_239] : memref<8x8192xf32, #tpu.memory_space<vmem>> -> memref<8x3840xf32, #tpu.memory_space<vmem>>
                                      tpu.wait_dma2 semaphore(%arg11 : memref<!tpu.dma_semaphore, #tpu.memory_space<semaphore_mem>>) src(%dma_wait3A_240 : memref<8x3840xf32, #tpu.memory_space<vmem>>) dst(%dma_wait3A_237 : memref<8x3840xf32, #tpu.memory_space<hbm>>)
                                      %dma_wait3A_241 = arith.constant 0 : i32
                                      %dma_wait3A_242 = arith.constant 3840 : i32
                                      %dma_wait3A_243 = tpu.memref_slice %arg8[%dma_wait3A_241, %dma_wait3A_242] : memref<8x8192xf32, #tpu.memory_space<vmem>> -> memref<8x4224xf32, #tpu.memory_space<vmem>>
                                      %dma_wait3A_244 = arith.constant 32640 : i32
                                      %dma_wait3A_245 = tpu.memref_slice %arg4[%multiple_of3A_231, %dma_wait3A_244] : memref<256x130816xf32, #tpu.memory_space<hbm>> -> memref<8x4224xf32, #tpu.memory_space<hbm>>
                                      %dma_wait3A_246 = arith.constant 32640 : i32
                                      %dma_wait3A_247 = tpu.memref_slice %arg4[%multiple_of3A_231, %dma_wait3A_246] : memref<256x130816xf32, #tpu.memory_space<hbm>> -> memref<8x4224xf32, #tpu.memory_space<hbm>>
                                      %dma_wait3A_248 = arith.constant 0 : i32
                                      %dma_wait3A_249 = arith.constant 3840 : i32
                                      %dma_wait3A_250 = tpu.memref_slice %arg8[%dma_wait3A_248, %dma_wait3A_249] : memref<8x8192xf32, #tpu.memory_space<vmem>> -> memref<8x4224xf32, #tpu.memory_space<vmem>>
                                      tpu.wait_dma2 semaphore(%arg11 : memref<!tpu.dma_semaphore, #tpu.memory_space<semaphore_mem>>) src(%dma_wait3A_250 : memref<8x4224xf32, #tpu.memory_space<vmem>>) dst(%dma_wait3A_247 : memref<8x4224xf32, #tpu.memory_space<hbm>>)
                                    } else {
                                      %mul3A_229 = arith.constant 8 : i32
                                      %mul3A_230 = arith.muli %mul3A_229, %add3A_135 : i32
                                      %multiple_of3A_231 = tpu.assume_multiple %mul3A_230, 8 : i32
                                      %dma_wait3A = arith.constant 0 : i32
                                      %dma_wait3A_232 = arith.constant 0 : i32
                                      %dma_wait3A_233 = tpu.memref_slice %arg8[%dma_wait3A, %dma_wait3A_232] : memref<8x8192xf32, #tpu.memory_space<vmem>> -> memref<8x3712xf32, #tpu.memory_space<vmem>>
                                      %dma_wait3A_234 = arith.constant 25088 : i32
                                      %dma_wait3A_235 = tpu.memref_slice %arg4[%multiple_of3A_231, %dma_wait3A_234] : memref<256x130816xf32, #tpu.memory_space<hbm>> -> memref<8x3712xf32, #tpu.memory_space<hbm>>
                                      %dma_wait3A_236 = arith.constant 25088 : i32
                                      %dma_wait3A_237 = tpu.memref_slice %arg4[%multiple_of3A_231, %dma_wait3A_236] : memref<256x130816xf32, #tpu.memory_space<hbm>> -> memref<8x3712xf32, #tpu.memory_space<hbm>>
                                      %dma_wait3A_238 = arith.constant 0 : i32
                                      %dma_wait3A_239 = arith.constant 0 : i32
                                      %dma_wait3A_240 = tpu.memref_slice %arg8[%dma_wait3A_238, %dma_wait3A_239] : memref<8x8192xf32, #tpu.memory_space<vmem>> -> memref<8x3712xf32, #tpu.memory_space<vmem>>
                                      tpu.wait_dma2 semaphore(%arg11 : memref<!tpu.dma_semaphore, #tpu.memory_space<semaphore_mem>>) src(%dma_wait3A_240 : memref<8x3712xf32, #tpu.memory_space<vmem>>) dst(%dma_wait3A_237 : memref<8x3712xf32, #tpu.memory_space<hbm>>)
                                      %dma_wait3A_241 = arith.constant 0 : i32
                                      %dma_wait3A_242 = arith.constant 3712 : i32
                                      %dma_wait3A_243 = tpu.memref_slice %arg8[%dma_wait3A_241, %dma_wait3A_242] : memref<8x8192xf32, #tpu.memory_space<vmem>> -> memref<8x4480xf32, #tpu.memory_space<vmem>>
                                      %dma_wait3A_244 = arith.constant 36864 : i32
                                      %dma_wait3A_245 = tpu.memref_slice %arg4[%multiple_of3A_231, %dma_wait3A_244] : memref<256x130816xf32, #tpu.memory_space<hbm>> -> memref<8x4480xf32, #tpu.memory_space<hbm>>
                                      %dma_wait3A_246 = arith.constant 36864 : i32
                                      %dma_wait3A_247 = tpu.memref_slice %arg4[%multiple_of3A_231, %dma_wait3A_246] : memref<256x130816xf32, #tpu.memory_space<hbm>> -> memref<8x4480xf32, #tpu.memory_space<hbm>>
                                      %dma_wait3A_248 = arith.constant 0 : i32
                                      %dma_wait3A_249 = arith.constant 3712 : i32
                                      %dma_wait3A_250 = tpu.memref_slice %arg8[%dma_wait3A_248, %dma_wait3A_249] : memref<8x8192xf32, #tpu.memory_space<vmem>> -> memref<8x4480xf32, #tpu.memory_space<vmem>>
                                      tpu.wait_dma2 semaphore(%arg11 : memref<!tpu.dma_semaphore, #tpu.memory_space<semaphore_mem>>) src(%dma_wait3A_250 : memref<8x4480xf32, #tpu.memory_space<vmem>>) dst(%dma_wait3A_247 : memref<8x4480xf32, #tpu.memory_space<hbm>>)
                                    }
                                  } else {
                                    %mul3A_225 = arith.constant 8 : i32
                                    %mul3A_226 = arith.muli %mul3A_225, %add3A_135 : i32
                                    %multiple_of3A_227 = tpu.assume_multiple %mul3A_226, 8 : i32
                                    %dma_wait3A = arith.constant 0 : i32
                                    %dma_wait3A_228 = arith.constant 0 : i32
                                    %dma_wait3A_229 = tpu.memref_slice %arg8[%dma_wait3A, %dma_wait3A_228] : memref<8x8192xf32, #tpu.memory_space<vmem>> -> memref<8x3456xf32, #tpu.memory_space<vmem>>
                                    %dma_wait3A_230 = arith.constant 21632 : i32
                                    %dma_wait3A_231 = tpu.memref_slice %arg4[%multiple_of3A_227, %dma_wait3A_230] : memref<256x130816xf32, #tpu.memory_space<hbm>> -> memref<8x3456xf32, #tpu.memory_space<hbm>>
                                    %dma_wait3A_232 = arith.constant 21632 : i32
                                    %dma_wait3A_233 = tpu.memref_slice %arg4[%multiple_of3A_227, %dma_wait3A_232] : memref<256x130816xf32, #tpu.memory_space<hbm>> -> memref<8x3456xf32, #tpu.memory_space<hbm>>
                                    %dma_wait3A_234 = arith.constant 0 : i32
                                    %dma_wait3A_235 = arith.constant 0 : i32
                                    %dma_wait3A_236 = tpu.memref_slice %arg8[%dma_wait3A_234, %dma_wait3A_235] : memref<8x8192xf32, #tpu.memory_space<vmem>> -> memref<8x3456xf32, #tpu.memory_space<vmem>>
                                    tpu.wait_dma2 semaphore(%arg11 : memref<!tpu.dma_semaphore, #tpu.memory_space<semaphore_mem>>) src(%dma_wait3A_236 : memref<8x3456xf32, #tpu.memory_space<vmem>>) dst(%dma_wait3A_233 : memref<8x3456xf32, #tpu.memory_space<hbm>>)
                                    %dma_wait3A_237 = arith.constant 0 : i32
                                    %dma_wait3A_238 = arith.constant 3456 : i32
                                    %dma_wait3A_239 = tpu.memref_slice %arg8[%dma_wait3A_237, %dma_wait3A_238] : memref<8x8192xf32, #tpu.memory_space<vmem>> -> memref<8x4736xf32, #tpu.memory_space<vmem>>
                                    %dma_wait3A_240 = arith.constant 41344 : i32
                                    %dma_wait3A_241 = tpu.memref_slice %arg4[%multiple_of3A_227, %dma_wait3A_240] : memref<256x130816xf32, #tpu.memory_space<hbm>> -> memref<8x4736xf32, #tpu.memory_space<hbm>>
                                    %dma_wait3A_242 = arith.constant 41344 : i32
                                    %dma_wait3A_243 = tpu.memref_slice %arg4[%multiple_of3A_227, %dma_wait3A_242] : memref<256x130816xf32, #tpu.memory_space<hbm>> -> memref<8x4736xf32, #tpu.memory_space<hbm>>
                                    %dma_wait3A_244 = arith.constant 0 : i32
                                    %dma_wait3A_245 = arith.constant 3456 : i32
                                    %dma_wait3A_246 = tpu.memref_slice %arg8[%dma_wait3A_244, %dma_wait3A_245] : memref<8x8192xf32, #tpu.memory_space<vmem>> -> memref<8x4736xf32, #tpu.memory_space<vmem>>
                                    tpu.wait_dma2 semaphore(%arg11 : memref<!tpu.dma_semaphore, #tpu.memory_space<semaphore_mem>>) src(%dma_wait3A_246 : memref<8x4736xf32, #tpu.memory_space<vmem>>) dst(%dma_wait3A_243 : memref<8x4736xf32, #tpu.memory_space<hbm>>)
                                  }
                                } else {
                                  %mul3A_221 = arith.constant 8 : i32
                                  %mul3A_222 = arith.muli %mul3A_221, %add3A_135 : i32
                                  %multiple_of3A_223 = tpu.assume_multiple %mul3A_222, 8 : i32
                                  %dma_wait3A = arith.constant 0 : i32
                                  %dma_wait3A_224 = arith.constant 0 : i32
                                  %dma_wait3A_225 = tpu.memref_slice %arg8[%dma_wait3A, %dma_wait3A_224] : memref<8x8192xf32, #tpu.memory_space<vmem>> -> memref<8x3200xf32, #tpu.memory_space<vmem>>
                                  %dma_wait3A_226 = arith.constant 18432 : i32
                                  %dma_wait3A_227 = tpu.memref_slice %arg4[%multiple_of3A_223, %dma_wait3A_226] : memref<256x130816xf32, #tpu.memory_space<hbm>> -> memref<8x3200xf32, #tpu.memory_space<hbm>>
                                  %dma_wait3A_228 = arith.constant 18432 : i32
                                  %dma_wait3A_229 = tpu.memref_slice %arg4[%multiple_of3A_223, %dma_wait3A_228] : memref<256x130816xf32, #tpu.memory_space<hbm>> -> memref<8x3200xf32, #tpu.memory_space<hbm>>
                                  %dma_wait3A_230 = arith.constant 0 : i32
                                  %dma_wait3A_231 = arith.constant 0 : i32
                                  %dma_wait3A_232 = tpu.memref_slice %arg8[%dma_wait3A_230, %dma_wait3A_231] : memref<8x8192xf32, #tpu.memory_space<vmem>> -> memref<8x3200xf32, #tpu.memory_space<vmem>>
                                  tpu.wait_dma2 semaphore(%arg11 : memref<!tpu.dma_semaphore, #tpu.memory_space<semaphore_mem>>) src(%dma_wait3A_232 : memref<8x3200xf32, #tpu.memory_space<vmem>>) dst(%dma_wait3A_229 : memref<8x3200xf32, #tpu.memory_space<hbm>>)
                                  %dma_wait3A_233 = arith.constant 0 : i32
                                  %dma_wait3A_234 = arith.constant 3200 : i32
                                  %dma_wait3A_235 = tpu.memref_slice %arg8[%dma_wait3A_233, %dma_wait3A_234] : memref<8x8192xf32, #tpu.memory_space<vmem>> -> memref<8x4992xf32, #tpu.memory_space<vmem>>
                                  %dma_wait3A_236 = arith.constant 46080 : i32
                                  %dma_wait3A_237 = tpu.memref_slice %arg4[%multiple_of3A_223, %dma_wait3A_236] : memref<256x130816xf32, #tpu.memory_space<hbm>> -> memref<8x4992xf32, #tpu.memory_space<hbm>>
                                  %dma_wait3A_238 = arith.constant 46080 : i32
                                  %dma_wait3A_239 = tpu.memref_slice %arg4[%multiple_of3A_223, %dma_wait3A_238] : memref<256x130816xf32, #tpu.memory_space<hbm>> -> memref<8x4992xf32, #tpu.memory_space<hbm>>
                                  %dma_wait3A_240 = arith.constant 0 : i32
                                  %dma_wait3A_241 = arith.constant 3200 : i32
                                  %dma_wait3A_242 = tpu.memref_slice %arg8[%dma_wait3A_240, %dma_wait3A_241] : memref<8x8192xf32, #tpu.memory_space<vmem>> -> memref<8x4992xf32, #tpu.memory_space<vmem>>
                                  tpu.wait_dma2 semaphore(%arg11 : memref<!tpu.dma_semaphore, #tpu.memory_space<semaphore_mem>>) src(%dma_wait3A_242 : memref<8x4992xf32, #tpu.memory_space<vmem>>) dst(%dma_wait3A_239 : memref<8x4992xf32, #tpu.memory_space<hbm>>)
                                }
                              } else {
                                %mul3A_217 = arith.constant 8 : i32
                                %mul3A_218 = arith.muli %mul3A_217, %add3A_135 : i32
                                %multiple_of3A_219 = tpu.assume_multiple %mul3A_218, 8 : i32
                                %dma_wait3A = arith.constant 0 : i32
                                %dma_wait3A_220 = arith.constant 0 : i32
                                %dma_wait3A_221 = tpu.memref_slice %arg8[%dma_wait3A, %dma_wait3A_220] : memref<8x8192xf32, #tpu.memory_space<vmem>> -> memref<8x2944xf32, #tpu.memory_space<vmem>>
                                %dma_wait3A_222 = arith.constant 15488 : i32
                                %dma_wait3A_223 = tpu.memref_slice %arg4[%multiple_of3A_219, %dma_wait3A_222] : memref<256x130816xf32, #tpu.memory_space<hbm>> -> memref<8x2944xf32, #tpu.memory_space<hbm>>
                                %dma_wait3A_224 = arith.constant 15488 : i32
                                %dma_wait3A_225 = tpu.memref_slice %arg4[%multiple_of3A_219, %dma_wait3A_224] : memref<256x130816xf32, #tpu.memory_space<hbm>> -> memref<8x2944xf32, #tpu.memory_space<hbm>>
                                %dma_wait3A_226 = arith.constant 0 : i32
                                %dma_wait3A_227 = arith.constant 0 : i32
                                %dma_wait3A_228 = tpu.memref_slice %arg8[%dma_wait3A_226, %dma_wait3A_227] : memref<8x8192xf32, #tpu.memory_space<vmem>> -> memref<8x2944xf32, #tpu.memory_space<vmem>>
                                tpu.wait_dma2 semaphore(%arg11 : memref<!tpu.dma_semaphore, #tpu.memory_space<semaphore_mem>>) src(%dma_wait3A_228 : memref<8x2944xf32, #tpu.memory_space<vmem>>) dst(%dma_wait3A_225 : memref<8x2944xf32, #tpu.memory_space<hbm>>)
                                %dma_wait3A_229 = arith.constant 0 : i32
                                %dma_wait3A_230 = arith.constant 2944 : i32
                                %dma_wait3A_231 = tpu.memref_slice %arg8[%dma_wait3A_229, %dma_wait3A_230] : memref<8x8192xf32, #tpu.memory_space<vmem>> -> memref<8x5248xf32, #tpu.memory_space<vmem>>
                                %dma_wait3A_232 = arith.constant 51072 : i32
                                %dma_wait3A_233 = tpu.memref_slice %arg4[%multiple_of3A_219, %dma_wait3A_232] : memref<256x130816xf32, #tpu.memory_space<hbm>> -> memref<8x5248xf32, #tpu.memory_space<hbm>>
                                %dma_wait3A_234 = arith.constant 51072 : i32
                                %dma_wait3A_235 = tpu.memref_slice %arg4[%multiple_of3A_219, %dma_wait3A_234] : memref<256x130816xf32, #tpu.memory_space<hbm>> -> memref<8x5248xf32, #tpu.memory_space<hbm>>
                                %dma_wait3A_236 = arith.constant 0 : i32
                                %dma_wait3A_237 = arith.constant 2944 : i32
                                %dma_wait3A_238 = tpu.memref_slice %arg8[%dma_wait3A_236, %dma_wait3A_237] : memref<8x8192xf32, #tpu.memory_space<vmem>> -> memref<8x5248xf32, #tpu.memory_space<vmem>>
                                tpu.wait_dma2 semaphore(%arg11 : memref<!tpu.dma_semaphore, #tpu.memory_space<semaphore_mem>>) src(%dma_wait3A_238 : memref<8x5248xf32, #tpu.memory_space<vmem>>) dst(%dma_wait3A_235 : memref<8x5248xf32, #tpu.memory_space<hbm>>)
                              }
                            } else {
                              %mul3A_213 = arith.constant 8 : i32
                              %mul3A_214 = arith.muli %mul3A_213, %add3A_135 : i32
                              %multiple_of3A_215 = tpu.assume_multiple %mul3A_214, 8 : i32
                              %dma_wait3A = arith.constant 0 : i32
                              %dma_wait3A_216 = arith.constant 0 : i32
                              %dma_wait3A_217 = tpu.memref_slice %arg8[%dma_wait3A, %dma_wait3A_216] : memref<8x8192xf32, #tpu.memory_space<vmem>> -> memref<8x2688xf32, #tpu.memory_space<vmem>>
                              %dma_wait3A_218 = arith.constant 12800 : i32
                              %dma_wait3A_219 = tpu.memref_slice %arg4[%multiple_of3A_215, %dma_wait3A_218] : memref<256x130816xf32, #tpu.memory_space<hbm>> -> memref<8x2688xf32, #tpu.memory_space<hbm>>
                              %dma_wait3A_220 = arith.constant 12800 : i32
                              %dma_wait3A_221 = tpu.memref_slice %arg4[%multiple_of3A_215, %dma_wait3A_220] : memref<256x130816xf32, #tpu.memory_space<hbm>> -> memref<8x2688xf32, #tpu.memory_space<hbm>>
                              %dma_wait3A_222 = arith.constant 0 : i32
                              %dma_wait3A_223 = arith.constant 0 : i32
                              %dma_wait3A_224 = tpu.memref_slice %arg8[%dma_wait3A_222, %dma_wait3A_223] : memref<8x8192xf32, #tpu.memory_space<vmem>> -> memref<8x2688xf32, #tpu.memory_space<vmem>>
                              tpu.wait_dma2 semaphore(%arg11 : memref<!tpu.dma_semaphore, #tpu.memory_space<semaphore_mem>>) src(%dma_wait3A_224 : memref<8x2688xf32, #tpu.memory_space<vmem>>) dst(%dma_wait3A_221 : memref<8x2688xf32, #tpu.memory_space<hbm>>)
                              %dma_wait3A_225 = arith.constant 0 : i32
                              %dma_wait3A_226 = arith.constant 2688 : i32
                              %dma_wait3A_227 = tpu.memref_slice %arg8[%dma_wait3A_225, %dma_wait3A_226] : memref<8x8192xf32, #tpu.memory_space<vmem>> -> memref<8x5504xf32, #tpu.memory_space<vmem>>
                              %dma_wait3A_228 = arith.constant 56320 : i32
                              %dma_wait3A_229 = tpu.memref_slice %arg4[%multiple_of3A_215, %dma_wait3A_228] : memref<256x130816xf32, #tpu.memory_space<hbm>> -> memref<8x5504xf32, #tpu.memory_space<hbm>>
                              %dma_wait3A_230 = arith.constant 56320 : i32
                              %dma_wait3A_231 = tpu.memref_slice %arg4[%multiple_of3A_215, %dma_wait3A_230] : memref<256x130816xf32, #tpu.memory_space<hbm>> -> memref<8x5504xf32, #tpu.memory_space<hbm>>
                              %dma_wait3A_232 = arith.constant 0 : i32
                              %dma_wait3A_233 = arith.constant 2688 : i32
                              %dma_wait3A_234 = tpu.memref_slice %arg8[%dma_wait3A_232, %dma_wait3A_233] : memref<8x8192xf32, #tpu.memory_space<vmem>> -> memref<8x5504xf32, #tpu.memory_space<vmem>>
                              tpu.wait_dma2 semaphore(%arg11 : memref<!tpu.dma_semaphore, #tpu.memory_space<semaphore_mem>>) src(%dma_wait3A_234 : memref<8x5504xf32, #tpu.memory_space<vmem>>) dst(%dma_wait3A_231 : memref<8x5504xf32, #tpu.memory_space<hbm>>)
                            }
                          } else {
                            %mul3A_209 = arith.constant 8 : i32
                            %mul3A_210 = arith.muli %mul3A_209, %add3A_135 : i32
                            %multiple_of3A_211 = tpu.assume_multiple %mul3A_210, 8 : i32
                            %dma_wait3A = arith.constant 0 : i32
                            %dma_wait3A_212 = arith.constant 0 : i32
                            %dma_wait3A_213 = tpu.memref_slice %arg8[%dma_wait3A, %dma_wait3A_212] : memref<8x8192xf32, #tpu.memory_space<vmem>> -> memref<8x2432xf32, #tpu.memory_space<vmem>>
                            %dma_wait3A_214 = arith.constant 10368 : i32
                            %dma_wait3A_215 = tpu.memref_slice %arg4[%multiple_of3A_211, %dma_wait3A_214] : memref<256x130816xf32, #tpu.memory_space<hbm>> -> memref<8x2432xf32, #tpu.memory_space<hbm>>
                            %dma_wait3A_216 = arith.constant 10368 : i32
                            %dma_wait3A_217 = tpu.memref_slice %arg4[%multiple_of3A_211, %dma_wait3A_216] : memref<256x130816xf32, #tpu.memory_space<hbm>> -> memref<8x2432xf32, #tpu.memory_space<hbm>>
                            %dma_wait3A_218 = arith.constant 0 : i32
                            %dma_wait3A_219 = arith.constant 0 : i32
                            %dma_wait3A_220 = tpu.memref_slice %arg8[%dma_wait3A_218, %dma_wait3A_219] : memref<8x8192xf32, #tpu.memory_space<vmem>> -> memref<8x2432xf32, #tpu.memory_space<vmem>>
                            tpu.wait_dma2 semaphore(%arg11 : memref<!tpu.dma_semaphore, #tpu.memory_space<semaphore_mem>>) src(%dma_wait3A_220 : memref<8x2432xf32, #tpu.memory_space<vmem>>) dst(%dma_wait3A_217 : memref<8x2432xf32, #tpu.memory_space<hbm>>)
                            %dma_wait3A_221 = arith.constant 0 : i32
                            %dma_wait3A_222 = arith.constant 2432 : i32
                            %dma_wait3A_223 = tpu.memref_slice %arg8[%dma_wait3A_221, %dma_wait3A_222] : memref<8x8192xf32, #tpu.memory_space<vmem>> -> memref<8x5760xf32, #tpu.memory_space<vmem>>
                            %dma_wait3A_224 = arith.constant 61824 : i32
                            %dma_wait3A_225 = tpu.memref_slice %arg4[%multiple_of3A_211, %dma_wait3A_224] : memref<256x130816xf32, #tpu.memory_space<hbm>> -> memref<8x5760xf32, #tpu.memory_space<hbm>>
                            %dma_wait3A_226 = arith.constant 61824 : i32
                            %dma_wait3A_227 = tpu.memref_slice %arg4[%multiple_of3A_211, %dma_wait3A_226] : memref<256x130816xf32, #tpu.memory_space<hbm>> -> memref<8x5760xf32, #tpu.memory_space<hbm>>
                            %dma_wait3A_228 = arith.constant 0 : i32
                            %dma_wait3A_229 = arith.constant 2432 : i32
                            %dma_wait3A_230 = tpu.memref_slice %arg8[%dma_wait3A_228, %dma_wait3A_229] : memref<8x8192xf32, #tpu.memory_space<vmem>> -> memref<8x5760xf32, #tpu.memory_space<vmem>>
                            tpu.wait_dma2 semaphore(%arg11 : memref<!tpu.dma_semaphore, #tpu.memory_space<semaphore_mem>>) src(%dma_wait3A_230 : memref<8x5760xf32, #tpu.memory_space<vmem>>) dst(%dma_wait3A_227 : memref<8x5760xf32, #tpu.memory_space<hbm>>)
                          }
                        } else {
                          %mul3A_205 = arith.constant 8 : i32
                          %mul3A_206 = arith.muli %mul3A_205, %add3A_135 : i32
                          %multiple_of3A_207 = tpu.assume_multiple %mul3A_206, 8 : i32
                          %dma_wait3A = arith.constant 0 : i32
                          %dma_wait3A_208 = arith.constant 0 : i32
                          %dma_wait3A_209 = tpu.memref_slice %arg8[%dma_wait3A, %dma_wait3A_208] : memref<8x8192xf32, #tpu.memory_space<vmem>> -> memref<8x2176xf32, #tpu.memory_space<vmem>>
                          %dma_wait3A_210 = arith.constant 8192 : i32
                          %dma_wait3A_211 = tpu.memref_slice %arg4[%multiple_of3A_207, %dma_wait3A_210] : memref<256x130816xf32, #tpu.memory_space<hbm>> -> memref<8x2176xf32, #tpu.memory_space<hbm>>
                          %dma_wait3A_212 = arith.constant 8192 : i32
                          %dma_wait3A_213 = tpu.memref_slice %arg4[%multiple_of3A_207, %dma_wait3A_212] : memref<256x130816xf32, #tpu.memory_space<hbm>> -> memref<8x2176xf32, #tpu.memory_space<hbm>>
                          %dma_wait3A_214 = arith.constant 0 : i32
                          %dma_wait3A_215 = arith.constant 0 : i32
                          %dma_wait3A_216 = tpu.memref_slice %arg8[%dma_wait3A_214, %dma_wait3A_215] : memref<8x8192xf32, #tpu.memory_space<vmem>> -> memref<8x2176xf32, #tpu.memory_space<vmem>>
                          tpu.wait_dma2 semaphore(%arg11 : memref<!tpu.dma_semaphore, #tpu.memory_space<semaphore_mem>>) src(%dma_wait3A_216 : memref<8x2176xf32, #tpu.memory_space<vmem>>) dst(%dma_wait3A_213 : memref<8x2176xf32, #tpu.memory_space<hbm>>)
                          %dma_wait3A_217 = arith.constant 0 : i32
                          %dma_wait3A_218 = arith.constant 2176 : i32
                          %dma_wait3A_219 = tpu.memref_slice %arg8[%dma_wait3A_217, %dma_wait3A_218] : memref<8x8192xf32, #tpu.memory_space<vmem>> -> memref<8x6016xf32, #tpu.memory_space<vmem>>
                          %dma_wait3A_220 = arith.constant 67584 : i32
                          %dma_wait3A_221 = tpu.memref_slice %arg4[%multiple_of3A_207, %dma_wait3A_220] : memref<256x130816xf32, #tpu.memory_space<hbm>> -> memref<8x6016xf32, #tpu.memory_space<hbm>>
                          %dma_wait3A_222 = arith.constant 67584 : i32
                          %dma_wait3A_223 = tpu.memref_slice %arg4[%multiple_of3A_207, %dma_wait3A_222] : memref<256x130816xf32, #tpu.memory_space<hbm>> -> memref<8x6016xf32, #tpu.memory_space<hbm>>
                          %dma_wait3A_224 = arith.constant 0 : i32
                          %dma_wait3A_225 = arith.constant 2176 : i32
                          %dma_wait3A_226 = tpu.memref_slice %arg8[%dma_wait3A_224, %dma_wait3A_225] : memref<8x8192xf32, #tpu.memory_space<vmem>> -> memref<8x6016xf32, #tpu.memory_space<vmem>>
                          tpu.wait_dma2 semaphore(%arg11 : memref<!tpu.dma_semaphore, #tpu.memory_space<semaphore_mem>>) src(%dma_wait3A_226 : memref<8x6016xf32, #tpu.memory_space<vmem>>) dst(%dma_wait3A_223 : memref<8x6016xf32, #tpu.memory_space<hbm>>)
                        }
                      } else {
                        %mul3A_201 = arith.constant 8 : i32
                        %mul3A_202 = arith.muli %mul3A_201, %add3A_135 : i32
                        %multiple_of3A_203 = tpu.assume_multiple %mul3A_202, 8 : i32
                        %dma_wait3A = arith.constant 0 : i32
                        %dma_wait3A_204 = arith.constant 0 : i32
                        %dma_wait3A_205 = tpu.memref_slice %arg8[%dma_wait3A, %dma_wait3A_204] : memref<8x8192xf32, #tpu.memory_space<vmem>> -> memref<8x1920xf32, #tpu.memory_space<vmem>>
                        %dma_wait3A_206 = arith.constant 6272 : i32
                        %dma_wait3A_207 = tpu.memref_slice %arg4[%multiple_of3A_203, %dma_wait3A_206] : memref<256x130816xf32, #tpu.memory_space<hbm>> -> memref<8x1920xf32, #tpu.memory_space<hbm>>
                        %dma_wait3A_208 = arith.constant 6272 : i32
                        %dma_wait3A_209 = tpu.memref_slice %arg4[%multiple_of3A_203, %dma_wait3A_208] : memref<256x130816xf32, #tpu.memory_space<hbm>> -> memref<8x1920xf32, #tpu.memory_space<hbm>>
                        %dma_wait3A_210 = arith.constant 0 : i32
                        %dma_wait3A_211 = arith.constant 0 : i32
                        %dma_wait3A_212 = tpu.memref_slice %arg8[%dma_wait3A_210, %dma_wait3A_211] : memref<8x8192xf32, #tpu.memory_space<vmem>> -> memref<8x1920xf32, #tpu.memory_space<vmem>>
                        tpu.wait_dma2 semaphore(%arg11 : memref<!tpu.dma_semaphore, #tpu.memory_space<semaphore_mem>>) src(%dma_wait3A_212 : memref<8x1920xf32, #tpu.memory_space<vmem>>) dst(%dma_wait3A_209 : memref<8x1920xf32, #tpu.memory_space<hbm>>)
                        %dma_wait3A_213 = arith.constant 0 : i32
                        %dma_wait3A_214 = arith.constant 1920 : i32
                        %dma_wait3A_215 = tpu.memref_slice %arg8[%dma_wait3A_213, %dma_wait3A_214] : memref<8x8192xf32, #tpu.memory_space<vmem>> -> memref<8x6272xf32, #tpu.memory_space<vmem>>
                        %dma_wait3A_216 = arith.constant 73600 : i32
                        %dma_wait3A_217 = tpu.memref_slice %arg4[%multiple_of3A_203, %dma_wait3A_216] : memref<256x130816xf32, #tpu.memory_space<hbm>> -> memref<8x6272xf32, #tpu.memory_space<hbm>>
                        %dma_wait3A_218 = arith.constant 73600 : i32
                        %dma_wait3A_219 = tpu.memref_slice %arg4[%multiple_of3A_203, %dma_wait3A_218] : memref<256x130816xf32, #tpu.memory_space<hbm>> -> memref<8x6272xf32, #tpu.memory_space<hbm>>
                        %dma_wait3A_220 = arith.constant 0 : i32
                        %dma_wait3A_221 = arith.constant 1920 : i32
                        %dma_wait3A_222 = tpu.memref_slice %arg8[%dma_wait3A_220, %dma_wait3A_221] : memref<8x8192xf32, #tpu.memory_space<vmem>> -> memref<8x6272xf32, #tpu.memory_space<vmem>>
                        tpu.wait_dma2 semaphore(%arg11 : memref<!tpu.dma_semaphore, #tpu.memory_space<semaphore_mem>>) src(%dma_wait3A_222 : memref<8x6272xf32, #tpu.memory_space<vmem>>) dst(%dma_wait3A_219 : memref<8x6272xf32, #tpu.memory_space<hbm>>)
                      }
                    } else {
                      %mul3A_197 = arith.constant 8 : i32
                      %mul3A_198 = arith.muli %mul3A_197, %add3A_135 : i32
                      %multiple_of3A_199 = tpu.assume_multiple %mul3A_198, 8 : i32
                      %dma_wait3A = arith.constant 0 : i32
                      %dma_wait3A_200 = arith.constant 0 : i32
                      %dma_wait3A_201 = tpu.memref_slice %arg8[%dma_wait3A, %dma_wait3A_200] : memref<8x8192xf32, #tpu.memory_space<vmem>> -> memref<8x1664xf32, #tpu.memory_space<vmem>>
                      %dma_wait3A_202 = arith.constant 4608 : i32
                      %dma_wait3A_203 = tpu.memref_slice %arg4[%multiple_of3A_199, %dma_wait3A_202] : memref<256x130816xf32, #tpu.memory_space<hbm>> -> memref<8x1664xf32, #tpu.memory_space<hbm>>
                      %dma_wait3A_204 = arith.constant 4608 : i32
                      %dma_wait3A_205 = tpu.memref_slice %arg4[%multiple_of3A_199, %dma_wait3A_204] : memref<256x130816xf32, #tpu.memory_space<hbm>> -> memref<8x1664xf32, #tpu.memory_space<hbm>>
                      %dma_wait3A_206 = arith.constant 0 : i32
                      %dma_wait3A_207 = arith.constant 0 : i32
                      %dma_wait3A_208 = tpu.memref_slice %arg8[%dma_wait3A_206, %dma_wait3A_207] : memref<8x8192xf32, #tpu.memory_space<vmem>> -> memref<8x1664xf32, #tpu.memory_space<vmem>>
                      tpu.wait_dma2 semaphore(%arg11 : memref<!tpu.dma_semaphore, #tpu.memory_space<semaphore_mem>>) src(%dma_wait3A_208 : memref<8x1664xf32, #tpu.memory_space<vmem>>) dst(%dma_wait3A_205 : memref<8x1664xf32, #tpu.memory_space<hbm>>)
                      %dma_wait3A_209 = arith.constant 0 : i32
                      %dma_wait3A_210 = arith.constant 1664 : i32
                      %dma_wait3A_211 = tpu.memref_slice %arg8[%dma_wait3A_209, %dma_wait3A_210] : memref<8x8192xf32, #tpu.memory_space<vmem>> -> memref<8x6528xf32, #tpu.memory_space<vmem>>
                      %dma_wait3A_212 = arith.constant 79872 : i32
                      %dma_wait3A_213 = tpu.memref_slice %arg4[%multiple_of3A_199, %dma_wait3A_212] : memref<256x130816xf32, #tpu.memory_space<hbm>> -> memref<8x6528xf32, #tpu.memory_space<hbm>>
                      %dma_wait3A_214 = arith.constant 79872 : i32
                      %dma_wait3A_215 = tpu.memref_slice %arg4[%multiple_of3A_199, %dma_wait3A_214] : memref<256x130816xf32, #tpu.memory_space<hbm>> -> memref<8x6528xf32, #tpu.memory_space<hbm>>
                      %dma_wait3A_216 = arith.constant 0 : i32
                      %dma_wait3A_217 = arith.constant 1664 : i32
                      %dma_wait3A_218 = tpu.memref_slice %arg8[%dma_wait3A_216, %dma_wait3A_217] : memref<8x8192xf32, #tpu.memory_space<vmem>> -> memref<8x6528xf32, #tpu.memory_space<vmem>>
                      tpu.wait_dma2 semaphore(%arg11 : memref<!tpu.dma_semaphore, #tpu.memory_space<semaphore_mem>>) src(%dma_wait3A_218 : memref<8x6528xf32, #tpu.memory_space<vmem>>) dst(%dma_wait3A_215 : memref<8x6528xf32, #tpu.memory_space<hbm>>)
                    }
                  } else {
                    %mul3A_193 = arith.constant 8 : i32
                    %mul3A_194 = arith.muli %mul3A_193, %add3A_135 : i32
                    %multiple_of3A_195 = tpu.assume_multiple %mul3A_194, 8 : i32
                    %dma_wait3A = arith.constant 0 : i32
                    %dma_wait3A_196 = arith.constant 0 : i32
                    %dma_wait3A_197 = tpu.memref_slice %arg8[%dma_wait3A, %dma_wait3A_196] : memref<8x8192xf32, #tpu.memory_space<vmem>> -> memref<8x1408xf32, #tpu.memory_space<vmem>>
                    %dma_wait3A_198 = arith.constant 3200 : i32
                    %dma_wait3A_199 = tpu.memref_slice %arg4[%multiple_of3A_195, %dma_wait3A_198] : memref<256x130816xf32, #tpu.memory_space<hbm>> -> memref<8x1408xf32, #tpu.memory_space<hbm>>
                    %dma_wait3A_200 = arith.constant 3200 : i32
                    %dma_wait3A_201 = tpu.memref_slice %arg4[%multiple_of3A_195, %dma_wait3A_200] : memref<256x130816xf32, #tpu.memory_space<hbm>> -> memref<8x1408xf32, #tpu.memory_space<hbm>>
                    %dma_wait3A_202 = arith.constant 0 : i32
                    %dma_wait3A_203 = arith.constant 0 : i32
                    %dma_wait3A_204 = tpu.memref_slice %arg8[%dma_wait3A_202, %dma_wait3A_203] : memref<8x8192xf32, #tpu.memory_space<vmem>> -> memref<8x1408xf32, #tpu.memory_space<vmem>>
                    tpu.wait_dma2 semaphore(%arg11 : memref<!tpu.dma_semaphore, #tpu.memory_space<semaphore_mem>>) src(%dma_wait3A_204 : memref<8x1408xf32, #tpu.memory_space<vmem>>) dst(%dma_wait3A_201 : memref<8x1408xf32, #tpu.memory_space<hbm>>)
                    %dma_wait3A_205 = arith.constant 0 : i32
                    %dma_wait3A_206 = arith.constant 1408 : i32
                    %dma_wait3A_207 = tpu.memref_slice %arg8[%dma_wait3A_205, %dma_wait3A_206] : memref<8x8192xf32, #tpu.memory_space<vmem>> -> memref<8x6784xf32, #tpu.memory_space<vmem>>
                    %dma_wait3A_208 = arith.constant 86400 : i32
                    %dma_wait3A_209 = tpu.memref_slice %arg4[%multiple_of3A_195, %dma_wait3A_208] : memref<256x130816xf32, #tpu.memory_space<hbm>> -> memref<8x6784xf32, #tpu.memory_space<hbm>>
                    %dma_wait3A_210 = arith.constant 86400 : i32
                    %dma_wait3A_211 = tpu.memref_slice %arg4[%multiple_of3A_195, %dma_wait3A_210] : memref<256x130816xf32, #tpu.memory_space<hbm>> -> memref<8x6784xf32, #tpu.memory_space<hbm>>
                    %dma_wait3A_212 = arith.constant 0 : i32
                    %dma_wait3A_213 = arith.constant 1408 : i32
                    %dma_wait3A_214 = tpu.memref_slice %arg8[%dma_wait3A_212, %dma_wait3A_213] : memref<8x8192xf32, #tpu.memory_space<vmem>> -> memref<8x6784xf32, #tpu.memory_space<vmem>>
                    tpu.wait_dma2 semaphore(%arg11 : memref<!tpu.dma_semaphore, #tpu.memory_space<semaphore_mem>>) src(%dma_wait3A_214 : memref<8x6784xf32, #tpu.memory_space<vmem>>) dst(%dma_wait3A_211 : memref<8x6784xf32, #tpu.memory_space<hbm>>)
                  }
                } else {
                  %mul3A_189 = arith.constant 8 : i32
                  %mul3A_190 = arith.muli %mul3A_189, %add3A_135 : i32
                  %multiple_of3A_191 = tpu.assume_multiple %mul3A_190, 8 : i32
                  %dma_wait3A = arith.constant 0 : i32
                  %dma_wait3A_192 = arith.constant 0 : i32
                  %dma_wait3A_193 = tpu.memref_slice %arg8[%dma_wait3A, %dma_wait3A_192] : memref<8x8192xf32, #tpu.memory_space<vmem>> -> memref<8x1152xf32, #tpu.memory_space<vmem>>
                  %dma_wait3A_194 = arith.constant 2048 : i32
                  %dma_wait3A_195 = tpu.memref_slice %arg4[%multiple_of3A_191, %dma_wait3A_194] : memref<256x130816xf32, #tpu.memory_space<hbm>> -> memref<8x1152xf32, #tpu.memory_space<hbm>>
                  %dma_wait3A_196 = arith.constant 2048 : i32
                  %dma_wait3A_197 = tpu.memref_slice %arg4[%multiple_of3A_191, %dma_wait3A_196] : memref<256x130816xf32, #tpu.memory_space<hbm>> -> memref<8x1152xf32, #tpu.memory_space<hbm>>
                  %dma_wait3A_198 = arith.constant 0 : i32
                  %dma_wait3A_199 = arith.constant 0 : i32
                  %dma_wait3A_200 = tpu.memref_slice %arg8[%dma_wait3A_198, %dma_wait3A_199] : memref<8x8192xf32, #tpu.memory_space<vmem>> -> memref<8x1152xf32, #tpu.memory_space<vmem>>
                  tpu.wait_dma2 semaphore(%arg11 : memref<!tpu.dma_semaphore, #tpu.memory_space<semaphore_mem>>) src(%dma_wait3A_200 : memref<8x1152xf32, #tpu.memory_space<vmem>>) dst(%dma_wait3A_197 : memref<8x1152xf32, #tpu.memory_space<hbm>>)
                  %dma_wait3A_201 = arith.constant 0 : i32
                  %dma_wait3A_202 = arith.constant 1152 : i32
                  %dma_wait3A_203 = tpu.memref_slice %arg8[%dma_wait3A_201, %dma_wait3A_202] : memref<8x8192xf32, #tpu.memory_space<vmem>> -> memref<8x7040xf32, #tpu.memory_space<vmem>>
                  %dma_wait3A_204 = arith.constant 93184 : i32
                  %dma_wait3A_205 = tpu.memref_slice %arg4[%multiple_of3A_191, %dma_wait3A_204] : memref<256x130816xf32, #tpu.memory_space<hbm>> -> memref<8x7040xf32, #tpu.memory_space<hbm>>
                  %dma_wait3A_206 = arith.constant 93184 : i32
                  %dma_wait3A_207 = tpu.memref_slice %arg4[%multiple_of3A_191, %dma_wait3A_206] : memref<256x130816xf32, #tpu.memory_space<hbm>> -> memref<8x7040xf32, #tpu.memory_space<hbm>>
                  %dma_wait3A_208 = arith.constant 0 : i32
                  %dma_wait3A_209 = arith.constant 1152 : i32
                  %dma_wait3A_210 = tpu.memref_slice %arg8[%dma_wait3A_208, %dma_wait3A_209] : memref<8x8192xf32, #tpu.memory_space<vmem>> -> memref<8x7040xf32, #tpu.memory_space<vmem>>
                  tpu.wait_dma2 semaphore(%arg11 : memref<!tpu.dma_semaphore, #tpu.memory_space<semaphore_mem>>) src(%dma_wait3A_210 : memref<8x7040xf32, #tpu.memory_space<vmem>>) dst(%dma_wait3A_207 : memref<8x7040xf32, #tpu.memory_space<hbm>>)
                }
              } else {
                %mul3A_185 = arith.constant 8 : i32
                %mul3A_186 = arith.muli %mul3A_185, %add3A_135 : i32
                %multiple_of3A_187 = tpu.assume_multiple %mul3A_186, 8 : i32
                %dma_wait3A = arith.constant 0 : i32
                %dma_wait3A_188 = arith.constant 0 : i32
                %dma_wait3A_189 = tpu.memref_slice %arg8[%dma_wait3A, %dma_wait3A_188] : memref<8x8192xf32, #tpu.memory_space<vmem>> -> memref<8x896xf32, #tpu.memory_space<vmem>>
                %dma_wait3A_190 = arith.constant 1152 : i32
                %dma_wait3A_191 = tpu.memref_slice %arg4[%multiple_of3A_187, %dma_wait3A_190] : memref<256x130816xf32, #tpu.memory_space<hbm>> -> memref<8x896xf32, #tpu.memory_space<hbm>>
                %dma_wait3A_192 = arith.constant 1152 : i32
                %dma_wait3A_193 = tpu.memref_slice %arg4[%multiple_of3A_187, %dma_wait3A_192] : memref<256x130816xf32, #tpu.memory_space<hbm>> -> memref<8x896xf32, #tpu.memory_space<hbm>>
                %dma_wait3A_194 = arith.constant 0 : i32
                %dma_wait3A_195 = arith.constant 0 : i32
                %dma_wait3A_196 = tpu.memref_slice %arg8[%dma_wait3A_194, %dma_wait3A_195] : memref<8x8192xf32, #tpu.memory_space<vmem>> -> memref<8x896xf32, #tpu.memory_space<vmem>>
                tpu.wait_dma2 semaphore(%arg11 : memref<!tpu.dma_semaphore, #tpu.memory_space<semaphore_mem>>) src(%dma_wait3A_196 : memref<8x896xf32, #tpu.memory_space<vmem>>) dst(%dma_wait3A_193 : memref<8x896xf32, #tpu.memory_space<hbm>>)
                %dma_wait3A_197 = arith.constant 0 : i32
                %dma_wait3A_198 = arith.constant 896 : i32
                %dma_wait3A_199 = tpu.memref_slice %arg8[%dma_wait3A_197, %dma_wait3A_198] : memref<8x8192xf32, #tpu.memory_space<vmem>> -> memref<8x7296xf32, #tpu.memory_space<vmem>>
                %dma_wait3A_200 = arith.constant 100224 : i32
                %dma_wait3A_201 = tpu.memref_slice %arg4[%multiple_of3A_187, %dma_wait3A_200] : memref<256x130816xf32, #tpu.memory_space<hbm>> -> memref<8x7296xf32, #tpu.memory_space<hbm>>
                %dma_wait3A_202 = arith.constant 100224 : i32
                %dma_wait3A_203 = tpu.memref_slice %arg4[%multiple_of3A_187, %dma_wait3A_202] : memref<256x130816xf32, #tpu.memory_space<hbm>> -> memref<8x7296xf32, #tpu.memory_space<hbm>>
                %dma_wait3A_204 = arith.constant 0 : i32
                %dma_wait3A_205 = arith.constant 896 : i32
                %dma_wait3A_206 = tpu.memref_slice %arg8[%dma_wait3A_204, %dma_wait3A_205] : memref<8x8192xf32, #tpu.memory_space<vmem>> -> memref<8x7296xf32, #tpu.memory_space<vmem>>
                tpu.wait_dma2 semaphore(%arg11 : memref<!tpu.dma_semaphore, #tpu.memory_space<semaphore_mem>>) src(%dma_wait3A_206 : memref<8x7296xf32, #tpu.memory_space<vmem>>) dst(%dma_wait3A_203 : memref<8x7296xf32, #tpu.memory_space<hbm>>)
              }
            } else {
              %mul3A_181 = arith.constant 8 : i32
              %mul3A_182 = arith.muli %mul3A_181, %add3A_135 : i32
              %multiple_of3A_183 = tpu.assume_multiple %mul3A_182, 8 : i32
              %dma_wait3A = arith.constant 0 : i32
              %dma_wait3A_184 = arith.constant 0 : i32
              %dma_wait3A_185 = tpu.memref_slice %arg8[%dma_wait3A, %dma_wait3A_184] : memref<8x8192xf32, #tpu.memory_space<vmem>> -> memref<8x640xf32, #tpu.memory_space<vmem>>
              %dma_wait3A_186 = arith.constant 512 : i32
              %dma_wait3A_187 = tpu.memref_slice %arg4[%multiple_of3A_183, %dma_wait3A_186] : memref<256x130816xf32, #tpu.memory_space<hbm>> -> memref<8x640xf32, #tpu.memory_space<hbm>>
              %dma_wait3A_188 = arith.constant 512 : i32
              %dma_wait3A_189 = tpu.memref_slice %arg4[%multiple_of3A_183, %dma_wait3A_188] : memref<256x130816xf32, #tpu.memory_space<hbm>> -> memref<8x640xf32, #tpu.memory_space<hbm>>
              %dma_wait3A_190 = arith.constant 0 : i32
              %dma_wait3A_191 = arith.constant 0 : i32
              %dma_wait3A_192 = tpu.memref_slice %arg8[%dma_wait3A_190, %dma_wait3A_191] : memref<8x8192xf32, #tpu.memory_space<vmem>> -> memref<8x640xf32, #tpu.memory_space<vmem>>
              tpu.wait_dma2 semaphore(%arg11 : memref<!tpu.dma_semaphore, #tpu.memory_space<semaphore_mem>>) src(%dma_wait3A_192 : memref<8x640xf32, #tpu.memory_space<vmem>>) dst(%dma_wait3A_189 : memref<8x640xf32, #tpu.memory_space<hbm>>)
              %dma_wait3A_193 = arith.constant 0 : i32
              %dma_wait3A_194 = arith.constant 640 : i32
              %dma_wait3A_195 = tpu.memref_slice %arg8[%dma_wait3A_193, %dma_wait3A_194] : memref<8x8192xf32, #tpu.memory_space<vmem>> -> memref<8x7552xf32, #tpu.memory_space<vmem>>
              %dma_wait3A_196 = arith.constant 107520 : i32
              %dma_wait3A_197 = tpu.memref_slice %arg4[%multiple_of3A_183, %dma_wait3A_196] : memref<256x130816xf32, #tpu.memory_space<hbm>> -> memref<8x7552xf32, #tpu.memory_space<hbm>>
              %dma_wait3A_198 = arith.constant 107520 : i32
              %dma_wait3A_199 = tpu.memref_slice %arg4[%multiple_of3A_183, %dma_wait3A_198] : memref<256x130816xf32, #tpu.memory_space<hbm>> -> memref<8x7552xf32, #tpu.memory_space<hbm>>
              %dma_wait3A_200 = arith.constant 0 : i32
              %dma_wait3A_201 = arith.constant 640 : i32
              %dma_wait3A_202 = tpu.memref_slice %arg8[%dma_wait3A_200, %dma_wait3A_201] : memref<8x8192xf32, #tpu.memory_space<vmem>> -> memref<8x7552xf32, #tpu.memory_space<vmem>>
              tpu.wait_dma2 semaphore(%arg11 : memref<!tpu.dma_semaphore, #tpu.memory_space<semaphore_mem>>) src(%dma_wait3A_202 : memref<8x7552xf32, #tpu.memory_space<vmem>>) dst(%dma_wait3A_199 : memref<8x7552xf32, #tpu.memory_space<hbm>>)
            }
          } else {
            %mul3A_177 = arith.constant 8 : i32
            %mul3A_178 = arith.muli %mul3A_177, %add3A_135 : i32
            %multiple_of3A_179 = tpu.assume_multiple %mul3A_178, 8 : i32
            %dma_wait3A = arith.constant 0 : i32
            %dma_wait3A_180 = arith.constant 0 : i32
            %dma_wait3A_181 = tpu.memref_slice %arg8[%dma_wait3A, %dma_wait3A_180] : memref<8x8192xf32, #tpu.memory_space<vmem>> -> memref<8x384xf32, #tpu.memory_space<vmem>>
            %dma_wait3A_182 = arith.constant 128 : i32
            %dma_wait3A_183 = tpu.memref_slice %arg4[%multiple_of3A_179, %dma_wait3A_182] : memref<256x130816xf32, #tpu.memory_space<hbm>> -> memref<8x384xf32, #tpu.memory_space<hbm>>
            %dma_wait3A_184 = arith.constant 128 : i32
            %dma_wait3A_185 = tpu.memref_slice %arg4[%multiple_of3A_179, %dma_wait3A_184] : memref<256x130816xf32, #tpu.memory_space<hbm>> -> memref<8x384xf32, #tpu.memory_space<hbm>>
            %dma_wait3A_186 = arith.constant 0 : i32
            %dma_wait3A_187 = arith.constant 0 : i32
            %dma_wait3A_188 = tpu.memref_slice %arg8[%dma_wait3A_186, %dma_wait3A_187] : memref<8x8192xf32, #tpu.memory_space<vmem>> -> memref<8x384xf32, #tpu.memory_space<vmem>>
            tpu.wait_dma2 semaphore(%arg11 : memref<!tpu.dma_semaphore, #tpu.memory_space<semaphore_mem>>) src(%dma_wait3A_188 : memref<8x384xf32, #tpu.memory_space<vmem>>) dst(%dma_wait3A_185 : memref<8x384xf32, #tpu.memory_space<hbm>>)
            %dma_wait3A_189 = arith.constant 0 : i32
            %dma_wait3A_190 = arith.constant 384 : i32
            %dma_wait3A_191 = tpu.memref_slice %arg8[%dma_wait3A_189, %dma_wait3A_190] : memref<8x8192xf32, #tpu.memory_space<vmem>> -> memref<8x7808xf32, #tpu.memory_space<vmem>>
            %dma_wait3A_192 = arith.constant 115072 : i32
            %dma_wait3A_193 = tpu.memref_slice %arg4[%multiple_of3A_179, %dma_wait3A_192] : memref<256x130816xf32, #tpu.memory_space<hbm>> -> memref<8x7808xf32, #tpu.memory_space<hbm>>
            %dma_wait3A_194 = arith.constant 115072 : i32
            %dma_wait3A_195 = tpu.memref_slice %arg4[%multiple_of3A_179, %dma_wait3A_194] : memref<256x130816xf32, #tpu.memory_space<hbm>> -> memref<8x7808xf32, #tpu.memory_space<hbm>>
            %dma_wait3A_196 = arith.constant 0 : i32
            %dma_wait3A_197 = arith.constant 384 : i32
            %dma_wait3A_198 = tpu.memref_slice %arg8[%dma_wait3A_196, %dma_wait3A_197] : memref<8x8192xf32, #tpu.memory_space<vmem>> -> memref<8x7808xf32, #tpu.memory_space<vmem>>
            tpu.wait_dma2 semaphore(%arg11 : memref<!tpu.dma_semaphore, #tpu.memory_space<semaphore_mem>>) src(%dma_wait3A_198 : memref<8x7808xf32, #tpu.memory_space<vmem>>) dst(%dma_wait3A_195 : memref<8x7808xf32, #tpu.memory_space<hbm>>)
          }
        } else {
          %mul3A_173 = arith.constant 8 : i32
          %mul3A_174 = arith.muli %mul3A_173, %add3A_135 : i32
          %multiple_of3A_175 = tpu.assume_multiple %mul3A_174, 8 : i32
          %dma_wait3A = arith.constant 0 : i32
          %dma_wait3A_176 = arith.constant 0 : i32
          %dma_wait3A_177 = tpu.memref_slice %arg8[%dma_wait3A, %dma_wait3A_176] : memref<8x8192xf32, #tpu.memory_space<vmem>> -> memref<8x128xf32, #tpu.memory_space<vmem>>
          %dma_wait3A_178 = arith.constant 0 : i32
          %dma_wait3A_179 = tpu.memref_slice %arg4[%multiple_of3A_175, %dma_wait3A_178] : memref<256x130816xf32, #tpu.memory_space<hbm>> -> memref<8x128xf32, #tpu.memory_space<hbm>>
          %dma_wait3A_180 = arith.constant 0 : i32
          %dma_wait3A_181 = tpu.memref_slice %arg4[%multiple_of3A_175, %dma_wait3A_180] : memref<256x130816xf32, #tpu.memory_space<hbm>> -> memref<8x128xf32, #tpu.memory_space<hbm>>
          %dma_wait3A_182 = arith.constant 0 : i32
          %dma_wait3A_183 = arith.constant 0 : i32
          %dma_wait3A_184 = tpu.memref_slice %arg8[%dma_wait3A_182, %dma_wait3A_183] : memref<8x8192xf32, #tpu.memory_space<vmem>> -> memref<8x128xf32, #tpu.memory_space<vmem>>
          tpu.wait_dma2 semaphore(%arg11 : memref<!tpu.dma_semaphore, #tpu.memory_space<semaphore_mem>>) src(%dma_wait3A_184 : memref<8x128xf32, #tpu.memory_space<vmem>>) dst(%dma_wait3A_181 : memref<8x128xf32, #tpu.memory_space<hbm>>)
          %dma_wait3A_185 = arith.constant 0 : i32
          %dma_wait3A_186 = arith.constant 128 : i32
          %dma_wait3A_187 = tpu.memref_slice %arg8[%dma_wait3A_185, %dma_wait3A_186] : memref<8x8192xf32, #tpu.memory_space<vmem>> -> memref<8x7936xf32, #tpu.memory_space<vmem>>
          %dma_wait3A_188 = arith.constant 122880 : i32
          %dma_wait3A_189 = tpu.memref_slice %arg4[%multiple_of3A_175, %dma_wait3A_188] : memref<256x130816xf32, #tpu.memory_space<hbm>> -> memref<8x7936xf32, #tpu.memory_space<hbm>>
          %dma_wait3A_190 = arith.constant 122880 : i32
          %dma_wait3A_191 = tpu.memref_slice %arg4[%multiple_of3A_175, %dma_wait3A_190] : memref<256x130816xf32, #tpu.memory_space<hbm>> -> memref<8x7936xf32, #tpu.memory_space<hbm>>
          %dma_wait3A_192 = arith.constant 0 : i32
          %dma_wait3A_193 = arith.constant 128 : i32
          %dma_wait3A_194 = tpu.memref_slice %arg8[%dma_wait3A_192, %dma_wait3A_193] : memref<8x8192xf32, #tpu.memory_space<vmem>> -> memref<8x7936xf32, #tpu.memory_space<vmem>>
          tpu.wait_dma2 semaphore(%arg11 : memref<!tpu.dma_semaphore, #tpu.memory_space<semaphore_mem>>) src(%dma_wait3A_194 : memref<8x7936xf32, #tpu.memory_space<vmem>>) dst(%dma_wait3A_191 : memref<8x7936xf32, #tpu.memory_space<hbm>>)
        }
      } else {
      }
      %parallel_loop3A_159 = arith.constant 0 : i32
      %parallel_loop3A_160 = arith.constant 8192 : i32
      %parallel_loop3A_161 = arith.constant 16 : i32
      scf.for %parallel_loop3A_167 = %parallel_loop3A_159 to %parallel_loop3A_160 step %parallel_loop3A_161  : i32 {
        %parallel_loop3A_168 = arith.index_cast %parallel_loop3A_167 : i32 to index
        %parallel_loop3A_169 = tpu.vector_load %arg5[%parallel_loop3A_168] {strides = array<i32>} : memref<8192xi32, #tpu.memory_space<vmem>>, vector<16xi32>,
        %parallel_loop3A_170 = arith.constant 9 : i32
        %parallel_loop3A_171 = vector.broadcast %parallel_loop3A_170 : i32 to vector<16xi32>
        %parallel_loop3A_172 = arith.shrui %parallel_loop3A_169, %parallel_loop3A_171 : vector<16xi32>
        %parallel_loop3A_173 = arith.constant 511 : i32
        %parallel_loop3A_174 = vector.broadcast %parallel_loop3A_173 : i32 to vector<16xi32>
        %parallel_loop3A_175 = arith.andi %parallel_loop3A_169, %parallel_loop3A_174 : vector<16xi32>
        %parallel_loop3A_176 = tpu.vector_load_idx %arg7[%parallel_loop3A_172, %parallel_loop3A_175] : memref<33x512xf32, #tpu.memory_space<vmem>>[vector<16xi32>, vector<16xi32>], vector<16xf32>,
        %parallel_loop3A_177 = arith.index_cast %select_n3A_108 : i32 to index
        %parallel_loop3A_178 = arith.index_cast %parallel_loop3A_167 : i32 to index
        %parallel_loop3A_179 = tpu.vector_load %arg8[%parallel_loop3A_177, %parallel_loop3A_178] {strides = array<i32>} : memref<8x8192xf32, #tpu.memory_space<vmem>>, vector<16xf32>,
        tpu.vector_store %arg8[%parallel_loop3A_177, %parallel_loop3A_178], %parallel_loop3A_176 {strides = array<i32>} : memref<8x8192xf32, #tpu.memory_space<vmem>>, vector<16xf32>,
      } {sc.loop_unroll_factor = 16 : i64, sc.parallel_access}
      %eq3A_162 = arith.constant 7 : i32
      %eq3A_163 = arith.cmpi eq, %select_n3A_108, %eq3A_162 : i32
      %convert_element_type3A_164 = arith.extui %eq3A_163 : i1 to i32
      %cond3A_165 = arith.constant 0 : i32
      %cond3A_166 = arith.cmpi ne, %convert_element_type3A_164, %cond3A_165 : i32
      scf.if %cond3A_166 {
        %clamp3A_167 = arith.constant 0 : i32
        %clamp3A_168 = arith.constant 15 : i32
        %clamp3A_169 = arith.maxsi %arg1, %clamp3A_167 : i32
        %clamp3A_170 = arith.minsi %clamp3A_169, %clamp3A_168 : i32
        %cond3A_171 = arith.constant 0 : i32
        %cond3A_172 = arith.cmpi ne, %clamp3A_170, %cond3A_171 : i32
        scf.if %cond3A_172 {
          %cond3A_173 = arith.constant 1 : i32
          %cond3A_174 = arith.subi %clamp3A_170, %cond3A_173 : i32
          %cond3A_175 = arith.constant 0 : i32
          %cond3A_176 = arith.cmpi ne, %cond3A_174, %cond3A_175 : i32
          scf.if %cond3A_176 {
            %cond3A_177 = arith.constant 1 : i32
            %cond3A_178 = arith.subi %cond3A_174, %cond3A_177 : i32
            %cond3A_179 = arith.constant 0 : i32
            %cond3A_180 = arith.cmpi ne, %cond3A_178, %cond3A_179 : i32
            scf.if %cond3A_180 {
              %cond3A_181 = arith.constant 1 : i32
              %cond3A_182 = arith.subi %cond3A_178, %cond3A_181 : i32
              %cond3A_183 = arith.constant 0 : i32
              %cond3A_184 = arith.cmpi ne, %cond3A_182, %cond3A_183 : i32
              scf.if %cond3A_184 {
                %cond3A_185 = arith.constant 1 : i32
                %cond3A_186 = arith.subi %cond3A_182, %cond3A_185 : i32
                %cond3A_187 = arith.constant 0 : i32
                %cond3A_188 = arith.cmpi ne, %cond3A_186, %cond3A_187 : i32
                scf.if %cond3A_188 {
                  %cond3A_189 = arith.constant 1 : i32
                  %cond3A_190 = arith.subi %cond3A_186, %cond3A_189 : i32
                  %cond3A_191 = arith.constant 0 : i32
                  %cond3A_192 = arith.cmpi ne, %cond3A_190, %cond3A_191 : i32
                  scf.if %cond3A_192 {
                    %cond3A_193 = arith.constant 1 : i32
                    %cond3A_194 = arith.subi %cond3A_190, %cond3A_193 : i32
                    %cond3A_195 = arith.constant 0 : i32
                    %cond3A_196 = arith.cmpi ne, %cond3A_194, %cond3A_195 : i32
                    scf.if %cond3A_196 {
                      %cond3A_197 = arith.constant 1 : i32
                      %cond3A_198 = arith.subi %cond3A_194, %cond3A_197 : i32
                      %cond3A_199 = arith.constant 0 : i32
                      %cond3A_200 = arith.cmpi ne, %cond3A_198, %cond3A_199 : i32
                      scf.if %cond3A_200 {
                        %cond3A_201 = arith.constant 1 : i32
                        %cond3A_202 = arith.subi %cond3A_198, %cond3A_201 : i32
                        %cond3A_203 = arith.constant 0 : i32
                        %cond3A_204 = arith.cmpi ne, %cond3A_202, %cond3A_203 : i32
                        scf.if %cond3A_204 {
                          %cond3A_205 = arith.constant 1 : i32
                          %cond3A_206 = arith.subi %cond3A_202, %cond3A_205 : i32
                          %cond3A_207 = arith.constant 0 : i32
                          %cond3A_208 = arith.cmpi ne, %cond3A_206, %cond3A_207 : i32
                          scf.if %cond3A_208 {
                            %cond3A_209 = arith.constant 1 : i32
                            %cond3A_210 = arith.subi %cond3A_206, %cond3A_209 : i32
                            %cond3A_211 = arith.constant 0 : i32
                            %cond3A_212 = arith.cmpi ne, %cond3A_210, %cond3A_211 : i32
                            scf.if %cond3A_212 {
                              %cond3A_213 = arith.constant 1 : i32
                              %cond3A_214 = arith.subi %cond3A_210, %cond3A_213 : i32
                              %cond3A_215 = arith.constant 0 : i32
                              %cond3A_216 = arith.cmpi ne, %cond3A_214, %cond3A_215 : i32
                              scf.if %cond3A_216 {
                                %cond3A_217 = arith.constant 1 : i32
                                %cond3A_218 = arith.subi %cond3A_214, %cond3A_217 : i32
                                %cond3A_219 = arith.constant 0 : i32
                                %cond3A_220 = arith.cmpi ne, %cond3A_218, %cond3A_219 : i32
                                scf.if %cond3A_220 {
                                  %cond3A_221 = arith.constant 1 : i32
                                  %cond3A_222 = arith.subi %cond3A_218, %cond3A_221 : i32
                                  %cond3A_223 = arith.constant 0 : i32
                                  %cond3A_224 = arith.cmpi ne, %cond3A_222, %cond3A_223 : i32
                                  scf.if %cond3A_224 {
                                    %cond3A_225 = arith.constant 1 : i32
                                    %cond3A_226 = arith.subi %cond3A_222, %cond3A_225 : i32
                                    %cond3A_227 = arith.constant 0 : i32
                                    %cond3A_228 = arith.cmpi ne, %cond3A_226, %cond3A_227 : i32
                                    scf.if %cond3A_228 {
                                      %mul3A_229 = arith.constant 8 : i32
                                      %mul3A_230 = arith.muli %mul3A_229, %add3A_135 : i32
                                      %multiple_of3A_231 = tpu.assume_multiple %mul3A_230, 8 : i32
                                      %dma_start3A = arith.constant 0 : i32
                                      %dma_start3A_232 = arith.constant 0 : i32
                                      %dma_start3A_233 = tpu.memref_slice %arg8[%dma_start3A, %dma_start3A_232] : memref<8x8192xf32, #tpu.memory_space<vmem>> -> memref<8x3840xf32, #tpu.memory_space<vmem>>
                                      %dma_start3A_234 = arith.constant 28800 : i32
                                      %dma_start3A_235 = tpu.memref_slice %arg4[%multiple_of3A_231, %dma_start3A_234] : memref<256x130816xf32, #tpu.memory_space<hbm>> -> memref<8x3840xf32, #tpu.memory_space<hbm>>
                                      %dma_start3A_236 = arith.constant 28800 : i32
                                      %dma_start3A_237 = tpu.memref_slice %arg4[%multiple_of3A_231, %dma_start3A_236] : memref<256x130816xf32, #tpu.memory_space<hbm>> -> memref<8x3840xf32, #tpu.memory_space<hbm>>
                                      %dma_start3A_238 = arith.constant 0 : i32
                                      %dma_start3A_239 = arith.constant 0 : i32
                                      %dma_start3A_240 = tpu.memref_slice %arg8[%dma_start3A_238, %dma_start3A_239] : memref<8x8192xf32, #tpu.memory_space<vmem>> -> memref<8x3840xf32, #tpu.memory_space<vmem>>
                                      tpu.enqueue_dma source(%dma_start3A_240 : memref<8x3840xf32, #tpu.memory_space<vmem>>) target(%dma_start3A_237 : memref<8x3840xf32, #tpu.memory_space<hbm>>) target_semaphore(%arg11 : memref<!tpu.dma_semaphore, #tpu.memory_space<semaphore_mem>>)
                                      %dma_start3A_241 = arith.constant 0 : i32
                                      %dma_start3A_242 = arith.constant 3840 : i32
                                      %dma_start3A_243 = tpu.memref_slice %arg8[%dma_start3A_241, %dma_start3A_242] : memref<8x8192xf32, #tpu.memory_space<vmem>> -> memref<8x4224xf32, #tpu.memory_space<vmem>>
                                      %dma_start3A_244 = arith.constant 32640 : i32
                                      %dma_start3A_245 = tpu.memref_slice %arg4[%multiple_of3A_231, %dma_start3A_244] : memref<256x130816xf32, #tpu.memory_space<hbm>> -> memref<8x4224xf32, #tpu.memory_space<hbm>>
                                      %dma_start3A_246 = arith.constant 32640 : i32
                                      %dma_start3A_247 = tpu.memref_slice %arg4[%multiple_of3A_231, %dma_start3A_246] : memref<256x130816xf32, #tpu.memory_space<hbm>> -> memref<8x4224xf32, #tpu.memory_space<hbm>>
                                      %dma_start3A_248 = arith.constant 0 : i32
                                      %dma_start3A_249 = arith.constant 3840 : i32
                                      %dma_start3A_250 = tpu.memref_slice %arg8[%dma_start3A_248, %dma_start3A_249] : memref<8x8192xf32, #tpu.memory_space<vmem>> -> memref<8x4224xf32, #tpu.memory_space<vmem>>
                                      tpu.enqueue_dma source(%dma_start3A_250 : memref<8x4224xf32, #tpu.memory_space<vmem>>) target(%dma_start3A_247 : memref<8x4224xf32, #tpu.memory_space<hbm>>) target_semaphore(%arg11 : memref<!tpu.dma_semaphore, #tpu.memory_space<semaphore_mem>>)
                                    } else {
                                      %mul3A_229 = arith.constant 8 : i32
                                      %mul3A_230 = arith.muli %mul3A_229, %add3A_135 : i32
                                      %multiple_of3A_231 = tpu.assume_multiple %mul3A_230, 8 : i32
                                      %dma_start3A = arith.constant 0 : i32
                                      %dma_start3A_232 = arith.constant 0 : i32
                                      %dma_start3A_233 = tpu.memref_slice %arg8[%dma_start3A, %dma_start3A_232] : memref<8x8192xf32, #tpu.memory_space<vmem>> -> memref<8x3712xf32, #tpu.memory_space<vmem>>
                                      %dma_start3A_234 = arith.constant 25088 : i32
                                      %dma_start3A_235 = tpu.memref_slice %arg4[%multiple_of3A_231, %dma_start3A_234] : memref<256x130816xf32, #tpu.memory_space<hbm>> -> memref<8x3712xf32, #tpu.memory_space<hbm>>
                                      %dma_start3A_236 = arith.constant 25088 : i32
                                      %dma_start3A_237 = tpu.memref_slice %arg4[%multiple_of3A_231, %dma_start3A_236] : memref<256x130816xf32, #tpu.memory_space<hbm>> -> memref<8x3712xf32, #tpu.memory_space<hbm>>
                                      %dma_start3A_238 = arith.constant 0 : i32
                                      %dma_start3A_239 = arith.constant 0 : i32
                                      %dma_start3A_240 = tpu.memref_slice %arg8[%dma_start3A_238, %dma_start3A_239] : memref<8x8192xf32, #tpu.memory_space<vmem>> -> memref<8x3712xf32, #tpu.memory_space<vmem>>
                                      tpu.enqueue_dma source(%dma_start3A_240 : memref<8x3712xf32, #tpu.memory_space<vmem>>) target(%dma_start3A_237 : memref<8x3712xf32, #tpu.memory_space<hbm>>) target_semaphore(%arg11 : memref<!tpu.dma_semaphore, #tpu.memory_space<semaphore_mem>>)
                                      %dma_start3A_241 = arith.constant 0 : i32
                                      %dma_start3A_242 = arith.constant 3712 : i32
                                      %dma_start3A_243 = tpu.memref_slice %arg8[%dma_start3A_241, %dma_start3A_242] : memref<8x8192xf32, #tpu.memory_space<vmem>> -> memref<8x4480xf32, #tpu.memory_space<vmem>>
                                      %dma_start3A_244 = arith.constant 36864 : i32
                                      %dma_start3A_245 = tpu.memref_slice %arg4[%multiple_of3A_231, %dma_start3A_244] : memref<256x130816xf32, #tpu.memory_space<hbm>> -> memref<8x4480xf32, #tpu.memory_space<hbm>>
                                      %dma_start3A_246 = arith.constant 36864 : i32
                                      %dma_start3A_247 = tpu.memref_slice %arg4[%multiple_of3A_231, %dma_start3A_246] : memref<256x130816xf32, #tpu.memory_space<hbm>> -> memref<8x4480xf32, #tpu.memory_space<hbm>>
                                      %dma_start3A_248 = arith.constant 0 : i32
                                      %dma_start3A_249 = arith.constant 3712 : i32
                                      %dma_start3A_250 = tpu.memref_slice %arg8[%dma_start3A_248, %dma_start3A_249] : memref<8x8192xf32, #tpu.memory_space<vmem>> -> memref<8x4480xf32, #tpu.memory_space<vmem>>
                                      tpu.enqueue_dma source(%dma_start3A_250 : memref<8x4480xf32, #tpu.memory_space<vmem>>) target(%dma_start3A_247 : memref<8x4480xf32, #tpu.memory_space<hbm>>) target_semaphore(%arg11 : memref<!tpu.dma_semaphore, #tpu.memory_space<semaphore_mem>>)
                                    }
                                  } else {
                                    %mul3A_225 = arith.constant 8 : i32
                                    %mul3A_226 = arith.muli %mul3A_225, %add3A_135 : i32
                                    %multiple_of3A_227 = tpu.assume_multiple %mul3A_226, 8 : i32
                                    %dma_start3A = arith.constant 0 : i32
                                    %dma_start3A_228 = arith.constant 0 : i32
                                    %dma_start3A_229 = tpu.memref_slice %arg8[%dma_start3A, %dma_start3A_228] : memref<8x8192xf32, #tpu.memory_space<vmem>> -> memref<8x3456xf32, #tpu.memory_space<vmem>>
                                    %dma_start3A_230 = arith.constant 21632 : i32
                                    %dma_start3A_231 = tpu.memref_slice %arg4[%multiple_of3A_227, %dma_start3A_230] : memref<256x130816xf32, #tpu.memory_space<hbm>> -> memref<8x3456xf32, #tpu.memory_space<hbm>>
                                    %dma_start3A_232 = arith.constant 21632 : i32
                                    %dma_start3A_233 = tpu.memref_slice %arg4[%multiple_of3A_227, %dma_start3A_232] : memref<256x130816xf32, #tpu.memory_space<hbm>> -> memref<8x3456xf32, #tpu.memory_space<hbm>>
                                    %dma_start3A_234 = arith.constant 0 : i32
                                    %dma_start3A_235 = arith.constant 0 : i32
                                    %dma_start3A_236 = tpu.memref_slice %arg8[%dma_start3A_234, %dma_start3A_235] : memref<8x8192xf32, #tpu.memory_space<vmem>> -> memref<8x3456xf32, #tpu.memory_space<vmem>>
                                    tpu.enqueue_dma source(%dma_start3A_236 : memref<8x3456xf32, #tpu.memory_space<vmem>>) target(%dma_start3A_233 : memref<8x3456xf32, #tpu.memory_space<hbm>>) target_semaphore(%arg11 : memref<!tpu.dma_semaphore, #tpu.memory_space<semaphore_mem>>)
                                    %dma_start3A_237 = arith.constant 0 : i32
                                    %dma_start3A_238 = arith.constant 3456 : i32
                                    %dma_start3A_239 = tpu.memref_slice %arg8[%dma_start3A_237, %dma_start3A_238] : memref<8x8192xf32, #tpu.memory_space<vmem>> -> memref<8x4736xf32, #tpu.memory_space<vmem>>
                                    %dma_start3A_240 = arith.constant 41344 : i32
                                    %dma_start3A_241 = tpu.memref_slice %arg4[%multiple_of3A_227, %dma_start3A_240] : memref<256x130816xf32, #tpu.memory_space<hbm>> -> memref<8x4736xf32, #tpu.memory_space<hbm>>
                                    %dma_start3A_242 = arith.constant 41344 : i32
                                    %dma_start3A_243 = tpu.memref_slice %arg4[%multiple_of3A_227, %dma_start3A_242] : memref<256x130816xf32, #tpu.memory_space<hbm>> -> memref<8x4736xf32, #tpu.memory_space<hbm>>
                                    %dma_start3A_244 = arith.constant 0 : i32
                                    %dma_start3A_245 = arith.constant 3456 : i32
                                    %dma_start3A_246 = tpu.memref_slice %arg8[%dma_start3A_244, %dma_start3A_245] : memref<8x8192xf32, #tpu.memory_space<vmem>> -> memref<8x4736xf32, #tpu.memory_space<vmem>>
                                    tpu.enqueue_dma source(%dma_start3A_246 : memref<8x4736xf32, #tpu.memory_space<vmem>>) target(%dma_start3A_243 : memref<8x4736xf32, #tpu.memory_space<hbm>>) target_semaphore(%arg11 : memref<!tpu.dma_semaphore, #tpu.memory_space<semaphore_mem>>)
                                  }
                                } else {
                                  %mul3A_221 = arith.constant 8 : i32
                                  %mul3A_222 = arith.muli %mul3A_221, %add3A_135 : i32
                                  %multiple_of3A_223 = tpu.assume_multiple %mul3A_222, 8 : i32
                                  %dma_start3A = arith.constant 0 : i32
                                  %dma_start3A_224 = arith.constant 0 : i32
                                  %dma_start3A_225 = tpu.memref_slice %arg8[%dma_start3A, %dma_start3A_224] : memref<8x8192xf32, #tpu.memory_space<vmem>> -> memref<8x3200xf32, #tpu.memory_space<vmem>>
                                  %dma_start3A_226 = arith.constant 18432 : i32
                                  %dma_start3A_227 = tpu.memref_slice %arg4[%multiple_of3A_223, %dma_start3A_226] : memref<256x130816xf32, #tpu.memory_space<hbm>> -> memref<8x3200xf32, #tpu.memory_space<hbm>>
                                  %dma_start3A_228 = arith.constant 18432 : i32
                                  %dma_start3A_229 = tpu.memref_slice %arg4[%multiple_of3A_223, %dma_start3A_228] : memref<256x130816xf32, #tpu.memory_space<hbm>> -> memref<8x3200xf32, #tpu.memory_space<hbm>>
                                  %dma_start3A_230 = arith.constant 0 : i32
                                  %dma_start3A_231 = arith.constant 0 : i32
                                  %dma_start3A_232 = tpu.memref_slice %arg8[%dma_start3A_230, %dma_start3A_231] : memref<8x8192xf32, #tpu.memory_space<vmem>> -> memref<8x3200xf32, #tpu.memory_space<vmem>>
                                  tpu.enqueue_dma source(%dma_start3A_232 : memref<8x3200xf32, #tpu.memory_space<vmem>>) target(%dma_start3A_229 : memref<8x3200xf32, #tpu.memory_space<hbm>>) target_semaphore(%arg11 : memref<!tpu.dma_semaphore, #tpu.memory_space<semaphore_mem>>)
                                  %dma_start3A_233 = arith.constant 0 : i32
                                  %dma_start3A_234 = arith.constant 3200 : i32
                                  %dma_start3A_235 = tpu.memref_slice %arg8[%dma_start3A_233, %dma_start3A_234] : memref<8x8192xf32, #tpu.memory_space<vmem>> -> memref<8x4992xf32, #tpu.memory_space<vmem>>
                                  %dma_start3A_236 = arith.constant 46080 : i32
                                  %dma_start3A_237 = tpu.memref_slice %arg4[%multiple_of3A_223, %dma_start3A_236] : memref<256x130816xf32, #tpu.memory_space<hbm>> -> memref<8x4992xf32, #tpu.memory_space<hbm>>
                                  %dma_start3A_238 = arith.constant 46080 : i32
                                  %dma_start3A_239 = tpu.memref_slice %arg4[%multiple_of3A_223, %dma_start3A_238] : memref<256x130816xf32, #tpu.memory_space<hbm>> -> memref<8x4992xf32, #tpu.memory_space<hbm>>
                                  %dma_start3A_240 = arith.constant 0 : i32
                                  %dma_start3A_241 = arith.constant 3200 : i32
                                  %dma_start3A_242 = tpu.memref_slice %arg8[%dma_start3A_240, %dma_start3A_241] : memref<8x8192xf32, #tpu.memory_space<vmem>> -> memref<8x4992xf32, #tpu.memory_space<vmem>>
                                  tpu.enqueue_dma source(%dma_start3A_242 : memref<8x4992xf32, #tpu.memory_space<vmem>>) target(%dma_start3A_239 : memref<8x4992xf32, #tpu.memory_space<hbm>>) target_semaphore(%arg11 : memref<!tpu.dma_semaphore, #tpu.memory_space<semaphore_mem>>)
                                }
                              } else {
                                %mul3A_217 = arith.constant 8 : i32
                                %mul3A_218 = arith.muli %mul3A_217, %add3A_135 : i32
                                %multiple_of3A_219 = tpu.assume_multiple %mul3A_218, 8 : i32
                                %dma_start3A = arith.constant 0 : i32
                                %dma_start3A_220 = arith.constant 0 : i32
                                %dma_start3A_221 = tpu.memref_slice %arg8[%dma_start3A, %dma_start3A_220] : memref<8x8192xf32, #tpu.memory_space<vmem>> -> memref<8x2944xf32, #tpu.memory_space<vmem>>
                                %dma_start3A_222 = arith.constant 15488 : i32
                                %dma_start3A_223 = tpu.memref_slice %arg4[%multiple_of3A_219, %dma_start3A_222] : memref<256x130816xf32, #tpu.memory_space<hbm>> -> memref<8x2944xf32, #tpu.memory_space<hbm>>
                                %dma_start3A_224 = arith.constant 15488 : i32
                                %dma_start3A_225 = tpu.memref_slice %arg4[%multiple_of3A_219, %dma_start3A_224] : memref<256x130816xf32, #tpu.memory_space<hbm>> -> memref<8x2944xf32, #tpu.memory_space<hbm>>
                                %dma_start3A_226 = arith.constant 0 : i32
                                %dma_start3A_227 = arith.constant 0 : i32
                                %dma_start3A_228 = tpu.memref_slice %arg8[%dma_start3A_226, %dma_start3A_227] : memref<8x8192xf32, #tpu.memory_space<vmem>> -> memref<8x2944xf32, #tpu.memory_space<vmem>>
                                tpu.enqueue_dma source(%dma_start3A_228 : memref<8x2944xf32, #tpu.memory_space<vmem>>) target(%dma_start3A_225 : memref<8x2944xf32, #tpu.memory_space<hbm>>) target_semaphore(%arg11 : memref<!tpu.dma_semaphore, #tpu.memory_space<semaphore_mem>>)
                                %dma_start3A_229 = arith.constant 0 : i32
                                %dma_start3A_230 = arith.constant 2944 : i32
                                %dma_start3A_231 = tpu.memref_slice %arg8[%dma_start3A_229, %dma_start3A_230] : memref<8x8192xf32, #tpu.memory_space<vmem>> -> memref<8x5248xf32, #tpu.memory_space<vmem>>
                                %dma_start3A_232 = arith.constant 51072 : i32
                                %dma_start3A_233 = tpu.memref_slice %arg4[%multiple_of3A_219, %dma_start3A_232] : memref<256x130816xf32, #tpu.memory_space<hbm>> -> memref<8x5248xf32, #tpu.memory_space<hbm>>
                                %dma_start3A_234 = arith.constant 51072 : i32
                                %dma_start3A_235 = tpu.memref_slice %arg4[%multiple_of3A_219, %dma_start3A_234] : memref<256x130816xf32, #tpu.memory_space<hbm>> -> memref<8x5248xf32, #tpu.memory_space<hbm>>
                                %dma_start3A_236 = arith.constant 0 : i32
                                %dma_start3A_237 = arith.constant 2944 : i32
                                %dma_start3A_238 = tpu.memref_slice %arg8[%dma_start3A_236, %dma_start3A_237] : memref<8x8192xf32, #tpu.memory_space<vmem>> -> memref<8x5248xf32, #tpu.memory_space<vmem>>
                                tpu.enqueue_dma source(%dma_start3A_238 : memref<8x5248xf32, #tpu.memory_space<vmem>>) target(%dma_start3A_235 : memref<8x5248xf32, #tpu.memory_space<hbm>>) target_semaphore(%arg11 : memref<!tpu.dma_semaphore, #tpu.memory_space<semaphore_mem>>)
                              }
                            } else {
                              %mul3A_213 = arith.constant 8 : i32
                              %mul3A_214 = arith.muli %mul3A_213, %add3A_135 : i32
                              %multiple_of3A_215 = tpu.assume_multiple %mul3A_214, 8 : i32
                              %dma_start3A = arith.constant 0 : i32
                              %dma_start3A_216 = arith.constant 0 : i32
                              %dma_start3A_217 = tpu.memref_slice %arg8[%dma_start3A, %dma_start3A_216] : memref<8x8192xf32, #tpu.memory_space<vmem>> -> memref<8x2688xf32, #tpu.memory_space<vmem>>
                              %dma_start3A_218 = arith.constant 12800 : i32
                              %dma_start3A_219 = tpu.memref_slice %arg4[%multiple_of3A_215, %dma_start3A_218] : memref<256x130816xf32, #tpu.memory_space<hbm>> -> memref<8x2688xf32, #tpu.memory_space<hbm>>
                              %dma_start3A_220 = arith.constant 12800 : i32
                              %dma_start3A_221 = tpu.memref_slice %arg4[%multiple_of3A_215, %dma_start3A_220] : memref<256x130816xf32, #tpu.memory_space<hbm>> -> memref<8x2688xf32, #tpu.memory_space<hbm>>
                              %dma_start3A_222 = arith.constant 0 : i32
                              %dma_start3A_223 = arith.constant 0 : i32
                              %dma_start3A_224 = tpu.memref_slice %arg8[%dma_start3A_222, %dma_start3A_223] : memref<8x8192xf32, #tpu.memory_space<vmem>> -> memref<8x2688xf32, #tpu.memory_space<vmem>>
                              tpu.enqueue_dma source(%dma_start3A_224 : memref<8x2688xf32, #tpu.memory_space<vmem>>) target(%dma_start3A_221 : memref<8x2688xf32, #tpu.memory_space<hbm>>) target_semaphore(%arg11 : memref<!tpu.dma_semaphore, #tpu.memory_space<semaphore_mem>>)
                              %dma_start3A_225 = arith.constant 0 : i32
                              %dma_start3A_226 = arith.constant 2688 : i32
                              %dma_start3A_227 = tpu.memref_slice %arg8[%dma_start3A_225, %dma_start3A_226] : memref<8x8192xf32, #tpu.memory_space<vmem>> -> memref<8x5504xf32, #tpu.memory_space<vmem>>
                              %dma_start3A_228 = arith.constant 56320 : i32
                              %dma_start3A_229 = tpu.memref_slice %arg4[%multiple_of3A_215, %dma_start3A_228] : memref<256x130816xf32, #tpu.memory_space<hbm>> -> memref<8x5504xf32, #tpu.memory_space<hbm>>
                              %dma_start3A_230 = arith.constant 56320 : i32
                              %dma_start3A_231 = tpu.memref_slice %arg4[%multiple_of3A_215, %dma_start3A_230] : memref<256x130816xf32, #tpu.memory_space<hbm>> -> memref<8x5504xf32, #tpu.memory_space<hbm>>
                              %dma_start3A_232 = arith.constant 0 : i32
                              %dma_start3A_233 = arith.constant 2688 : i32
                              %dma_start3A_234 = tpu.memref_slice %arg8[%dma_start3A_232, %dma_start3A_233] : memref<8x8192xf32, #tpu.memory_space<vmem>> -> memref<8x5504xf32, #tpu.memory_space<vmem>>
                              tpu.enqueue_dma source(%dma_start3A_234 : memref<8x5504xf32, #tpu.memory_space<vmem>>) target(%dma_start3A_231 : memref<8x5504xf32, #tpu.memory_space<hbm>>) target_semaphore(%arg11 : memref<!tpu.dma_semaphore, #tpu.memory_space<semaphore_mem>>)
                            }
                          } else {
                            %mul3A_209 = arith.constant 8 : i32
                            %mul3A_210 = arith.muli %mul3A_209, %add3A_135 : i32
                            %multiple_of3A_211 = tpu.assume_multiple %mul3A_210, 8 : i32
                            %dma_start3A = arith.constant 0 : i32
                            %dma_start3A_212 = arith.constant 0 : i32
                            %dma_start3A_213 = tpu.memref_slice %arg8[%dma_start3A, %dma_start3A_212] : memref<8x8192xf32, #tpu.memory_space<vmem>> -> memref<8x2432xf32, #tpu.memory_space<vmem>>
                            %dma_start3A_214 = arith.constant 10368 : i32
                            %dma_start3A_215 = tpu.memref_slice %arg4[%multiple_of3A_211, %dma_start3A_214] : memref<256x130816xf32, #tpu.memory_space<hbm>> -> memref<8x2432xf32, #tpu.memory_space<hbm>>
                            %dma_start3A_216 = arith.constant 10368 : i32
                            %dma_start3A_217 = tpu.memref_slice %arg4[%multiple_of3A_211, %dma_start3A_216] : memref<256x130816xf32, #tpu.memory_space<hbm>> -> memref<8x2432xf32, #tpu.memory_space<hbm>>
                            %dma_start3A_218 = arith.constant 0 : i32
                            %dma_start3A_219 = arith.constant 0 : i32
                            %dma_start3A_220 = tpu.memref_slice %arg8[%dma_start3A_218, %dma_start3A_219] : memref<8x8192xf32, #tpu.memory_space<vmem>> -> memref<8x2432xf32, #tpu.memory_space<vmem>>
                            tpu.enqueue_dma source(%dma_start3A_220 : memref<8x2432xf32, #tpu.memory_space<vmem>>) target(%dma_start3A_217 : memref<8x2432xf32, #tpu.memory_space<hbm>>) target_semaphore(%arg11 : memref<!tpu.dma_semaphore, #tpu.memory_space<semaphore_mem>>)
                            %dma_start3A_221 = arith.constant 0 : i32
                            %dma_start3A_222 = arith.constant 2432 : i32
                            %dma_start3A_223 = tpu.memref_slice %arg8[%dma_start3A_221, %dma_start3A_222] : memref<8x8192xf32, #tpu.memory_space<vmem>> -> memref<8x5760xf32, #tpu.memory_space<vmem>>
                            %dma_start3A_224 = arith.constant 61824 : i32
                            %dma_start3A_225 = tpu.memref_slice %arg4[%multiple_of3A_211, %dma_start3A_224] : memref<256x130816xf32, #tpu.memory_space<hbm>> -> memref<8x5760xf32, #tpu.memory_space<hbm>>
                            %dma_start3A_226 = arith.constant 61824 : i32
                            %dma_start3A_227 = tpu.memref_slice %arg4[%multiple_of3A_211, %dma_start3A_226] : memref<256x130816xf32, #tpu.memory_space<hbm>> -> memref<8x5760xf32, #tpu.memory_space<hbm>>
                            %dma_start3A_228 = arith.constant 0 : i32
                            %dma_start3A_229 = arith.constant 2432 : i32
                            %dma_start3A_230 = tpu.memref_slice %arg8[%dma_start3A_228, %dma_start3A_229] : memref<8x8192xf32, #tpu.memory_space<vmem>> -> memref<8x5760xf32, #tpu.memory_space<vmem>>
                            tpu.enqueue_dma source(%dma_start3A_230 : memref<8x5760xf32, #tpu.memory_space<vmem>>) target(%dma_start3A_227 : memref<8x5760xf32, #tpu.memory_space<hbm>>) target_semaphore(%arg11 : memref<!tpu.dma_semaphore, #tpu.memory_space<semaphore_mem>>)
                          }
                        } else {
                          %mul3A_205 = arith.constant 8 : i32
                          %mul3A_206 = arith.muli %mul3A_205, %add3A_135 : i32
                          %multiple_of3A_207 = tpu.assume_multiple %mul3A_206, 8 : i32
                          %dma_start3A = arith.constant 0 : i32
                          %dma_start3A_208 = arith.constant 0 : i32
                          %dma_start3A_209 = tpu.memref_slice %arg8[%dma_start3A, %dma_start3A_208] : memref<8x8192xf32, #tpu.memory_space<vmem>> -> memref<8x2176xf32, #tpu.memory_space<vmem>>
                          %dma_start3A_210 = arith.constant 8192 : i32
                          %dma_start3A_211 = tpu.memref_slice %arg4[%multiple_of3A_207, %dma_start3A_210] : memref<256x130816xf32, #tpu.memory_space<hbm>> -> memref<8x2176xf32, #tpu.memory_space<hbm>>
                          %dma_start3A_212 = arith.constant 8192 : i32
                          %dma_start3A_213 = tpu.memref_slice %arg4[%multiple_of3A_207, %dma_start3A_212] : memref<256x130816xf32, #tpu.memory_space<hbm>> -> memref<8x2176xf32, #tpu.memory_space<hbm>>
                          %dma_start3A_214 = arith.constant 0 : i32
                          %dma_start3A_215 = arith.constant 0 : i32
                          %dma_start3A_216 = tpu.memref_slice %arg8[%dma_start3A_214, %dma_start3A_215] : memref<8x8192xf32, #tpu.memory_space<vmem>> -> memref<8x2176xf32, #tpu.memory_space<vmem>>
                          tpu.enqueue_dma source(%dma_start3A_216 : memref<8x2176xf32, #tpu.memory_space<vmem>>) target(%dma_start3A_213 : memref<8x2176xf32, #tpu.memory_space<hbm>>) target_semaphore(%arg11 : memref<!tpu.dma_semaphore, #tpu.memory_space<semaphore_mem>>)
                          %dma_start3A_217 = arith.constant 0 : i32
                          %dma_start3A_218 = arith.constant 2176 : i32
                          %dma_start3A_219 = tpu.memref_slice %arg8[%dma_start3A_217, %dma_start3A_218] : memref<8x8192xf32, #tpu.memory_space<vmem>> -> memref<8x6016xf32, #tpu.memory_space<vmem>>
                          %dma_start3A_220 = arith.constant 67584 : i32
                          %dma_start3A_221 = tpu.memref_slice %arg4[%multiple_of3A_207, %dma_start3A_220] : memref<256x130816xf32, #tpu.memory_space<hbm>> -> memref<8x6016xf32, #tpu.memory_space<hbm>>
                          %dma_start3A_222 = arith.constant 67584 : i32
                          %dma_start3A_223 = tpu.memref_slice %arg4[%multiple_of3A_207, %dma_start3A_222] : memref<256x130816xf32, #tpu.memory_space<hbm>> -> memref<8x6016xf32, #tpu.memory_space<hbm>>
                          %dma_start3A_224 = arith.constant 0 : i32
                          %dma_start3A_225 = arith.constant 2176 : i32
                          %dma_start3A_226 = tpu.memref_slice %arg8[%dma_start3A_224, %dma_start3A_225] : memref<8x8192xf32, #tpu.memory_space<vmem>> -> memref<8x6016xf32, #tpu.memory_space<vmem>>
                          tpu.enqueue_dma source(%dma_start3A_226 : memref<8x6016xf32, #tpu.memory_space<vmem>>) target(%dma_start3A_223 : memref<8x6016xf32, #tpu.memory_space<hbm>>) target_semaphore(%arg11 : memref<!tpu.dma_semaphore, #tpu.memory_space<semaphore_mem>>)
                        }
                      } else {
                        %mul3A_201 = arith.constant 8 : i32
                        %mul3A_202 = arith.muli %mul3A_201, %add3A_135 : i32
                        %multiple_of3A_203 = tpu.assume_multiple %mul3A_202, 8 : i32
                        %dma_start3A = arith.constant 0 : i32
                        %dma_start3A_204 = arith.constant 0 : i32
                        %dma_start3A_205 = tpu.memref_slice %arg8[%dma_start3A, %dma_start3A_204] : memref<8x8192xf32, #tpu.memory_space<vmem>> -> memref<8x1920xf32, #tpu.memory_space<vmem>>
                        %dma_start3A_206 = arith.constant 6272 : i32
                        %dma_start3A_207 = tpu.memref_slice %arg4[%multiple_of3A_203, %dma_start3A_206] : memref<256x130816xf32, #tpu.memory_space<hbm>> -> memref<8x1920xf32, #tpu.memory_space<hbm>>
                        %dma_start3A_208 = arith.constant 6272 : i32
                        %dma_start3A_209 = tpu.memref_slice %arg4[%multiple_of3A_203, %dma_start3A_208] : memref<256x130816xf32, #tpu.memory_space<hbm>> -> memref<8x1920xf32, #tpu.memory_space<hbm>>
                        %dma_start3A_210 = arith.constant 0 : i32
                        %dma_start3A_211 = arith.constant 0 : i32
                        %dma_start3A_212 = tpu.memref_slice %arg8[%dma_start3A_210, %dma_start3A_211] : memref<8x8192xf32, #tpu.memory_space<vmem>> -> memref<8x1920xf32, #tpu.memory_space<vmem>>
                        tpu.enqueue_dma source(%dma_start3A_212 : memref<8x1920xf32, #tpu.memory_space<vmem>>) target(%dma_start3A_209 : memref<8x1920xf32, #tpu.memory_space<hbm>>) target_semaphore(%arg11 : memref<!tpu.dma_semaphore, #tpu.memory_space<semaphore_mem>>)
                        %dma_start3A_213 = arith.constant 0 : i32
                        %dma_start3A_214 = arith.constant 1920 : i32
                        %dma_start3A_215 = tpu.memref_slice %arg8[%dma_start3A_213, %dma_start3A_214] : memref<8x8192xf32, #tpu.memory_space<vmem>> -> memref<8x6272xf32, #tpu.memory_space<vmem>>
                        %dma_start3A_216 = arith.constant 73600 : i32
                        %dma_start3A_217 = tpu.memref_slice %arg4[%multiple_of3A_203, %dma_start3A_216] : memref<256x130816xf32, #tpu.memory_space<hbm>> -> memref<8x6272xf32, #tpu.memory_space<hbm>>
                        %dma_start3A_218 = arith.constant 73600 : i32
                        %dma_start3A_219 = tpu.memref_slice %arg4[%multiple_of3A_203, %dma_start3A_218] : memref<256x130816xf32, #tpu.memory_space<hbm>> -> memref<8x6272xf32, #tpu.memory_space<hbm>>
                        %dma_start3A_220 = arith.constant 0 : i32
                        %dma_start3A_221 = arith.constant 1920 : i32
                        %dma_start3A_222 = tpu.memref_slice %arg8[%dma_start3A_220, %dma_start3A_221] : memref<8x8192xf32, #tpu.memory_space<vmem>> -> memref<8x6272xf32, #tpu.memory_space<vmem>>
                        tpu.enqueue_dma source(%dma_start3A_222 : memref<8x6272xf32, #tpu.memory_space<vmem>>) target(%dma_start3A_219 : memref<8x6272xf32, #tpu.memory_space<hbm>>) target_semaphore(%arg11 : memref<!tpu.dma_semaphore, #tpu.memory_space<semaphore_mem>>)
                      }
                    } else {
                      %mul3A_197 = arith.constant 8 : i32
                      %mul3A_198 = arith.muli %mul3A_197, %add3A_135 : i32
                      %multiple_of3A_199 = tpu.assume_multiple %mul3A_198, 8 : i32
                      %dma_start3A = arith.constant 0 : i32
                      %dma_start3A_200 = arith.constant 0 : i32
                      %dma_start3A_201 = tpu.memref_slice %arg8[%dma_start3A, %dma_start3A_200] : memref<8x8192xf32, #tpu.memory_space<vmem>> -> memref<8x1664xf32, #tpu.memory_space<vmem>>
                      %dma_start3A_202 = arith.constant 4608 : i32
                      %dma_start3A_203 = tpu.memref_slice %arg4[%multiple_of3A_199, %dma_start3A_202] : memref<256x130816xf32, #tpu.memory_space<hbm>> -> memref<8x1664xf32, #tpu.memory_space<hbm>>
                      %dma_start3A_204 = arith.constant 4608 : i32
                      %dma_start3A_205 = tpu.memref_slice %arg4[%multiple_of3A_199, %dma_start3A_204] : memref<256x130816xf32, #tpu.memory_space<hbm>> -> memref<8x1664xf32, #tpu.memory_space<hbm>>
                      %dma_start3A_206 = arith.constant 0 : i32
                      %dma_start3A_207 = arith.constant 0 : i32
                      %dma_start3A_208 = tpu.memref_slice %arg8[%dma_start3A_206, %dma_start3A_207] : memref<8x8192xf32, #tpu.memory_space<vmem>> -> memref<8x1664xf32, #tpu.memory_space<vmem>>
                      tpu.enqueue_dma source(%dma_start3A_208 : memref<8x1664xf32, #tpu.memory_space<vmem>>) target(%dma_start3A_205 : memref<8x1664xf32, #tpu.memory_space<hbm>>) target_semaphore(%arg11 : memref<!tpu.dma_semaphore, #tpu.memory_space<semaphore_mem>>)
                      %dma_start3A_209 = arith.constant 0 : i32
                      %dma_start3A_210 = arith.constant 1664 : i32
                      %dma_start3A_211 = tpu.memref_slice %arg8[%dma_start3A_209, %dma_start3A_210] : memref<8x8192xf32, #tpu.memory_space<vmem>> -> memref<8x6528xf32, #tpu.memory_space<vmem>>
                      %dma_start3A_212 = arith.constant 79872 : i32
                      %dma_start3A_213 = tpu.memref_slice %arg4[%multiple_of3A_199, %dma_start3A_212] : memref<256x130816xf32, #tpu.memory_space<hbm>> -> memref<8x6528xf32, #tpu.memory_space<hbm>>
                      %dma_start3A_214 = arith.constant 79872 : i32
                      %dma_start3A_215 = tpu.memref_slice %arg4[%multiple_of3A_199, %dma_start3A_214] : memref<256x130816xf32, #tpu.memory_space<hbm>> -> memref<8x6528xf32, #tpu.memory_space<hbm>>
                      %dma_start3A_216 = arith.constant 0 : i32
                      %dma_start3A_217 = arith.constant 1664 : i32
                      %dma_start3A_218 = tpu.memref_slice %arg8[%dma_start3A_216, %dma_start3A_217] : memref<8x8192xf32, #tpu.memory_space<vmem>> -> memref<8x6528xf32, #tpu.memory_space<vmem>>
                      tpu.enqueue_dma source(%dma_start3A_218 : memref<8x6528xf32, #tpu.memory_space<vmem>>) target(%dma_start3A_215 : memref<8x6528xf32, #tpu.memory_space<hbm>>) target_semaphore(%arg11 : memref<!tpu.dma_semaphore, #tpu.memory_space<semaphore_mem>>)
                    }
                  } else {
                    %mul3A_193 = arith.constant 8 : i32
                    %mul3A_194 = arith.muli %mul3A_193, %add3A_135 : i32
                    %multiple_of3A_195 = tpu.assume_multiple %mul3A_194, 8 : i32
                    %dma_start3A = arith.constant 0 : i32
                    %dma_start3A_196 = arith.constant 0 : i32
                    %dma_start3A_197 = tpu.memref_slice %arg8[%dma_start3A, %dma_start3A_196] : memref<8x8192xf32, #tpu.memory_space<vmem>> -> memref<8x1408xf32, #tpu.memory_space<vmem>>
                    %dma_start3A_198 = arith.constant 3200 : i32
                    %dma_start3A_199 = tpu.memref_slice %arg4[%multiple_of3A_195, %dma_start3A_198] : memref<256x130816xf32, #tpu.memory_space<hbm>> -> memref<8x1408xf32, #tpu.memory_space<hbm>>
                    %dma_start3A_200 = arith.constant 3200 : i32
                    %dma_start3A_201 = tpu.memref_slice %arg4[%multiple_of3A_195, %dma_start3A_200] : memref<256x130816xf32, #tpu.memory_space<hbm>> -> memref<8x1408xf32, #tpu.memory_space<hbm>>
                    %dma_start3A_202 = arith.constant 0 : i32
                    %dma_start3A_203 = arith.constant 0 : i32
                    %dma_start3A_204 = tpu.memref_slice %arg8[%dma_start3A_202, %dma_start3A_203] : memref<8x8192xf32, #tpu.memory_space<vmem>> -> memref<8x1408xf32, #tpu.memory_space<vmem>>
                    tpu.enqueue_dma source(%dma_start3A_204 : memref<8x1408xf32, #tpu.memory_space<vmem>>) target(%dma_start3A_201 : memref<8x1408xf32, #tpu.memory_space<hbm>>) target_semaphore(%arg11 : memref<!tpu.dma_semaphore, #tpu.memory_space<semaphore_mem>>)
                    %dma_start3A_205 = arith.constant 0 : i32
                    %dma_start3A_206 = arith.constant 1408 : i32
                    %dma_start3A_207 = tpu.memref_slice %arg8[%dma_start3A_205, %dma_start3A_206] : memref<8x8192xf32, #tpu.memory_space<vmem>> -> memref<8x6784xf32, #tpu.memory_space<vmem>>
                    %dma_start3A_208 = arith.constant 86400 : i32
                    %dma_start3A_209 = tpu.memref_slice %arg4[%multiple_of3A_195, %dma_start3A_208] : memref<256x130816xf32, #tpu.memory_space<hbm>> -> memref<8x6784xf32, #tpu.memory_space<hbm>>
                    %dma_start3A_210 = arith.constant 86400 : i32
                    %dma_start3A_211 = tpu.memref_slice %arg4[%multiple_of3A_195, %dma_start3A_210] : memref<256x130816xf32, #tpu.memory_space<hbm>> -> memref<8x6784xf32, #tpu.memory_space<hbm>>
                    %dma_start3A_212 = arith.constant 0 : i32
                    %dma_start3A_213 = arith.constant 1408 : i32
                    %dma_start3A_214 = tpu.memref_slice %arg8[%dma_start3A_212, %dma_start3A_213] : memref<8x8192xf32, #tpu.memory_space<vmem>> -> memref<8x6784xf32, #tpu.memory_space<vmem>>
                    tpu.enqueue_dma source(%dma_start3A_214 : memref<8x6784xf32, #tpu.memory_space<vmem>>) target(%dma_start3A_211 : memref<8x6784xf32, #tpu.memory_space<hbm>>) target_semaphore(%arg11 : memref<!tpu.dma_semaphore, #tpu.memory_space<semaphore_mem>>)
                  }
                } else {
                  %mul3A_189 = arith.constant 8 : i32
                  %mul3A_190 = arith.muli %mul3A_189, %add3A_135 : i32
                  %multiple_of3A_191 = tpu.assume_multiple %mul3A_190, 8 : i32
                  %dma_start3A = arith.constant 0 : i32
                  %dma_start3A_192 = arith.constant 0 : i32
                  %dma_start3A_193 = tpu.memref_slice %arg8[%dma_start3A, %dma_start3A_192] : memref<8x8192xf32, #tpu.memory_space<vmem>> -> memref<8x1152xf32, #tpu.memory_space<vmem>>
                  %dma_start3A_194 = arith.constant 2048 : i32
                  %dma_start3A_195 = tpu.memref_slice %arg4[%multiple_of3A_191, %dma_start3A_194] : memref<256x130816xf32, #tpu.memory_space<hbm>> -> memref<8x1152xf32, #tpu.memory_space<hbm>>
                  %dma_start3A_196 = arith.constant 2048 : i32
                  %dma_start3A_197 = tpu.memref_slice %arg4[%multiple_of3A_191, %dma_start3A_196] : memref<256x130816xf32, #tpu.memory_space<hbm>> -> memref<8x1152xf32, #tpu.memory_space<hbm>>
                  %dma_start3A_198 = arith.constant 0 : i32
                  %dma_start3A_199 = arith.constant 0 : i32
                  %dma_start3A_200 = tpu.memref_slice %arg8[%dma_start3A_198, %dma_start3A_199] : memref<8x8192xf32, #tpu.memory_space<vmem>> -> memref<8x1152xf32, #tpu.memory_space<vmem>>
                  tpu.enqueue_dma source(%dma_start3A_200 : memref<8x1152xf32, #tpu.memory_space<vmem>>) target(%dma_start3A_197 : memref<8x1152xf32, #tpu.memory_space<hbm>>) target_semaphore(%arg11 : memref<!tpu.dma_semaphore, #tpu.memory_space<semaphore_mem>>)
                  %dma_start3A_201 = arith.constant 0 : i32
                  %dma_start3A_202 = arith.constant 1152 : i32
                  %dma_start3A_203 = tpu.memref_slice %arg8[%dma_start3A_201, %dma_start3A_202] : memref<8x8192xf32, #tpu.memory_space<vmem>> -> memref<8x7040xf32, #tpu.memory_space<vmem>>
                  %dma_start3A_204 = arith.constant 93184 : i32
                  %dma_start3A_205 = tpu.memref_slice %arg4[%multiple_of3A_191, %dma_start3A_204] : memref<256x130816xf32, #tpu.memory_space<hbm>> -> memref<8x7040xf32, #tpu.memory_space<hbm>>
                  %dma_start3A_206 = arith.constant 93184 : i32
                  %dma_start3A_207 = tpu.memref_slice %arg4[%multiple_of3A_191, %dma_start3A_206] : memref<256x130816xf32, #tpu.memory_space<hbm>> -> memref<8x7040xf32, #tpu.memory_space<hbm>>
                  %dma_start3A_208 = arith.constant 0 : i32
                  %dma_start3A_209 = arith.constant 1152 : i32
                  %dma_start3A_210 = tpu.memref_slice %arg8[%dma_start3A_208, %dma_start3A_209] : memref<8x8192xf32, #tpu.memory_space<vmem>> -> memref<8x7040xf32, #tpu.memory_space<vmem>>
                  tpu.enqueue_dma source(%dma_start3A_210 : memref<8x7040xf32, #tpu.memory_space<vmem>>) target(%dma_start3A_207 : memref<8x7040xf32, #tpu.memory_space<hbm>>) target_semaphore(%arg11 : memref<!tpu.dma_semaphore, #tpu.memory_space<semaphore_mem>>)
                }
              } else {
                %mul3A_185 = arith.constant 8 : i32
                %mul3A_186 = arith.muli %mul3A_185, %add3A_135 : i32
                %multiple_of3A_187 = tpu.assume_multiple %mul3A_186, 8 : i32
                %dma_start3A = arith.constant 0 : i32
                %dma_start3A_188 = arith.constant 0 : i32
                %dma_start3A_189 = tpu.memref_slice %arg8[%dma_start3A, %dma_start3A_188] : memref<8x8192xf32, #tpu.memory_space<vmem>> -> memref<8x896xf32, #tpu.memory_space<vmem>>
                %dma_start3A_190 = arith.constant 1152 : i32
                %dma_start3A_191 = tpu.memref_slice %arg4[%multiple_of3A_187, %dma_start3A_190] : memref<256x130816xf32, #tpu.memory_space<hbm>> -> memref<8x896xf32, #tpu.memory_space<hbm>>
                %dma_start3A_192 = arith.constant 1152 : i32
                %dma_start3A_193 = tpu.memref_slice %arg4[%multiple_of3A_187, %dma_start3A_192] : memref<256x130816xf32, #tpu.memory_space<hbm>> -> memref<8x896xf32, #tpu.memory_space<hbm>>
                %dma_start3A_194 = arith.constant 0 : i32
                %dma_start3A_195 = arith.constant 0 : i32
                %dma_start3A_196 = tpu.memref_slice %arg8[%dma_start3A_194, %dma_start3A_195] : memref<8x8192xf32, #tpu.memory_space<vmem>> -> memref<8x896xf32, #tpu.memory_space<vmem>>
                tpu.enqueue_dma source(%dma_start3A_196 : memref<8x896xf32, #tpu.memory_space<vmem>>) target(%dma_start3A_193 : memref<8x896xf32, #tpu.memory_space<hbm>>) target_semaphore(%arg11 : memref<!tpu.dma_semaphore, #tpu.memory_space<semaphore_mem>>)
                %dma_start3A_197 = arith.constant 0 : i32
                %dma_start3A_198 = arith.constant 896 : i32
                %dma_start3A_199 = tpu.memref_slice %arg8[%dma_start3A_197, %dma_start3A_198] : memref<8x8192xf32, #tpu.memory_space<vmem>> -> memref<8x7296xf32, #tpu.memory_space<vmem>>
                %dma_start3A_200 = arith.constant 100224 : i32
                %dma_start3A_201 = tpu.memref_slice %arg4[%multiple_of3A_187, %dma_start3A_200] : memref<256x130816xf32, #tpu.memory_space<hbm>> -> memref<8x7296xf32, #tpu.memory_space<hbm>>
                %dma_start3A_202 = arith.constant 100224 : i32
                %dma_start3A_203 = tpu.memref_slice %arg4[%multiple_of3A_187, %dma_start3A_202] : memref<256x130816xf32, #tpu.memory_space<hbm>> -> memref<8x7296xf32, #tpu.memory_space<hbm>>
                %dma_start3A_204 = arith.constant 0 : i32
                %dma_start3A_205 = arith.constant 896 : i32
                %dma_start3A_206 = tpu.memref_slice %arg8[%dma_start3A_204, %dma_start3A_205] : memref<8x8192xf32, #tpu.memory_space<vmem>> -> memref<8x7296xf32, #tpu.memory_space<vmem>>
                tpu.enqueue_dma source(%dma_start3A_206 : memref<8x7296xf32, #tpu.memory_space<vmem>>) target(%dma_start3A_203 : memref<8x7296xf32, #tpu.memory_space<hbm>>) target_semaphore(%arg11 : memref<!tpu.dma_semaphore, #tpu.memory_space<semaphore_mem>>)
              }
            } else {
              %mul3A_181 = arith.constant 8 : i32
              %mul3A_182 = arith.muli %mul3A_181, %add3A_135 : i32
              %multiple_of3A_183 = tpu.assume_multiple %mul3A_182, 8 : i32
              %dma_start3A = arith.constant 0 : i32
              %dma_start3A_184 = arith.constant 0 : i32
              %dma_start3A_185 = tpu.memref_slice %arg8[%dma_start3A, %dma_start3A_184] : memref<8x8192xf32, #tpu.memory_space<vmem>> -> memref<8x640xf32, #tpu.memory_space<vmem>>
              %dma_start3A_186 = arith.constant 512 : i32
              %dma_start3A_187 = tpu.memref_slice %arg4[%multiple_of3A_183, %dma_start3A_186] : memref<256x130816xf32, #tpu.memory_space<hbm>> -> memref<8x640xf32, #tpu.memory_space<hbm>>
              %dma_start3A_188 = arith.constant 512 : i32
              %dma_start3A_189 = tpu.memref_slice %arg4[%multiple_of3A_183, %dma_start3A_188] : memref<256x130816xf32, #tpu.memory_space<hbm>> -> memref<8x640xf32, #tpu.memory_space<hbm>>
              %dma_start3A_190 = arith.constant 0 : i32
              %dma_start3A_191 = arith.constant 0 : i32
              %dma_start3A_192 = tpu.memref_slice %arg8[%dma_start3A_190, %dma_start3A_191] : memref<8x8192xf32, #tpu.memory_space<vmem>> -> memref<8x640xf32, #tpu.memory_space<vmem>>
              tpu.enqueue_dma source(%dma_start3A_192 : memref<8x640xf32, #tpu.memory_space<vmem>>) target(%dma_start3A_189 : memref<8x640xf32, #tpu.memory_space<hbm>>) target_semaphore(%arg11 : memref<!tpu.dma_semaphore, #tpu.memory_space<semaphore_mem>>)
              %dma_start3A_193 = arith.constant 0 : i32
              %dma_start3A_194 = arith.constant 640 : i32
              %dma_start3A_195 = tpu.memref_slice %arg8[%dma_start3A_193, %dma_start3A_194] : memref<8x8192xf32, #tpu.memory_space<vmem>> -> memref<8x7552xf32, #tpu.memory_space<vmem>>
              %dma_start3A_196 = arith.constant 107520 : i32
              %dma_start3A_197 = tpu.memref_slice %arg4[%multiple_of3A_183, %dma_start3A_196] : memref<256x130816xf32, #tpu.memory_space<hbm>> -> memref<8x7552xf32, #tpu.memory_space<hbm>>
              %dma_start3A_198 = arith.constant 107520 : i32
              %dma_start3A_199 = tpu.memref_slice %arg4[%multiple_of3A_183, %dma_start3A_198] : memref<256x130816xf32, #tpu.memory_space<hbm>> -> memref<8x7552xf32, #tpu.memory_space<hbm>>
              %dma_start3A_200 = arith.constant 0 : i32
              %dma_start3A_201 = arith.constant 640 : i32
              %dma_start3A_202 = tpu.memref_slice %arg8[%dma_start3A_200, %dma_start3A_201] : memref<8x8192xf32, #tpu.memory_space<vmem>> -> memref<8x7552xf32, #tpu.memory_space<vmem>>
              tpu.enqueue_dma source(%dma_start3A_202 : memref<8x7552xf32, #tpu.memory_space<vmem>>) target(%dma_start3A_199 : memref<8x7552xf32, #tpu.memory_space<hbm>>) target_semaphore(%arg11 : memref<!tpu.dma_semaphore, #tpu.memory_space<semaphore_mem>>)
            }
          } else {
            %mul3A_177 = arith.constant 8 : i32
            %mul3A_178 = arith.muli %mul3A_177, %add3A_135 : i32
            %multiple_of3A_179 = tpu.assume_multiple %mul3A_178, 8 : i32
            %dma_start3A = arith.constant 0 : i32
            %dma_start3A_180 = arith.constant 0 : i32
            %dma_start3A_181 = tpu.memref_slice %arg8[%dma_start3A, %dma_start3A_180] : memref<8x8192xf32, #tpu.memory_space<vmem>> -> memref<8x384xf32, #tpu.memory_space<vmem>>
            %dma_start3A_182 = arith.constant 128 : i32
            %dma_start3A_183 = tpu.memref_slice %arg4[%multiple_of3A_179, %dma_start3A_182] : memref<256x130816xf32, #tpu.memory_space<hbm>> -> memref<8x384xf32, #tpu.memory_space<hbm>>
            %dma_start3A_184 = arith.constant 128 : i32
            %dma_start3A_185 = tpu.memref_slice %arg4[%multiple_of3A_179, %dma_start3A_184] : memref<256x130816xf32, #tpu.memory_space<hbm>> -> memref<8x384xf32, #tpu.memory_space<hbm>>
            %dma_start3A_186 = arith.constant 0 : i32
            %dma_start3A_187 = arith.constant 0 : i32
            %dma_start3A_188 = tpu.memref_slice %arg8[%dma_start3A_186, %dma_start3A_187] : memref<8x8192xf32, #tpu.memory_space<vmem>> -> memref<8x384xf32, #tpu.memory_space<vmem>>
            tpu.enqueue_dma source(%dma_start3A_188 : memref<8x384xf32, #tpu.memory_space<vmem>>) target(%dma_start3A_185 : memref<8x384xf32, #tpu.memory_space<hbm>>) target_semaphore(%arg11 : memref<!tpu.dma_semaphore, #tpu.memory_space<semaphore_mem>>)
            %dma_start3A_189 = arith.constant 0 : i32
            %dma_start3A_190 = arith.constant 384 : i32
            %dma_start3A_191 = tpu.memref_slice %arg8[%dma_start3A_189, %dma_start3A_190] : memref<8x8192xf32, #tpu.memory_space<vmem>> -> memref<8x7808xf32, #tpu.memory_space<vmem>>
            %dma_start3A_192 = arith.constant 115072 : i32
            %dma_start3A_193 = tpu.memref_slice %arg4[%multiple_of3A_179, %dma_start3A_192] : memref<256x130816xf32, #tpu.memory_space<hbm>> -> memref<8x7808xf32, #tpu.memory_space<hbm>>
            %dma_start3A_194 = arith.constant 115072 : i32
            %dma_start3A_195 = tpu.memref_slice %arg4[%multiple_of3A_179, %dma_start3A_194] : memref<256x130816xf32, #tpu.memory_space<hbm>> -> memref<8x7808xf32, #tpu.memory_space<hbm>>
            %dma_start3A_196 = arith.constant 0 : i32
            %dma_start3A_197 = arith.constant 384 : i32
            %dma_start3A_198 = tpu.memref_slice %arg8[%dma_start3A_196, %dma_start3A_197] : memref<8x8192xf32, #tpu.memory_space<vmem>> -> memref<8x7808xf32, #tpu.memory_space<vmem>>
            tpu.enqueue_dma source(%dma_start3A_198 : memref<8x7808xf32, #tpu.memory_space<vmem>>) target(%dma_start3A_195 : memref<8x7808xf32, #tpu.memory_space<hbm>>) target_semaphore(%arg11 : memref<!tpu.dma_semaphore, #tpu.memory_space<semaphore_mem>>)
          }
        } else {
          %mul3A_173 = arith.constant 8 : i32
          %mul3A_174 = arith.muli %mul3A_173, %add3A_135 : i32
          %multiple_of3A_175 = tpu.assume_multiple %mul3A_174, 8 : i32
          %dma_start3A = arith.constant 0 : i32
          %dma_start3A_176 = arith.constant 0 : i32
          %dma_start3A_177 = tpu.memref_slice %arg8[%dma_start3A, %dma_start3A_176] : memref<8x8192xf32, #tpu.memory_space<vmem>> -> memref<8x128xf32, #tpu.memory_space<vmem>>
          %dma_start3A_178 = arith.constant 0 : i32
          %dma_start3A_179 = tpu.memref_slice %arg4[%multiple_of3A_175, %dma_start3A_178] : memref<256x130816xf32, #tpu.memory_space<hbm>> -> memref<8x128xf32, #tpu.memory_space<hbm>>
          %dma_start3A_180 = arith.constant 0 : i32
          %dma_start3A_181 = tpu.memref_slice %arg4[%multiple_of3A_175, %dma_start3A_180] : memref<256x130816xf32, #tpu.memory_space<hbm>> -> memref<8x128xf32, #tpu.memory_space<hbm>>
          %dma_start3A_182 = arith.constant 0 : i32
          %dma_start3A_183 = arith.constant 0 : i32
          %dma_start3A_184 = tpu.memref_slice %arg8[%dma_start3A_182, %dma_start3A_183] : memref<8x8192xf32, #tpu.memory_space<vmem>> -> memref<8x128xf32, #tpu.memory_space<vmem>>
          tpu.enqueue_dma source(%dma_start3A_184 : memref<8x128xf32, #tpu.memory_space<vmem>>) target(%dma_start3A_181 : memref<8x128xf32, #tpu.memory_space<hbm>>) target_semaphore(%arg11 : memref<!tpu.dma_semaphore, #tpu.memory_space<semaphore_mem>>)
          %dma_start3A_185 = arith.constant 0 : i32
          %dma_start3A_186 = arith.constant 128 : i32
          %dma_start3A_187 = tpu.memref_slice %arg8[%dma_start3A_185, %dma_start3A_186] : memref<8x8192xf32, #tpu.memory_space<vmem>> -> memref<8x7936xf32, #tpu.memory_space<vmem>>
          %dma_start3A_188 = arith.constant 122880 : i32
          %dma_start3A_189 = tpu.memref_slice %arg4[%multiple_of3A_175, %dma_start3A_188] : memref<256x130816xf32, #tpu.memory_space<hbm>> -> memref<8x7936xf32, #tpu.memory_space<hbm>>
          %dma_start3A_190 = arith.constant 122880 : i32
          %dma_start3A_191 = tpu.memref_slice %arg4[%multiple_of3A_175, %dma_start3A_190] : memref<256x130816xf32, #tpu.memory_space<hbm>> -> memref<8x7936xf32, #tpu.memory_space<hbm>>
          %dma_start3A_192 = arith.constant 0 : i32
          %dma_start3A_193 = arith.constant 128 : i32
          %dma_start3A_194 = tpu.memref_slice %arg8[%dma_start3A_192, %dma_start3A_193] : memref<8x8192xf32, #tpu.memory_space<vmem>> -> memref<8x7936xf32, #tpu.memory_space<vmem>>
          tpu.enqueue_dma source(%dma_start3A_194 : memref<8x7936xf32, #tpu.memory_space<vmem>>) target(%dma_start3A_191 : memref<8x7936xf32, #tpu.memory_space<hbm>>) target_semaphore(%arg11 : memref<!tpu.dma_semaphore, #tpu.memory_space<semaphore_mem>>)
        }
      } else {
      }
    }
    %scan3A_16 = arith.constant 64 : i32
    %clamp3A = arith.constant 0 : i32
    %clamp3A_17 = arith.constant 15 : i32
    %clamp3A_18 = arith.maxsi %arg1, %clamp3A : i32
    %clamp3A_19 = arith.minsi %clamp3A_18, %clamp3A_17 : i32
    %cond3A_20 = arith.constant 0 : i32
    %cond3A_21 = arith.cmpi ne, %clamp3A_19, %cond3A_20 : i32
    scf.if %cond3A_21 {
      %cond3A_22 = arith.constant 1 : i32
      %cond3A_23 = arith.subi %clamp3A_19, %cond3A_22 : i32
      %cond3A_24 = arith.constant 0 : i32
      %cond3A_25 = arith.cmpi ne, %cond3A_23, %cond3A_24 : i32
      scf.if %cond3A_25 {
        %cond3A_26 = arith.constant 1 : i32
        %cond3A_27 = arith.subi %cond3A_23, %cond3A_26 : i32
        %cond3A_28 = arith.constant 0 : i32
        %cond3A_29 = arith.cmpi ne, %cond3A_27, %cond3A_28 : i32
        scf.if %cond3A_29 {
          %cond3A_30 = arith.constant 1 : i32
          %cond3A_31 = arith.subi %cond3A_27, %cond3A_30 : i32
          %cond3A_32 = arith.constant 0 : i32
          %cond3A_33 = arith.cmpi ne, %cond3A_31, %cond3A_32 : i32
          scf.if %cond3A_33 {
            %cond3A_34 = arith.constant 1 : i32
            %cond3A_35 = arith.subi %cond3A_31, %cond3A_34 : i32
            %cond3A_36 = arith.constant 0 : i32
            %cond3A_37 = arith.cmpi ne, %cond3A_35, %cond3A_36 : i32
            scf.if %cond3A_37 {
              %cond3A_38 = arith.constant 1 : i32
              %cond3A_39 = arith.subi %cond3A_35, %cond3A_38 : i32
              %cond3A_40 = arith.constant 0 : i32
              %cond3A_41 = arith.cmpi ne, %cond3A_39, %cond3A_40 : i32
              scf.if %cond3A_41 {
                %cond3A_42 = arith.constant 1 : i32
                %cond3A_43 = arith.subi %cond3A_39, %cond3A_42 : i32
                %cond3A_44 = arith.constant 0 : i32
                %cond3A_45 = arith.cmpi ne, %cond3A_43, %cond3A_44 : i32
                scf.if %cond3A_45 {
                  %cond3A_46 = arith.constant 1 : i32
                  %cond3A_47 = arith.subi %cond3A_43, %cond3A_46 : i32
                  %cond3A_48 = arith.constant 0 : i32
                  %cond3A_49 = arith.cmpi ne, %cond3A_47, %cond3A_48 : i32
                  scf.if %cond3A_49 {
                    %cond3A_50 = arith.constant 1 : i32
                    %cond3A_51 = arith.subi %cond3A_47, %cond3A_50 : i32
                    %cond3A_52 = arith.constant 0 : i32
                    %cond3A_53 = arith.cmpi ne, %cond3A_51, %cond3A_52 : i32
                    scf.if %cond3A_53 {
                      %cond3A_54 = arith.constant 1 : i32
                      %cond3A_55 = arith.subi %cond3A_51, %cond3A_54 : i32
                      %cond3A_56 = arith.constant 0 : i32
                      %cond3A_57 = arith.cmpi ne, %cond3A_55, %cond3A_56 : i32
                      scf.if %cond3A_57 {
                        %cond3A_58 = arith.constant 1 : i32
                        %cond3A_59 = arith.subi %cond3A_55, %cond3A_58 : i32
                        %cond3A_60 = arith.constant 0 : i32
                        %cond3A_61 = arith.cmpi ne, %cond3A_59, %cond3A_60 : i32
                        scf.if %cond3A_61 {
                          %cond3A_62 = arith.constant 1 : i32
                          %cond3A_63 = arith.subi %cond3A_59, %cond3A_62 : i32
                          %cond3A_64 = arith.constant 0 : i32
                          %cond3A_65 = arith.cmpi ne, %cond3A_63, %cond3A_64 : i32
                          scf.if %cond3A_65 {
                            %cond3A_66 = arith.constant 1 : i32
                            %cond3A_67 = arith.subi %cond3A_63, %cond3A_66 : i32
                            %cond3A_68 = arith.constant 0 : i32
                            %cond3A_69 = arith.cmpi ne, %cond3A_67, %cond3A_68 : i32
                            scf.if %cond3A_69 {
                              %cond3A_70 = arith.constant 1 : i32
                              %cond3A_71 = arith.subi %cond3A_67, %cond3A_70 : i32
                              %cond3A_72 = arith.constant 0 : i32
                              %cond3A_73 = arith.cmpi ne, %cond3A_71, %cond3A_72 : i32
                              scf.if %cond3A_73 {
                                %cond3A_74 = arith.constant 1 : i32
                                %cond3A_75 = arith.subi %cond3A_71, %cond3A_74 : i32
                                %cond3A_76 = arith.constant 0 : i32
                                %cond3A_77 = arith.cmpi ne, %cond3A_75, %cond3A_76 : i32
                                scf.if %cond3A_77 {
                                  %multiple_of3A_78 = arith.constant 0 : i32
                                  %multiple_of3A_79 = tpu.assume_multiple %multiple_of3A_78, 8 : i32
                                  %dma_wait3A = arith.constant 0 : i32
                                  %dma_wait3A_80 = arith.constant 0 : i32
                                  %dma_wait3A_81 = tpu.memref_slice %arg8[%dma_wait3A, %dma_wait3A_80] : memref<8x8192xf32, #tpu.memory_space<vmem>> -> memref<8x3840xf32, #tpu.memory_space<vmem>>
                                  %dma_wait3A_82 = arith.constant 28800 : i32
                                  %dma_wait3A_83 = tpu.memref_slice %arg4[%multiple_of3A_79, %dma_wait3A_82] : memref<256x130816xf32, #tpu.memory_space<hbm>> -> memref<8x3840xf32, #tpu.memory_space<hbm>>
                                  %dma_wait3A_84 = arith.constant 28800 : i32
                                  %dma_wait3A_85 = tpu.memref_slice %arg4[%multiple_of3A_79, %dma_wait3A_84] : memref<256x130816xf32, #tpu.memory_space<hbm>> -> memref<8x3840xf32, #tpu.memory_space<hbm>>
                                  %dma_wait3A_86 = arith.constant 0 : i32
                                  %dma_wait3A_87 = arith.constant 0 : i32
                                  %dma_wait3A_88 = tpu.memref_slice %arg8[%dma_wait3A_86, %dma_wait3A_87] : memref<8x8192xf32, #tpu.memory_space<vmem>> -> memref<8x3840xf32, #tpu.memory_space<vmem>>
                                  tpu.wait_dma2 semaphore(%arg11 : memref<!tpu.dma_semaphore, #tpu.memory_space<semaphore_mem>>) src(%dma_wait3A_88 : memref<8x3840xf32, #tpu.memory_space<vmem>>) dst(%dma_wait3A_85 : memref<8x3840xf32, #tpu.memory_space<hbm>>)
                                  %dma_wait3A_89 = arith.constant 0 : i32
                                  %dma_wait3A_90 = arith.constant 3840 : i32
                                  %dma_wait3A_91 = tpu.memref_slice %arg8[%dma_wait3A_89, %dma_wait3A_90] : memref<8x8192xf32, #tpu.memory_space<vmem>> -> memref<8x4224xf32, #tpu.memory_space<vmem>>
                                  %dma_wait3A_92 = arith.constant 32640 : i32
                                  %dma_wait3A_93 = tpu.memref_slice %arg4[%multiple_of3A_79, %dma_wait3A_92] : memref<256x130816xf32, #tpu.memory_space<hbm>> -> memref<8x4224xf32, #tpu.memory_space<hbm>>
                                  %dma_wait3A_94 = arith.constant 32640 : i32
                                  %dma_wait3A_95 = tpu.memref_slice %arg4[%multiple_of3A_79, %dma_wait3A_94] : memref<256x130816xf32, #tpu.memory_space<hbm>> -> memref<8x4224xf32, #tpu.memory_space<hbm>>
                                  %dma_wait3A_96 = arith.constant 0 : i32
                                  %dma_wait3A_97 = arith.constant 3840 : i32
                                  %dma_wait3A_98 = tpu.memref_slice %arg8[%dma_wait3A_96, %dma_wait3A_97] : memref<8x8192xf32, #tpu.memory_space<vmem>> -> memref<8x4224xf32, #tpu.memory_space<vmem>>
                                  tpu.wait_dma2 semaphore(%arg11 : memref<!tpu.dma_semaphore, #tpu.memory_space<semaphore_mem>>) src(%dma_wait3A_98 : memref<8x4224xf32, #tpu.memory_space<vmem>>) dst(%dma_wait3A_95 : memref<8x4224xf32, #tpu.memory_space<hbm>>)
                                } else {
                                  %multiple_of3A_78 = arith.constant 0 : i32
                                  %multiple_of3A_79 = tpu.assume_multiple %multiple_of3A_78, 8 : i32
                                  %dma_wait3A = arith.constant 0 : i32
                                  %dma_wait3A_80 = arith.constant 0 : i32
                                  %dma_wait3A_81 = tpu.memref_slice %arg8[%dma_wait3A, %dma_wait3A_80] : memref<8x8192xf32, #tpu.memory_space<vmem>> -> memref<8x3712xf32, #tpu.memory_space<vmem>>
                                  %dma_wait3A_82 = arith.constant 25088 : i32
                                  %dma_wait3A_83 = tpu.memref_slice %arg4[%multiple_of3A_79, %dma_wait3A_82] : memref<256x130816xf32, #tpu.memory_space<hbm>> -> memref<8x3712xf32, #tpu.memory_space<hbm>>
                                  %dma_wait3A_84 = arith.constant 25088 : i32
                                  %dma_wait3A_85 = tpu.memref_slice %arg4[%multiple_of3A_79, %dma_wait3A_84] : memref<256x130816xf32, #tpu.memory_space<hbm>> -> memref<8x3712xf32, #tpu.memory_space<hbm>>
                                  %dma_wait3A_86 = arith.constant 0 : i32
                                  %dma_wait3A_87 = arith.constant 0 : i32
                                  %dma_wait3A_88 = tpu.memref_slice %arg8[%dma_wait3A_86, %dma_wait3A_87] : memref<8x8192xf32, #tpu.memory_space<vmem>> -> memref<8x3712xf32, #tpu.memory_space<vmem>>
                                  tpu.wait_dma2 semaphore(%arg11 : memref<!tpu.dma_semaphore, #tpu.memory_space<semaphore_mem>>) src(%dma_wait3A_88 : memref<8x3712xf32, #tpu.memory_space<vmem>>) dst(%dma_wait3A_85 : memref<8x3712xf32, #tpu.memory_space<hbm>>)
                                  %dma_wait3A_89 = arith.constant 0 : i32
                                  %dma_wait3A_90 = arith.constant 3712 : i32
                                  %dma_wait3A_91 = tpu.memref_slice %arg8[%dma_wait3A_89, %dma_wait3A_90] : memref<8x8192xf32, #tpu.memory_space<vmem>> -> memref<8x4480xf32, #tpu.memory_space<vmem>>
                                  %dma_wait3A_92 = arith.constant 36864 : i32
                                  %dma_wait3A_93 = tpu.memref_slice %arg4[%multiple_of3A_79, %dma_wait3A_92] : memref<256x130816xf32, #tpu.memory_space<hbm>> -> memref<8x4480xf32, #tpu.memory_space<hbm>>
                                  %dma_wait3A_94 = arith.constant 36864 : i32
                                  %dma_wait3A_95 = tpu.memref_slice %arg4[%multiple_of3A_79, %dma_wait3A_94] : memref<256x130816xf32, #tpu.memory_space<hbm>> -> memref<8x4480xf32, #tpu.memory_space<hbm>>
                                  %dma_wait3A_96 = arith.constant 0 : i32
                                  %dma_wait3A_97 = arith.constant 3712 : i32
                                  %dma_wait3A_98 = tpu.memref_slice %arg8[%dma_wait3A_96, %dma_wait3A_97] : memref<8x8192xf32, #tpu.memory_space<vmem>> -> memref<8x4480xf32, #tpu.memory_space<vmem>>
                                  tpu.wait_dma2 semaphore(%arg11 : memref<!tpu.dma_semaphore, #tpu.memory_space<semaphore_mem>>) src(%dma_wait3A_98 : memref<8x4480xf32, #tpu.memory_space<vmem>>) dst(%dma_wait3A_95 : memref<8x4480xf32, #tpu.memory_space<hbm>>)
                                }
                              } else {
                                %multiple_of3A_74 = arith.constant 0 : i32
                                %multiple_of3A_75 = tpu.assume_multiple %multiple_of3A_74, 8 : i32
                                %dma_wait3A = arith.constant 0 : i32
                                %dma_wait3A_76 = arith.constant 0 : i32
                                %dma_wait3A_77 = tpu.memref_slice %arg8[%dma_wait3A, %dma_wait3A_76] : memref<8x8192xf32, #tpu.memory_space<vmem>> -> memref<8x3456xf32, #tpu.memory_space<vmem>>
                                %dma_wait3A_78 = arith.constant 21632 : i32
                                %dma_wait3A_79 = tpu.memref_slice %arg4[%multiple_of3A_75, %dma_wait3A_78] : memref<256x130816xf32, #tpu.memory_space<hbm>> -> memref<8x3456xf32, #tpu.memory_space<hbm>>
                                %dma_wait3A_80 = arith.constant 21632 : i32
                                %dma_wait3A_81 = tpu.memref_slice %arg4[%multiple_of3A_75, %dma_wait3A_80] : memref<256x130816xf32, #tpu.memory_space<hbm>> -> memref<8x3456xf32, #tpu.memory_space<hbm>>
                                %dma_wait3A_82 = arith.constant 0 : i32
                                %dma_wait3A_83 = arith.constant 0 : i32
                                %dma_wait3A_84 = tpu.memref_slice %arg8[%dma_wait3A_82, %dma_wait3A_83] : memref<8x8192xf32, #tpu.memory_space<vmem>> -> memref<8x3456xf32, #tpu.memory_space<vmem>>
                                tpu.wait_dma2 semaphore(%arg11 : memref<!tpu.dma_semaphore, #tpu.memory_space<semaphore_mem>>) src(%dma_wait3A_84 : memref<8x3456xf32, #tpu.memory_space<vmem>>) dst(%dma_wait3A_81 : memref<8x3456xf32, #tpu.memory_space<hbm>>)
                                %dma_wait3A_85 = arith.constant 0 : i32
                                %dma_wait3A_86 = arith.constant 3456 : i32
                                %dma_wait3A_87 = tpu.memref_slice %arg8[%dma_wait3A_85, %dma_wait3A_86] : memref<8x8192xf32, #tpu.memory_space<vmem>> -> memref<8x4736xf32, #tpu.memory_space<vmem>>
                                %dma_wait3A_88 = arith.constant 41344 : i32
                                %dma_wait3A_89 = tpu.memref_slice %arg4[%multiple_of3A_75, %dma_wait3A_88] : memref<256x130816xf32, #tpu.memory_space<hbm>> -> memref<8x4736xf32, #tpu.memory_space<hbm>>
                                %dma_wait3A_90 = arith.constant 41344 : i32
                                %dma_wait3A_91 = tpu.memref_slice %arg4[%multiple_of3A_75, %dma_wait3A_90] : memref<256x130816xf32, #tpu.memory_space<hbm>> -> memref<8x4736xf32, #tpu.memory_space<hbm>>
                                %dma_wait3A_92 = arith.constant 0 : i32
                                %dma_wait3A_93 = arith.constant 3456 : i32
                                %dma_wait3A_94 = tpu.memref_slice %arg8[%dma_wait3A_92, %dma_wait3A_93] : memref<8x8192xf32, #tpu.memory_space<vmem>> -> memref<8x4736xf32, #tpu.memory_space<vmem>>
                                tpu.wait_dma2 semaphore(%arg11 : memref<!tpu.dma_semaphore, #tpu.memory_space<semaphore_mem>>) src(%dma_wait3A_94 : memref<8x4736xf32, #tpu.memory_space<vmem>>) dst(%dma_wait3A_91 : memref<8x4736xf32, #tpu.memory_space<hbm>>)
                              }
                            } else {
                              %multiple_of3A_70 = arith.constant 0 : i32
                              %multiple_of3A_71 = tpu.assume_multiple %multiple_of3A_70, 8 : i32
                              %dma_wait3A = arith.constant 0 : i32
                              %dma_wait3A_72 = arith.constant 0 : i32
                              %dma_wait3A_73 = tpu.memref_slice %arg8[%dma_wait3A, %dma_wait3A_72] : memref<8x8192xf32, #tpu.memory_space<vmem>> -> memref<8x3200xf32, #tpu.memory_space<vmem>>
                              %dma_wait3A_74 = arith.constant 18432 : i32
                              %dma_wait3A_75 = tpu.memref_slice %arg4[%multiple_of3A_71, %dma_wait3A_74] : memref<256x130816xf32, #tpu.memory_space<hbm>> -> memref<8x3200xf32, #tpu.memory_space<hbm>>
                              %dma_wait3A_76 = arith.constant 18432 : i32
                              %dma_wait3A_77 = tpu.memref_slice %arg4[%multiple_of3A_71, %dma_wait3A_76] : memref<256x130816xf32, #tpu.memory_space<hbm>> -> memref<8x3200xf32, #tpu.memory_space<hbm>>
                              %dma_wait3A_78 = arith.constant 0 : i32
                              %dma_wait3A_79 = arith.constant 0 : i32
                              %dma_wait3A_80 = tpu.memref_slice %arg8[%dma_wait3A_78, %dma_wait3A_79] : memref<8x8192xf32, #tpu.memory_space<vmem>> -> memref<8x3200xf32, #tpu.memory_space<vmem>>
                              tpu.wait_dma2 semaphore(%arg11 : memref<!tpu.dma_semaphore, #tpu.memory_space<semaphore_mem>>) src(%dma_wait3A_80 : memref<8x3200xf32, #tpu.memory_space<vmem>>) dst(%dma_wait3A_77 : memref<8x3200xf32, #tpu.memory_space<hbm>>)
                              %dma_wait3A_81 = arith.constant 0 : i32
                              %dma_wait3A_82 = arith.constant 3200 : i32
                              %dma_wait3A_83 = tpu.memref_slice %arg8[%dma_wait3A_81, %dma_wait3A_82] : memref<8x8192xf32, #tpu.memory_space<vmem>> -> memref<8x4992xf32, #tpu.memory_space<vmem>>
                              %dma_wait3A_84 = arith.constant 46080 : i32
                              %dma_wait3A_85 = tpu.memref_slice %arg4[%multiple_of3A_71, %dma_wait3A_84] : memref<256x130816xf32, #tpu.memory_space<hbm>> -> memref<8x4992xf32, #tpu.memory_space<hbm>>
                              %dma_wait3A_86 = arith.constant 46080 : i32
                              %dma_wait3A_87 = tpu.memref_slice %arg4[%multiple_of3A_71, %dma_wait3A_86] : memref<256x130816xf32, #tpu.memory_space<hbm>> -> memref<8x4992xf32, #tpu.memory_space<hbm>>
                              %dma_wait3A_88 = arith.constant 0 : i32
                              %dma_wait3A_89 = arith.constant 3200 : i32
                              %dma_wait3A_90 = tpu.memref_slice %arg8[%dma_wait3A_88, %dma_wait3A_89] : memref<8x8192xf32, #tpu.memory_space<vmem>> -> memref<8x4992xf32, #tpu.memory_space<vmem>>
                              tpu.wait_dma2 semaphore(%arg11 : memref<!tpu.dma_semaphore, #tpu.memory_space<semaphore_mem>>) src(%dma_wait3A_90 : memref<8x4992xf32, #tpu.memory_space<vmem>>) dst(%dma_wait3A_87 : memref<8x4992xf32, #tpu.memory_space<hbm>>)
                            }
                          } else {
                            %multiple_of3A_66 = arith.constant 0 : i32
                            %multiple_of3A_67 = tpu.assume_multiple %multiple_of3A_66, 8 : i32
                            %dma_wait3A = arith.constant 0 : i32
                            %dma_wait3A_68 = arith.constant 0 : i32
                            %dma_wait3A_69 = tpu.memref_slice %arg8[%dma_wait3A, %dma_wait3A_68] : memref<8x8192xf32, #tpu.memory_space<vmem>> -> memref<8x2944xf32, #tpu.memory_space<vmem>>
                            %dma_wait3A_70 = arith.constant 15488 : i32
                            %dma_wait3A_71 = tpu.memref_slice %arg4[%multiple_of3A_67, %dma_wait3A_70] : memref<256x130816xf32, #tpu.memory_space<hbm>> -> memref<8x2944xf32, #tpu.memory_space<hbm>>
                            %dma_wait3A_72 = arith.constant 15488 : i32
                            %dma_wait3A_73 = tpu.memref_slice %arg4[%multiple_of3A_67, %dma_wait3A_72] : memref<256x130816xf32, #tpu.memory_space<hbm>> -> memref<8x2944xf32, #tpu.memory_space<hbm>>
                            %dma_wait3A_74 = arith.constant 0 : i32
                            %dma_wait3A_75 = arith.constant 0 : i32
                            %dma_wait3A_76 = tpu.memref_slice %arg8[%dma_wait3A_74, %dma_wait3A_75] : memref<8x8192xf32, #tpu.memory_space<vmem>> -> memref<8x2944xf32, #tpu.memory_space<vmem>>
                            tpu.wait_dma2 semaphore(%arg11 : memref<!tpu.dma_semaphore, #tpu.memory_space<semaphore_mem>>) src(%dma_wait3A_76 : memref<8x2944xf32, #tpu.memory_space<vmem>>) dst(%dma_wait3A_73 : memref<8x2944xf32, #tpu.memory_space<hbm>>)
                            %dma_wait3A_77 = arith.constant 0 : i32
                            %dma_wait3A_78 = arith.constant 2944 : i32
                            %dma_wait3A_79 = tpu.memref_slice %arg8[%dma_wait3A_77, %dma_wait3A_78] : memref<8x8192xf32, #tpu.memory_space<vmem>> -> memref<8x5248xf32, #tpu.memory_space<vmem>>
                            %dma_wait3A_80 = arith.constant 51072 : i32
                            %dma_wait3A_81 = tpu.memref_slice %arg4[%multiple_of3A_67, %dma_wait3A_80] : memref<256x130816xf32, #tpu.memory_space<hbm>> -> memref<8x5248xf32, #tpu.memory_space<hbm>>
                            %dma_wait3A_82 = arith.constant 51072 : i32
                            %dma_wait3A_83 = tpu.memref_slice %arg4[%multiple_of3A_67, %dma_wait3A_82] : memref<256x130816xf32, #tpu.memory_space<hbm>> -> memref<8x5248xf32, #tpu.memory_space<hbm>>
                            %dma_wait3A_84 = arith.constant 0 : i32
                            %dma_wait3A_85 = arith.constant 2944 : i32
                            %dma_wait3A_86 = tpu.memref_slice %arg8[%dma_wait3A_84, %dma_wait3A_85] : memref<8x8192xf32, #tpu.memory_space<vmem>> -> memref<8x5248xf32, #tpu.memory_space<vmem>>
                            tpu.wait_dma2 semaphore(%arg11 : memref<!tpu.dma_semaphore, #tpu.memory_space<semaphore_mem>>) src(%dma_wait3A_86 : memref<8x5248xf32, #tpu.memory_space<vmem>>) dst(%dma_wait3A_83 : memref<8x5248xf32, #tpu.memory_space<hbm>>)
                          }
                        } else {
                          %multiple_of3A_62 = arith.constant 0 : i32
                          %multiple_of3A_63 = tpu.assume_multiple %multiple_of3A_62, 8 : i32
                          %dma_wait3A = arith.constant 0 : i32
                          %dma_wait3A_64 = arith.constant 0 : i32
                          %dma_wait3A_65 = tpu.memref_slice %arg8[%dma_wait3A, %dma_wait3A_64] : memref<8x8192xf32, #tpu.memory_space<vmem>> -> memref<8x2688xf32, #tpu.memory_space<vmem>>
                          %dma_wait3A_66 = arith.constant 12800 : i32
                          %dma_wait3A_67 = tpu.memref_slice %arg4[%multiple_of3A_63, %dma_wait3A_66] : memref<256x130816xf32, #tpu.memory_space<hbm>> -> memref<8x2688xf32, #tpu.memory_space<hbm>>
                          %dma_wait3A_68 = arith.constant 12800 : i32
                          %dma_wait3A_69 = tpu.memref_slice %arg4[%multiple_of3A_63, %dma_wait3A_68] : memref<256x130816xf32, #tpu.memory_space<hbm>> -> memref<8x2688xf32, #tpu.memory_space<hbm>>
                          %dma_wait3A_70 = arith.constant 0 : i32
                          %dma_wait3A_71 = arith.constant 0 : i32
                          %dma_wait3A_72 = tpu.memref_slice %arg8[%dma_wait3A_70, %dma_wait3A_71] : memref<8x8192xf32, #tpu.memory_space<vmem>> -> memref<8x2688xf32, #tpu.memory_space<vmem>>
                          tpu.wait_dma2 semaphore(%arg11 : memref<!tpu.dma_semaphore, #tpu.memory_space<semaphore_mem>>) src(%dma_wait3A_72 : memref<8x2688xf32, #tpu.memory_space<vmem>>) dst(%dma_wait3A_69 : memref<8x2688xf32, #tpu.memory_space<hbm>>)
                          %dma_wait3A_73 = arith.constant 0 : i32
                          %dma_wait3A_74 = arith.constant 2688 : i32
                          %dma_wait3A_75 = tpu.memref_slice %arg8[%dma_wait3A_73, %dma_wait3A_74] : memref<8x8192xf32, #tpu.memory_space<vmem>> -> memref<8x5504xf32, #tpu.memory_space<vmem>>
                          %dma_wait3A_76 = arith.constant 56320 : i32
                          %dma_wait3A_77 = tpu.memref_slice %arg4[%multiple_of3A_63, %dma_wait3A_76] : memref<256x130816xf32, #tpu.memory_space<hbm>> -> memref<8x5504xf32, #tpu.memory_space<hbm>>
                          %dma_wait3A_78 = arith.constant 56320 : i32
                          %dma_wait3A_79 = tpu.memref_slice %arg4[%multiple_of3A_63, %dma_wait3A_78] : memref<256x130816xf32, #tpu.memory_space<hbm>> -> memref<8x5504xf32, #tpu.memory_space<hbm>>
                          %dma_wait3A_80 = arith.constant 0 : i32
                          %dma_wait3A_81 = arith.constant 2688 : i32
                          %dma_wait3A_82 = tpu.memref_slice %arg8[%dma_wait3A_80, %dma_wait3A_81] : memref<8x8192xf32, #tpu.memory_space<vmem>> -> memref<8x5504xf32, #tpu.memory_space<vmem>>
                          tpu.wait_dma2 semaphore(%arg11 : memref<!tpu.dma_semaphore, #tpu.memory_space<semaphore_mem>>) src(%dma_wait3A_82 : memref<8x5504xf32, #tpu.memory_space<vmem>>) dst(%dma_wait3A_79 : memref<8x5504xf32, #tpu.memory_space<hbm>>)
                        }
                      } else {
                        %multiple_of3A_58 = arith.constant 0 : i32
                        %multiple_of3A_59 = tpu.assume_multiple %multiple_of3A_58, 8 : i32
                        %dma_wait3A = arith.constant 0 : i32
                        %dma_wait3A_60 = arith.constant 0 : i32
                        %dma_wait3A_61 = tpu.memref_slice %arg8[%dma_wait3A, %dma_wait3A_60] : memref<8x8192xf32, #tpu.memory_space<vmem>> -> memref<8x2432xf32, #tpu.memory_space<vmem>>
                        %dma_wait3A_62 = arith.constant 10368 : i32
                        %dma_wait3A_63 = tpu.memref_slice %arg4[%multiple_of3A_59, %dma_wait3A_62] : memref<256x130816xf32, #tpu.memory_space<hbm>> -> memref<8x2432xf32, #tpu.memory_space<hbm>>
                        %dma_wait3A_64 = arith.constant 10368 : i32
                        %dma_wait3A_65 = tpu.memref_slice %arg4[%multiple_of3A_59, %dma_wait3A_64] : memref<256x130816xf32, #tpu.memory_space<hbm>> -> memref<8x2432xf32, #tpu.memory_space<hbm>>
                        %dma_wait3A_66 = arith.constant 0 : i32
                        %dma_wait3A_67 = arith.constant 0 : i32
                        %dma_wait3A_68 = tpu.memref_slice %arg8[%dma_wait3A_66, %dma_wait3A_67] : memref<8x8192xf32, #tpu.memory_space<vmem>> -> memref<8x2432xf32, #tpu.memory_space<vmem>>
                        tpu.wait_dma2 semaphore(%arg11 : memref<!tpu.dma_semaphore, #tpu.memory_space<semaphore_mem>>) src(%dma_wait3A_68 : memref<8x2432xf32, #tpu.memory_space<vmem>>) dst(%dma_wait3A_65 : memref<8x2432xf32, #tpu.memory_space<hbm>>)
                        %dma_wait3A_69 = arith.constant 0 : i32
                        %dma_wait3A_70 = arith.constant 2432 : i32
                        %dma_wait3A_71 = tpu.memref_slice %arg8[%dma_wait3A_69, %dma_wait3A_70] : memref<8x8192xf32, #tpu.memory_space<vmem>> -> memref<8x5760xf32, #tpu.memory_space<vmem>>
                        %dma_wait3A_72 = arith.constant 61824 : i32
                        %dma_wait3A_73 = tpu.memref_slice %arg4[%multiple_of3A_59, %dma_wait3A_72] : memref<256x130816xf32, #tpu.memory_space<hbm>> -> memref<8x5760xf32, #tpu.memory_space<hbm>>
                        %dma_wait3A_74 = arith.constant 61824 : i32
                        %dma_wait3A_75 = tpu.memref_slice %arg4[%multiple_of3A_59, %dma_wait3A_74] : memref<256x130816xf32, #tpu.memory_space<hbm>> -> memref<8x5760xf32, #tpu.memory_space<hbm>>
                        %dma_wait3A_76 = arith.constant 0 : i32
                        %dma_wait3A_77 = arith.constant 2432 : i32
                        %dma_wait3A_78 = tpu.memref_slice %arg8[%dma_wait3A_76, %dma_wait3A_77] : memref<8x8192xf32, #tpu.memory_space<vmem>> -> memref<8x5760xf32, #tpu.memory_space<vmem>>
                        tpu.wait_dma2 semaphore(%arg11 : memref<!tpu.dma_semaphore, #tpu.memory_space<semaphore_mem>>) src(%dma_wait3A_78 : memref<8x5760xf32, #tpu.memory_space<vmem>>) dst(%dma_wait3A_75 : memref<8x5760xf32, #tpu.memory_space<hbm>>)
                      }
                    } else {
                      %multiple_of3A_54 = arith.constant 0 : i32
                      %multiple_of3A_55 = tpu.assume_multiple %multiple_of3A_54, 8 : i32
                      %dma_wait3A = arith.constant 0 : i32
                      %dma_wait3A_56 = arith.constant 0 : i32
                      %dma_wait3A_57 = tpu.memref_slice %arg8[%dma_wait3A, %dma_wait3A_56] : memref<8x8192xf32, #tpu.memory_space<vmem>> -> memref<8x2176xf32, #tpu.memory_space<vmem>>
                      %dma_wait3A_58 = arith.constant 8192 : i32
                      %dma_wait3A_59 = tpu.memref_slice %arg4[%multiple_of3A_55, %dma_wait3A_58] : memref<256x130816xf32, #tpu.memory_space<hbm>> -> memref<8x2176xf32, #tpu.memory_space<hbm>>
                      %dma_wait3A_60 = arith.constant 8192 : i32
                      %dma_wait3A_61 = tpu.memref_slice %arg4[%multiple_of3A_55, %dma_wait3A_60] : memref<256x130816xf32, #tpu.memory_space<hbm>> -> memref<8x2176xf32, #tpu.memory_space<hbm>>
                      %dma_wait3A_62 = arith.constant 0 : i32
                      %dma_wait3A_63 = arith.constant 0 : i32
                      %dma_wait3A_64 = tpu.memref_slice %arg8[%dma_wait3A_62, %dma_wait3A_63] : memref<8x8192xf32, #tpu.memory_space<vmem>> -> memref<8x2176xf32, #tpu.memory_space<vmem>>
                      tpu.wait_dma2 semaphore(%arg11 : memref<!tpu.dma_semaphore, #tpu.memory_space<semaphore_mem>>) src(%dma_wait3A_64 : memref<8x2176xf32, #tpu.memory_space<vmem>>) dst(%dma_wait3A_61 : memref<8x2176xf32, #tpu.memory_space<hbm>>)
                      %dma_wait3A_65 = arith.constant 0 : i32
                      %dma_wait3A_66 = arith.constant 2176 : i32
                      %dma_wait3A_67 = tpu.memref_slice %arg8[%dma_wait3A_65, %dma_wait3A_66] : memref<8x8192xf32, #tpu.memory_space<vmem>> -> memref<8x6016xf32, #tpu.memory_space<vmem>>
                      %dma_wait3A_68 = arith.constant 67584 : i32
                      %dma_wait3A_69 = tpu.memref_slice %arg4[%multiple_of3A_55, %dma_wait3A_68] : memref<256x130816xf32, #tpu.memory_space<hbm>> -> memref<8x6016xf32, #tpu.memory_space<hbm>>
                      %dma_wait3A_70 = arith.constant 67584 : i32
                      %dma_wait3A_71 = tpu.memref_slice %arg4[%multiple_of3A_55, %dma_wait3A_70] : memref<256x130816xf32, #tpu.memory_space<hbm>> -> memref<8x6016xf32, #tpu.memory_space<hbm>>
                      %dma_wait3A_72 = arith.constant 0 : i32
                      %dma_wait3A_73 = arith.constant 2176 : i32
                      %dma_wait3A_74 = tpu.memref_slice %arg8[%dma_wait3A_72, %dma_wait3A_73] : memref<8x8192xf32, #tpu.memory_space<vmem>> -> memref<8x6016xf32, #tpu.memory_space<vmem>>
                      tpu.wait_dma2 semaphore(%arg11 : memref<!tpu.dma_semaphore, #tpu.memory_space<semaphore_mem>>) src(%dma_wait3A_74 : memref<8x6016xf32, #tpu.memory_space<vmem>>) dst(%dma_wait3A_71 : memref<8x6016xf32, #tpu.memory_space<hbm>>)
                    }
                  } else {
                    %multiple_of3A_50 = arith.constant 0 : i32
                    %multiple_of3A_51 = tpu.assume_multiple %multiple_of3A_50, 8 : i32
                    %dma_wait3A = arith.constant 0 : i32
                    %dma_wait3A_52 = arith.constant 0 : i32
                    %dma_wait3A_53 = tpu.memref_slice %arg8[%dma_wait3A, %dma_wait3A_52] : memref<8x8192xf32, #tpu.memory_space<vmem>> -> memref<8x1920xf32, #tpu.memory_space<vmem>>
                    %dma_wait3A_54 = arith.constant 6272 : i32
                    %dma_wait3A_55 = tpu.memref_slice %arg4[%multiple_of3A_51, %dma_wait3A_54] : memref<256x130816xf32, #tpu.memory_space<hbm>> -> memref<8x1920xf32, #tpu.memory_space<hbm>>
                    %dma_wait3A_56 = arith.constant 6272 : i32
                    %dma_wait3A_57 = tpu.memref_slice %arg4[%multiple_of3A_51, %dma_wait3A_56] : memref<256x130816xf32, #tpu.memory_space<hbm>> -> memref<8x1920xf32, #tpu.memory_space<hbm>>
                    %dma_wait3A_58 = arith.constant 0 : i32
                    %dma_wait3A_59 = arith.constant 0 : i32
                    %dma_wait3A_60 = tpu.memref_slice %arg8[%dma_wait3A_58, %dma_wait3A_59] : memref<8x8192xf32, #tpu.memory_space<vmem>> -> memref<8x1920xf32, #tpu.memory_space<vmem>>
                    tpu.wait_dma2 semaphore(%arg11 : memref<!tpu.dma_semaphore, #tpu.memory_space<semaphore_mem>>) src(%dma_wait3A_60 : memref<8x1920xf32, #tpu.memory_space<vmem>>) dst(%dma_wait3A_57 : memref<8x1920xf32, #tpu.memory_space<hbm>>)
                    %dma_wait3A_61 = arith.constant 0 : i32
                    %dma_wait3A_62 = arith.constant 1920 : i32
                    %dma_wait3A_63 = tpu.memref_slice %arg8[%dma_wait3A_61, %dma_wait3A_62] : memref<8x8192xf32, #tpu.memory_space<vmem>> -> memref<8x6272xf32, #tpu.memory_space<vmem>>
                    %dma_wait3A_64 = arith.constant 73600 : i32
                    %dma_wait3A_65 = tpu.memref_slice %arg4[%multiple_of3A_51, %dma_wait3A_64] : memref<256x130816xf32, #tpu.memory_space<hbm>> -> memref<8x6272xf32, #tpu.memory_space<hbm>>
                    %dma_wait3A_66 = arith.constant 73600 : i32
                    %dma_wait3A_67 = tpu.memref_slice %arg4[%multiple_of3A_51, %dma_wait3A_66] : memref<256x130816xf32, #tpu.memory_space<hbm>> -> memref<8x6272xf32, #tpu.memory_space<hbm>>
                    %dma_wait3A_68 = arith.constant 0 : i32
                    %dma_wait3A_69 = arith.constant 1920 : i32
                    %dma_wait3A_70 = tpu.memref_slice %arg8[%dma_wait3A_68, %dma_wait3A_69] : memref<8x8192xf32, #tpu.memory_space<vmem>> -> memref<8x6272xf32, #tpu.memory_space<vmem>>
                    tpu.wait_dma2 semaphore(%arg11 : memref<!tpu.dma_semaphore, #tpu.memory_space<semaphore_mem>>) src(%dma_wait3A_70 : memref<8x6272xf32, #tpu.memory_space<vmem>>) dst(%dma_wait3A_67 : memref<8x6272xf32, #tpu.memory_space<hbm>>)
                  }
                } else {
                  %multiple_of3A_46 = arith.constant 0 : i32
                  %multiple_of3A_47 = tpu.assume_multiple %multiple_of3A_46, 8 : i32
                  %dma_wait3A = arith.constant 0 : i32
                  %dma_wait3A_48 = arith.constant 0 : i32
                  %dma_wait3A_49 = tpu.memref_slice %arg8[%dma_wait3A, %dma_wait3A_48] : memref<8x8192xf32, #tpu.memory_space<vmem>> -> memref<8x1664xf32, #tpu.memory_space<vmem>>
                  %dma_wait3A_50 = arith.constant 4608 : i32
                  %dma_wait3A_51 = tpu.memref_slice %arg4[%multiple_of3A_47, %dma_wait3A_50] : memref<256x130816xf32, #tpu.memory_space<hbm>> -> memref<8x1664xf32, #tpu.memory_space<hbm>>
                  %dma_wait3A_52 = arith.constant 4608 : i32
                  %dma_wait3A_53 = tpu.memref_slice %arg4[%multiple_of3A_47, %dma_wait3A_52] : memref<256x130816xf32, #tpu.memory_space<hbm>> -> memref<8x1664xf32, #tpu.memory_space<hbm>>
                  %dma_wait3A_54 = arith.constant 0 : i32
                  %dma_wait3A_55 = arith.constant 0 : i32
                  %dma_wait3A_56 = tpu.memref_slice %arg8[%dma_wait3A_54, %dma_wait3A_55] : memref<8x8192xf32, #tpu.memory_space<vmem>> -> memref<8x1664xf32, #tpu.memory_space<vmem>>
                  tpu.wait_dma2 semaphore(%arg11 : memref<!tpu.dma_semaphore, #tpu.memory_space<semaphore_mem>>) src(%dma_wait3A_56 : memref<8x1664xf32, #tpu.memory_space<vmem>>) dst(%dma_wait3A_53 : memref<8x1664xf32, #tpu.memory_space<hbm>>)
                  %dma_wait3A_57 = arith.constant 0 : i32
                  %dma_wait3A_58 = arith.constant 1664 : i32
                  %dma_wait3A_59 = tpu.memref_slice %arg8[%dma_wait3A_57, %dma_wait3A_58] : memref<8x8192xf32, #tpu.memory_space<vmem>> -> memref<8x6528xf32, #tpu.memory_space<vmem>>
                  %dma_wait3A_60 = arith.constant 79872 : i32
                  %dma_wait3A_61 = tpu.memref_slice %arg4[%multiple_of3A_47, %dma_wait3A_60] : memref<256x130816xf32, #tpu.memory_space<hbm>> -> memref<8x6528xf32, #tpu.memory_space<hbm>>
                  %dma_wait3A_62 = arith.constant 79872 : i32
                  %dma_wait3A_63 = tpu.memref_slice %arg4[%multiple_of3A_47, %dma_wait3A_62] : memref<256x130816xf32, #tpu.memory_space<hbm>> -> memref<8x6528xf32, #tpu.memory_space<hbm>>
                  %dma_wait3A_64 = arith.constant 0 : i32
                  %dma_wait3A_65 = arith.constant 1664 : i32
                  %dma_wait3A_66 = tpu.memref_slice %arg8[%dma_wait3A_64, %dma_wait3A_65] : memref<8x8192xf32, #tpu.memory_space<vmem>> -> memref<8x6528xf32, #tpu.memory_space<vmem>>
                  tpu.wait_dma2 semaphore(%arg11 : memref<!tpu.dma_semaphore, #tpu.memory_space<semaphore_mem>>) src(%dma_wait3A_66 : memref<8x6528xf32, #tpu.memory_space<vmem>>) dst(%dma_wait3A_63 : memref<8x6528xf32, #tpu.memory_space<hbm>>)
                }
              } else {
                %multiple_of3A_42 = arith.constant 0 : i32
                %multiple_of3A_43 = tpu.assume_multiple %multiple_of3A_42, 8 : i32
                %dma_wait3A = arith.constant 0 : i32
                %dma_wait3A_44 = arith.constant 0 : i32
                %dma_wait3A_45 = tpu.memref_slice %arg8[%dma_wait3A, %dma_wait3A_44] : memref<8x8192xf32, #tpu.memory_space<vmem>> -> memref<8x1408xf32, #tpu.memory_space<vmem>>
                %dma_wait3A_46 = arith.constant 3200 : i32
                %dma_wait3A_47 = tpu.memref_slice %arg4[%multiple_of3A_43, %dma_wait3A_46] : memref<256x130816xf32, #tpu.memory_space<hbm>> -> memref<8x1408xf32, #tpu.memory_space<hbm>>
                %dma_wait3A_48 = arith.constant 3200 : i32
                %dma_wait3A_49 = tpu.memref_slice %arg4[%multiple_of3A_43, %dma_wait3A_48] : memref<256x130816xf32, #tpu.memory_space<hbm>> -> memref<8x1408xf32, #tpu.memory_space<hbm>>
                %dma_wait3A_50 = arith.constant 0 : i32
                %dma_wait3A_51 = arith.constant 0 : i32
                %dma_wait3A_52 = tpu.memref_slice %arg8[%dma_wait3A_50, %dma_wait3A_51] : memref<8x8192xf32, #tpu.memory_space<vmem>> -> memref<8x1408xf32, #tpu.memory_space<vmem>>
                tpu.wait_dma2 semaphore(%arg11 : memref<!tpu.dma_semaphore, #tpu.memory_space<semaphore_mem>>) src(%dma_wait3A_52 : memref<8x1408xf32, #tpu.memory_space<vmem>>) dst(%dma_wait3A_49 : memref<8x1408xf32, #tpu.memory_space<hbm>>)
                %dma_wait3A_53 = arith.constant 0 : i32
                %dma_wait3A_54 = arith.constant 1408 : i32
                %dma_wait3A_55 = tpu.memref_slice %arg8[%dma_wait3A_53, %dma_wait3A_54] : memref<8x8192xf32, #tpu.memory_space<vmem>> -> memref<8x6784xf32, #tpu.memory_space<vmem>>
                %dma_wait3A_56 = arith.constant 86400 : i32
                %dma_wait3A_57 = tpu.memref_slice %arg4[%multiple_of3A_43, %dma_wait3A_56] : memref<256x130816xf32, #tpu.memory_space<hbm>> -> memref<8x6784xf32, #tpu.memory_space<hbm>>
                %dma_wait3A_58 = arith.constant 86400 : i32
                %dma_wait3A_59 = tpu.memref_slice %arg4[%multiple_of3A_43, %dma_wait3A_58] : memref<256x130816xf32, #tpu.memory_space<hbm>> -> memref<8x6784xf32, #tpu.memory_space<hbm>>
                %dma_wait3A_60 = arith.constant 0 : i32
                %dma_wait3A_61 = arith.constant 1408 : i32
                %dma_wait3A_62 = tpu.memref_slice %arg8[%dma_wait3A_60, %dma_wait3A_61] : memref<8x8192xf32, #tpu.memory_space<vmem>> -> memref<8x6784xf32, #tpu.memory_space<vmem>>
                tpu.wait_dma2 semaphore(%arg11 : memref<!tpu.dma_semaphore, #tpu.memory_space<semaphore_mem>>) src(%dma_wait3A_62 : memref<8x6784xf32, #tpu.memory_space<vmem>>) dst(%dma_wait3A_59 : memref<8x6784xf32, #tpu.memory_space<hbm>>)
              }
            } else {
              %multiple_of3A_38 = arith.constant 0 : i32
              %multiple_of3A_39 = tpu.assume_multiple %multiple_of3A_38, 8 : i32
              %dma_wait3A = arith.constant 0 : i32
              %dma_wait3A_40 = arith.constant 0 : i32
              %dma_wait3A_41 = tpu.memref_slice %arg8[%dma_wait3A, %dma_wait3A_40] : memref<8x8192xf32, #tpu.memory_space<vmem>> -> memref<8x1152xf32, #tpu.memory_space<vmem>>
              %dma_wait3A_42 = arith.constant 2048 : i32
              %dma_wait3A_43 = tpu.memref_slice %arg4[%multiple_of3A_39, %dma_wait3A_42] : memref<256x130816xf32, #tpu.memory_space<hbm>> -> memref<8x1152xf32, #tpu.memory_space<hbm>>
              %dma_wait3A_44 = arith.constant 2048 : i32
              %dma_wait3A_45 = tpu.memref_slice %arg4[%multiple_of3A_39, %dma_wait3A_44] : memref<256x130816xf32, #tpu.memory_space<hbm>> -> memref<8x1152xf32, #tpu.memory_space<hbm>>
              %dma_wait3A_46 = arith.constant 0 : i32
              %dma_wait3A_47 = arith.constant 0 : i32
              %dma_wait3A_48 = tpu.memref_slice %arg8[%dma_wait3A_46, %dma_wait3A_47] : memref<8x8192xf32, #tpu.memory_space<vmem>> -> memref<8x1152xf32, #tpu.memory_space<vmem>>
              tpu.wait_dma2 semaphore(%arg11 : memref<!tpu.dma_semaphore, #tpu.memory_space<semaphore_mem>>) src(%dma_wait3A_48 : memref<8x1152xf32, #tpu.memory_space<vmem>>) dst(%dma_wait3A_45 : memref<8x1152xf32, #tpu.memory_space<hbm>>)
              %dma_wait3A_49 = arith.constant 0 : i32
              %dma_wait3A_50 = arith.constant 1152 : i32
              %dma_wait3A_51 = tpu.memref_slice %arg8[%dma_wait3A_49, %dma_wait3A_50] : memref<8x8192xf32, #tpu.memory_space<vmem>> -> memref<8x7040xf32, #tpu.memory_space<vmem>>
              %dma_wait3A_52 = arith.constant 93184 : i32
              %dma_wait3A_53 = tpu.memref_slice %arg4[%multiple_of3A_39, %dma_wait3A_52] : memref<256x130816xf32, #tpu.memory_space<hbm>> -> memref<8x7040xf32, #tpu.memory_space<hbm>>
              %dma_wait3A_54 = arith.constant 93184 : i32
              %dma_wait3A_55 = tpu.memref_slice %arg4[%multiple_of3A_39, %dma_wait3A_54] : memref<256x130816xf32, #tpu.memory_space<hbm>> -> memref<8x7040xf32, #tpu.memory_space<hbm>>
              %dma_wait3A_56 = arith.constant 0 : i32
              %dma_wait3A_57 = arith.constant 1152 : i32
              %dma_wait3A_58 = tpu.memref_slice %arg8[%dma_wait3A_56, %dma_wait3A_57] : memref<8x8192xf32, #tpu.memory_space<vmem>> -> memref<8x7040xf32, #tpu.memory_space<vmem>>
              tpu.wait_dma2 semaphore(%arg11 : memref<!tpu.dma_semaphore, #tpu.memory_space<semaphore_mem>>) src(%dma_wait3A_58 : memref<8x7040xf32, #tpu.memory_space<vmem>>) dst(%dma_wait3A_55 : memref<8x7040xf32, #tpu.memory_space<hbm>>)
            }
          } else {
            %multiple_of3A_34 = arith.constant 0 : i32
            %multiple_of3A_35 = tpu.assume_multiple %multiple_of3A_34, 8 : i32
            %dma_wait3A = arith.constant 0 : i32
            %dma_wait3A_36 = arith.constant 0 : i32
            %dma_wait3A_37 = tpu.memref_slice %arg8[%dma_wait3A, %dma_wait3A_36] : memref<8x8192xf32, #tpu.memory_space<vmem>> -> memref<8x896xf32, #tpu.memory_space<vmem>>
            %dma_wait3A_38 = arith.constant 1152 : i32
            %dma_wait3A_39 = tpu.memref_slice %arg4[%multiple_of3A_35, %dma_wait3A_38] : memref<256x130816xf32, #tpu.memory_space<hbm>> -> memref<8x896xf32, #tpu.memory_space<hbm>>
            %dma_wait3A_40 = arith.constant 1152 : i32
            %dma_wait3A_41 = tpu.memref_slice %arg4[%multiple_of3A_35, %dma_wait3A_40] : memref<256x130816xf32, #tpu.memory_space<hbm>> -> memref<8x896xf32, #tpu.memory_space<hbm>>
            %dma_wait3A_42 = arith.constant 0 : i32
            %dma_wait3A_43 = arith.constant 0 : i32
            %dma_wait3A_44 = tpu.memref_slice %arg8[%dma_wait3A_42, %dma_wait3A_43] : memref<8x8192xf32, #tpu.memory_space<vmem>> -> memref<8x896xf32, #tpu.memory_space<vmem>>
            tpu.wait_dma2 semaphore(%arg11 : memref<!tpu.dma_semaphore, #tpu.memory_space<semaphore_mem>>) src(%dma_wait3A_44 : memref<8x896xf32, #tpu.memory_space<vmem>>) dst(%dma_wait3A_41 : memref<8x896xf32, #tpu.memory_space<hbm>>)
            %dma_wait3A_45 = arith.constant 0 : i32
            %dma_wait3A_46 = arith.constant 896 : i32
            %dma_wait3A_47 = tpu.memref_slice %arg8[%dma_wait3A_45, %dma_wait3A_46] : memref<8x8192xf32, #tpu.memory_space<vmem>> -> memref<8x7296xf32, #tpu.memory_space<vmem>>
            %dma_wait3A_48 = arith.constant 100224 : i32
            %dma_wait3A_49 = tpu.memref_slice %arg4[%multiple_of3A_35, %dma_wait3A_48] : memref<256x130816xf32, #tpu.memory_space<hbm>> -> memref<8x7296xf32, #tpu.memory_space<hbm>>
            %dma_wait3A_50 = arith.constant 100224 : i32
            %dma_wait3A_51 = tpu.memref_slice %arg4[%multiple_of3A_35, %dma_wait3A_50] : memref<256x130816xf32, #tpu.memory_space<hbm>> -> memref<8x7296xf32, #tpu.memory_space<hbm>>
            %dma_wait3A_52 = arith.constant 0 : i32
            %dma_wait3A_53 = arith.constant 896 : i32
            %dma_wait3A_54 = tpu.memref_slice %arg8[%dma_wait3A_52, %dma_wait3A_53] : memref<8x8192xf32, #tpu.memory_space<vmem>> -> memref<8x7296xf32, #tpu.memory_space<vmem>>
            tpu.wait_dma2 semaphore(%arg11 : memref<!tpu.dma_semaphore, #tpu.memory_space<semaphore_mem>>) src(%dma_wait3A_54 : memref<8x7296xf32, #tpu.memory_space<vmem>>) dst(%dma_wait3A_51 : memref<8x7296xf32, #tpu.memory_space<hbm>>)
          }
        } else {
          %multiple_of3A_30 = arith.constant 0 : i32
          %multiple_of3A_31 = tpu.assume_multiple %multiple_of3A_30, 8 : i32
          %dma_wait3A = arith.constant 0 : i32
          %dma_wait3A_32 = arith.constant 0 : i32
          %dma_wait3A_33 = tpu.memref_slice %arg8[%dma_wait3A, %dma_wait3A_32] : memref<8x8192xf32, #tpu.memory_space<vmem>> -> memref<8x640xf32, #tpu.memory_space<vmem>>
          %dma_wait3A_34 = arith.constant 512 : i32
          %dma_wait3A_35 = tpu.memref_slice %arg4[%multiple_of3A_31, %dma_wait3A_34] : memref<256x130816xf32, #tpu.memory_space<hbm>> -> memref<8x640xf32, #tpu.memory_space<hbm>>
          %dma_wait3A_36 = arith.constant 512 : i32
          %dma_wait3A_37 = tpu.memref_slice %arg4[%multiple_of3A_31, %dma_wait3A_36] : memref<256x130816xf32, #tpu.memory_space<hbm>> -> memref<8x640xf32, #tpu.memory_space<hbm>>
          %dma_wait3A_38 = arith.constant 0 : i32
          %dma_wait3A_39 = arith.constant 0 : i32
          %dma_wait3A_40 = tpu.memref_slice %arg8[%dma_wait3A_38, %dma_wait3A_39] : memref<8x8192xf32, #tpu.memory_space<vmem>> -> memref<8x640xf32, #tpu.memory_space<vmem>>
          tpu.wait_dma2 semaphore(%arg11 : memref<!tpu.dma_semaphore, #tpu.memory_space<semaphore_mem>>) src(%dma_wait3A_40 : memref<8x640xf32, #tpu.memory_space<vmem>>) dst(%dma_wait3A_37 : memref<8x640xf32, #tpu.memory_space<hbm>>)
          %dma_wait3A_41 = arith.constant 0 : i32
          %dma_wait3A_42 = arith.constant 640 : i32
          %dma_wait3A_43 = tpu.memref_slice %arg8[%dma_wait3A_41, %dma_wait3A_42] : memref<8x8192xf32, #tpu.memory_space<vmem>> -> memref<8x7552xf32, #tpu.memory_space<vmem>>
          %dma_wait3A_44 = arith.constant 107520 : i32
          %dma_wait3A_45 = tpu.memref_slice %arg4[%multiple_of3A_31, %dma_wait3A_44] : memref<256x130816xf32, #tpu.memory_space<hbm>> -> memref<8x7552xf32, #tpu.memory_space<hbm>>
          %dma_wait3A_46 = arith.constant 107520 : i32
          %dma_wait3A_47 = tpu.memref_slice %arg4[%multiple_of3A_31, %dma_wait3A_46] : memref<256x130816xf32, #tpu.memory_space<hbm>> -> memref<8x7552xf32, #tpu.memory_space<hbm>>
          %dma_wait3A_48 = arith.constant 0 : i32
          %dma_wait3A_49 = arith.constant 640 : i32
          %dma_wait3A_50 = tpu.memref_slice %arg8[%dma_wait3A_48, %dma_wait3A_49] : memref<8x8192xf32, #tpu.memory_space<vmem>> -> memref<8x7552xf32, #tpu.memory_space<vmem>>
          tpu.wait_dma2 semaphore(%arg11 : memref<!tpu.dma_semaphore, #tpu.memory_space<semaphore_mem>>) src(%dma_wait3A_50 : memref<8x7552xf32, #tpu.memory_space<vmem>>) dst(%dma_wait3A_47 : memref<8x7552xf32, #tpu.memory_space<hbm>>)
        }
      } else {
        %multiple_of3A_26 = arith.constant 0 : i32
        %multiple_of3A_27 = tpu.assume_multiple %multiple_of3A_26, 8 : i32
        %dma_wait3A = arith.constant 0 : i32
        %dma_wait3A_28 = arith.constant 0 : i32
        %dma_wait3A_29 = tpu.memref_slice %arg8[%dma_wait3A, %dma_wait3A_28] : memref<8x8192xf32, #tpu.memory_space<vmem>> -> memref<8x384xf32, #tpu.memory_space<vmem>>
        %dma_wait3A_30 = arith.constant 128 : i32
        %dma_wait3A_31 = tpu.memref_slice %arg4[%multiple_of3A_27, %dma_wait3A_30] : memref<256x130816xf32, #tpu.memory_space<hbm>> -> memref<8x384xf32, #tpu.memory_space<hbm>>
        %dma_wait3A_32 = arith.constant 128 : i32
        %dma_wait3A_33 = tpu.memref_slice %arg4[%multiple_of3A_27, %dma_wait3A_32] : memref<256x130816xf32, #tpu.memory_space<hbm>> -> memref<8x384xf32, #tpu.memory_space<hbm>>
        %dma_wait3A_34 = arith.constant 0 : i32
        %dma_wait3A_35 = arith.constant 0 : i32
        %dma_wait3A_36 = tpu.memref_slice %arg8[%dma_wait3A_34, %dma_wait3A_35] : memref<8x8192xf32, #tpu.memory_space<vmem>> -> memref<8x384xf32, #tpu.memory_space<vmem>>
        tpu.wait_dma2 semaphore(%arg11 : memref<!tpu.dma_semaphore, #tpu.memory_space<semaphore_mem>>) src(%dma_wait3A_36 : memref<8x384xf32, #tpu.memory_space<vmem>>) dst(%dma_wait3A_33 : memref<8x384xf32, #tpu.memory_space<hbm>>)
        %dma_wait3A_37 = arith.constant 0 : i32
        %dma_wait3A_38 = arith.constant 384 : i32
        %dma_wait3A_39 = tpu.memref_slice %arg8[%dma_wait3A_37, %dma_wait3A_38] : memref<8x8192xf32, #tpu.memory_space<vmem>> -> memref<8x7808xf32, #tpu.memory_space<vmem>>
        %dma_wait3A_40 = arith.constant 115072 : i32
        %dma_wait3A_41 = tpu.memref_slice %arg4[%multiple_of3A_27, %dma_wait3A_40] : memref<256x130816xf32, #tpu.memory_space<hbm>> -> memref<8x7808xf32, #tpu.memory_space<hbm>>
        %dma_wait3A_42 = arith.constant 115072 : i32
        %dma_wait3A_43 = tpu.memref_slice %arg4[%multiple_of3A_27, %dma_wait3A_42] : memref<256x130816xf32, #tpu.memory_space<hbm>> -> memref<8x7808xf32, #tpu.memory_space<hbm>>
        %dma_wait3A_44 = arith.constant 0 : i32
        %dma_wait3A_45 = arith.constant 384 : i32
        %dma_wait3A_46 = tpu.memref_slice %arg8[%dma_wait3A_44, %dma_wait3A_45] : memref<8x8192xf32, #tpu.memory_space<vmem>> -> memref<8x7808xf32, #tpu.memory_space<vmem>>
        tpu.wait_dma2 semaphore(%arg11 : memref<!tpu.dma_semaphore, #tpu.memory_space<semaphore_mem>>) src(%dma_wait3A_46 : memref<8x7808xf32, #tpu.memory_space<vmem>>) dst(%dma_wait3A_43 : memref<8x7808xf32, #tpu.memory_space<hbm>>)
      }
    } else {
      %multiple_of3A_22 = arith.constant 0 : i32
      %multiple_of3A_23 = tpu.assume_multiple %multiple_of3A_22, 8 : i32
      %dma_wait3A = arith.constant 0 : i32
      %dma_wait3A_24 = arith.constant 0 : i32
      %dma_wait3A_25 = tpu.memref_slice %arg8[%dma_wait3A, %dma_wait3A_24] : memref<8x8192xf32, #tpu.memory_space<vmem>> -> memref<8x128xf32, #tpu.memory_space<vmem>>
      %dma_wait3A_26 = arith.constant 0 : i32
      %dma_wait3A_27 = tpu.memref_slice %arg4[%multiple_of3A_23, %dma_wait3A_26] : memref<256x130816xf32, #tpu.memory_space<hbm>> -> memref<8x128xf32, #tpu.memory_space<hbm>>
      %dma_wait3A_28 = arith.constant 0 : i32
      %dma_wait3A_29 = tpu.memref_slice %arg4[%multiple_of3A_23, %dma_wait3A_28] : memref<256x130816xf32, #tpu.memory_space<hbm>> -> memref<8x128xf32, #tpu.memory_space<hbm>>
      %dma_wait3A_30 = arith.constant 0 : i32
      %dma_wait3A_31 = arith.constant 0 : i32
      %dma_wait3A_32 = tpu.memref_slice %arg8[%dma_wait3A_30, %dma_wait3A_31] : memref<8x8192xf32, #tpu.memory_space<vmem>> -> memref<8x128xf32, #tpu.memory_space<vmem>>
      tpu.wait_dma2 semaphore(%arg11 : memref<!tpu.dma_semaphore, #tpu.memory_space<semaphore_mem>>) src(%dma_wait3A_32 : memref<8x128xf32, #tpu.memory_space<vmem>>) dst(%dma_wait3A_29 : memref<8x128xf32, #tpu.memory_space<hbm>>)
      %dma_wait3A_33 = arith.constant 0 : i32
      %dma_wait3A_34 = arith.constant 128 : i32
      %dma_wait3A_35 = tpu.memref_slice %arg8[%dma_wait3A_33, %dma_wait3A_34] : memref<8x8192xf32, #tpu.memory_space<vmem>> -> memref<8x7936xf32, #tpu.memory_space<vmem>>
      %dma_wait3A_36 = arith.constant 122880 : i32
      %dma_wait3A_37 = tpu.memref_slice %arg4[%multiple_of3A_23, %dma_wait3A_36] : memref<256x130816xf32, #tpu.memory_space<hbm>> -> memref<8x7936xf32, #tpu.memory_space<hbm>>
      %dma_wait3A_38 = arith.constant 122880 : i32
      %dma_wait3A_39 = tpu.memref_slice %arg4[%multiple_of3A_23, %dma_wait3A_38] : memref<256x130816xf32, #tpu.memory_space<hbm>> -> memref<8x7936xf32, #tpu.memory_space<hbm>>
      %dma_wait3A_40 = arith.constant 0 : i32
      %dma_wait3A_41 = arith.constant 128 : i32
      %dma_wait3A_42 = tpu.memref_slice %arg8[%dma_wait3A_40, %dma_wait3A_41] : memref<8x8192xf32, #tpu.memory_space<vmem>> -> memref<8x7936xf32, #tpu.memory_space<vmem>>
      tpu.wait_dma2 semaphore(%arg11 : memref<!tpu.dma_semaphore, #tpu.memory_space<semaphore_mem>>) src(%dma_wait3A_42 : memref<8x7936xf32, #tpu.memory_space<vmem>>) dst(%dma_wait3A_39 : memref<8x7936xf32, #tpu.memory_space<hbm>>)
    }
    return
  }
}

</mosaic_0001>

<sc_bundles>
// kernel: _tril_gather.3.cloned.1.call-start
scs
__scs_entry_jumppad:
0x0: {  	(pc) =	sbr.rel $0x88, $3  }
0x1: {  	(tag) =	ssettag $0x0;
	lr =	simm.s32 $0x1  }
0x2: {  	[smem:$0x3F9F] =	sst lr;
	_ =	strace $0xD0000000  }
0x3: {  	_ = 	snop  }
0x4: {  	_ = 	snop  }
0x5: {  	_ = 	snop  }
0x6: {  	_ = 	snop  }
0x7: {  	_ = 	snop  }
__scs_overlays_trampoline_lowered:
0x8: {  	[smem:$0x3FAE] =	sst s0  }
0x9: {  	[smem:$0x3FAF] =	sst s1  }
0xa: {  	[smem:$0x3FB0] =	sst s2  }
0xb: {  	[smem:$0x3FB1] =	sst s3  }
0xc: {  	[smem:$0x3FB2] =	sst s4  }
0xd: {  	[smem:$0x3FB3] =	sst s5  }
0xe: {  	[smem:$0x3FB4] =	sst s6  }
0xf: {  	[smem:$0x3FB5] =	sst s7  }
0x10: {  	[smem:$0x3FB6] =	sst s8  }
0x11: {  	[smem:$0x3FB7] =	sst s9;
	s0 =	simm.s32 @!p0 $0x0  }
0x12: {  	s1 =	sld [smem:$0x3F9D];
	s0 =	simm.s32 @p0 $0x1  }
0x13: {  	[smem:$0x3FB8] =	sst s0;
	s0 =	simm.s32 @!p1 $0x0  }
0x14: {  	s2 =	sld [smem:$0x3F9C];
	s0 =	simm.s32 @p1 $0x1  }
0x15: {  	[smem:$0x3FB9] =	sst s0;
	s0 =	simm.s32 @!p2 $0x0  }
0x16: {  	s3 =	sld [smem:$0x3FDB];
	s0 =	simm.s32 @p2 $0x1  }
0x17: {  	s4 =	simm.s32 $0x1BF5;
	[smem:$0x3FBB] =	sst s0  }
0x18: {  	s0 =	sld [smem:$0x3F9E];
	_ =	swait.ge [sflag:s4], $0x0  }
0x19: {  	s7 =	sld [smem:$0x3F9F]  }
0x1a: {  	s8 =	sadd.s32 $0xFFFFE003, lr  }
0x1b: {  	s9 =	sadd.s32 $0xFFFFFEF7, lr;
	s5 =	simm.s32 $0xFFFFFFFF;
	p2 =	slt.u32 s8, $0xFFFFF086  }
0x1c: {  	p1 =	slt.u32 s9, $0xF7A;
	s5 =	simm.s32 @!p2 $0x0  }
0x1d: {  	s5 =	simm.s32 @p1 $0x1;
	p0 =	seq.s32 s7, s2  }
0x1e: {  	s7 =	smul.u32 @!p0 $0xF7A, s2;
	p2 =	seq.s32 @!p0 s5, $0x0  }
0x1f: {  	s9 =	smul.u32 $0xF7A, s1;
	s8 =	simm.s32 @!p0 $0x1BF5;
	p2 =	por !p2, p0  }
0x20: {  	[sflag:s8] =	ssyncset.s32 @!p0 $0xFFFFF086;
	s6 =	sadd.s32 @!p0 s3, s7;
	s7 =	simm.s32 @!p0 $0x108  }
0x21: {  	s3 =	sadd.s32 s3, s9;
	s6 =	sadd.s32 @!p0 $0x88, s6;
	s7 =	simm.s32 @p2 $0x1082  }
0x22: {  	[simem:s7], [sflag:s8] =	dma.local @!p0 [hbm:s6], $0xF7A  }
0x23: {  	s9 =	sor.u32 $0xD0000000, s2;
	s6 =	simm.s32 $0x108;
	_ =	swait.ge @!p0 [sflag:s8], $0x0  }
0x24: {  	s3 =	sadd.s32 $0x88, s3;
	s6 =	simm.s32 @!p1 $0x1082;
	[sflag:s4] =	ssyncset.s32 $0xFFFFF086  }
0x25: {  	[simem:s6], [sflag:s4] =	dma.local [hbm:s3], $0xF7A  }
0x26: {  	[smem:$0x3F9F] =	sst s1;
	(tag) =	ssettag s2;
	_ =	strace s9  }
0x27: {  	s1 =	sld [smem:$0x3FAF]  }
0x28: {  	s2 =	sld [smem:$0x3FB0]  }
0x29: {  	s4 =	sld [smem:$0x3FB2]  }
0x2a: {  	p0 =	seq.s32 s5, $0x0;
	s5 =	sld [smem:$0x3FB3]  }
0x2b: {  	s6 =	sld [smem:$0x3FB4]  }
0x2c: {  	s7 =	sld [smem:$0x3FB5]  }
0x2d: {  	s3 =	simm.s32 $0x108;
	s8 =	sld [smem:$0x3FB6]  }
0x2e: {  	s3 =	simm.s32 @!p0 $0x1082;
	s9 =	sld [smem:$0x3FB7]  }
0x2f: {  	lr =	sadd.s32 s0, s3;
	s0 =	sld [smem:$0x3FAE]  }
0x30: {  	s3 =	sld [smem:$0x3FB1]  }
0x31: {  	[smem:$0x3FBA] =	sst s10  }
0x32: {  	s10 =	sld [smem:$0x3FB8];
	_ =	sdelay $0x3  }
0x33: {  	p0 =	seq.s32 s10, $0x1;
	s10 =	sld [smem:$0x3FBA];
	_ =	sdelay $0x3  }
0x34: {  	[smem:$0x3FBA] =	sst s10  }
0x35: {  	s10 =	sld [smem:$0x3FB9];
	_ =	sdelay $0x3  }
0x36: {  	p1 =	seq.s32 s10, $0x1;
	s10 =	sld [smem:$0x3FBA];
	_ =	sdelay $0x3  }
0x37: {  	[smem:$0x3FBA] =	sst s10  }
0x38: {  	s10 =	sld [smem:$0x3FBB]  }
0x39: {  	_ = 	snop;
	(pc) =	sbr.ind lr, $3  }
0x3a: {  	_ = 	snop  }
0x3b: {  	_ = 	snop  }
0x3c: {  	p2 =	seq.s32 s10, $0x1;
	s10 =	sld [smem:$0x3FBA]  }
0x3d: {  	_ =	shalt  }
0x3e: {  	_ =	shalt  }
0x3f: {  	_ =	shalt  }
0x40: {  	_ =	shalt  }
0x41: {  	_ =	shalt  }
0x42: {  	_ =	shalt  }
0x43: {  	_ =	shalt  }
0x44: {  	_ =	shalt  }
0x45: {  	_ =	shalt  }
0x46: {  	_ =	shalt  }
0x47: {  	_ =	shalt  }
0x48: {  	_ =	shalt  }
0x49: {  	_ =	shalt  }
0x4a: {  	_ =	shalt  }
0x4b: {  	_ =	shalt  }
0x4c: {  	_ =	shalt  }
0x4d: {  	_ =	shalt  }
0x4e: {  	_ =	shalt  }
0x4f: {  	_ =	shalt  }
0x50: {  	_ =	shalt  }
0x51: {  	_ =	shalt  }
0x52: {  	_ =	shalt  }
0x53: {  	_ =	shalt  }
0x54: {  	_ =	shalt  }
0x55: {  	_ =	shalt  }
0x56: {  	_ =	shalt  }
0x57: {  	_ =	shalt  }
0x58: {  	_ =	shalt  }
0x59: {  	_ =	shalt  }
0x5a: {  	_ =	shalt  }
0x5b: {  	_ =	shalt  }
0x5c: {  	_ =	shalt  }
0x5d: {  	_ =	shalt  }
0x5e: {  	_ =	shalt  }
0x5f: {  	_ =	shalt  }
0x60: {  	_ =	shalt  }
0x61: {  	_ =	shalt  }
0x62: {  	_ =	shalt  }
0x63: {  	_ =	shalt  }
0x64: {  	_ =	shalt  }
0x65: {  	_ =	shalt  }
0x66: {  	_ =	shalt  }
0x67: {  	_ =	shalt  }
0x68: {  	_ =	shalt  }
0x69: {  	_ =	shalt  }
0x6a: {  	_ =	shalt  }
0x6b: {  	_ =	shalt  }
0x6c: {  	_ =	shalt  }
0x6d: {  	_ =	shalt  }
0x6e: {  	_ =	shalt  }
0x6f: {  	_ =	shalt  }
0x70: {  	_ =	shalt  }
0x71: {  	_ =	shalt  }
0x72: {  	_ =	shalt  }
0x73: {  	_ =	shalt  }
0x74: {  	_ =	shalt  }
0x75: {  	_ =	shalt  }
0x76: {  	_ =	shalt  }
0x77: {  	_ =	shalt  }
0x78: {  	_ =	shalt  }
0x79: {  	_ =	shalt  }
0x7a: {  	_ =	shalt  }
0x7b: {  	_ =	shalt  }
0x7c: {  	_ =	shalt  }
0x7d: {  	_ =	shalt  }
0x7e: {  	_ =	shalt  }
0x7f: {  	_ =	shalt  }
0x80: {  	_ =	shalt  }
0x81: {  	_ =	shalt  }
0x82: {  	_ =	shalt  }
0x83: {  	_ =	shalt  }
0x84: {  	_ =	shalt  }
0x85: {  	_ =	shalt  }
0x86: {  	_ =	shalt  }
0x87: {  	_ =	shalt  }
.Lfunc_end0:
.L_simem_size_0:
called_computation_lowered:
.L_overlay_start_0:
0x88: {  	s2 =	sld [smem:$0x3FD9]  }
0x89: {  	s3 =	sld [smem:$0x3FFE];
	_ =	sdelay $0x1  }
0x8a: {  	s1 =	srdreg.scid  }
0x8b: {  	s0 =	sand.u32 $0x1, s1  }
0x8c: {  	s18 =	sshll.u32 s0, $0xA;
	s2 =	sadd.s32 s3, s2  }
0x8d: {  	s2 =	sadd.s32 s2, s18  }
0x8e: {  	[smem:$0x3FC6] =	sst s2  }
0x8f: {  	_ = 	snop  }
0x90: {  	s2 =	sld [smem:$0x3FC9]  }
0x91: {  	s19 =	sld [smem:$0x3FC8]  }
0x92: {  	s4 =	sld [smem:$0x3FD0];
	(tm) =	ssettm $0x1  }
0x93: {  	s5 =	sld [smem:$0x3FFB];
	_ =	sdelay $0x3  }
0x94: {  	_ =	strace s5  }
0x95: {  	s5 =	sld [smem:$0x3FFC];
	_ =	sdelay $0x3  }
0x96: {  	_ =	strace s5  }
0x97: {  	s5 =	sld [smem:$0x3FFD];
	_ =	sdelay $0x3  }
0x98: {  	_ =	strace s5  }
0x99: {  	_ =	strace $0x8FFFFFFF  }
0x9a: {  	s20 =	sld [smem:$0x3FDB];
	_ =	sdelay $0x1  }
0x9b: {  	s6 =	simm.s32 $_scs_section_size  }
0x9c: {  	s7 =	simm.s32 $_size__tile_overlayer_lowered;
	s8 =	simm.s32 $_tile_overlayer_lowered  }
0x9d: {  	s23 =	simm.s32 $0x1BFF;
	s22 =	sshll.u32 s8, $0x1;
	s5 =	sadd.s32 s6, s20  }
0x9e: {  	s9 =	simm.s32 $0x0;
	s21 =	sshll.u32 s7, $0x1;
	s7 =	sadd.s32 s22, s5  }
0x9f: {  	[timem:s9], [sflag:s23] =	dma.local [hbm:s7], s21  }
0xa0: {  	_ =	swait.ge [sflag:s23], s21  }
0xa1: {  	s6 =	ssub.s32 $0x0, s21;
	[sflag:s23] =	ssyncset.done $0x0  }
0xa2: {  	[sflag:s23] =	ssyncadd.s32 s6;
	_ =	sdelay $0x1  }
0xa3: {  	s24 =	simm.s32 $0x1B8B  }
0xa4: {  	_ =	swait.ge [sflag:s24], $0x1  }
0xa5: {  	[sflag:s24] =	ssyncset.done $0x0  }
0xa6: {  	s25 =	simm.s32 $0x1B8E;
	[sflag:s24] =	ssyncadd.s32 $0xFFFFFFFF  }
0xa7: {  	s26 =	simm.s32 $execute0_lowered;
	[smem:$0x3FD2] =	sst s25  }
0xa8: {  	s6 =	sshll.u32 s26, $0x1;
	_ =	strace $0x80000046;
	[dreg:$0x1] =	wrdreg $0xFFFFFFFF  }
0xa9: {  	s28 =	simm.s32 $_size_execute0_lowered;
	s5 =	sadd.s32 s5, s6;
	[dreg:$0x0] =	wrdreg $0x0  }
0xaa: {  	s6 =	sshll.u32 s28, $0x1;
	[dreg:$0x2] =	wrdreg s5  }
0xab: {  	[dreg:$0x3] =	wrdreg s6  }
0xac: {  	[dreg:$0x4] =	wrdreg $0xC0  }
0xad: {  	_ =	task [dreg:s9], $0x5FFFF  }
0xae: {  	[dreg:$0x1] =	wrdreg $0xFFFFFFFF  }
0xaf: {  	[dreg:$0x0] =	wrdreg $0x60  }
0xb0: {  	[dreg:$0x2] =	wrdreg s2  }
0xb1: {  	[dreg:$0x3] =	wrdreg s19  }
0xb2: {  	[dreg:$0x4] =	wrdreg s4  }
0xb3: {  	[dreg:$0x5] =	wrdreg $0x9  }
0xb4: {  	_ =	task.clear_ibuf [dreg:s9], $0x6FFFF;
	_ =	strace $0x90000046  }
0xb5: {  	s29 =	simm.s32 $0x9;
	_ =	strace $0x80000048  }
0xb6: {  	_ =	swait.ge [sflag:s29], $0x1  }
0xb7: {  	[sflag:s29] =	ssyncadd.s32 $0xFFFFFFFF  }
0xb8: {  	_ =	strace $0x90000048  }
0xb9: {  	_ =	sfence  }
0xba: {  	s30 =	sld [smem:$0x0];
	_ =	sdelay $0x2  }
0xbb: {  	s31 =	sshll.u32 s1, $0xD;
	s1 =	sshrl.u32 s1, $0x2  }
0xbc: {  	s3 =	sand.u32 $0x4000, s31;
	s1 =	sadd.s32 s1, s30  }
0xbd: {  	s0 =	sor.u32 s3, s0;
	s1 =	sshll.u32 s1, $0x11  }
0xbe: {  	s0 =	sor.u32 s1, s0  }
0xbf: {  	s0 =	sadd.s32 $0x8F2B, s0  }
0xc0: {  	[sflag:s0] =	ssyncadd.remote.s32 $0x1  }
0xc1: {  	_ =	sfence.sel $0xFFFF  }
0xc2: {  	[dreg:$0x0] =	wrdreg $0xFFFFFFFF;
	(pc) =	sbr.abs _section_cstart, $3  }
0xc3: {  	[dreg:$0x1] =	wrdreg $0xFFFFFFFF  }
0xc4: {  	_ =	task.clear_ibuf [dreg:s9], $0x2FFFF;
	_ =	strace $0x9FFFFFFF  }
0xc5: {  	(tm) =	ssettm $0x7FFFFFFF  }
tec
execute0_lowered:
.L_overlay_start_1:
0x0: {  	(tag) =	ssettag $0x1  }
0x1: {  	s0 =	stileid.u32  }
0x2: {  	p0 =	sgt.s32 s0, $0x3  }
0x3: {  	p3 =	sgt.s32 @p0 s0, $0x5  }
0x4: {  	p1 =	por !p3, !p0  }
0x5: {  	p1 =	seq.s32 @!p1 s0, $0x6  }
0x6: {  	p4 =	por @p0 !p1, !p3  }
0x7: {  	s2 =	simm.s32 @!p4 $0x0  }
0x8: {  	p2 =	por p3, !p0;
	p1 =	por @p0 p1, !p3;
	s2 =	simm.s32 @p4 $0x1  }
0x9: {  	p2 =	seq.s32 @!p2 s0, $0x4;
	[smem:$0x7E1] =	sst s2;
	s2 =	simm.s32 @!p1 $0x0  }
0xa: {  	s2 =	simm.s32 @p1 $0x1;
	p1 =	por @p0 !p2, p3  }
0xb: {  	[smem:$0x7E3] =	sst s2;
	s2 =	simm.s32 @!p1 $0x0  }
0xc: {  	p4 =	sgt.s32 @!p0 s0, $0x1;
	s2 =	simm.s32 @p1 $0x1;
	p1 =	por @p0 p2, p3  }
0xd: {  	p2 =	por !p4, p0;
	[smem:$0x7E5] =	sst s2;
	s2 =	simm.s32 @!p1 $0x0  }
0xe: {  	p2 =	seq.s32 @!p2 s0, $0x2;
	s2 =	simm.s32 @p1 $0x1;
	p1 =	por p4, p0  }
0xf: {  	p5 =	seq.s32 @!p1 s0, $0x0;
	p1 =	por @!p0 !p2, !p4  }
0x10: {  	s3 =	simm.s32 @!p1 $0x0  }
0x11: {  	s1 =	rddreg [dreg:$0x0];
	s3 =	simm.s32 @p1 $0x1;
	p1 =	por @!p0 p2, !p4  }
0x12: {  	[smem:$0x7E9] =	sst s3;
	s3 =	simm.s32 @!p1 $0x0  }
0x13: {  	s26 =	rddreg [dreg:$0x1];
	s3 =	simm.s32 @p1 $0x1;
	p1 =	por @!p0 p5, p4  }
0x14: {  	s4 =	simm.s32 $0x0;
	[smem:$0x7EB] =	sst s3;
	s3 =	simm.s32 @!p1 $0x0  }
0x15: {  	s5 =	srdreg.scid;
	s3 =	simm.s32 @p1 $0x1;
	p1 =	sgt.s32 s0, $0xB  }
0x16: {  	s5 =	sand.u32 $0x1, s5;
	[smem:$0x7FF] =	sst s4;
	p2 =	sgt.s32 @p1 s0, $0xD  }
0x17: {  	s10 =	sshll.u32 s0, $0xA;
	p6 =	por @!p0 !p5, p4;
	p5 =	por !p2, !p1  }
0x18: {  	s7 =	ssub.s32 $0x2, s5;
	s9 =	sshll.u32 s5, $0xC;
	p3 =	seq.s32 @!p5 s0, $0xE  }
0x19: {  	p4 =	por p2, !p1;
	p5 =	por @p1 !p3, !p2;
	p3 =	por @p1 p3, !p2  }
0x1a: {  	[smem:$0x7E7] =	sst s2;
	p4 =	seq.s32 @!p4 s0, $0xC;
	s6 =	simm.s32 @!p3 $0x0  }
0x1b: {  	[smem:$0x7EF] =	sst s3;
	s6 =	simm.s32 @p3 $0x1;
	p3 =	por @p1 !p4, p2  }
0x1c: {  	s8 =	sshrl.u32 s7, $0x1;
	[smem:$0x7F2] =	sst s6;
	s6 =	simm.s32 @!p3 $0x0  }
0x1d: {  	s8 =	ssub.s32 s7, s8;
	s3 =	rddreg [dreg:$0x2];
	s6 =	simm.s32 @p3 $0x1  }
0x1e: {  	s2 =	sadd.s32 s26, s10;
	p4 =	por @p1 p4, p2;
	[smem:$0x7F4] =	sst s6  }
0x1f: {  	p2 =	sgt.u32 s0, $0x7;
	s6 =	sshll.u32 s0, $0x4;
	_ =	strace $0x80000047  }
0x20: {  	s7 =	sxor.u32 $0x1F0, s6;
	s11 =	sor.u32 s6, s9;
	s17 =	sld [smem:$0x7E1]  }
0x21: {  	[dreg:$0x4] =	wrdreg s2;
	s9 =	sor.u32 s9, s7;
	s30 =	sshll.u32 s11, $0x6  }
0x22: {  	s11 =	sadd.s32 $0x400, s1;
	s18 =	sld [smem:$0x7E3];
	s9 =	sshll.u32 s9, $0x6  }
0x23: {  	s2 =	sadd.s32 s30, s11;
	s12 =	sadd.s32 s1, s9;
	p3 =	seq.s32 s17, $0x1  }
0x24: {  	[dreg:$0x7] =	wrdreg s2;
	s2 =	sadd.s32 @p2 $0x200, s12;
	p3 =	por p3, !p0  }
0x25: {  	[dreg:$0xc] =	wrdreg s2;
	s2 =	simm.s32 @!p3 $0x0  }
0x26: {  	s19 =	sld [smem:$0x7E5];
	s2 =	simm.s32 @p3 $0x1;
	p3 =	seq.s32 s18, $0x1  }
0x27: {  	p3 =	por p3, !p0  }
0x28: {  	[smem:$0x7E2] =	sst s2;
	s2 =	simm.s32 @!p3 $0x0  }
0x29: {  	s23 =	sld [smem:$0x7E7];
	s2 =	simm.s32 @p3 $0x1;
	p3 =	seq.s32 s19, $0x1  }
0x2a: {  	p3 =	por p3, !p0  }
0x2b: {  	[smem:$0x7E4] =	sst s2;
	s2 =	simm.s32 @!p3 $0x0  }
0x2c: {  	s24 =	sld [smem:$0x7E9];
	s2 =	simm.s32 @p3 $0x1;
	p3 =	seq.s32 s23, $0x1  }
0x2d: {  	p3 =	por p3, !p0  }
0x2e: {  	[smem:$0x7E6] =	sst s2;
	s2 =	simm.s32 @!p3 $0x0  }
0x2f: {  	s25 =	sld [smem:$0x7EB];
	s2 =	simm.s32 @p3 $0x1;
	p3 =	seq.s32 s24, $0x1  }
0x30: {  	p3 =	por p3, p0  }
0x31: {  	[smem:$0x7E8] =	sst s2;
	s2 =	simm.s32 @!p3 $0x0  }
0x32: {  	s2 =	simm.s32 @p3 $0x1;
	p3 =	seq.s32 s25, $0x1  }
0x33: {  	p3 =	por p3, p0  }
0x34: {  	[smem:$0x7EA] =	sst s2;
	s2 =	simm.s32 @!p3 $0x0  }
0x35: {  	s26 =	sld [smem:$0x7EF];
	s2 =	simm.s32 @p3 $0x1;
	p3 =	por p6, p0  }
0x36: {  	[smem:$0x7EC] =	sst s2;
	s2 =	simm.s32 @!p3 $0x0  }
0x37: {  	s31 =	sadd.s32 s1, s30;
	s30 =	sld [smem:$0x7F2];
	s2 =	simm.s32 @p3 $0x1  }
0x38: {  	p6 =	seq.s32 s26, $0x1;
	[smem:$0x7ED] =	sst s2;
	s2 =	simm.s32 @!p0 $0x0  }
0x39: {  	[dreg:$0x5] =	wrdreg s31;
	s2 =	simm.s32 @p0 $0x1;
	p0 =	por p6, p0  }
0x3a: {  	p5 =	por p5, !p1;
	[smem:$0x7EE] =	sst s2;
	s2 =	simm.s32 @!p0 $0x0  }
0x3b: {  	s16 =	sadd.s32 $0x200, s31;
	s31 =	sld [smem:$0x7F4];
	s2 =	simm.s32 @p0 $0x1  }
0x3c: {  	[smem:$0x7F0] =	sst s2;
	s2 =	simm.s32 @!p5 $0x0  }
0x3d: {  	s2 =	simm.s32 @p5 $0x1;
	p5 =	seq.s32 s30, $0x1  }
0x3e: {  	p5 =	por p5, !p1  }
0x3f: {  	p6 =	seq.s32 s31, $0x1;
	[smem:$0x7F1] =	sst s2;
	s2 =	simm.s32 @!p5 $0x0  }
0x40: {  	p6 =	por p6, !p1;
	p0 =	sgt.s32 @!p1 s0, $0x9;
	s2 =	simm.s32 @p5 $0x1  }
0x41: {  	p5 =	por !p0, p1;
	[smem:$0x7F3] =	sst s2;
	s2 =	simm.s32 @!p6 $0x0  }
0x42: {  	p3 =	seq.s32 @!p5 s0, $0xA;
	p5 =	por p4, !p1;
	s2 =	simm.s32 @p6 $0x1  }
0x43: {  	s20 =	simm.s32 $0x6000;
	[smem:$0x7F5] =	sst s2;
	s2 =	simm.s32 @!p5 $0x0  }
0x44: {  	s21 =	simm.s32 $0x6400;
	s2 =	simm.s32 @p5 $0x1;
	p5 =	por @!p1 !p3, !p0  }
0x45: {  	s22 =	simm.s32 $0x1;
	s28 =	simm.s32 $0x2;
	p5 =	por p5, p1  }
0x46: {  	s13 =	sadd.s32 $0x80, s3;
	[smem:$0x7F6] =	sst s2;
	s2 =	simm.s32 @!p5 $0x0  }
0x47: {  	s15 =	smax.u32 s8, $0x1;
	[dreg:$0x9] =	wrdreg s13;
	s2 =	simm.s32 @p5 $0x1  }
0x48: {  	p6 =	por p0, p1;
	[smem:$0x7F7] =	sst s2;
	s2 =	simm.s32 @!p0 $0x0  }
0x49: {  	[dreg:$0xa] =	wrdreg s15;
	p6 =	seq.s32 @!p6 s0, $0x8;
	s2 =	simm.s32 @p0 $0x1  }
0x4a: {  	p5 =	por @!p1 p3, !p0;
	[smem:$0x7F8] =	sst s2;
	s2 =	simm.s32 @!p6 $0x0  }
0x4b: {  	p3 =	por @!p1 !p6, p0;
	p0 =	por p5, p1;
	s2 =	simm.s32 @p6 $0x1  }
0x4c: {  	s9 =	sadd.s32 s9, s11;
	[smem:$0x7F9] =	sst s2;
	s2 =	simm.s32 @!p0 $0x0  }
0x4d: {  	s29 =	simm.s32 $0x7000;
	[dreg:$0x8] =	wrdreg s9;
	s2 =	simm.s32 @p0 $0x1  }
0x4e: {  	s14 =	sshll.u32 s5, $0x3;
	[smem:$0x7FA] =	sst s2;
	s2 =	simm.s32 @!p1 $0x0  }
0x4f: {  	[dreg:$0xb] =	wrdreg s16;
	p0 =	por p3, p1;
	s2 =	simm.s32 @p1 $0x1  }
.Ltmp0:
0x50: {  	[smem:$0x7FB] =	sst s2;
	s2 =	simm.s32 @!p0 $0x0;
	(pc) =	sbr.rel .LBB2_1-.Ltmp0, $4  }
0x51: {  	[dreg:$0x6] =	wrdreg s12;
	s2 =	simm.s32 @p0 $0x1;
	p0 =	sgt.s32 s0, $0x1  }
0x52: {  	s8 =	simm.s32 $0x0;
	[smem:$0x7FC] =	sst s2;
	s2 =	simm.s32 @!p0 $0x0  }
0x53: {  	s23 =	simm.s32 $0x2000;
	s24 =	simm.s32 $0x3000;
	s2 =	simm.s32 @p0 $0x1  }
0x54: {  	s25 =	simm.s32 $0x4000;
	p4 =	sgt.s32 s0, $0x7;
	[smem:$0x7FD] =	sst s2  }
.LBB2_29:
0x55: {  	s2 =	simm.s32 @!p1 $0x3  }
0x56: {  	_ =	swait.ge @!p1 [sflag:s2], $0x3400  }
0x57: {  	[sflag:s2] =	ssyncset.done @!p1 $0x0  }
0x58: {  	[sflag:s2] =	ssyncadd.s32 @!p1 $0xFFFFCC00  }
0x59: {  	_ =	swait.ge @!p1 [sflag:s2], $0xCC00  }
0x5a: {  	s16 =	sld [smem:$0x7E4];
	_ =	sdelay $0x2  }
0x5b: {  	[sflag:s2] =	ssyncset.done @!p1 $0x0;
	p0 =	seq.s32 s16, $0x1  }
0x5c: {  	[sflag:s2] =	ssyncadd.s32 @!p1 $0xFFFF3400;
	s2 =	simm.s32 @!p0 $0x3  }
0x5d: {  	_ =	swait.ge @!p0 [sflag:s2], $0x3C00  }
0x5e: {  	[sflag:s2] =	ssyncset.done @!p0 $0x0  }
0x5f: {  	[sflag:s2] =	ssyncadd.s32 @!p0 $0xFFFFC400  }
0x60: {  	_ =	swait.ge @!p0 [sflag:s2], $0xC400  }
0x61: {  	s17 =	sld [smem:$0x7E6];
	_ =	sdelay $0x1  }
0x62: {  	[sflag:s2] =	ssyncset.done @!p0 $0x0  }
0x63: {  	[sflag:s2] =	ssyncadd.s32 @!p0 $0xFFFF3C00;
	p0 =	seq.s32 s17, $0x1  }
0x64: {  	s2 =	simm.s32 @!p0 $0x3  }
0x65: {  	_ =	swait.ge @!p0 [sflag:s2], $0x2400  }
0x66: {  	[sflag:s2] =	ssyncset.done @!p0 $0x0  }
0x67: {  	[sflag:s2] =	ssyncadd.s32 @!p0 $0xFFFFDC00  }
0x68: {  	_ =	swait.ge @!p0 [sflag:s2], $0xDC00  }
0x69: {  	s18 =	sld [smem:$0x7E8];
	_ =	sdelay $0x1  }
0x6a: {  	[sflag:s2] =	ssyncset.done @!p0 $0x0  }
0x6b: {  	[sflag:s2] =	ssyncadd.s32 @!p0 $0xFFFF2400;
	p0 =	seq.s32 s18, $0x1  }
0x6c: {  	s2 =	simm.s32 @!p0 $0x3  }
0x6d: {  	_ =	swait.ge @!p0 [sflag:s2], $0x2C00  }
0x6e: {  	[sflag:s2] =	ssyncset.done @!p0 $0x0  }
0x6f: {  	[sflag:s2] =	ssyncadd.s32 @!p0 $0xFFFFD400  }
0x70: {  	_ =	swait.ge @!p0 [sflag:s2], $0xD400  }
0x71: {  	s19 =	sld [smem:$0x7EA];
	_ =	sdelay $0x1  }
0x72: {  	[sflag:s2] =	ssyncset.done @!p0 $0x0  }
0x73: {  	[sflag:s2] =	ssyncadd.s32 @!p0 $0xFFFF2C00;
	p0 =	seq.s32 s19, $0x1  }
0x74: {  	s2 =	simm.s32 @!p0 $0x3  }
0x75: {  	_ =	swait.ge @!p0 [sflag:s2], $0x1400  }
0x76: {  	[sflag:s2] =	ssyncset.done @!p0 $0x0  }
0x77: {  	[sflag:s2] =	ssyncadd.s32 @!p0 $0xFFFFEC00  }
0x78: {  	_ =	swait.ge @!p0 [sflag:s2], $0xEC00  }
0x79: {  	s26 =	sld [smem:$0x7EC];
	_ =	sdelay $0x1  }
0x7a: {  	[sflag:s2] =	ssyncset.done @!p0 $0x0  }
0x7b: {  	[sflag:s2] =	ssyncadd.s32 @!p0 $0xFFFF1400;
	p0 =	seq.s32 s26, $0x1  }
0x7c: {  	s2 =	simm.s32 @!p0 $0x3  }
0x7d: {  	_ =	swait.ge @!p0 [sflag:s2], $0x1C00  }
0x7e: {  	[sflag:s2] =	ssyncset.done @!p0 $0x0  }
0x7f: {  	[sflag:s2] =	ssyncadd.s32 @!p0 $0xFFFFE400  }
0x80: {  	_ =	swait.ge @!p0 [sflag:s2], $0xE400  }
0x81: {  	s30 =	sld [smem:$0x7ED];
	_ =	sdelay $0x1  }
0x82: {  	[sflag:s2] =	ssyncset.done @!p0 $0x0  }
0x83: {  	[sflag:s2] =	ssyncadd.s32 @!p0 $0xFFFF1C00;
	p0 =	seq.s32 s30, $0x1  }
0x84: {  	s2 =	simm.s32 @!p0 $0x3  }
0x85: {  	_ =	swait.ge @!p0 [sflag:s2], $0x400  }
0x86: {  	[sflag:s2] =	ssyncset.done @!p0 $0x0  }
0x87: {  	[sflag:s2] =	ssyncadd.s32 @!p0 $0xFFFFFC00  }
0x88: {  	_ =	swait.ge @!p0 [sflag:s2], $0xF800  }
0x89: {  	s31 =	sld [smem:$0x7F0];
	_ =	sdelay $0x1  }
0x8a: {  	[sflag:s2] =	ssyncset.done @!p0 $0x0  }
0x8b: {  	[sflag:s2] =	ssyncadd.s32 @!p0 $0xFFFF0800;
	p0 =	seq.s32 s31, $0x1  }
0x8c: {  	s2 =	simm.s32 @!p0 $0x3  }
0x8d: {  	_ =	swait.ge @!p0 [sflag:s2], $0xC00  }
0x8e: {  	[sflag:s2] =	ssyncset.done @!p0 $0x0  }
0x8f: {  	[sflag:s2] =	ssyncadd.s32 @!p0 $0xFFFFF400  }
0x90: {  	_ =	swait.ge @!p0 [sflag:s2], $0xF400  }
0x91: {  	[sflag:s2] =	ssyncset.done @!p0 $0x0  }
0x92: {  	s8 =	rddreg [dreg:$0xd];
	[sflag:s2] =	ssyncadd.s32 @!p0 $0xFFFF0C00  }
.LBB2_35:
0x93: {  	s8 =	sadd.s32 $0x1, s8;
	s2 =	rddreg [dreg:$0xa]  }
0x94: {  	p0 =	sne.s32 s8, s2  }
.Ltmp1:
0x95: {  	_ = 	snop;
	(pc) =	sbr.rel @!p0 .LBB2_36-.Ltmp1, $1  }
0x96: {  	_ =	sdelay $0x3  }
.LBB2_1:
0x97: {  	[dreg:$0xd] =	wrdreg s8  }
0x98: {  	s2 =	rddreg [dreg:$0x4];
	s19 =	simm.s32 $0x4  }
0x99: {  	[tilespmem:s4], [sflag:$0x4] =	stream.linear.gather [hbm4b:s2+s4], $0x2000, $0x38;
	[tilespmem:$0x1C000] =	vst v63  }
0x9a: {  	_ =	swait.ge [sflag:s19], $0x2000  }
0x9b: {  	s8 =	simm.s32 @p2 $0x2000;
	[sflag:s19] =	ssyncset.done $0x0  }
0x9c: {  	s2 =	simm.s32 @p2 $0x0;
	s10 =	rddreg [dreg:$0x5];
	[sflag:s19] =	ssyncadd.s32 $0xFFFFE000  }
0x9d: {  	[tilespmem:s8], [sflag:$0x1] =	stream.linear.gather @p2 [hbm4b:s10+s2], $0x800, $0x38;
	[tilespmem:$0x1C000] =	vst v63  }
0x9e: {  	s13 =	rddreg [dreg:$0xb];
	s8 =	simm.s32 @p2 $0x3000  }
0x9f: {  	[tilespmem:s8], [sflag:$0x1] =	stream.linear.gather @p2 [hbm4b:s13+s2], $0x800, $0x38;
	[tilespmem:$0x1C000] =	vst v63  }
0xa0: {  	s12 =	rddreg [dreg:$0x6];
	s8 =	simm.s32 @p2 $0x4000  }
0xa1: {  	[tilespmem:s8], [sflag:$0x1] =	stream.linear.gather @p2 [hbm4b:s12+s2], $0xC00, $0x38;
	[tilespmem:$0x1C000] =	vst v63  }
0xa2: {  	s9 =	rddreg [dreg:$0xc];
	s8 =	simm.s32 @p2 $0x5000  }
0xa3: {  	[tilespmem:s8], [sflag:$0x1] =	stream.linear.gather @p2 [hbm4b:s9+s2], $0xC00, $0x38;
	[tilespmem:$0x1C000] =	vst v63  }
0xa4: {  	s8 =	simm.s32 @!p2 $0x0;
	s9 =	simm.s32 @!p2 $0x2000  }
0xa5: {  	[tilespmem:s9], [sflag:$0x1] =	stream.linear.gather @!p2 [hbm4b:s10+s8], $0x400, $0x38;
	[tilespmem:$0x1C000] =	vst v63  }
0xa6: {  	s9 =	simm.s32 @!p2 $0x3000  }
0xa7: {  	[tilespmem:s9], [sflag:$0x1] =	stream.linear.gather @!p2 [hbm4b:s13+s8], $0x400, $0x38;
	[tilespmem:$0x1C000] =	vst v63  }
0xa8: {  	s26 =	rddreg [dreg:$0x7];
	s9 =	simm.s32 @!p2 $0x4000  }
0xa9: {  	[tilespmem:s9], [sflag:$0x1] =	stream.linear.gather @!p2 [hbm4b:s12+s8], $0x2000, $0x38;
	[tilespmem:$0x1C000] =	vst v63  }
.Ltmp2:
0xaa: {  	s31 =	sld [smem:$0x7E2];
	(pc) =	sbr.rel .LBB2_2-.Ltmp2, $4  }
0xab: {  	s16 =	simm.s32 $0x0;
	s30 =	rddreg [dreg:$0x8]  }
0xac: {  	[tilespmem:s20], [sflag:$0x1] =	stream.linear.gather [hbm4b:s26+s4], $0x80, $0x38;
	[tilespmem:$0x1C000] =	vst v63  }
0xad: {  	p1 =	seq.s32 s31, $0x1;
	s13 =	simm.s32 $0x0;
	s12 =	simm.s32 $0x0  }
0xae: {  	[tilespmem:s21], [sflag:$0x1] =	stream.linear.gather [hbm4b:s30+s4], $0x80, $0x38;
	[tilespmem:$0x1C000] =	vst v63  }
.LBB2_20:
0xaf: {  	s10 =	sld [smem:$0x7FD];
	_ =	sdelay $0x2  }
0xb0: {  	p0 =	seq.s32 s10, $0x1  }
0xb1: {  	p5 =	seq.s32 @p0 s0, $0x2  }
0xb2: {  	p6 =	por !p5, !p0  }
0xb3: {  	s10 =	sshrl.u32 @!p6 s9, $0x3  }
0xb4: {  	s10 =	sadd.s32 @!p6 s3, s10  }
0xb5: {  	s17 =	simm.s32 @!p6 $0x0;
	s18 =	simm.s32 @!p6 $0xC000;
	s15 =	sadd.s32 @!p6 $0x200, s10  }
0xb6: {  	[hbm4b:s15+s17] =	stream.linear.scatter @!p6 [tilespmem:s18], [sflag:$0x3], $0x1400, $0x38;
	[tilespmem:$0x1C000] =	vst v63  }
0xb7: {  	p5 =	por p5, !p0;
	s10 =	sadd.s32 @!p6 $0x1A400, s10;
	s15 =	simm.s32 @!p6 $0xD400  }
0xb8: {  	[hbm4b:s10+s17] =	stream.linear.scatter @!p6 [tilespmem:s15], [sflag:$0x3], $0xEC00, $0x38;
	[tilespmem:$0x1C000] =	vst v63  }
0xb9: {  	s10 =	sshrl.u32 @!p5 s9, $0x3  }
0xba: {  	s10 =	sadd.s32 @!p5 s3, s10  }
0xbb: {  	s18 =	simm.s32 @!p5 $0xC000;
	s17 =	simm.s32 @!p5 $0x0;
	s15 =	sadd.s32 @!p5 $0x480, s10  }
0xbc: {  	[hbm4b:s15+s17] =	stream.linear.scatter @!p5 [tilespmem:s18], [sflag:$0x3], $0x1C00, $0x38;
	[tilespmem:$0x1C000] =	vst v63  }
0xbd: {  	s10 =	sadd.s32 @!p5 $0x18780, s10;
	s15 =	simm.s32 @!p5 $0xDC00  }
0xbe: {  	[hbm4b:s10+s17] =	stream.linear.scatter @!p5 [tilespmem:s15], [sflag:$0x3], $0xE400, $0x38;
	[tilespmem:$0x1C000] =	vst v63  }
0xbf: {  	p5 =	seq.s32 @!p0 s0, $0x0  }
0xc0: {  	p6 =	por !p5, p0  }
0xc1: {  	s10 =	sshrl.u32 @!p6 s9, $0x3  }
0xc2: {  	s15 =	simm.s32 @!p6 $0x0;
	s17 =	simm.s32 @!p6 $0xC000;
	s10 =	sadd.s32 @!p6 s3, s10  }
0xc3: {  	[hbm4b:s10+s15] =	stream.linear.scatter @!p6 [tilespmem:s17], [sflag:$0x3], $0x400, $0x38;
	[tilespmem:$0x1C000] =	vst v63  }
0xc4: {  	p5 =	por p5, p0;
	s10 =	sadd.s32 @!p6 $0x1E000, s10;
	s17 =	simm.s32 @!p6 $0xC400  }
0xc5: {  	[hbm4b:s10+s15] =	stream.linear.scatter @!p6 [tilespmem:s17], [sflag:$0x3], $0xF800, $0x38;
	[tilespmem:$0x1C000] =	vst v63  }
0xc6: {  	s9 =	sshrl.u32 @!p5 s9, $0x3;
	s10 =	rddreg [dreg:$0x9];
	s15 =	simm.s32 @!p5 $0x0  }
0xc7: {  	s17 =	simm.s32 @!p5 $0xC000;
	s10 =	sadd.s32 @!p5 s9, s10;
	s9 =	sadd.s32 @!p5 s3, s9  }
0xc8: {  	[hbm4b:s10+s15] =	stream.linear.scatter @!p5 [tilespmem:s17], [sflag:$0x3], $0xC00, $0x38;
	[tilespmem:$0x1C000] =	vst v63  }
0xc9: {  	s9 =	sadd.s32 @!p5 $0x1C180, s9;
	s10 =	simm.s32 @!p5 $0xCC00  }
0xca: {  	[hbm4b:s9+s15] =	stream.linear.scatter @!p5 [tilespmem:s10], [sflag:$0x3], $0xF400, $0x38;
	[tilespmem:$0x1C000] =	vst v63  }
.LBB2_27:
0xcb: {  	s16 =	sadd.s32 $0x1, s16  }
0xcc: {  	p0 =	sne.s32 s16, $0x40  }
.Ltmp3:
0xcd: {  	_ = 	snop;
	(pc) =	sbr.rel @!p0 .LBB2_28-.Ltmp3, $2  }
0xce: {  	_ =	sdelay $0x2  }
0xcf: {  	s13 =	sadd.s32 $0x1, s13;
	s12 =	sadd.s32 $0x2, s12  }
.LBB2_2:
0xd0: {  	s17 =	sshllo.u32 s16, $0x1;
	s9 =	sshll.u32 s16, $0x2  }
0xd1: {  	s9 =	sand.u32 $0xF0, s9;
	s19 =	sand.u32 $0x7, s17  }
0xd2: {  	s9 =	sor.u32 s19, s9  }
0xd3: {  	s9 =	sor.u32 s14, s9  }
0xd4: {  	s9 =	sshll.u32 s9, $0x9  }
0xd5: {  	s10 =	sor.u32 s6, s9  }
0xd6: {  	s10 =	sshll.u32 s10, $0x6  }
0xd7: {  	s18 =	simm.s32 @p2 $0x7000;
	s15 =	sadd.s32 s1, s10  }
0xd8: {  	[tilespmem:s18], [sflag:$0x2] =	stream.linear.gather @p2 [hbm4b:s15+s2], $0x800, $0x38;
	[tilespmem:$0x1C000] =	vst v63  }
0xd9: {  	s26 =	simm.s32 @p2 $0x8000;
	s9 =	sor.u32 s7, s9;
	s18 =	sadd.s32 $0x200, s15  }
0xda: {  	[tilespmem:s26], [sflag:$0x2] =	stream.linear.gather @p2 [hbm4b:s18+s2], $0x800, $0x38;
	[tilespmem:$0x1C000] =	vst v63  }
0xdb: {  	s26 =	sshll.u32 @p2 s9, $0x6  }
0xdc: {  	s30 =	simm.s32 @p2 $0x9000;
	s26 =	sadd.s32 @p2 s1, s26  }
0xdd: {  	[tilespmem:s30], [sflag:$0x2] =	stream.linear.gather @p2 [hbm4b:s26+s2], $0xC00, $0x38;
	[tilespmem:$0x1C000] =	vst v63  }
0xde: {  	s26 =	sadd.s32 @p2 $0x200, s26;
	s30 =	simm.s32 @p2 $0xA000  }
0xdf: {  	[tilespmem:s30], [sflag:$0x2] =	stream.linear.gather @p2 [hbm4b:s26+s2], $0xC00, $0x38;
	[tilespmem:$0x1C000] =	vst v63  }
0xe0: {  	s26 =	smin.u32 @p2 s9, $0x1FFE8  }
0xe1: {  	s31 =	simm.s32 @p2 $0xB000;
	s30 =	sadd.s32 @p2 s10, s11;
	s26 =	sshll.u32 @p2 s26, $0x6  }
0xe2: {  	[tilespmem:s31], [sflag:$0x2] =	stream.linear.gather @p2 [hbm4b:s30+s2], $0x80, $0x38;
	[tilespmem:$0x1C000] =	vst v63  }
0xe3: {  	s26 =	sadd.s32 @p2 s26, s11;
	s30 =	simm.s32 @p2 $0xB400  }
0xe4: {  	[tilespmem:s30], [sflag:$0x2] =	stream.linear.gather @p2 [hbm4b:s26+s2], $0x80, $0x38;
	[tilespmem:$0x1C000] =	vst v63  }
0xe5: {  	s26 =	simm.s32 @p2 $0x1  }
0xe6: {  	_ =	swait.ge @p2 [sflag:s26], $0x1000  }
0xe7: {  	[sflag:s26] =	ssyncset.done @p2 $0x0  }
0xe8: {  	[sflag:s26] =	ssyncadd.s32 @p2 $0xFFFFF000  }
0xe9: {  	_ =	swait.ge @p2 [sflag:s26], $0x1800  }
0xea: {  	[sflag:s26] =	ssyncset.done @p2 $0x0  }
0xeb: {  	[sflag:s26] =	ssyncadd.s32 @p2 $0xFFFFE800;
	s26 =	simm.s32 @!p2 $0x7000  }
0xec: {  	[tilespmem:s26], [sflag:$0x2] =	stream.linear.gather @!p2 [hbm4b:s15+s8], $0x400, $0x38;
	[tilespmem:$0x1C000] =	vst v63  }
0xed: {  	s15 =	simm.s32 @!p2 $0x8000  }
0xee: {  	[tilespmem:s15], [sflag:$0x2] =	stream.linear.gather @!p2 [hbm4b:s18+s8], $0x400, $0x38;
	[tilespmem:$0x1C000] =	vst v63  }
0xef: {  	s15 =	sshll.u32 @!p2 s9, $0x6  }
0xf0: {  	s18 =	simm.s32 @!p2 $0x9000;
	s9 =	smin.u32 @!p2 s9, $0x1FFE8;
	s15 =	sadd.s32 @!p2 s1, s15  }
0xf1: {  	[tilespmem:s18], [sflag:$0x2] =	stream.linear.gather @!p2 [hbm4b:s15+s8], $0x2000, $0x38;
	[tilespmem:$0x1C000] =	vst v63  }
0xf2: {  	s10 =	sadd.s32 @!p2 s10, s11;
	s9 =	sshll.u32 @!p2 s9, $0x6;
	s15 =	simm.s32 @!p2 $0xB000  }
0xf3: {  	[tilespmem:s15], [sflag:$0x2] =	stream.linear.gather @!p2 [hbm4b:s10+s8], $0x80, $0x38;
	[tilespmem:$0x1C000] =	vst v63  }
0xf4: {  	s9 =	sadd.s32 @!p2 s9, s11;
	s10 =	simm.s32 @!p2 $0xB400  }
0xf5: {  	[tilespmem:s10], [sflag:$0x2] =	stream.linear.gather @!p2 [hbm4b:s9+s8], $0x80, $0x38;
	[tilespmem:$0x1C000] =	vst v63  }
0xf6: {  	s9 =	simm.s32 @!p2 $0x1  }
0xf7: {  	_ =	swait.ge @!p2 [sflag:s9], $0x800  }
0xf8: {  	[sflag:s9] =	ssyncset.done @!p2 $0x0  }
0xf9: {  	[sflag:s9] =	ssyncadd.s32 @!p2 $0xFFFFF800  }
0xfa: {  	_ =	swait.ge @!p2 [sflag:s9], $0x2000  }
0xfb: {  	s18 =	sshll.u32 s16, $0x1;
	[sflag:s9] =	ssyncset.done @!p2 $0x0  }
0xfc: {  	p5 =	slt.u32 s16, $0x4;
	[sflag:s9] =	ssyncadd.s32 @!p2 $0xFFFFE000;
	s9 =	sand.u32 $0x6, s18  }
0xfd: {  	p6 =	sne.s32 @!p5 s9, $0x0  }
0xfe: {  	_ =	swait.ge [sflag:s22], $0x80;
	p5 =	por p5, p6  }
.Ltmp4:
0xff: {  	[sflag:s22] =	ssyncset.done $0x0;
	(pc) =	sbr.rel @p5 .LBB2_6-.Ltmp4, $4  }
0x100: {  	[sflag:s22] =	ssyncadd.s32 $0xFFFFFF80  }
0x101: {  	_ =	swait.ge [sflag:s22], $0x80  }
0x102: {  	[sflag:s22] =	ssyncset.done $0x0  }
0x103: {  	[sflag:s22] =	ssyncadd.s32 $0xFFFFFF80  }
.Ltmp5:
0x104: {  	(pc) =	sbr.rel @p4 .LBB2_5-.Ltmp5, $1  }
0x105: {  	_ =	sdelay $0x3  }
0x106: {  	s9 =	simm.s32 @!p1 $0x3  }
0x107: {  	_ =	swait.ge @!p1 [sflag:s9], $0x3400  }
0x108: {  	[sflag:s9] =	ssyncset.done @!p1 $0x0  }
0x109: {  	[sflag:s9] =	ssyncadd.s32 @!p1 $0xFFFFCC00  }
0x10a: {  	_ =	swait.ge @!p1 [sflag:s9], $0xCC00  }
0x10b: {  	s30 =	sld [smem:$0x7E4];
	_ =	sdelay $0x2  }
0x10c: {  	[sflag:s9] =	ssyncset.done @!p1 $0x0;
	p0 =	seq.s32 s30, $0x1  }
0x10d: {  	[sflag:s9] =	ssyncadd.s32 @!p1 $0xFFFF3400;
	s9 =	simm.s32 @!p0 $0x3  }
0x10e: {  	_ =	swait.ge @!p0 [sflag:s9], $0x3C00  }
0x10f: {  	[sflag:s9] =	ssyncset.done @!p0 $0x0  }
0x110: {  	[sflag:s9] =	ssyncadd.s32 @!p0 $0xFFFFC400  }
0x111: {  	_ =	swait.ge @!p0 [sflag:s9], $0xC400  }
0x112: {  	s31 =	sld [smem:$0x7E6];
	_ =	sdelay $0x1  }
0x113: {  	[sflag:s9] =	ssyncset.done @!p0 $0x0  }
0x114: {  	[sflag:s9] =	ssyncadd.s32 @!p0 $0xFFFF3C00;
	p0 =	seq.s32 s31, $0x1  }
0x115: {  	s9 =	simm.s32 @!p0 $0x3  }
0x116: {  	_ =	swait.ge @!p0 [sflag:s9], $0x2400  }
0x117: {  	[sflag:s9] =	ssyncset.done @!p0 $0x0  }
0x118: {  	[sflag:s9] =	ssyncadd.s32 @!p0 $0xFFFFDC00  }
0x119: {  	_ =	swait.ge @!p0 [sflag:s9], $0xDC00  }
0x11a: {  	s10 =	sld [smem:$0x7E8];
	_ =	sdelay $0x1  }
0x11b: {  	[sflag:s9] =	ssyncset.done @!p0 $0x0  }
0x11c: {  	[sflag:s9] =	ssyncadd.s32 @!p0 $0xFFFF2400;
	p0 =	seq.s32 s10, $0x1  }
0x11d: {  	s9 =	simm.s32 @!p0 $0x3  }
0x11e: {  	_ =	swait.ge @!p0 [sflag:s9], $0x2C00  }
0x11f: {  	[sflag:s9] =	ssyncset.done @!p0 $0x0  }
0x120: {  	[sflag:s9] =	ssyncadd.s32 @!p0 $0xFFFFD400  }
0x121: {  	_ =	swait.ge @!p0 [sflag:s9], $0xD400  }
0x122: {  	s15 =	sld [smem:$0x7EA];
	_ =	sdelay $0x1  }
0x123: {  	[sflag:s9] =	ssyncset.done @!p0 $0x0  }
0x124: {  	[sflag:s9] =	ssyncadd.s32 @!p0 $0xFFFF2C00;
	p0 =	seq.s32 s15, $0x1  }
0x125: {  	s9 =	simm.s32 @!p0 $0x3  }
0x126: {  	_ =	swait.ge @!p0 [sflag:s9], $0x1400  }
0x127: {  	[sflag:s9] =	ssyncset.done @!p0 $0x0  }
0x128: {  	[sflag:s9] =	ssyncadd.s32 @!p0 $0xFFFFEC00  }
0x129: {  	_ =	swait.ge @!p0 [sflag:s9], $0xEC00  }
0x12a: {  	s26 =	sld [smem:$0x7EC];
	_ =	sdelay $0x1  }
0x12b: {  	[sflag:s9] =	ssyncset.done @!p0 $0x0  }
0x12c: {  	[sflag:s9] =	ssyncadd.s32 @!p0 $0xFFFF1400;
	p0 =	seq.s32 s26, $0x1  }
0x12d: {  	s9 =	simm.s32 @!p0 $0x3  }
0x12e: {  	_ =	swait.ge @!p0 [sflag:s9], $0x1C00  }
0x12f: {  	[sflag:s9] =	ssyncset.done @!p0 $0x0  }
0x130: {  	[sflag:s9] =	ssyncadd.s32 @!p0 $0xFFFFE400  }
0x131: {  	_ =	swait.ge @!p0 [sflag:s9], $0xE400  }
0x132: {  	s30 =	sld [smem:$0x7ED];
	_ =	sdelay $0x1  }
0x133: {  	[sflag:s9] =	ssyncset.done @!p0 $0x0  }
0x134: {  	[sflag:s9] =	ssyncadd.s32 @!p0 $0xFFFF1C00;
	p0 =	seq.s32 s30, $0x1  }
0x135: {  	s9 =	simm.s32 @!p0 $0x3  }
0x136: {  	_ =	swait.ge @!p0 [sflag:s9], $0x400  }
0x137: {  	[sflag:s9] =	ssyncset.done @!p0 $0x0  }
0x138: {  	[sflag:s9] =	ssyncadd.s32 @!p0 $0xFFFFFC00  }
0x139: {  	_ =	swait.ge @!p0 [sflag:s9], $0xF800  }
0x13a: {  	s31 =	sld [smem:$0x7F0];
	_ =	sdelay $0x1  }
0x13b: {  	[sflag:s9] =	ssyncset.done @!p0 $0x0  }
0x13c: {  	[sflag:s9] =	ssyncadd.s32 @!p0 $0xFFFF0800;
	p0 =	seq.s32 s31, $0x1  }
0x13d: {  	s9 =	simm.s32 @!p0 $0x3  }
0x13e: {  	_ =	swait.ge @!p0 [sflag:s9], $0xC00  }
.Ltmp6:
0x13f: {  	[sflag:s9] =	ssyncset.done @!p0 $0x0;
	(pc) =	sbr.rel .LBB2_6-.Ltmp6, $4  }
0x140: {  	[sflag:s9] =	ssyncadd.s32 @!p0 $0xFFFFF400  }
0x141: {  	_ =	swait.ge @!p0 [sflag:s9], $0xF400  }
0x142: {  	[sflag:s9] =	ssyncset.done @!p0 $0x0  }
0x143: {  	[sflag:s9] =	ssyncadd.s32 @!p0 $0xFFFF0C00  }
.LBB2_5:
0x144: {  	s9 =	sld [smem:$0x7F1];
	_ =	sdelay $0x2  }
0x145: {  	p0 =	seq.s32 s9, $0x1  }
0x146: {  	s9 =	simm.s32 @!p0 $0x3  }
0x147: {  	_ =	swait.ge @!p0 [sflag:s9], $0x7400  }
0x148: {  	[sflag:s9] =	ssyncset.done @!p0 $0x0  }
0x149: {  	[sflag:s9] =	ssyncadd.s32 @!p0 $0xFFFF8C00  }
0x14a: {  	_ =	swait.ge @!p0 [sflag:s9], $0x8C00  }
0x14b: {  	s26 =	sld [smem:$0x7F3];
	_ =	sdelay $0x1  }
0x14c: {  	[sflag:s9] =	ssyncset.done @!p0 $0x0  }
0x14d: {  	[sflag:s9] =	ssyncadd.s32 @!p0 $0xFFFF7400;
	p0 =	seq.s32 s26, $0x1  }
0x14e: {  	s9 =	simm.s32 @!p0 $0x3  }
0x14f: {  	_ =	swait.ge @!p0 [sflag:s9], $0x7800  }
0x150: {  	[sflag:s9] =	ssyncset.done @!p0 $0x0  }
0x151: {  	[sflag:s9] =	ssyncadd.s32 @!p0 $0xFFFF8800  }
0x152: {  	_ =	swait.ge @!p0 [sflag:s9], $0x8400  }
0x153: {  	s30 =	sld [smem:$0x7F5];
	_ =	sdelay $0x1  }
0x154: {  	[sflag:s9] =	ssyncset.done @!p0 $0x0  }
0x155: {  	[sflag:s9] =	ssyncadd.s32 @!p0 $0xFFFF7C00;
	p0 =	seq.s32 s30, $0x1  }
0x156: {  	s9 =	simm.s32 @!p0 $0x3  }
0x157: {  	_ =	swait.ge @!p0 [sflag:s9], $0x6400  }
0x158: {  	[sflag:s9] =	ssyncset.done @!p0 $0x0  }
0x159: {  	[sflag:s9] =	ssyncadd.s32 @!p0 $0xFFFF9C00  }
0x15a: {  	_ =	swait.ge @!p0 [sflag:s9], $0x9C00  }
0x15b: {  	s31 =	sld [smem:$0x7F6];
	_ =	sdelay $0x1  }
0x15c: {  	[sflag:s9] =	ssyncset.done @!p0 $0x0  }
0x15d: {  	[sflag:s9] =	ssyncadd.s32 @!p0 $0xFFFF6400;
	p0 =	seq.s32 s31, $0x1  }
0x15e: {  	s9 =	simm.s32 @!p0 $0x3  }
0x15f: {  	_ =	swait.ge @!p0 [sflag:s9], $0x6C00  }
0x160: {  	[sflag:s9] =	ssyncset.done @!p0 $0x0  }
0x161: {  	[sflag:s9] =	ssyncadd.s32 @!p0 $0xFFFF9400  }
0x162: {  	_ =	swait.ge @!p0 [sflag:s9], $0x9400  }
0x163: {  	s10 =	sld [smem:$0x7F7];
	_ =	sdelay $0x1  }
0x164: {  	[sflag:s9] =	ssyncset.done @!p0 $0x0  }
0x165: {  	[sflag:s9] =	ssyncadd.s32 @!p0 $0xFFFF6C00;
	p0 =	seq.s32 s10, $0x1  }
0x166: {  	s9 =	simm.s32 @!p0 $0x3  }
0x167: {  	_ =	swait.ge @!p0 [sflag:s9], $0x5400  }
0x168: {  	[sflag:s9] =	ssyncset.done @!p0 $0x0  }
0x169: {  	[sflag:s9] =	ssyncadd.s32 @!p0 $0xFFFFAC00  }
0x16a: {  	_ =	swait.ge @!p0 [sflag:s9], $0xAC00  }
0x16b: {  	s15 =	sld [smem:$0x7FA];
	_ =	sdelay $0x1  }
0x16c: {  	[sflag:s9] =	ssyncset.done @!p0 $0x0  }
0x16d: {  	[sflag:s9] =	ssyncadd.s32 @!p0 $0xFFFF5400;
	p0 =	seq.s32 s15, $0x1  }
0x16e: {  	s9 =	simm.s32 @!p0 $0x3  }
0x16f: {  	_ =	swait.ge @!p0 [sflag:s9], $0x5C00  }
0x170: {  	[sflag:s9] =	ssyncset.done @!p0 $0x0  }
0x171: {  	[sflag:s9] =	ssyncadd.s32 @!p0 $0xFFFFA400  }
0x172: {  	_ =	swait.ge @!p0 [sflag:s9], $0xA400  }
0x173: {  	s26 =	sld [smem:$0x7FC];
	_ =	sdelay $0x2  }
0x174: {  	[sflag:s9] =	ssyncset.done @!p0 $0x0;
	p3 =	seq.s32 s26, $0x1  }
0x175: {  	[sflag:s9] =	ssyncadd.s32 @!p0 $0xFFFF5C00;
	s9 =	simm.s32 @!p3 $0x3  }
0x176: {  	_ =	swait.ge @!p3 [sflag:s9], $0x4400  }
0x177: {  	[sflag:s9] =	ssyncset.done @!p3 $0x0  }
0x178: {  	[sflag:s9] =	ssyncadd.s32 @!p3 $0xFFFFBC00  }
0x179: {  	_ =	swait.ge @!p3 [sflag:s9], $0xBC00  }
0x17a: {  	s10 =	sld [smem:$0x7FB]  }
0x17b: {  	s30 =	sld [smem:$0x7F8]  }
0x17c: {  	s31 =	sld [smem:$0x7F9];
	_ =	sdelay $0x2  }
0x17d: {  	p0 =	seq.s32 s10, $0x1;
	p5 =	seq.s32 s30, $0x1;
	p6 =	seq.s32 s31, $0x1  }
0x17e: {  	p5 =	por @!p0 p6, p5  }
0x17f: {  	[sflag:s9] =	ssyncset.done @!p3 $0x0;
	p5 =	por p5, p0  }
0x180: {  	[sflag:s9] =	ssyncadd.s32 @!p3 $0xFFFF4400;
	s9 =	simm.s32 @!p5 $0x3  }
0x181: {  	_ =	swait.ge @!p5 [sflag:s9], $0x4C00  }
0x182: {  	[sflag:s9] =	ssyncset.done @!p5 $0x0  }
0x183: {  	[sflag:s9] =	ssyncadd.s32 @!p5 $0xFFFFB400  }
0x184: {  	_ =	swait.ge @!p5 [sflag:s9], $0xB400  }
0x185: {  	[sflag:s9] =	ssyncset.done @!p5 $0x0  }
0x186: {  	[sflag:s9] =	ssyncadd.s32 @!p5 $0xFFFF4C00  }
.LBB2_6:
0x187: {  	s9 =	simm.s32 $0x80  }
0x188: {  	v0 =	vld [tilespmem:s9+$0x70]  }
0x189: {  	v1 =	vld [tilespmem:s9+$0xFFFFFF90]  }
0x18a: {  	v2 =	vld [tilespmem:s9+$0xFFFFFFA0]  }
0x18b: {  	v3 =	vld [tilespmem:s9+$0xFFFFFFB0]  }
0x18c: {  	v4 =	vld [tilespmem:s9+$0xFFFFFFC0]  }
0x18d: {  	v6 =	vld [tilespmem:s9+$0xFFFFFFD0]  }
0x18e: {  	v7 =	vld [tilespmem:s9+$0xFFFFFFE0]  }
0x18f: {  	v10 =	vld [tilespmem:s9+$0xFFFFFFF0]  }
0x190: {  	v12 =	vld [tilespmem:s9+$0x0]  }
0x191: {  	v13 =	vld [tilespmem:s9+$0x10]  }
0x192: {  	v15 =	vld [tilespmem:s9+$0x20]  }
0x193: {  	v18 =	vld [tilespmem:s9+$0x30]  }
0x194: {  	v20 =	vld [tilespmem:s9+$0x40];
	v5 =	vshll.u32 v0, $0x3;
	v8 =	vshrl.u32 v0, $0x2  }
0x195: {  	v23 =	vld [tilespmem:s9+$0x50];
	v0 =	vand.u32 $0xFFFFF07F, v0;
	v9 =	vshll.u32 v1, $0x3;
	v11 =	vshll.u32 v3, $0x3  }
0x196: {  	v26 =	vld [tilespmem:s9+$0x60];
	v14 =	vshll.u32 v6, $0x3;
	v16 =	vshrl.u32 v1, $0x2;
	v17 =	vshll.u32 v7, $0x3  }
0x197: {  	v28 =	vld [tilespmem:s9+$0xFFFFFF80];
	v1 =	vand.u32 $0xFFFFF07F, v1;
	v19 =	vshll.u32 v10, $0x3;
	v21 =	vshrl.u32 v2, $0x2  }
0x198: {  	v22 =	vshll.u32 v12, $0x3;
	v24 =	vshll.u32 v13, $0x3;
	v25 =	vshrl.u32 v3, $0x2  }
0x199: {  	v27 =	vshll.u32 v15, $0x3;
	v3 =	vand.u32 $0xFFFFF07F, v3;
	v29 =	vshll.u32 v18, $0x3  }
0x19a: {  	v30 =	vshrl.u32 v4, $0x2;
	v31 =	vshll.u32 v20, $0x3;
	v32 =	vshrl.u32 v6, $0x2  }
0x19b: {  	v6 =	vand.u32 $0xFFFFF07F, v6;
	v33 =	vshrl.u32 v7, $0x2;
	v34 =	vshll.u32 v23, $0x3  }
0x19c: {  	v7 =	vand.u32 $0xFFFFF07F, v7;
	v35 =	vshll.u32 v26, $0x3;
	v36 =	vshll.u32 v28, $0x3  }
0x19d: {  	s26 =	simm.s32 $0x180;
	v37 =	vshrl.u32 v28, $0x2;
	v28 =	vand.u32 $0xFFFFF07F, v28;
	v38 =	vshrl.u32 v10, $0x2  }
0x19e: {  	v63 =	vld [tilespmem:s26+$0x40];
	v10 =	vand.u32 $0xFFFFF07F, v10;
	v39 =	vshrl.u32 v12, $0x2;
	v12 =	vand.u32 $0xFFFFF07F, v12  }
0x19f: {  	v40 =	vshrl.u32 v13, $0x2;
	v13 =	vand.u32 $0xFFFFF07F, v13;
	v41 =	vshrl.u32 v15, $0x2  }
0x1a0: {  	v15 =	vand.u32 $0xFFFFF07F, v15;
	v42 =	vshrl.u32 v18, $0x2;
	v18 =	vand.u32 $0xFFFFF07F, v18  }
0x1a1: {  	v43 =	vshrl.u32 v20, $0x2;
	v20 =	vand.u32 $0xFFFFF07F, v20;
	v44 =	vshrl.u32 v23, $0x2  }
0x1a2: {  	v23 =	vand.u32 $0xFFFFF07F, v23;
	v45 =	vshrl.u32 v26, $0x2;
	v26 =	vand.u32 $0xFFFFF07F, v26  }
0x1a3: {  	v47 =	vshll.u32 v63, $0x3;
	v5 =	vand.u32 $0xC00, v5;
	v8 =	vand.u32 $0x380, v8  }
0x1a4: {  	v11 =	vand.u32 $0xC00, v11;
	v14 =	vand.u32 $0xC00, v14;
	v17 =	vand.u32 $0xC00, v17  }
0x1a5: {  	v19 =	vand.u32 $0xC00, v19;
	v22 =	vand.u32 $0xC00, v22;
	v24 =	vand.u32 $0xC00, v24  }
0x1a6: {  	v27 =	vand.u32 $0xC00, v27;
	v29 =	vand.u32 $0xC00, v29;
	v31 =	vand.u32 $0xC00, v31  }
0x1a7: {  	v34 =	vand.u32 $0xC00, v34;
	v35 =	vand.u32 $0xC00, v35;
	v36 =	vand.u32 $0xC00, v36  }
0x1a8: {  	v16 =	vand.u32 $0x380, v16;
	v47 =	vand.u32 $0xC00, v47;
	v0 =	vor.u32 v5, v0  }
0x1a9: {  	v5 =	vshll.u32 v2, $0x3;
	v2 =	vand.u32 $0xFFFFF07F, v2;
	v28 =	vor.u32 v36, v28  }
0x1aa: {  	v3 =	vor.u32 v11, v3;
	v11 =	vor.u32 v29, v18;
	v18 =	vand.u32 $0x380, v25  }
0x1ab: {  	v25 =	vand.u32 $0x380, v41;
	v29 =	vand.u32 $0x380, v44;
	v36 =	vand.u32 $0xFFFFF07F, v63  }
0x1ac: {  	v0 =	vor.u32 v8, v0;
	v8 =	vand.u32 $0xC00, v9;
	v5 =	vand.u32 $0xC00, v5  }
0x1ad: {  	v9 =	vshll.u32 v4, $0x3;
	v4 =	vand.u32 $0xFFFFF07F, v4;
	v18 =	vor.u32 v18, v3  }
0x1ae: {  	v9 =	vand.u32 $0xC00, v9;
	v1 =	vor.u32 v8, v1;
	v2 =	vor.u32 v5, v2  }
0x1af: {  	v5 =	vor.u32 v14, v6;
	v6 =	vor.u32 v17, v7;
	v7 =	vor.u32 v19, v10  }
0x1b0: {  	v8 =	vor.u32 v22, v12;
	v10 =	vor.u32 v27, v15;
	v12 =	vor.u32 v31, v20  }
0x1b1: {  	v14 =	vor.u32 v35, v26;
	v15 =	vand.u32 $0x380, v37;
	v17 =	vand.u32 $0x380, v21  }
0x1b2: {  	v19 =	vand.u32 $0x380, v30;
	v20 =	vand.u32 $0x380, v32;
	v21 =	vand.u32 $0x380, v33  }
0x1b3: {  	v22 =	vand.u32 $0x380, v38;
	v26 =	vand.u32 $0x380, v42;
	v27 =	vand.u32 $0x380, v43  }
0x1b4: {  	v30 =	vand.u32 $0x380, v45;
	v31 =	vld [tilespmem:s26+$0x70];
	v4 =	vor.u32 v9, v4;
	v9 =	vor.u32 v24, v13  }
0x1b5: {  	v13 =	vor.u32 v34, v23;
	v23 =	vand.u32 $0x380, v39;
	v15 =	vor.u32 v15, v28;
	v28 =	vld [tilespmem:s26+$0xFFFFFF90]  }
0x1b6: {  	v24 =	vand.u32 $0x380, v40;
	v16 =	vor.u32 v16, v1;
	v5 =	vor.u32 v20, v5;
	v20 =	vld [tilespmem:s26+$0xFFFFFFB0]  }
0x1b7: {  	v17 =	vor.u32 v17, v2;
	v7 =	vor.u32 v22, v7;
	v22 =	vor.u32 v26, v11;
	v11 =	vld [tilespmem:s26+$0xFFFFFFD0]  }
0x1b8: {  	v6 =	vor.u32 v21, v6;
	v21 =	vor.u32 v25, v10;
	v3 =	vor.u32 v27, v12;
	v25 =	vld [tilespmem:s26+$0xFFFFFFF0]  }
0x1b9: {  	v1 =	vor.u32 v30, v14;
	v27 =	vld [tilespmem:s26+$0x0];
	v4 =	vor.u32 v19, v4;
	v8 =	vor.u32 v23, v8  }
0x1ba: {  	v10 =	vld [tilespmem:s26+$0xFFFFFFC0];
	v9 =	vor.u32 v24, v9;
	v2 =	vor.u32 v29, v13;
	v12 =	vshll.u32 v31, $0x3  }
0x1bb: {  	v40 =	vld [tilespmem:s26+$0x50];
	v14 =	vshrl.u32 v31, $0x2;
	v23 =	vand.u32 $0xFFFFF07F, v31;
	v12 =	vand.u32 $0xC00, v12  }
0x1bc: {  	v19 =	vld [tilespmem:s26+$0xFFFFFFA0];
	v24 =	vshll.u32 v28, $0x3;
	v14 =	vand.u32 $0x380, v14;
	v26 =	vshll.u32 v20, $0x3  }
0x1bd: {  	v13 =	vld [tilespmem:s26+$0xFFFFFFE0];
	v30 =	vshll.u32 v11, $0x3;
	v32 =	vshrl.u32 v28, $0x2;
	v28 =	vand.u32 $0xFFFFF07F, v28  }
0x1be: {  	v34 =	vld [tilespmem:s26+$0x30];
	v62 =	vshll.u32 v25, $0x3;
	v58 =	vshll.u32 v27, $0x3;
	v41 =	vshrl.u32 v20, $0x2  }
0x1bf: {  	v29 =	vld [tilespmem:s26+$0x10];
	v20 =	vand.u32 $0xFFFFF07F, v20;
	v46 =	vshrl.u32 v10, $0x2;
	v48 =	vshrl.u32 v11, $0x2  }
0x1c0: {  	v11 =	vand.u32 $0xFFFFF07F, v11;
	v50 =	vshll.u32 v40, $0x3;
	v44 =	vshrl.u32 v25, $0x2  }
0x1c1: {  	v43 =	vld [tilespmem:s26+$0x60];
	v25 =	vand.u32 $0xFFFFF07F, v25;
	v12 =	vor.u32 v12, v23;
	v23 =	vshll.u32 v19, $0x3  }
0x1c2: {  	v26 =	vand.u32 $0xC00, v26;
	v30 =	vand.u32 $0xC00, v30;
	v61 =	vshll.u32 v13, $0x3  }
0x1c3: {  	v0 =	vld.idx.msk [tilespmem:v0+s23+$0x0], $0xffff;
	v37 =	vshrl.u32 v19, $0x2;
	v35 =	vand.u32 $0xC00, v62;
	v19 =	vand.u32 $0xFFFFF07F, v19  }
0x1c4: {  	v31 =	vld [tilespmem:s26+$0x20];
	v38 =	vand.u32 $0xC00, v58;
	v59 =	vshll.u32 v29, $0x3;
	v62 =	vshll.u32 v34, $0x3  }
0x1c5: {  	v15 =	vld.idx.msk [tilespmem:v15+s23+$0x0], $0xffff;
	v49 =	vshrl.u32 v13, $0x2;
	v51 =	vand.u32 $0xFFFFF07F, v13;
	v50 =	vand.u32 $0xC00, v50  }
0x1c6: {  	v16 =	vld.idx.msk [tilespmem:v16+s23+$0x0], $0xffff;
	v13 =	vshll.u32 v43, $0x3;
	v55 =	vshrl.u32 v29, $0x2;
	v29 =	vand.u32 $0xFFFFF07F, v29  }
0x1c7: {  	v17 =	vld.idx.msk [tilespmem:v17+s23+$0x0], $0xffff;
	v58 =	vshrl.u32 v34, $0x2;
	v12 =	vor.u32 v14, v12;
	v14 =	vand.u32 $0xC00, v24  }
0x1c8: {  	v57 =	vld.idx.msk [tilespmem:v5+s23+$0x0], $0xffff;
	v23 =	vand.u32 $0xC00, v23;
	v24 =	vshll.u32 v10, $0x3;
	v33 =	vand.u32 $0xC00, v61  }
0x1c9: {  	s31 =	sand.u32 $0x3, s13;
	v4 =	vld.idx.msk [tilespmem:v4+s23+$0x0], $0xffff;
	v39 =	vand.u32 $0xC00, v59;
	v45 =	vand.u32 $0xC00, v62;
	v10 =	vand.u32 $0xFFFFF07F, v10  }
0x1ca: {  	s9 =	sshll.u32 s31, $0x8;
	v54 =	vand.u32 $0xC00, v13;
	v59 =	vshrl.u32 v63, $0x2;
	v63 =	vld.idx.msk [tilespmem:v21+s23+$0x0], $0xffff;
	v21 =	vand.u32 $0x380, v58  }
0x1cb: {  	s10 =	sor.u32 $0xC400, s9;
	v62 =	vld.idx.msk [tilespmem:v8+s23+$0x0], $0xffff;
	v24 =	vand.u32 $0xC00, v24;
	v8 =	vor.u32 v39, v29;
	v29 =	vand.u32 $0x380, v37  }
0x1cc: {  	v61 =	vld [tilespmem:s26+$0xFFFFFF80];
	[tilespmem:s10+$0x70] =	vst v0;
	v60 =	vshll.u32 v31, $0x3;
	v56 =	vshrl.u32 v31, $0x2;
	v5 =	vand.u32 $0xFFFFF07F, v31  }
0x1cd: {  	v0 =	vld.idx.msk [tilespmem:v18+s23+$0x0], $0xffff;
	v31 =	vand.u32 $0xFFFFF07F, v34;
	v42 =	vand.u32 $0xC00, v60;
	[tilespmem:s10+$0xFFFFFC10] =	vst v16;
	v60 =	vshrl.u32 v40, $0x2  }
0x1ce: {  	[tilespmem:s10+$0xFFFFFC20] =	vst v17;
	v16 =	vor.u32 v14, v28;
	v17 =	vor.u32 v23, v19;
	v14 =	vor.u32 v30, v11  }
0x1cf: {  	v34 =	vld.idx.msk [tilespmem:v6+s23+$0x0], $0xffff;
	v11 =	vor.u32 v33, v51;
	v6 =	vor.u32 v45, v31;
	v28 =	vand.u32 $0x380, v32  }
0x1d0: {  	[tilespmem:s10+$0xFFFFFC00] =	vst v15;
	v30 =	vand.u32 $0x380, v41;
	v31 =	vand.u32 $0x380, v46;
	v32 =	vand.u32 $0x380, v48  }
0x1d1: {  	v19 =	vld.idx.msk [tilespmem:v9+s23+$0x0], $0xffff;
	[tilespmem:s10+$0xFFFFFC50] =	vst v57;
	v33 =	vand.u32 $0x380, v49;
	v23 =	vand.u32 $0x380, v56;
	v52 =	vshll.u32 v61, $0x3  }
0x1d2: {  	[tilespmem:s10+$0xFFFFFC40] =	vst v4;
	v53 =	vshrl.u32 v61, $0x2;
	v18 =	vand.u32 $0xFFFFF07F, v61;
	v61 =	vld.idx.msk [tilespmem:v7+s23+$0x0], $0xffff;
	v7 =	vor.u32 v42, v5  }
0x1d3: {  	v12 =	vld.idx.msk [tilespmem:v12+s23+$0x0], $0xffff;
	v5 =	vor.u32 v47, v36;
	[tilespmem:s10+$0x0] =	vst v62;
	v13 =	vand.u32 $0xC00, v52;
	v52 =	vshrl.u32 v27, $0x2  }
0x1d4: {  	v27 =	vand.u32 $0xFFFFF07F, v27;
	[tilespmem:s10+$0xFFFFFC30] =	vst v0;
	v0 =	vand.u32 $0xFFFFF07F, v40;
	v40 =	vshrl.u32 v43, $0x2  }
0x1d5: {  	v3 =	vld.idx.msk [tilespmem:v3+s23+$0x0], $0xffff;
	[tilespmem:s10+$0x20] =	vst v63;
	v43 =	vand.u32 $0xFFFFF07F, v43;
	v15 =	vor.u32 v13, v18;
	v13 =	vor.u32 v24, v10  }
0x1d6: {  	v10 =	vor.u32 v35, v25;
	v9 =	vor.u32 v38, v27;
	v4 =	vor.u32 v50, v0;
	[tilespmem:s10+$0xFFFFFC60] =	vst v34  }
0x1d7: {  	s15 =	sand.u32 $0x7, s12;
	s9 =	sadd.s32 $0x800, s10;
	v1 =	vld.idx.msk [tilespmem:v1+s23+$0x0], $0xffff;
	v0 =	vor.u32 v54, v43;
	v27 =	vand.u32 $0x380, v53;
	v24 =	vand.u32 $0x380, v52;
	[tilespmem:s10+$0x10] =	vst v19  }
0x1d8: {  	s15 =	sshll.u32 s15, $0x7;
	v18 =	vld.idx.msk [tilespmem:v22+s23+$0x0], $0xffff;
	v25 =	vand.u32 $0x380, v55;
	v22 =	vand.u32 $0x380, v59;
	v19 =	vand.u32 $0x380, v40;
	[tilespmem:s9+$0x70] =	vst v12  }
0x1d9: {  	s30 =	sadd.s32 $0xC480, s15;
	s15 =	simm.s32 $0x100;
	v2 =	vld.idx.msk [tilespmem:v2+s23+$0x0], $0xffff;
	s26 =	simm.s32 $0x280;
	v12 =	vor.u32 v26, v20;
	[tilespmem:s10+$0xFFFFFC70] =	vst v61;
	v26 =	vand.u32 $0x380, v44;
	v20 =	vand.u32 $0x380, v60  }
.LBB2_7:
0x1da: {  	v34 =	vld [tilespmem:s26+$0x70]  }
0x1db: {  	v15 =	vor.u32 v27, v15;
	v27 =	vld [tilespmem:s26+$0xFFFFFFA0]  }
0x1dc: {  	v9 =	vor.u32 v24, v9;
	v24 =	vld [tilespmem:s26+$0xFFFFFFB0]  }
0x1dd: {  	v0 =	vor.u32 v19, v0;
	v19 =	vld [tilespmem:s26+$0xFFFFFFE0]  }
0x1de: {  	v7 =	vor.u32 v23, v7;
	v23 =	vld [tilespmem:s26+$0xFFFFFFF0]  }
0x1df: {  	v16 =	vor.u32 v28, v16;
	v17 =	vor.u32 v29, v17;
	v10 =	vor.u32 v26, v10;
	v26 =	vld [tilespmem:s26+$0x0]  }
0x1e0: {  	v12 =	vor.u32 v30, v12;
	v13 =	vor.u32 v31, v13;
	v14 =	vor.u32 v32, v14;
	v28 =	vld [tilespmem:s26+$0x10];
	[tilespmem:s10+$0x40] =	vst v3  }
0x1e1: {  	v11 =	vor.u32 v33, v11;
	v8 =	vor.u32 v25, v8;
	v30 =	vld [tilespmem:s26+$0x20];
	[tilespmem:s10+$0x50] =	vst v2;
	v2 =	vor.u32 v21, v6  }
0x1e2: {  	v43 =	vld [tilespmem:s26+$0xFFFFFF80];
	[tilespmem:s10+$0x60] =	vst v1;
	v3 =	vor.u32 v22, v5;
	v1 =	vor.u32 v20, v4;
	v5 =	vshll.u32 v34, $0x3  }
0x1e3: {  	v20 =	vshrl.u32 v34, $0x2;
	v21 =	vand.u32 $0xFFFFF07F, v34;
	v25 =	vshll.u32 v24, $0x3  }
0x1e4: {  	v61 =	vshll.u32 v19, $0x3;
	v63 =	vshll.u32 v23, $0x3;
	v36 =	vshrl.u32 v27, $0x2  }
0x1e5: {  	v37 =	vshll.u32 v26, $0x3;
	v38 =	vshll.u32 v28, $0x3;
	v40 =	vshrl.u32 v24, $0x2  }
0x1e6: {  	[tilespmem:s10+$0x30] =	vst v18;
	v18 =	vld [tilespmem:s26+$0xFFFFFF90];
	v41 =	vshll.u32 v30, $0x3;
	v24 =	vand.u32 $0xFFFFF07F, v24;
	v48 =	vshrl.u32 v19, $0x2  }
0x1e7: {  	v6 =	vld [tilespmem:s26+$0xFFFFFFC0];
	v19 =	vand.u32 $0xFFFFF07F, v19;
	v50 =	vshll.u32 v43, $0x3;
	v51 =	vshrl.u32 v43, $0x2  }
0x1e8: {  	v4 =	vld [tilespmem:s26+$0xFFFFFFD0];
	v43 =	vand.u32 $0xFFFFF07F, v43;
	v54 =	vshrl.u32 v26, $0x2;
	v26 =	vand.u32 $0xFFFFF07F, v26  }
0x1e9: {  	v62 =	vld [tilespmem:s26+$0x30];
	v56 =	vshrl.u32 v28, $0x2;
	v28 =	vand.u32 $0xFFFFF07F, v28;
	v57 =	vshrl.u32 v30, $0x2  }
0x1ea: {  	v35 =	vld [tilespmem:s26+$0x40];
	v30 =	vand.u32 $0xFFFFF07F, v30;
	v5 =	vand.u32 $0xC00, v5;
	v20 =	vand.u32 $0x380, v20  }
0x1eb: {  	[tilespmem:$0x1FFF0] =	vst v0;
	v39 =	vld [tilespmem:s26+$0x50];
	v25 =	vand.u32 $0xC00, v25;
	v32 =	vand.u32 $0xC00, v61;
	v0 =	vand.u32 $0xC00, v63  }
0x1ec: {  	v42 =	vld [tilespmem:s26+$0x60];
	v37 =	vand.u32 $0xC00, v37;
	v38 =	vand.u32 $0xC00, v38;
	v5 =	vor.u32 v5, v21  }
0x1ed: {  	v55 =	vld.idx.msk [tilespmem:v11+s23+$0x0], $0xffff;
	v41 =	vand.u32 $0xC00, v41;
	v21 =	vshll.u32 v27, $0x3;
	v5 =	vor.u32 v20, v5  }
0x1ee: {  	v60 =	vld.idx.msk [tilespmem:v9+s23+$0x0], $0xffff;
	v27 =	vand.u32 $0xFFFFF07F, v27;
	v11 =	vor.u32 v32, v19;
	v9 =	vor.u32 v37, v26  }
0x1ef: {  	v34 =	vld.idx.msk [tilespmem:v7+s23+$0x0], $0xffff;
	v7 =	vor.u32 v41, v30;
	v30 =	vand.u32 $0x380, v40;
	v21 =	vand.u32 $0xC00, v21  }
0x1f0: {  	v15 =	vld.idx.msk [tilespmem:v15+s23+$0x0], $0xffff;
	v22 =	vshll.u32 v18, $0x3;
	v29 =	vshll.u32 v4, $0x3;
	v31 =	vshrl.u32 v18, $0x2  }
0x1f1: {  	v12 =	vld.idx.msk [tilespmem:v12+s23+$0x0], $0xffff;
	v18 =	vand.u32 $0xFFFFF07F, v18;
	v45 =	vshrl.u32 v6, $0x2;
	v47 =	vshrl.u32 v4, $0x2  }
0x1f2: {  	v4 =	vand.u32 $0xFFFFF07F, v4;
	v20 =	vand.u32 $0xC00, v22;
	v22 =	vshll.u32 v6, $0x3;
	v5 =	vld.idx.msk [tilespmem:v5+s23+$0x0], $0xffff  }
0x1f3: {  	v16 =	vld.idx.msk [tilespmem:v16+s23+$0x0], $0xffff;
	v29 =	vand.u32 $0xC00, v29;
	v44 =	vshll.u32 v62, $0x3;
	v46 =	vshll.u32 v35, $0x3  }
0x1f4: {  	v13 =	vld.idx.msk [tilespmem:v13+s23+$0x0], $0xffff;
	v6 =	vand.u32 $0xFFFFF07F, v6;
	v49 =	vshll.u32 v39, $0x3;
	v59 =	vshrl.u32 v62, $0x2  }
0x1f5: {  	s10 =	smov.u32 s9;
	v53 =	vld.idx.msk [tilespmem:v14+s23+$0x0], $0xffff;
	v33 =	vand.u32 $0xFFFFF07F, v62;
	v61 =	vshrl.u32 v35, $0x2;
	v63 =	vshrl.u32 v42, $0x2  }
0x1f6: {  	s9 =	sadd.s32 $0x800, s9;
	[tilespmem:s10+$0xFFFFFC30] =	vst v12;
	v62 =	vld.idx.msk [tilespmem:v8+s23+$0x0], $0xffff;
	v12 =	vor.u32 v25, v24;
	v8 =	vor.u32 v38, v28;
	v28 =	vand.u32 $0x380, v31  }
0x1f7: {  	v31 =	vand.u32 $0x380, v45;
	v32 =	vand.u32 $0x380, v47;
	[tilespmem:s9+$0x70] =	vst v5;
	v5 =	vld.idx.msk [tilespmem:v17+s23+$0x0], $0xffff;
	v17 =	vshll.u32 v42, $0x3  }
0x1f8: {  	v24 =	vand.u32 $0x380, v54;
	v25 =	vand.u32 $0x380, v56;
	v52 =	vand.u32 $0xC00, v17  }
0x1f9: {  	v58 =	vld.idx.msk [tilespmem:v10+s23+$0x0], $0xffff;
	[tilespmem:s10+$0xFFFFFC00] =	vst v15;
	v17 =	vand.u32 $0xC00, v50;
	v50 =	vshrl.u32 v23, $0x2;
	v23 =	vand.u32 $0xFFFFF07F, v23  }
0x1fa: {  	[tilespmem:s10+$0xFFFFFC10] =	vst v16;
	v22 =	vand.u32 $0xC00, v22;
	v44 =	vand.u32 $0xC00, v44;
	v10 =	vor.u32 v0, v23;
	v0 =	vld [tilespmem:$0x1FFF0]  }
0x1fb: {  	[tilespmem:s10+$0xFFFFFC40] =	vst v13;
	v46 =	vand.u32 $0xC00, v46;
	v49 =	vand.u32 $0xC00, v49;
	v16 =	vor.u32 v20, v18  }
0x1fc: {  	s15 =	sadd.s32 $0x100, s15;
	[tilespmem:s10+$0xFFFFFC50] =	vst v53;
	v14 =	vor.u32 v29, v4;
	v29 =	vand.u32 $0x380, v36;
	v19 =	vand.u32 $0x380, v63  }
0x1fd: {  	p5 =	slt.u32 s15, $0x1F00;
	[tilespmem:s10+$0xFFFFFC60] =	vst v55;
	v13 =	vor.u32 v22, v6;
	v6 =	vor.u32 v44, v33;
	v33 =	vand.u32 $0x380, v48  }
.Ltmp7:
0x1fe: {  	[tilespmem:s10+$0xFFFFFC70] =	vst v58;
	v22 =	vand.u32 $0x380, v61;
	v42 =	vand.u32 $0xFFFFF07F, v42;
	v15 =	vor.u32 v17, v43;
	(pc) =	sbr.rel @p5 .LBB2_7-.Ltmp7, $4  }
0x1ff: {  	v3 =	vld.idx.msk [tilespmem:v3+s23+$0x0], $0xffff;
	[tilespmem:s10+$0x0] =	vst v60;
	v17 =	vor.u32 v21, v27;
	v27 =	vand.u32 $0x380, v51;
	v26 =	vand.u32 $0x380, v50  }
0x200: {  	v18 =	vld.idx.msk [tilespmem:v2+s23+$0x0], $0xffff;
	v23 =	vand.u32 $0x380, v57;
	v21 =	vand.u32 $0x380, v59;
	[tilespmem:s10+$0xFFFFFC20] =	vst v5;
	v5 =	vand.u32 $0xFFFFF07F, v35  }
0x201: {  	[tilespmem:s10+$0x20] =	vst v34;
	v2 =	vld.idx.msk [tilespmem:v1+s23+$0x0], $0xffff;
	v35 =	vshrl.u32 v39, $0x2;
	v39 =	vand.u32 $0xFFFFF07F, v39;
	v5 =	vor.u32 v46, v5  }
0x202: {  	s26 =	sadd.s32 $0x100, s26;
	[tilespmem:s10+$0x10] =	vst v62;
	v4 =	vor.u32 v49, v39;
	v20 =	vand.u32 $0x380, v35;
	v1 =	vld.idx.msk [tilespmem:v0+s23+$0x0], $0xffff;
	v0 =	vor.u32 v52, v42  }
0x203: {  	v15 =	vor.u32 v27, v15  }
0x204: {  	v16 =	vor.u32 v28, v16  }
0x205: {  	v17 =	vor.u32 v29, v17  }
0x206: {  	v12 =	vor.u32 v30, v12  }
0x207: {  	v13 =	vor.u32 v31, v13  }
0x208: {  	v14 =	vor.u32 v32, v14;
	v15 =	vld.idx.msk [tilespmem:v15+s23+$0x0], $0xffff  }
0x209: {  	v11 =	vor.u32 v33, v11;
	[tilespmem:s10+$0x40] =	vst v3;
	v16 =	vld.idx.msk [tilespmem:v16+s23+$0x0], $0xffff  }
0x20a: {  	v56 =	vor.u32 v26, v10;
	[tilespmem:s10+$0x30] =	vst v18;
	v57 =	vld.idx.msk [tilespmem:v17+s23+$0x0], $0xffff  }
0x20b: {  	v9 =	vor.u32 v24, v9;
	[tilespmem:s10+$0x50] =	vst v2;
	v58 =	vld.idx.msk [tilespmem:v12+s23+$0x0], $0xffff  }
0x20c: {  	v8 =	vor.u32 v25, v8;
	[tilespmem:s10+$0x60] =	vst v1;
	v59 =	vld.idx.msk [tilespmem:v13+s23+$0x0], $0xffff  }
0x20d: {  	v7 =	vor.u32 v23, v7;
	v60 =	vld.idx.msk [tilespmem:v14+s23+$0x0], $0xffff;
	[tilespmem:s9+$0xFFFFFC00] =	vst v15  }
0x20e: {  	v6 =	vor.u32 v21, v6;
	v11 =	vld.idx.msk [tilespmem:v11+s23+$0x0], $0xffff;
	[tilespmem:s9+$0xFFFFFC10] =	vst v16  }
0x20f: {  	v5 =	vor.u32 v22, v5;
	v3 =	vld.idx.msk [tilespmem:v56+s23+$0x0], $0xffff;
	[tilespmem:s9+$0xFFFFFC20] =	vst v57  }
0x210: {  	v4 =	vor.u32 v20, v4;
	v9 =	vld.idx.msk [tilespmem:v9+s23+$0x0], $0xffff;
	[tilespmem:s9+$0xFFFFFC30] =	vst v58  }
0x211: {  	v0 =	vor.u32 v19, v0;
	v61 =	vld.idx.msk [tilespmem:v8+s23+$0x0], $0xffff;
	[tilespmem:s9+$0xFFFFFC40] =	vst v59  }
0x212: {  	v62 =	vld.idx.msk [tilespmem:v7+s23+$0x0], $0xffff;
	[tilespmem:s9+$0xFFFFFC50] =	vst v60  }
0x213: {  	v6 =	vld.idx.msk [tilespmem:v6+s23+$0x0], $0xffff;
	[tilespmem:s9+$0xFFFFFC60] =	vst v11  }
0x214: {  	v5 =	vld.idx.msk [tilespmem:v5+s23+$0x0], $0xffff;
	[tilespmem:s9+$0xFFFFFC70] =	vst v3  }
0x215: {  	v63 =	vld.idx.msk [tilespmem:v4+s23+$0x0], $0xffff;
	[tilespmem:s9+$0x0] =	vst v9  }
0x216: {  	p5 =	sgt.u32 s17, $0x7E;
	v0 =	vld.idx.msk [tilespmem:v0+s23+$0x0], $0xffff;
	[tilespmem:s9+$0x10] =	vst v61  }
.Ltmp8:
0x217: {  	[tilespmem:s9+$0x20] =	vst v62;
	(pc) =	sbr.rel @p5 .LBB2_11-.Ltmp8, $4  }
0x218: {  	[tilespmem:s9+$0x30] =	vst v6  }
0x219: {  	[tilespmem:s9+$0x40] =	vst v5  }
0x21a: {  	[tilespmem:s9+$0x50] =	vst v63  }
0x21b: {  	[tilespmem:s9+$0x60] =	vst v0  }
0x21c: {  	s9 =	sadd.s32 $0x2, s18  }
0x21d: {  	s10 =	sshll.u32 s9, $0x1  }
0x21e: {  	s9 =	sand.u32 $0x6, s9;
	s10 =	sand.u32 $0x1F0, s10  }
0x21f: {  	s9 =	sor.u32 s9, s10  }
0x220: {  	s9 =	sor.u32 s14, s9  }
.Ltmp9:
0x221: {  	s31 =	sshll.u32 s9, $0x9;
	(pc) =	sbr.rel @!p2 .LBB2_10-.Ltmp9, $4  }
0x222: {  	s9 =	sor.u32 s6, s31  }
0x223: {  	s10 =	sor.u32 s7, s31;
	s9 =	sshll.u32 s9, $0x6  }
0x224: {  	s15 =	sshll.u32 s10, $0x6;
	s17 =	sadd.s32 s1, s9  }
0x225: {  	s15 =	sadd.s32 s1, s15;
	s18 =	sadd.s32 $0x200, s17  }
0x226: {  	[tilespmem:s23], [sflag:$0x1] =	stream.linear.gather [hbm4b:s17+s4], $0x800, $0x38;
	[tilespmem:$0x1C000] =	vst v63  }
0x227: {  	_ = 	snop  }
0x228: {  	[tilespmem:s24], [sflag:$0x1] =	stream.linear.gather [hbm4b:s18+s4], $0x800, $0x38;
	[tilespmem:$0x1C000] =	vst v63  }
0x229: {  	_ = 	snop  }
0x22a: {  	[tilespmem:s25], [sflag:$0x1] =	stream.linear.gather [hbm4b:s15+s4], $0xC00, $0x38;
	[tilespmem:$0x1C000] =	vst v63  }
0x22b: {  	s26 =	simm.s32 $0x5000;
	s18 =	sadd.s32 $0x200, s15  }
0x22c: {  	[tilespmem:s26], [sflag:$0x1] =	stream.linear.gather [hbm4b:s18+s4], $0xC00, $0x38;
	[tilespmem:$0x1C000] =	vst v63  }
.Ltmp10:
0x22d: {  	s10 =	smin.u32 s10, $0x1FFE8;
	(pc) =	sbr.rel .LBB2_14-.Ltmp10, $4  }
0x22e: {  	s9 =	sadd.s32 s9, s11;
	s31 =	sshll.u32 s10, $0x6  }
0x22f: {  	[tilespmem:s20], [sflag:$0x1] =	stream.linear.gather [hbm4b:s9+s4], $0x80, $0x38;
	[tilespmem:$0x1C000] =	vst v63  }
0x230: {  	s9 =	sadd.s32 s31, s11  }
0x231: {  	[tilespmem:s21], [sflag:$0x1] =	stream.linear.gather [hbm4b:s9+s4], $0x80, $0x38;
	[tilespmem:$0x1C000] =	vst v63  }
.LBB2_11:
.Ltmp11:
0x232: {  	(pc) =	sbr.rel @!p2 .LBB2_12-.Ltmp11, $1  }
0x233: {  	_ =	sdelay $0x3  }
.LBB2_14:
0x234: {  	_ =	swait.ge [sflag:s28], $0x1000  }
.Ltmp12:
0x235: {  	[sflag:s28] =	ssyncset.done $0x0;
	(pc) =	sbr.rel .LBB2_15-.Ltmp12, $4  }
0x236: {  	[sflag:s28] =	ssyncadd.s32 $0xFFFFF000  }
0x237: {  	_ =	swait.ge [sflag:s28], $0x1800  }
0x238: {  	[sflag:s28] =	ssyncset.done $0x0  }
0x239: {  	[sflag:s28] =	ssyncadd.s32 $0xFFFFE800  }
.LBB2_10:
0x23a: {  	[tilespmem:s23], [sflag:$0x1] =	stream.linear.gather [hbm4b:s17+s4], $0x400, $0x38;
	[tilespmem:$0x1C000] =	vst v63  }
0x23b: {  	_ = 	snop  }
0x23c: {  	[tilespmem:s24], [sflag:$0x1] =	stream.linear.gather [hbm4b:s18+s4], $0x400, $0x38;
	[tilespmem:$0x1C000] =	vst v63  }
0x23d: {  	s10 =	smin.u32 s10, $0x1FFE8  }
0x23e: {  	[tilespmem:s25], [sflag:$0x1] =	stream.linear.gather [hbm4b:s15+s4], $0x2000, $0x38;
	[tilespmem:$0x1C000] =	vst v63  }
0x23f: {  	s9 =	sadd.s32 s9, s11;
	s31 =	sshll.u32 s10, $0x6  }
0x240: {  	[tilespmem:s20], [sflag:$0x1] =	stream.linear.gather [hbm4b:s9+s4], $0x80, $0x38;
	[tilespmem:$0x1C000] =	vst v63  }
0x241: {  	s9 =	sadd.s32 s31, s11  }
0x242: {  	[tilespmem:s21], [sflag:$0x1] =	stream.linear.gather [hbm4b:s9+s4], $0x80, $0x38;
	[tilespmem:$0x1C000] =	vst v63  }
.LBB2_12:
0x243: {  	_ =	swait.ge [sflag:s28], $0x800  }
0x244: {  	[sflag:s28] =	ssyncset.done $0x0  }
0x245: {  	[sflag:s28] =	ssyncadd.s32 $0xFFFFF800  }
0x246: {  	_ =	swait.ge [sflag:s28], $0x2000  }
0x247: {  	[sflag:s28] =	ssyncset.done $0x0  }
0x248: {  	[sflag:s28] =	ssyncadd.s32 $0xFFFFE000  }
.LBB2_15:
0x249: {  	_ =	swait.ge [sflag:s28], $0x80  }
0x24a: {  	[sflag:s28] =	ssyncset.done $0x0  }
0x24b: {  	[sflag:s28] =	ssyncadd.s32 $0xFFFFFF80  }
0x24c: {  	_ =	swait.ge [sflag:s28], $0x80  }
0x24d: {  	[sflag:s28] =	ssyncset.done $0x0  }
0x24e: {  	s9 =	simm.s32 $0x80;
	[sflag:s28] =	ssyncadd.s32 $0xFFFFFF80  }
0x24f: {  	v0 =	vld [tilespmem:s9+$0x70]  }
0x250: {  	v1 =	vld [tilespmem:s9+$0xFFFFFF90]  }
0x251: {  	v2 =	vld [tilespmem:s9+$0xFFFFFFA0]  }
0x252: {  	v3 =	vld [tilespmem:s9+$0xFFFFFFB0]  }
0x253: {  	v4 =	vld [tilespmem:s9+$0xFFFFFFC0]  }
0x254: {  	v6 =	vld [tilespmem:s9+$0xFFFFFFD0]  }
0x255: {  	v7 =	vld [tilespmem:s9+$0xFFFFFFE0]  }
0x256: {  	v10 =	vld [tilespmem:s9+$0xFFFFFFF0]  }
0x257: {  	v12 =	vld [tilespmem:s9+$0x0]  }
0x258: {  	v13 =	vld [tilespmem:s9+$0x10]  }
0x259: {  	v15 =	vld [tilespmem:s9+$0x20]  }
0x25a: {  	v18 =	vld [tilespmem:s9+$0x30]  }
0x25b: {  	v20 =	vld [tilespmem:s9+$0x40];
	v5 =	vshll.u32 v0, $0x3;
	v8 =	vshrl.u32 v0, $0x2;
	v0 =	vand.u32 $0xFFFFF07F, v0  }
0x25c: {  	v23 =	vld [tilespmem:s9+$0x50];
	v9 =	vshll.u32 v1, $0x3;
	v11 =	vshll.u32 v3, $0x3;
	v14 =	vshll.u32 v6, $0x3  }
0x25d: {  	v26 =	vld [tilespmem:s9+$0x60];
	v16 =	vshrl.u32 v1, $0x2;
	v17 =	vshll.u32 v7, $0x3;
	v1 =	vand.u32 $0xFFFFF07F, v1  }
0x25e: {  	v28 =	vld [tilespmem:s9+$0xFFFFFF80];
	v19 =	vshll.u32 v10, $0x3;
	v21 =	vshrl.u32 v2, $0x2;
	v22 =	vshll.u32 v12, $0x3  }
0x25f: {  	v24 =	vshll.u32 v13, $0x3;
	v25 =	vshrl.u32 v3, $0x2;
	v27 =	vshll.u32 v15, $0x3  }
0x260: {  	v3 =	vand.u32 $0xFFFFF07F, v3;
	v29 =	vshll.u32 v18, $0x3;
	v30 =	vshrl.u32 v4, $0x2  }
0x261: {  	v31 =	vshll.u32 v20, $0x3;
	v32 =	vshrl.u32 v6, $0x2;
	v6 =	vand.u32 $0xFFFFF07F, v6  }
0x262: {  	v33 =	vshrl.u32 v7, $0x2;
	v34 =	vshll.u32 v23, $0x3;
	v7 =	vand.u32 $0xFFFFF07F, v7  }
0x263: {  	v35 =	vshll.u32 v26, $0x3;
	v36 =	vshll.u32 v28, $0x3;
	v37 =	vshrl.u32 v28, $0x2  }
0x264: {  	v28 =	vand.u32 $0xFFFFF07F, v28;
	v38 =	vshrl.u32 v10, $0x2;
	v10 =	vand.u32 $0xFFFFF07F, v10  }
0x265: {  	v39 =	vshrl.u32 v12, $0x2;
	v12 =	vand.u32 $0xFFFFF07F, v12;
	v40 =	vshrl.u32 v13, $0x2  }
0x266: {  	v13 =	vand.u32 $0xFFFFF07F, v13;
	v41 =	vshrl.u32 v15, $0x2;
	v15 =	vand.u32 $0xFFFFF07F, v15  }
0x267: {  	v42 =	vshrl.u32 v18, $0x2;
	v18 =	vand.u32 $0xFFFFF07F, v18;
	v43 =	vshrl.u32 v20, $0x2  }
0x268: {  	v20 =	vand.u32 $0xFFFFF07F, v20;
	v44 =	vshrl.u32 v23, $0x2;
	v23 =	vand.u32 $0xFFFFF07F, v23  }
0x269: {  	v45 =	vshrl.u32 v26, $0x2;
	v26 =	vand.u32 $0xFFFFF07F, v26;
	v5 =	vand.u32 $0xC00, v5  }
0x26a: {  	v8 =	vand.u32 $0x380, v8;
	v11 =	vand.u32 $0xC00, v11;
	v14 =	vand.u32 $0xC00, v14  }
0x26b: {  	v17 =	vand.u32 $0xC00, v17;
	v19 =	vand.u32 $0xC00, v19;
	v22 =	vand.u32 $0xC00, v22  }
0x26c: {  	v24 =	vand.u32 $0xC00, v24;
	v27 =	vand.u32 $0xC00, v27;
	v29 =	vand.u32 $0xC00, v29  }
0x26d: {  	v31 =	vand.u32 $0xC00, v31;
	v34 =	vand.u32 $0xC00, v34;
	v35 =	vand.u32 $0xC00, v35  }
0x26e: {  	v36 =	vand.u32 $0xC00, v36;
	v16 =	vand.u32 $0x380, v16;
	v0 =	vor.u32 v5, v0  }
0x26f: {  	v5 =	vshll.u32 v2, $0x3;
	v2 =	vand.u32 $0xFFFFF07F, v2;
	v28 =	vor.u32 v36, v28  }
0x270: {  	v3 =	vor.u32 v11, v3;
	v11 =	vor.u32 v29, v18;
	v18 =	vand.u32 $0x380, v25  }
0x271: {  	v25 =	vand.u32 $0x380, v41;
	v29 =	vand.u32 $0x380, v44;
	v0 =	vor.u32 v8, v0  }
0x272: {  	v8 =	vand.u32 $0xC00, v9;
	v5 =	vand.u32 $0xC00, v5;
	v9 =	vshll.u32 v4, $0x3  }
0x273: {  	v4 =	vand.u32 $0xFFFFF07F, v4;
	v3 =	vor.u32 v18, v3;
	v9 =	vand.u32 $0xC00, v9  }
0x274: {  	v1 =	vor.u32 v8, v1;
	v2 =	vor.u32 v5, v2;
	v5 =	vor.u32 v14, v6  }
0x275: {  	v6 =	vor.u32 v17, v7;
	v7 =	vor.u32 v19, v10;
	v8 =	vor.u32 v22, v12  }
0x276: {  	s31 =	simm.s32 $0x180;
	v10 =	vor.u32 v27, v15;
	v12 =	vor.u32 v31, v20;
	v14 =	vor.u32 v35, v26  }
0x277: {  	v18 =	vld [tilespmem:s31+$0xFFFFFFA0];
	v15 =	vand.u32 $0x380, v37;
	v17 =	vand.u32 $0x380, v21;
	v19 =	vand.u32 $0x380, v30  }
0x278: {  	v20 =	vand.u32 $0x380, v32;
	v21 =	vand.u32 $0x380, v33;
	v30 =	vand.u32 $0x380, v45;
	v31 =	vld [tilespmem:s31+$0x70]  }
0x279: {  	v4 =	vor.u32 v9, v4;
	v15 =	vor.u32 v15, v28;
	v16 =	vor.u32 v16, v1;
	v28 =	vld [tilespmem:s31+$0xFFFFFF90]  }
0x27a: {  	v5 =	vor.u32 v20, v5;
	v20 =	vor.u32 v25, v10;
	v10 =	vld [tilespmem:s31+$0xFFFFFFC0];
	v1 =	vor.u32 v30, v14  }
0x27b: {  	v26 =	vand.u32 $0x380, v42;
	v9 =	vor.u32 v24, v13;
	v4 =	vor.u32 v19, v4;
	v19 =	vld [tilespmem:s31+$0xFFFFFFB0];
	[tilespmem:$0x1FFE0] =	vst v1  }
0x27c: {  	v13 =	vor.u32 v34, v23;
	v6 =	vor.u32 v21, v6;
	v21 =	vor.u32 v26, v11;
	v11 =	vld [tilespmem:s31+$0xFFFFFFD0]  }
0x27d: {  	v17 =	vor.u32 v17, v2;
	v2 =	vor.u32 v29, v13;
	v13 =	vld [tilespmem:s31+$0xFFFFFFE0]  }
0x27e: {  	v22 =	vand.u32 $0x380, v38;
	v27 =	vand.u32 $0x380, v43;
	v23 =	vand.u32 $0x380, v39;
	v25 =	vld [tilespmem:s31+$0xFFFFFFF0]  }
0x27f: {  	v24 =	vand.u32 $0x380, v40;
	v7 =	vor.u32 v22, v7;
	v22 =	vor.u32 v27, v12;
	v27 =	vld [tilespmem:s31+$0x0]  }
0x280: {  	v8 =	vor.u32 v23, v8;
	v9 =	vor.u32 v24, v9;
	v29 =	vld [tilespmem:s31+$0x10];
	v37 =	vshrl.u32 v18, $0x2  }
0x281: {  	v62 =	vld [tilespmem:s31+$0x30];
	v12 =	vshll.u32 v31, $0x3;
	v14 =	vshrl.u32 v31, $0x2;
	v23 =	vand.u32 $0xFFFFF07F, v31  }
0x282: {  	v36 =	vld [tilespmem:s31+$0x40];
	v12 =	vand.u32 $0xC00, v12;
	v24 =	vshll.u32 v28, $0x3;
	v14 =	vand.u32 $0x380, v14  }
0x283: {  	v40 =	vld [tilespmem:s31+$0x50];
	v32 =	vshrl.u32 v28, $0x2;
	v28 =	vand.u32 $0xFFFFF07F, v28;
	v46 =	vshrl.u32 v10, $0x2  }
0x284: {  	v43 =	vld [tilespmem:s31+$0x60];
	v12 =	vor.u32 v12, v23;
	v23 =	vshll.u32 v18, $0x3;
	v26 =	vshll.u32 v19, $0x3  }
0x285: {  	v63 =	vld [tilespmem:s31+$0xFFFFFF80];
	v24 =	vand.u32 $0xC00, v24;
	v18 =	vand.u32 $0xFFFFF07F, v18;
	v41 =	vshrl.u32 v19, $0x2  }
0x286: {  	v0 =	vld.idx.msk [tilespmem:v0+s29+$0x0], $0xffff;
	v19 =	vand.u32 $0xFFFFF07F, v19;
	v12 =	vor.u32 v14, v12;
	v23 =	vand.u32 $0xC00, v23  }
0x287: {  	v31 =	vld [tilespmem:s31+$0x20];
	v14 =	vshll.u32 v10, $0x3;
	v26 =	vand.u32 $0xC00, v26;
	v10 =	vand.u32 $0xFFFFF07F, v10  }
0x288: {  	v58 =	vld.idx.msk [tilespmem:v5+s29+$0x0], $0xffff;
	v48 =	vshrl.u32 v11, $0x2;
	v30 =	vand.u32 $0xC00, v14;
	v14 =	vshll.u32 v11, $0x3  }
0x289: {  	v34 =	vld.idx.msk [tilespmem:v6+s29+$0x0], $0xffff;
	v50 =	vand.u32 $0xFFFFF07F, v11;
	v33 =	vand.u32 $0xC00, v14;
	v14 =	vshll.u32 v13, $0x3  }
0x28a: {  	v4 =	vld.idx.msk [tilespmem:v4+s29+$0x0], $0xffff;
	v51 =	vshrl.u32 v13, $0x2;
	v35 =	vand.u32 $0xC00, v14;
	v14 =	vshll.u32 v25, $0x3  }
0x28b: {  	v1 =	vld.idx.msk [tilespmem:v9+s29+$0x0], $0xffff;
	v52 =	vand.u32 $0xFFFFF07F, v13;
	v38 =	vand.u32 $0xC00, v14;
	v14 =	vshll.u32 v27, $0x3  }
0x28c: {  	v59 =	vshrl.u32 v62, $0x2;
	[tilespmem:s30+$0x70] =	vst v0;
	v0 =	vld.idx.msk [tilespmem:v3+s29+$0x0], $0xffff;
	v39 =	vand.u32 $0xC00, v14;
	v14 =	vshll.u32 v29, $0x3  }
0x28d: {  	v13 =	vld.idx.msk [tilespmem:v17+s29+$0x0], $0xffff;
	v57 =	vshrl.u32 v31, $0x2;
	[tilespmem:s30+$0xFFFFFC50] =	vst v58;
	v42 =	vand.u32 $0xC00, v14;
	v14 =	vshll.u32 v31, $0x3  }
0x28e: {  	v5 =	vand.u32 $0xFFFFF07F, v31;
	[tilespmem:s30+$0xFFFFFC60] =	vst v34;
	v12 =	vld.idx.msk [tilespmem:v12+s29+$0x0], $0xffff;
	v45 =	vand.u32 $0xC00, v14;
	v14 =	vshll.u32 v62, $0x3  }
0x28f: {  	[tilespmem:s30+$0xFFFFFC40] =	vst v4;
	v31 =	vand.u32 $0xFFFFF07F, v62;
	v62 =	vld.idx.msk [tilespmem:v7+s29+$0x0], $0xffff;
	v47 =	vand.u32 $0xC00, v14;
	v14 =	vshll.u32 v36, $0x3  }
0x290: {  	v44 =	vshrl.u32 v25, $0x2;
	v11 =	vshll.u32 v40, $0x3;
	[tilespmem:s30+$0x10] =	vst v1;
	v49 =	vand.u32 $0xC00, v14;
	v14 =	vld.idx.msk [tilespmem:v15+s29+$0x0], $0xffff  }
0x291: {  	v53 =	vand.u32 $0xC00, v11;
	v11 =	vshll.u32 v43, $0x3;
	v17 =	vshrl.u32 v63, $0x2;
	[tilespmem:s30+$0xFFFFFC30] =	vst v0;
	v15 =	vld.idx.msk [tilespmem:v16+s29+$0x0], $0xffff  }
0x292: {  	s9 =	sadd.s32 $0x800, s30;
	v54 =	vand.u32 $0xC00, v11;
	v11 =	vand.u32 $0xFFFFF07F, v63;
	[tilespmem:s30+$0xFFFFFC20] =	vst v13;
	v16 =	vshll.u32 v63, $0x3;
	v63 =	vld.idx.msk [tilespmem:v8+s29+$0x0], $0xffff  }
0x293: {  	v55 =	vshrl.u32 v27, $0x2;
	v56 =	vshrl.u32 v29, $0x2;
	v60 =	vshrl.u32 v36, $0x2;
	[tilespmem:s9+$0x70] =	vst v12  }
0x294: {  	v61 =	vshrl.u32 v40, $0x2;
	v25 =	vand.u32 $0xFFFFF07F, v25;
	v27 =	vand.u32 $0xFFFFF07F, v27;
	[tilespmem:s30+$0xFFFFFC70] =	vst v62  }
0x295: {  	v29 =	vand.u32 $0xFFFFF07F, v29;
	v9 =	vor.u32 v38, v25;
	v25 =	vand.u32 $0x380, v56;
	[tilespmem:s30+$0xFFFFFC00] =	vst v14  }
0x296: {  	v0 =	vand.u32 $0xFFFFF07F, v40;
	v40 =	vshrl.u32 v43, $0x2;
	v43 =	vand.u32 $0xFFFFF07F, v43;
	[tilespmem:s30+$0xFFFFFC10] =	vst v15  }
0x297: {  	v13 =	vor.u32 v33, v50;
	v7 =	vor.u32 v42, v29;
	v4 =	vor.u32 v53, v0;
	[tilespmem:s30+$0x0] =	vst v63  }
0x298: {  	v0 =	vor.u32 v54, v43;
	v29 =	vand.u32 $0x380, v37;
	v33 =	vand.u32 $0x380, v51;
	v1 =	vld [tilespmem:$0x1FFE0]  }
0x299: {  	v36 =	vand.u32 $0xFFFFF07F, v36;
	v6 =	vor.u32 v45, v5;
	v8 =	vor.u32 v39, v27  }
0x29a: {  	v5 =	vor.u32 v47, v31;
	v27 =	vand.u32 $0x380, v17;
	v17 =	vld.idx.msk [tilespmem:v21+s29+$0x0], $0xffff;
	v31 =	vand.u32 $0x380, v46  }
0x29b: {  	v21 =	vand.u32 $0x380, v59;
	v12 =	vor.u32 v30, v10;
	v10 =	vor.u32 v35, v52;
	v52 =	vld.idx.msk [tilespmem:v20+s29+$0x0], $0xffff  }
0x29c: {  	v3 =	vand.u32 $0xC00, v16;
	v16 =	vor.u32 v23, v18;
	v30 =	vand.u32 $0x380, v41  }
0x29d: {  	v18 =	vld.idx.msk [tilespmem:v22+s29+$0x0], $0xffff;
	v23 =	vand.u32 $0x380, v57;
	v22 =	vand.u32 $0x380, v60;
	v20 =	vand.u32 $0x380, v61  }
0x29e: {  	s10 =	sshrl.u32 s16, $0x1;
	v14 =	vor.u32 v3, v11;
	v15 =	vor.u32 v24, v28;
	v11 =	vor.u32 v26, v19  }
0x29f: {  	s10 =	sand.u32 $0x1E, s10;
	v2 =	vld.idx.msk [tilespmem:v2+s29+$0x0], $0xffff;
	v3 =	vor.u32 v49, v36;
	v28 =	vand.u32 $0x380, v32;
	v32 =	vand.u32 $0x380, v48  }
0x2a0: {  	s15 =	simm.s32 $0x100;
	s17 =	simm.s32 $0x280;
	s10 =	sor.u32 s5, s10;
	v26 =	vand.u32 $0x380, v44;
	v24 =	vand.u32 $0x380, v55;
	v19 =	vand.u32 $0x380, v40;
	[tilespmem:s30+$0x20] =	vst v52;
	v1 =	vld.idx.msk [tilespmem:v1+s29+$0x0], $0xffff  }
.LBB2_16:
0x2a1: {  	v34 =	vld [tilespmem:s17+$0x70]  }
0x2a2: {  	[tilespmem:s30+$0x30] =	vst v17;
	v17 =	vld [tilespmem:s17+$0xFFFFFF90]  }
0x2a3: {  	v8 =	vor.u32 v24, v8;
	v24 =	vld [tilespmem:s17+$0xFFFFFFB0]  }
0x2a4: {  	[tilespmem:s30+$0x50] =	vst v2;
	v2 =	vor.u32 v21, v5;
	v5 =	vld [tilespmem:s17+$0xFFFFFFC0]  }
0x2a5: {  	v14 =	vor.u32 v27, v14;
	v7 =	vor.u32 v25, v7;
	v25 =	vld [tilespmem:s17+$0xFFFFFFF0]  }
0x2a6: {  	v15 =	vor.u32 v28, v15;
	v16 =	vor.u32 v29, v16;
	v11 =	vor.u32 v30, v11;
	v27 =	vld [tilespmem:s17+$0x0]  }
0x2a7: {  	v12 =	vor.u32 v31, v12;
	v13 =	vor.u32 v32, v13;
	v10 =	vor.u32 v33, v10;
	v28 =	vld [tilespmem:s17+$0x10]  }
0x2a8: {  	v9 =	vor.u32 v26, v9;
	v6 =	vor.u32 v23, v6;
	v3 =	vor.u32 v22, v3;
	v30 =	vld [tilespmem:s17+$0x20]  }
0x2a9: {  	v0 =	vor.u32 v19, v0;
	v43 =	vld [tilespmem:s17+$0xFFFFFF80];
	[tilespmem:s30+$0x60] =	vst v1;
	v1 =	vor.u32 v20, v4;
	v19 =	vshll.u32 v34, $0x3  }
0x2aa: {  	v21 =	vshrl.u32 v34, $0x2;
	v22 =	vand.u32 $0xFFFFF07F, v34;
	v23 =	vshll.u32 v17, $0x3  }
0x2ab: {  	v26 =	vshll.u32 v24, $0x3;
	v31 =	vshrl.u32 v17, $0x2;
	v17 =	vand.u32 $0xFFFFF07F, v17  }
0x2ac: {  	v62 =	vshll.u32 v25, $0x3;
	v37 =	vshll.u32 v27, $0x3;
	v38 =	vshll.u32 v28, $0x3  }
0x2ad: {  	v61 =	vld [tilespmem:s17+$0x30];
	v40 =	vshrl.u32 v24, $0x2;
	v41 =	vshll.u32 v30, $0x3;
	v24 =	vand.u32 $0xFFFFF07F, v24  }
0x2ae: {  	v39 =	vld [tilespmem:s17+$0x50];
	v45 =	vshrl.u32 v5, $0x2;
	v50 =	vshll.u32 v43, $0x3;
	v51 =	vshrl.u32 v43, $0x2  }
0x2af: {  	[tilespmem:s30+$0x40] =	vst v18;
	v18 =	vld [tilespmem:s17+$0xFFFFFFA0];
	v43 =	vand.u32 $0xFFFFF07F, v43;
	v52 =	vshrl.u32 v25, $0x2;
	v25 =	vand.u32 $0xFFFFF07F, v25  }
0x2b0: {  	v4 =	vld [tilespmem:s17+$0xFFFFFFD0];
	v54 =	vshrl.u32 v27, $0x2;
	v27 =	vand.u32 $0xFFFFF07F, v27;
	v56 =	vshrl.u32 v28, $0x2  }
0x2b1: {  	v20 =	vld [tilespmem:s17+$0xFFFFFFE0];
	v28 =	vand.u32 $0xFFFFF07F, v28;
	v57 =	vshrl.u32 v30, $0x2;
	v30 =	vand.u32 $0xFFFFF07F, v30  }
0x2b2: {  	v35 =	vld [tilespmem:s17+$0x40];
	v19 =	vand.u32 $0xC00, v19;
	v21 =	vand.u32 $0x380, v21;
	v26 =	vand.u32 $0xC00, v26  }
0x2b3: {  	[tilespmem:$0x1FFC0] =	vst v1;
	v42 =	vld [tilespmem:s17+$0x60];
	v1 =	vand.u32 $0xC00, v62;
	v37 =	vand.u32 $0xC00, v37;
	v38 =	vand.u32 $0xC00, v38  }
0x2b4: {  	v14 =	vld.idx.msk [tilespmem:v14+s29+$0x0], $0xffff;
	v41 =	vand.u32 $0xC00, v41;
	v44 =	vshll.u32 v61, $0x3;
	v49 =	vshll.u32 v39, $0x3  }
0x2b5: {  	v15 =	vld.idx.msk [tilespmem:v15+s29+$0x0], $0xffff;
	v50 =	vand.u32 $0xC00, v50;
	v59 =	vshrl.u32 v61, $0x2;
	v33 =	vand.u32 $0xFFFFF07F, v61  }
0x2b6: {  	v55 =	vld.idx.msk [tilespmem:v10+s29+$0x0], $0xffff;
	v62 =	vshrl.u32 v39, $0x2;
	v39 =	vand.u32 $0xFFFFF07F, v39;
	v60 =	vshll.u32 v20, $0x3  }
0x2b7: {  	[tilespmem:$0x1FFD0] =	vst v0;
	v58 =	vld.idx.msk [tilespmem:v9+s29+$0x0], $0xffff;
	v19 =	vor.u32 v19, v22;
	v0 =	vand.u32 $0xFFFFF07F, v20;
	v32 =	vand.u32 $0xC00, v60  }
0x2b8: {  	v44 =	vand.u32 $0xC00, v44;
	v9 =	vor.u32 v1, v25;
	v10 =	vor.u32 v32, v0;
	v0 =	vld [tilespmem:$0x1FFC0]  }
0x2b9: {  	v34 =	vld.idx.msk [tilespmem:v6+s29+$0x0], $0xffff;
	v6 =	vor.u32 v41, v30;
	v30 =	vand.u32 $0x380, v40;
	v25 =	vand.u32 $0x380, v56  }
0x2ba: {  	v16 =	vld.idx.msk [tilespmem:v16+s29+$0x0], $0xffff;
	v19 =	vor.u32 v21, v19;
	v21 =	vand.u32 $0xC00, v23;
	v23 =	vshll.u32 v5, $0x3  }
0x2bb: {  	v11 =	vld.idx.msk [tilespmem:v11+s29+$0x0], $0xffff;
	v5 =	vand.u32 $0xFFFFF07F, v5;
	v22 =	vshll.u32 v18, $0x3;
	v23 =	vand.u32 $0xC00, v23  }
0x2bc: {  	v12 =	vld.idx.msk [tilespmem:v12+s29+$0x0], $0xffff;
	v29 =	vshll.u32 v4, $0x3;
	v36 =	vshrl.u32 v18, $0x2;
	v18 =	vand.u32 $0xFFFFF07F, v18  }
0x2bd: {  	s30 =	smov.u32 s9;
	v53 =	vld.idx.msk [tilespmem:v13+s29+$0x0], $0xffff;
	v47 =	vshrl.u32 v4, $0x2;
	v4 =	vand.u32 $0xFFFFF07F, v4;
	v48 =	vshrl.u32 v20, $0x2  }
0x2be: {  	v20 =	vand.u32 $0xC00, v49;
	v22 =	vand.u32 $0xC00, v22;
	v29 =	vand.u32 $0xC00, v29;
	[tilespmem:s30+$0xFFFFFC00] =	vst v14;
	v60 =	vld.idx.msk [tilespmem:v8+s29+$0x0], $0xffff  }
0x2bf: {  	v46 =	vshll.u32 v35, $0x3;
	v63 =	vshll.u32 v42, $0x3;
	[tilespmem:s30+$0xFFFFFC10] =	vst v15;
	v15 =	vor.u32 v21, v17;
	v17 =	vld.idx.msk [tilespmem:v2+s29+$0x0], $0xffff  }
0x2c0: {  	v61 =	vshrl.u32 v35, $0x2;
	v35 =	vand.u32 $0xFFFFF07F, v35;
	[tilespmem:s30+$0xFFFFFC30] =	vst v11;
	v14 =	vor.u32 v50, v43;
	v2 =	vld.idx.msk [tilespmem:v0+s29+$0x0], $0xffff  }
0x2c1: {  	[tilespmem:s30+$0xFFFFFC40] =	vst v12;
	v11 =	vor.u32 v26, v24;
	v12 =	vor.u32 v23, v5;
	v8 =	vor.u32 v37, v27;
	v0 =	vld [tilespmem:$0x1FFD0]  }
0x2c2: {  	[tilespmem:s30+$0xFFFFFC20] =	vst v16;
	v5 =	vor.u32 v44, v33;
	v27 =	vand.u32 $0x380, v51;
	v33 =	vand.u32 $0x380, v48  }
0x2c3: {  	s15 =	sadd.s32 $0x100, s15;
	[tilespmem:s30+$0xFFFFFC50] =	vst v53;
	v26 =	vand.u32 $0x380, v52;
	v24 =	vand.u32 $0x380, v54;
	v23 =	vand.u32 $0x380, v57;
	v19 =	vld.idx.msk [tilespmem:v19+s29+$0x0], $0xffff  }
0x2c4: {  	p5 =	slt.u32 s15, $0x1F00;
	[tilespmem:s30+$0xFFFFFC60] =	vst v55;
	v21 =	vand.u32 $0x380, v59;
	v46 =	vand.u32 $0xC00, v46;
	v49 =	vand.u32 $0xC00, v63;
	v63 =	vld.idx.msk [tilespmem:v7+s29+$0x0], $0xffff  }
.Ltmp13:
0x2c5: {  	[tilespmem:s30+$0xFFFFFC70] =	vst v58;
	v16 =	vor.u32 v22, v18;
	v13 =	vor.u32 v29, v4;
	v7 =	vor.u32 v38, v28;
	(pc) =	sbr.rel @p5 .LBB2_16-.Ltmp13, $4  }
0x2c6: {  	[tilespmem:s30+$0x20] =	vst v34;
	v4 =	vor.u32 v20, v39;
	v28 =	vand.u32 $0x380, v31;
	v29 =	vand.u32 $0x380, v36  }
0x2c7: {  	s9 =	sadd.s32 $0x800, s9;
	v31 =	vand.u32 $0x380, v45;
	v32 =	vand.u32 $0x380, v47;
	v22 =	vand.u32 $0x380, v61;
	[tilespmem:s30+$0x0] =	vst v60  }
0x2c8: {  	v18 =	vld.idx.msk [tilespmem:v3+s29+$0x0], $0xffff;
	v20 =	vand.u32 $0x380, v62;
	[tilespmem:s9+$0x70] =	vst v19;
	v19 =	vshrl.u32 v42, $0x2;
	v42 =	vand.u32 $0xFFFFF07F, v42  }
0x2c9: {  	s17 =	sadd.s32 $0x100, s17;
	v3 =	vor.u32 v46, v35;
	[tilespmem:s30+$0x10] =	vst v63;
	v19 =	vand.u32 $0x380, v19;
	v1 =	vld.idx.msk [tilespmem:v0+s29+$0x0], $0xffff;
	v0 =	vor.u32 v49, v42  }
0x2ca: {  	v14 =	vor.u32 v27, v14  }
0x2cb: {  	v15 =	vor.u32 v28, v15  }
0x2cc: {  	v16 =	vor.u32 v29, v16  }
0x2cd: {  	v11 =	vor.u32 v30, v11  }
0x2ce: {  	v12 =	vor.u32 v31, v12  }
0x2cf: {  	v13 =	vor.u32 v32, v13;
	v14 =	vld.idx.msk [tilespmem:v14+s29+$0x0], $0xffff  }
0x2d0: {  	[tilespmem:s30+$0x30] =	vst v17;
	v10 =	vor.u32 v33, v10;
	v15 =	vld.idx.msk [tilespmem:v15+s29+$0x0], $0xffff  }
0x2d1: {  	v9 =	vor.u32 v26, v9;
	[tilespmem:s30+$0x50] =	vst v2;
	v16 =	vld.idx.msk [tilespmem:v16+s29+$0x0], $0xffff  }
0x2d2: {  	v8 =	vor.u32 v24, v8;
	[tilespmem:s30+$0x40] =	vst v18;
	v59 =	vld.idx.msk [tilespmem:v11+s29+$0x0], $0xffff  }
0x2d3: {  	v7 =	vor.u32 v25, v7;
	[tilespmem:s30+$0x60] =	vst v1;
	v60 =	vld.idx.msk [tilespmem:v12+s29+$0x0], $0xffff  }
0x2d4: {  	v6 =	vor.u32 v23, v6;
	v61 =	vld.idx.msk [tilespmem:v13+s29+$0x0], $0xffff;
	[tilespmem:s9+$0xFFFFFC00] =	vst v14  }
0x2d5: {  	v5 =	vor.u32 v21, v5;
	v10 =	vld.idx.msk [tilespmem:v10+s29+$0x0], $0xffff;
	[tilespmem:s9+$0xFFFFFC10] =	vst v15  }
0x2d6: {  	v3 =	vor.u32 v22, v3;
	v9 =	vld.idx.msk [tilespmem:v9+s29+$0x0], $0xffff;
	[tilespmem:s9+$0xFFFFFC20] =	vst v16  }
0x2d7: {  	v4 =	vor.u32 v20, v4;
	v8 =	vld.idx.msk [tilespmem:v8+s29+$0x0], $0xffff;
	[tilespmem:s9+$0xFFFFFC30] =	vst v59  }
0x2d8: {  	v0 =	vor.u32 v19, v0;
	v62 =	vld.idx.msk [tilespmem:v7+s29+$0x0], $0xffff;
	[tilespmem:s9+$0xFFFFFC40] =	vst v60  }
0x2d9: {  	v63 =	vld.idx.msk [tilespmem:v6+s29+$0x0], $0xffff;
	[tilespmem:s9+$0xFFFFFC50] =	vst v61  }
0x2da: {  	v5 =	vld.idx.msk [tilespmem:v5+s29+$0x0], $0xffff;
	[tilespmem:s9+$0xFFFFFC60] =	vst v10  }
0x2db: {  	v3 =	vld.idx.msk [tilespmem:v3+s29+$0x0], $0xffff;
	[tilespmem:s9+$0xFFFFFC70] =	vst v9  }
0x2dc: {  	v4 =	vld.idx.msk [tilespmem:v4+s29+$0x0], $0xffff;
	[tilespmem:s9+$0x0] =	vst v8  }
0x2dd: {  	p5 =	sne.s32 s19, $0x7;
	v0 =	vld.idx.msk [tilespmem:v0+s29+$0x0], $0xffff;
	[tilespmem:s9+$0x10] =	vst v62  }
.Ltmp14:
0x2de: {  	[tilespmem:s9+$0x20] =	vst v63;
	(pc) =	sbr.rel @p5 .LBB2_27-.Ltmp14, $4  }
0x2df: {  	[tilespmem:s9+$0x30] =	vst v5  }
0x2e0: {  	[tilespmem:s9+$0x40] =	vst v3  }
0x2e1: {  	[tilespmem:s9+$0x50] =	vst v4  }
0x2e2: {  	[tilespmem:s9+$0x60] =	vst v0  }
.Ltmp15:
0x2e3: {  	(pc) =	sbr.rel @p4 .LBB2_22-.Ltmp15, $2  }
0x2e4: {  	_ =	sdelay $0x2  }
0x2e5: {  	s9 =	smul.u32 $0xFF800, s10  }
0x2e6: {  	s10 =	sld [smem:$0x7EE];
	_ =	sdelay $0x2  }
0x2e7: {  	p0 =	seq.s32 s10, $0x1  }
.Ltmp16:
0x2e8: {  	_ = 	snop;
	(pc) =	sbr.rel @!p0 .LBB2_20-.Ltmp16, $1  }
0x2e9: {  	_ =	sdelay $0x3  }
0x2ea: {  	p5 =	sgt.s32 s0, $0x5  }
0x2eb: {  	p6 =	seq.s32 @p5 s0, $0x6  }
0x2ec: {  	p0 =	por !p6, !p5  }
0x2ed: {  	s10 =	sshrl.u32 @!p0 s9, $0x3  }
0x2ee: {  	s10 =	sadd.s32 @!p0 s3, s10  }
0x2ef: {  	s17 =	simm.s32 @!p0 $0x0;
	s18 =	simm.s32 @!p0 $0xC000;
	s15 =	sadd.s32 @!p0 $0x1200, s10  }
0x2f0: {  	[hbm4b:s15+s17] =	stream.linear.scatter @!p0 [tilespmem:s18], [sflag:$0x3], $0x3400, $0x38;
	[tilespmem:$0x1C000] =	vst v63  }
0x2f1: {  	s10 =	sadd.s32 @!p0 $0x13800, s10;
	s15 =	simm.s32 @!p0 $0xF400  }
0x2f2: {  	[hbm4b:s10+s17] =	stream.linear.scatter @!p0 [tilespmem:s15], [sflag:$0x3], $0xCC00, $0x38;
	[tilespmem:$0x1C000] =	vst v63  }
0x2f3: {  	p0 =	por p6, !p5  }
0x2f4: {  	s10 =	sshrl.u32 @!p0 s9, $0x3  }
0x2f5: {  	s10 =	sadd.s32 @!p0 s3, s10  }
0x2f6: {  	s17 =	simm.s32 @!p0 $0x0;
	s18 =	simm.s32 @!p0 $0xC000;
	s15 =	sadd.s32 @!p0 $0x1880, s10  }
0x2f7: {  	[hbm4b:s15+s17] =	stream.linear.scatter @!p0 [tilespmem:s18], [sflag:$0x3], $0x3C00, $0x38;
	[tilespmem:$0x1C000] =	vst v63  }
0x2f8: {  	s10 =	sadd.s32 @!p0 $0x11F80, s10;
	s15 =	simm.s32 @!p0 $0xFC00  }
0x2f9: {  	[hbm4b:s10+s17] =	stream.linear.scatter @!p0 [tilespmem:s15], [sflag:$0x3], $0xC400, $0x38;
	[tilespmem:$0x1C000] =	vst v63  }
0x2fa: {  	p0 =	seq.s32 @!p5 s0, $0x4  }
0x2fb: {  	p6 =	por !p0, p5  }
0x2fc: {  	s10 =	sshrl.u32 @!p6 s9, $0x3  }
0x2fd: {  	p0 =	por p0, p5;
	s10 =	sadd.s32 @!p6 s3, s10  }
0x2fe: {  	s17 =	simm.s32 @!p6 $0x0;
	s18 =	simm.s32 @!p6 $0xC000;
	s15 =	sadd.s32 @!p6 $0x800, s10  }
0x2ff: {  	[hbm4b:s15+s17] =	stream.linear.scatter @!p6 [tilespmem:s18], [sflag:$0x3], $0x2400, $0x38;
	[tilespmem:$0x1C000] =	vst v63  }
0x300: {  	s9 =	sshrl.u32 @!p0 s9, $0x3;
	s10 =	sadd.s32 @!p6 $0x16C00, s10;
	s15 =	simm.s32 @!p6 $0xE400  }
0x301: {  	[hbm4b:s10+s17] =	stream.linear.scatter @!p6 [tilespmem:s15], [sflag:$0x3], $0xDC00, $0x38;
	[tilespmem:$0x1C000] =	vst v63  }
.Ltmp17:
0x302: {  	s9 =	sadd.s32 @!p0 s3, s9;
	(pc) =	sbr.rel .LBB2_27-.Ltmp17, $4  }
0x303: {  	s10 =	sadd.s32 @!p0 $0xC80, s9;
	s15 =	simm.s32 @!p0 $0x0;
	s17 =	simm.s32 @!p0 $0xC000  }
0x304: {  	[hbm4b:s10+s15] =	stream.linear.scatter @!p0 [tilespmem:s17], [sflag:$0x3], $0x2C00, $0x38;
	[tilespmem:$0x1C000] =	vst v63  }
0x305: {  	s9 =	sadd.s32 @!p0 $0x15180, s9;
	s10 =	simm.s32 @!p0 $0xEC00  }
0x306: {  	[hbm4b:s9+s15] =	stream.linear.scatter @!p0 [tilespmem:s10], [sflag:$0x3], $0xD400, $0x38;
	[tilespmem:$0x1C000] =	vst v63  }
.LBB2_22:
0x307: {  	s10 =	sld [smem:$0x7FB];
	_ =	sdelay $0x2  }
0x308: {  	p0 =	seq.s32 s10, $0x1  }
.Ltmp18:
0x309: {  	_ = 	snop;
	(pc) =	sbr.rel @p0 .LBB2_24-.Ltmp18, $1  }
0x30a: {  	_ =	sdelay $0x3  }
0x30b: {  	p5 =	sgt.s32 s0, $0x9  }
0x30c: {  	p0 =	seq.s32 @p5 s0, $0xA  }
0x30d: {  	p6 =	por !p0, !p5  }
0x30e: {  	s10 =	sshrl.u32 @!p6 s9, $0x3  }
0x30f: {  	s10 =	sadd.s32 @!p6 s3, s10  }
0x310: {  	s17 =	simm.s32 @!p6 $0x0;
	s18 =	simm.s32 @!p6 $0xC000;
	s15 =	sadd.s32 @!p6 $0x3200, s10  }
0x311: {  	[hbm4b:s15+s17] =	stream.linear.scatter @!p6 [tilespmem:s18], [sflag:$0x3], $0x5400, $0x38;
	[tilespmem:$0x1C000] =	vst v63  }
0x312: {  	p0 =	por p0, !p5;
	s10 =	sadd.s32 @!p6 $0xDC00, s10;
	s15 =	simm.s32 @!p6 $0x11400  }
0x313: {  	[hbm4b:s10+s17] =	stream.linear.scatter @!p6 [tilespmem:s15], [sflag:$0x3], $0xAC00, $0x38;
	[tilespmem:$0x1C000] =	vst v63  }
0x314: {  	s10 =	sshrl.u32 @!p0 s9, $0x3  }
0x315: {  	s10 =	sadd.s32 @!p0 s3, s10  }
0x316: {  	s18 =	simm.s32 @!p0 $0xC000;
	s17 =	simm.s32 @!p0 $0x0;
	s15 =	sadd.s32 @!p0 $0x3C80, s10  }
0x317: {  	[hbm4b:s15+s17] =	stream.linear.scatter @!p0 [tilespmem:s18], [sflag:$0x3], $0x5C00, $0x38;
	[tilespmem:$0x1C000] =	vst v63  }
0x318: {  	s10 =	sadd.s32 @!p0 $0xC780, s10;
	s15 =	simm.s32 @!p0 $0x11C00  }
0x319: {  	[hbm4b:s10+s17] =	stream.linear.scatter @!p0 [tilespmem:s15], [sflag:$0x3], $0xA400, $0x38;
	[tilespmem:$0x1C000] =	vst v63  }
0x31a: {  	p0 =	seq.s32 @!p5 s0, $0x8  }
0x31b: {  	p6 =	por !p0, p5  }
0x31c: {  	s10 =	sshrl.u32 @!p6 s9, $0x3  }
0x31d: {  	p0 =	por p0, p5;
	s10 =	sadd.s32 @!p6 s3, s10  }
0x31e: {  	s17 =	simm.s32 @!p6 $0x0;
	s18 =	simm.s32 @!p6 $0xC000;
	s15 =	sadd.s32 @!p6 $0x2000, s10  }
0x31f: {  	[hbm4b:s15+s17] =	stream.linear.scatter @!p6 [tilespmem:s18], [sflag:$0x3], $0x4400, $0x38;
	[tilespmem:$0x1C000] =	vst v63  }
0x320: {  	s9 =	sshrl.u32 @!p0 s9, $0x3;
	s10 =	sadd.s32 @!p6 $0x10800, s10;
	s15 =	simm.s32 @!p6 $0x10400  }
0x321: {  	[hbm4b:s10+s17] =	stream.linear.scatter @!p6 [tilespmem:s15], [sflag:$0x3], $0xBC00, $0x38;
	[tilespmem:$0x1C000] =	vst v63  }
.Ltmp19:
0x322: {  	s9 =	sadd.s32 @!p0 s3, s9;
	(pc) =	sbr.rel .LBB2_27-.Ltmp19, $4  }
0x323: {  	s10 =	sadd.s32 @!p0 $0x2880, s9;
	s15 =	simm.s32 @!p0 $0x0;
	s17 =	simm.s32 @!p0 $0xC000  }
0x324: {  	[hbm4b:s10+s15] =	stream.linear.scatter @!p0 [tilespmem:s17], [sflag:$0x3], $0x4C00, $0x38;
	[tilespmem:$0x1C000] =	vst v63  }
0x325: {  	s9 =	sadd.s32 @!p0 $0xF180, s9;
	s10 =	simm.s32 @!p0 $0x10C00  }
0x326: {  	[hbm4b:s9+s15] =	stream.linear.scatter @!p0 [tilespmem:s10], [sflag:$0x3], $0xB400, $0x38;
	[tilespmem:$0x1C000] =	vst v63  }
.LBB2_24:
0x327: {  	p0 =	sgt.s32 s0, $0xD  }
.Ltmp20:
0x328: {  	_ = 	snop;
	(pc) =	sbr.rel @p0 .LBB2_26-.Ltmp20, $1  }
0x329: {  	_ =	sdelay $0x3  }
0x32a: {  	p5 =	seq.s32 s0, $0xC  }
0x32b: {  	s10 =	sshrl.u32 @p5 s9, $0x3  }
0x32c: {  	s10 =	sadd.s32 @p5 s3, s10  }
0x32d: {  	s17 =	simm.s32 @p5 $0x0;
	s18 =	simm.s32 @p5 $0xC000;
	s15 =	sadd.s32 @p5 $0x4800, s10  }
0x32e: {  	[hbm4b:s15+s17] =	stream.linear.scatter @p5 [tilespmem:s18], [sflag:$0x3], $0x6400, $0x38;
	[tilespmem:$0x1C000] =	vst v63  }
0x32f: {  	s9 =	sshrl.u32 @!p5 s9, $0x3;
	s10 =	sadd.s32 @p5 $0xB400, s10;
	s15 =	simm.s32 @p5 $0x12400  }
0x330: {  	[hbm4b:s10+s17] =	stream.linear.scatter @p5 [tilespmem:s15], [sflag:$0x3], $0x9C00, $0x38;
	[tilespmem:$0x1C000] =	vst v63  }
.Ltmp21:
0x331: {  	s9 =	sadd.s32 @!p5 s3, s9;
	(pc) =	sbr.rel .LBB2_27-.Ltmp21, $4  }
0x332: {  	s10 =	sadd.s32 @!p5 $0x5480, s9;
	s15 =	simm.s32 @!p5 $0x0;
	s17 =	simm.s32 @!p5 $0xC000  }
0x333: {  	[hbm4b:s10+s15] =	stream.linear.scatter @!p5 [tilespmem:s17], [sflag:$0x3], $0x6C00, $0x38;
	[tilespmem:$0x1C000] =	vst v63  }
0x334: {  	s9 =	sadd.s32 @!p5 $0xA180, s9;
	s10 =	simm.s32 @!p5 $0x12C00  }
0x335: {  	[hbm4b:s9+s15] =	stream.linear.scatter @!p5 [tilespmem:s10], [sflag:$0x3], $0x9400, $0x38;
	[tilespmem:$0x1C000] =	vst v63  }
.LBB2_26:
0x336: {  	s9 =	sshrl.u32 s9, $0x3  }
0x337: {  	p0 =	seq.s32 s0, $0xE;
	s9 =	sadd.s32 s3, s9  }
0x338: {  	s15 =	simm.s32 @p0 $0xC000;
	s10 =	sadd.s32 @p0 $0x6200, s9  }
0x339: {  	[hbm4b:s10+s4] =	stream.linear.scatter @p0 [tilespmem:s15], [sflag:$0x3], $0x7400, $0x38;
	[tilespmem:$0x1C000] =	vst v63  }
0x33a: {  	s9 =	sadd.s32 @p0 $0x9000, s9;
	s10 =	simm.s32 @p0 $0x13400  }
0x33b: {  	[hbm4b:s9+s4] =	stream.linear.scatter @p0 [tilespmem:s10], [sflag:$0x3], $0x8C00, $0x38;
	[tilespmem:$0x1C000] =	vst v63  }
.Ltmp22:
0x33c: {  	_ = 	snop;
	(pc) =	sbr.rel .LBB2_27-.Ltmp22, $4  }
0x33d: {  	s15 =	simm.s32 @!p0 $0xC000;
	s10 =	sadd.s32 @!p0 $0x7080, s9  }
0x33e: {  	[hbm4b:s10+s4] =	stream.linear.scatter @!p0 [tilespmem:s15], [sflag:$0x3], $0x7800, $0x38;
	[tilespmem:$0x1C000] =	vst v63  }
0x33f: {  	s9 =	sadd.s32 @!p0 $0x7F80, s9;
	s10 =	simm.s32 @!p0 $0x13800  }
0x340: {  	[hbm4b:s9+s4] =	stream.linear.scatter @!p0 [tilespmem:s10], [sflag:$0x3], $0x8400, $0x38;
	[tilespmem:$0x1C000] =	vst v63  }
.LBB2_28:
.Ltmp23:
0x341: {  	(pc) =	sbr.rel @!p4 .LBB2_29-.Ltmp23, $1  }
0x342: {  	_ =	sdelay $0x3  }
0x343: {  	s2 =	sld [smem:$0x7FB];
	_ =	sdelay $0x2  }
0x344: {  	p0 =	seq.s32 s2, $0x1  }
.Ltmp24:
0x345: {  	_ = 	snop;
	(pc) =	sbr.rel @p0 .LBB2_32-.Ltmp24, $2  }
0x346: {  	_ =	sdelay $0x2  }
0x347: {  	s8 =	rddreg [dreg:$0xd]  }
0x348: {  	p5 =	sgt.s32 s0, $0x9  }
0x349: {  	p0 =	seq.s32 @p5 s0, $0xA  }
0x34a: {  	p6 =	por !p0, !p5  }
0x34b: {  	s2 =	simm.s32 @!p6 $0x3  }
0x34c: {  	_ =	swait.ge @!p6 [sflag:s2], $0x5400  }
0x34d: {  	[sflag:s2] =	ssyncset.done @!p6 $0x0  }
0x34e: {  	[sflag:s2] =	ssyncadd.s32 @!p6 $0xFFFFAC00  }
0x34f: {  	_ =	swait.ge @!p6 [sflag:s2], $0xAC00  }
0x350: {  	p0 =	por p0, !p5;
	[sflag:s2] =	ssyncset.done @!p6 $0x0  }
0x351: {  	[sflag:s2] =	ssyncadd.s32 @!p6 $0xFFFF5400;
	s2 =	simm.s32 @!p0 $0x3  }
0x352: {  	_ =	swait.ge @!p0 [sflag:s2], $0x5C00  }
0x353: {  	[sflag:s2] =	ssyncset.done @!p0 $0x0  }
0x354: {  	[sflag:s2] =	ssyncadd.s32 @!p0 $0xFFFFA400  }
0x355: {  	p6 =	seq.s32 @!p5 s0, $0x8;
	_ =	swait.ge @!p0 [sflag:s2], $0xA400  }
0x356: {  	p1 =	por !p6, p5;
	[sflag:s2] =	ssyncset.done @!p0 $0x0  }
0x357: {  	[sflag:s2] =	ssyncadd.s32 @!p0 $0xFFFF5C00;
	s2 =	simm.s32 @!p1 $0x3  }
0x358: {  	_ =	swait.ge @!p1 [sflag:s2], $0x4400  }
0x359: {  	[sflag:s2] =	ssyncset.done @!p1 $0x0  }
0x35a: {  	[sflag:s2] =	ssyncadd.s32 @!p1 $0xFFFFBC00  }
0x35b: {  	_ =	swait.ge @!p1 [sflag:s2], $0xBC00  }
0x35c: {  	p0 =	por p6, p5;
	[sflag:s2] =	ssyncset.done @!p1 $0x0  }
0x35d: {  	[sflag:s2] =	ssyncadd.s32 @!p1 $0xFFFF4400;
	s2 =	simm.s32 @!p0 $0x3  }
0x35e: {  	_ =	swait.ge @!p0 [sflag:s2], $0x4C00  }
.Ltmp25:
0x35f: {  	[sflag:s2] =	ssyncset.done @!p0 $0x0;
	(pc) =	sbr.rel .LBB2_35-.Ltmp25, $4  }
0x360: {  	[sflag:s2] =	ssyncadd.s32 @!p0 $0xFFFFB400  }
0x361: {  	_ =	swait.ge @!p0 [sflag:s2], $0xB400  }
0x362: {  	[sflag:s2] =	ssyncset.done @!p0 $0x0  }
0x363: {  	[sflag:s2] =	ssyncadd.s32 @!p0 $0xFFFF4C00  }
.LBB2_32:
0x364: {  	p0 =	sgt.s32 s0, $0xD  }
.Ltmp26:
0x365: {  	_ = 	snop;
	(pc) =	sbr.rel @p0 .LBB2_34-.Ltmp26, $1  }
0x366: {  	_ =	sdelay $0x3  }
0x367: {  	p0 =	seq.s32 s0, $0xC  }
0x368: {  	s2 =	simm.s32 @p0 $0x3  }
0x369: {  	_ =	swait.ge @p0 [sflag:s2], $0x6400  }
0x36a: {  	[sflag:s2] =	ssyncset.done @p0 $0x0  }
0x36b: {  	[sflag:s2] =	ssyncadd.s32 @p0 $0xFFFF9C00  }
0x36c: {  	_ =	swait.ge @p0 [sflag:s2], $0x9C00  }
0x36d: {  	[sflag:s2] =	ssyncset.done @p0 $0x0  }
0x36e: {  	[sflag:s2] =	ssyncadd.s32 @p0 $0xFFFF6400;
	s2 =	simm.s32 @!p0 $0x3  }
0x36f: {  	_ =	swait.ge @!p0 [sflag:s2], $0x6C00  }
.Ltmp27:
0x370: {  	[sflag:s2] =	ssyncset.done @!p0 $0x0;
	(pc) =	sbr.rel .LBB2_35-.Ltmp27, $4  }
0x371: {  	[sflag:s2] =	ssyncadd.s32 @!p0 $0xFFFF9400  }
0x372: {  	_ =	swait.ge @!p0 [sflag:s2], $0x9400  }
0x373: {  	[sflag:s2] =	ssyncset.done @!p0 $0x0  }
0x374: {  	[sflag:s2] =	ssyncadd.s32 @!p0 $0xFFFF6C00  }
.LBB2_34:
0x375: {  	s2 =	simm.s32 $0x3;
	p0 =	seq.s32 s0, $0xE  }
0x376: {  	_ =	swait.ge @p0 [sflag:s2], $0x7400  }
0x377: {  	[sflag:s2] =	ssyncset.done @p0 $0x0  }
0x378: {  	[sflag:s2] =	ssyncadd.s32 @p0 $0xFFFF8C00  }
0x379: {  	_ =	swait.ge @p0 [sflag:s2], $0x8C00  }
0x37a: {  	[sflag:s2] =	ssyncset.done @p0 $0x0  }
0x37b: {  	[sflag:s2] =	ssyncadd.s32 @p0 $0xFFFF7400  }
0x37c: {  	_ =	swait.ge @!p0 [sflag:s2], $0x7800  }
.Ltmp28:
0x37d: {  	[sflag:s2] =	ssyncset.done @!p0 $0x0;
	(pc) =	sbr.rel .LBB2_35-.Ltmp28, $4  }
0x37e: {  	[sflag:s2] =	ssyncadd.s32 @!p0 $0xFFFF8800  }
0x37f: {  	_ =	swait.ge @!p0 [sflag:s2], $0x8400  }
0x380: {  	[sflag:s2] =	ssyncset.done @!p0 $0x0  }
0x381: {  	[sflag:s2] =	ssyncadd.s32 @!p0 $0xFFFF7C00  }
.LBB2_36:
0x382: {  	_ =	sfence.sel $0x180000  }
0x383: {  	[bflag:$0x0] =	sbarrier.arrive $0xFFFF  }
0x384: {  	_ =	strace $0x90000047  }
0x385: {  	[bflag:$0x2] =	sbarrier.arrive $0xFFFF  }
0x386: {  	p0 =	sne.s32 s0, $0x0;
	s0 =	rddreg [dreg:$0x3]  }
0x387: {  	s0 =	sadd.s32 @!p0 $0x100000, s0  }
0x388: {  	[sflag:s0] =	ssyncadd.tile.s32 @!p0 $0x1;
	_ =	shalt  }
.Lfunc_end2:
_tile_overlayer_lowered:
.L_overlay_start_2:
0x389: {  	(tag) =	ssettag $0x2  }
0x38a: {  	s0 =	rddreg [dreg:$0x0];
	s2 =	stileid.u32  }
0x38b: {  	s1 =	rddreg [dreg:$0x1];
	p0 =	sne.s32 s2, $0x0  }
0x38c: {  	s3 =	rddreg [dreg:$0x2];
	[bflag:$0x3] =	sbarrier.arrive $0xFFFF;
	s2 =	simm.s32 @!p0 $0x1C04  }
0x38d: {  	[timem:s3], [sflag:s2] =	dma.local @!p0 [hbm:s0], s1  }
0x38e: {  	s0 =	simm.s32 @!p0 $0x4  }
0x38f: {  	_ =	swait.ge @!p0 [sflag:s0], s1  }
0x390: {  	s1 =	ssub.s32 @!p0 $0x0, s1;
	[sflag:s0] =	ssyncset.done @!p0 $0x0  }
0x391: {  	[sflag:s0] =	ssyncadd.s32 @!p0 s1  }
0x392: {  	[bflag:$0x3] =	sbarrier.arrive $0xFFFF  }
0x393: {  	_ =	shalt  }

</sc_bundles>
